<compile_context>
chip_gen: v7x
topology: tpu7x:2x2x1
jax: 0.10.2.dev20260603
libtpu: 0.0.44.dev20260713+nightly
codegen_flags: <defaults>
</compile_context>

<pallas_src>
import functools

import jax
import jax.numpy as jnp
from jax import lax
from jax.experimental import pallas as pl
from jax.experimental.pallas import tpu as pltpu
from jax.experimental.pallas import tpu_sc as plsc

BATCH = 16384
INPUT_DIM = 100000
OUTPUT_DIM = 64
NNZ = 1638400

NC = 2
NS = 16
LANES = 16
NW = NC * NS
K_PER_W = NNZ // NW
CHUNK = 128
SUPER = 2
NSETS = 2
SUP_NZ = SUPER * CHUNK
N_SUPER = K_PER_W // SUP_NZ
ROWS_PER_TILE = BATCH // NS
DJ = OUTPUT_DIM // LANES


def _sc_body(cid_hbm, val_hbm, rid_hbm, w_hbm, out_hbm, *refs):
    cidb = refs[0:NSETS]
    valb = refs[NSETS:2 * NSETS]
    off0 = 2 * NSETS
    ridb = [refs[off0 + r * SUPER: off0 + (r + 1) * SUPER] for r in range(NSETS)]
    off = off0 + NSETS * SUPER
    rows = [refs[off + r * SUPER: off + (r + 1) * SUPER] for r in range(NSETS)]
    off += NSETS * SUPER
    prod = refs[off: off + NSETS * SUPER]
    off += NSETS * SUPER
    rid_sc = refs[off: off + NSETS * SUPER]
    off += NSETS * SUPER
    acc_sh = refs[off]
    sem_id = refs[off + 1: off + 1 + NSETS]
    sem_g = refs[off + 1 + NSETS: off + 1 + 2 * NSETS]
    sem_sc = refs[off + 1 + 2 * NSETS: off + 1 + 2 * NSETS + NSETS * SUPER]

    c = lax.axis_index("c")
    s_ax = lax.axis_index("s")
    wid = c * NS + s_ax

    zeros16 = jnp.zeros((LANES,), jnp.float32)
    zbuf = prod[0]

    def zero_body(i, _):
        for j in range(DJ):
            zbuf[i, pl.ds(j * LANES, LANES)] = zeros16
        return 0

    lax.fori_loop(0, CHUNK, zero_body, 0)
    for t in range(ROWS_PER_TILE // CHUNK):
        pltpu.sync_copy(zbuf, acc_sh.at[pl.ds(s_ax * ROWS_PER_TILE + t * CHUNK, CHUNK)])
    plsc.subcore_barrier()

    def fetch_ids(s, r):
        gs = wid * N_SUPER + s
        pltpu.async_copy(cid_hbm.at[gs], cidb[r], sem_id[r])
        pltpu.async_copy(val_hbm.at[gs], valb[r], sem_id[r])
        for b in range(SUPER):
            pltpu.async_copy(rid_hbm.at[gs * SUPER + b], ridb[r][b], sem_id[r])

    def wait_ids(r):
        pltpu.make_async_copy(cid_hbm.at[0], cidb[r], sem_id[r]).wait()
        pltpu.make_async_copy(val_hbm.at[0], valb[r], sem_id[r]).wait()
        for b in range(SUPER):
            pltpu.make_async_copy(rid_hbm.at[0], ridb[r][b], sem_id[r]).wait()

    def issue_gathers(r):
        for b in range(SUPER):
            pltpu.async_copy(w_hbm.at[cidb[r].at[b]], rows[r][b], sem_g[r])

    def wait_gathers(r):
        for b in range(SUPER):
            pltpu.make_async_copy(w_hbm.at[cidb[r].at[b]], rows[r][b],
                                  sem_g[r]).wait()

    def consume(r, first):
        for b in range(SUPER):
            p = r * SUPER + b

            @pl.when(jnp.logical_not(first))
            def _():
                pltpu.make_async_copy(prod[p], acc_sh.at[rid_sc[p]],
                                      sem_sc[p]).wait()

            DEPTH = 4

            def mul_body(g, _, b=b, p=p):
                rv = rows[r][b]
                pr = prod[p]
                v16 = valb[r][b, pl.ds(g * LANES, LANES)]
                base = g * LANES

                def load_half(k):
                    l, h = divmod(k, 2)
                    return rv[base + l, pl.ds(h * 2 * LANES, 2 * LANES)]

                fifo = [load_half(k) for k in range(DEPTH)]
                for k in range(2 * LANES):
                    if k + DEPTH < 2 * LANES:
                        fifo.append(load_half(k + DEPTH))
                    ab = fifo[k]
                    l, h = divmod(k, 2)
                    v = v16[l]
                    pa, pb = plsc.unpack(ab, format=plsc.PackFormat.INTERLEAVED)
                    pr[base + l, pl.ds(h * 2 * LANES, LANES)] = pa * v
                    pr[base + l, pl.ds(h * 2 * LANES + LANES, LANES)] = pb * v
                return 0

            lax.fori_loop(0, CHUNK // LANES, mul_body, 0)
            for g in range(CHUNK // LANES):
                sl = pl.ds(g * LANES, LANES)
                rid_sc[p][sl] = ridb[r][b][sl]
            pltpu.async_copy(prod[p], acc_sh.at[rid_sc[p]], sem_sc[p], add=True)

    fetch_ids(0, 0)
    fetch_ids(1, 1)
    wait_ids(0)
    issue_gathers(0)

    def outer(o, _):
        for r in range(NSETS):
            s = o * NSETS + r

            @pl.when(s + 1 < N_SUPER)
            def _():
                r1 = (r + 1) % NSETS
                wait_ids(r1)
                issue_gathers(r1)

            wait_gathers(r)
            consume(r, o == 0)

            @pl.when(s + 2 < N_SUPER)
            def _():
                r2 = (r + 2) % NSETS
                fetch_ids(s + 2, r2)
        return 0

    lax.fori_loop(0, N_SUPER // NSETS, outer, 0)

    for r in range(NSETS):
        for b in range(SUPER):
            p = r * SUPER + b
            pltpu.make_async_copy(prod[p], acc_sh.at[rid_sc[p]], sem_sc[p]).wait()
    plsc.subcore_barrier()
    pltpu.sync_copy(acc_sh.at[pl.ds(s_ax * ROWS_PER_TILE, ROWS_PER_TILE)],
                    out_hbm.at[c, pl.ds(s_ax * ROWS_PER_TILE, ROWS_PER_TILE)])


_scratch = (
    [pltpu.VMEM((SUPER, CHUNK), jnp.int32) for _ in range(NSETS)]
    + [pltpu.VMEM((SUPER, CHUNK), jnp.float32) for _ in range(NSETS)]
    + [pltpu.VMEM((CHUNK,), jnp.int32) for _ in range(NSETS * SUPER)]
    + [pltpu.VMEM((CHUNK, OUTPUT_DIM), jnp.bfloat16) for _ in range(NSETS * SUPER)]
    + [pltpu.VMEM((CHUNK, OUTPUT_DIM), jnp.float32) for _ in range(NSETS * SUPER)]
    + [pltpu.VMEM((CHUNK,), jnp.int32) for _ in range(NSETS * SUPER)]
    + [pltpu.VMEM_SHARED((BATCH, OUTPUT_DIM), jnp.float32)]
    + [pltpu.SemaphoreType.DMA for _ in range(2 * NSETS + NSETS * SUPER)]
)

_sc_kernel = functools.partial(
    pl.kernel,
    out_type=jax.ShapeDtypeStruct((NC, BATCH, OUTPUT_DIM), jnp.float32),
    mesh=plsc.VectorSubcoreMesh(core_axis_name="c", subcore_axis_name="s"),
    compiler_params=pltpu.CompilerParams(use_tc_tiling_on_sc=False,
                                         needs_layout_passes=False),
    scratch_types=_scratch,
)(_sc_body)


def _combine_body(p_ref, b_ref, o_ref):
    o_ref[...] = p_ref[0] + p_ref[1] + b_ref[...]


def _combine(partials, b2d):
    blk = 2048
    return pl.pallas_call(
        _combine_body,
        grid=(BATCH // blk,),
        in_specs=[
            pl.BlockSpec((NC, blk, OUTPUT_DIM), lambda i: (0, i, 0)),
            pl.BlockSpec((1, OUTPUT_DIM), lambda i: (0, 0)),
        ],
        out_specs=pl.BlockSpec((blk, OUTPUT_DIM), lambda i: (i, 0)),
        out_shape=jax.ShapeDtypeStruct((BATCH, OUTPUT_DIM), jnp.float32),
    )(partials, b2d)


_PERM = [base + off
         for base in (0, 2 * LANES)
         for l in range(LANES)
         for off in (l, LANES + l)]


def kernel(values, row_ids, col_ids, W, b):
    rid = row_ids.astype(jnp.int32)
    cid3 = col_ids.astype(jnp.int32).reshape(-1, SUPER, CHUNK)
    val3 = values.reshape(-1, SUPER, CHUNK)
    rid2 = rid.reshape(-1, CHUNK)
    wp = W[:, jnp.array(_PERM)].astype(jnp.bfloat16)
    partials = _sc_kernel(cid3, val3, rid2, wp)
    return _combine(partials, b.reshape(1, OUTPUT_DIM))

# --- scband reference (transcript-rebuilt; emitter-appended) ---
"""Pipeline reference for scband-sparse-fully-connected-layer-35424890258184 (READ-ONLY COPY).

The authoritative reference and input builder live on the scoring server;
editing this copy changes nothing except your own understanding.
"""

import jax, jax.numpy as jnp
import numpy as np

BATCH = 16384
INPUT_DIM = 100000
OUTPUT_DIM = 64
NNZ = 1638400


def setup_inputs(seed: int = 0) -> dict:
    key = jax.random.key(seed)
    k1, k2, k3, k4 = jax.random.split(key, 4)
    # COO representation of the sparse input x: [BATCH, INPUT_DIM], density 0.001
    row_ids = jnp.sort(jax.random.randint(k1, (NNZ,), 0, BATCH, dtype=jnp.int64))
    col_ids = jax.random.randint(k2, (NNZ,), 0, INPUT_DIM, dtype=jnp.int64)
    values = jax.random.normal(k3, (NNZ,), dtype=jnp.float32)
    # glorot_uniform init for W, zeros for b (matches keras layer build())
    limit = float(np.sqrt(6.0 / (INPUT_DIM + OUTPUT_DIM)))
    W = jax.random.uniform(k4, (INPUT_DIM, OUTPUT_DIM), minval=-limit, maxval=limit, dtype=jnp.float32)
    b = jnp.zeros((OUTPUT_DIM,), dtype=jnp.float32)
    return {"values": values, "row_ids": row_ids, "col_ids": col_ids, "W": W, "b": b}


def reference(values, row_ids, col_ids, W, b):
    # structured_dot(x_sparse, W) + b with linear activation.
    # For each nonzero (r, c, v): out[r] += v * W[c]
    gathered = jnp.take(W, col_ids, axis=0) * values[:, None]   # [NNZ, OUTPUT_DIM]
    out = jax.ops.segment_sum(gathered, row_ids, num_segments=BATCH)  # [BATCH, OUTPUT_DIM]
    return out + b

if __name__ == "__main__":
    import jax
    _d = setup_inputs()
    print(jax.jit(kernel)(*tuple(_d.values())))

</pallas_src>

<mosaic_0001>
#map = affine_map<(d0, d1) -> (0, 0, 0)>
#map1 = affine_map<(d0, d1) -> (0, 0)>
module attributes {stable_mosaic.version = 14 : i64} {
  func.func @_sc_body(%arg0: i32, %arg1: i32, %arg2: memref<6400x2x128xi32, #tpu.memory_space<hbm>>, %arg3: memref<6400x2x128xf32, #tpu.memory_space<hbm>>, %arg4: memref<12800x128xi32, #tpu.memory_space<hbm>>, %arg5: memref<100000x64xbf16, #tpu.memory_space<hbm>>, %arg6: memref<2x16384x64xf32, #tpu.memory_space<hbm>>, %arg7: memref<2x128xi32, #tpu.memory_space<vmem>>, %arg8: memref<2x128xi32, #tpu.memory_space<vmem>>, %arg9: memref<2x128xf32, #tpu.memory_space<vmem>>, %arg10: memref<2x128xf32, #tpu.memory_space<vmem>>, %arg11: memref<128xi32, #tpu.memory_space<vmem>>, %arg12: memref<128xi32, #tpu.memory_space<vmem>>, %arg13: memref<128xi32, #tpu.memory_space<vmem>>, %arg14: memref<128xi32, #tpu.memory_space<vmem>>, %arg15: memref<128x64xbf16, #tpu.memory_space<vmem>>, %arg16: memref<128x64xbf16, #tpu.memory_space<vmem>>, %arg17: memref<128x64xbf16, #tpu.memory_space<vmem>>, %arg18: memref<128x64xbf16, #tpu.memory_space<vmem>>, %arg19: memref<128x64xf32, #tpu.memory_space<vmem>>, %arg20: memref<128x64xf32, #tpu.memory_space<vmem>>, %arg21: memref<128x64xf32, #tpu.memory_space<vmem>>, %arg22: memref<128x64xf32, #tpu.memory_space<vmem>>, %arg23: memref<128xi32, #tpu.memory_space<vmem>>, %arg24: memref<128xi32, #tpu.memory_space<vmem>>, %arg25: memref<128xi32, #tpu.memory_space<vmem>>, %arg26: memref<128xi32, #tpu.memory_space<vmem>>, %arg27: memref<16384x64xf32, #tpu.memory_space<vmem_shared>>, %arg28: memref<!tpu.dma_semaphore, #tpu.memory_space<semaphore_mem>>, %arg29: memref<!tpu.dma_semaphore, #tpu.memory_space<semaphore_mem>>, %arg30: memref<!tpu.dma_semaphore, #tpu.memory_space<semaphore_mem>>, %arg31: memref<!tpu.dma_semaphore, #tpu.memory_space<semaphore_mem>>, %arg32: memref<!tpu.dma_semaphore, #tpu.memory_space<semaphore_mem>>, %arg33: memref<!tpu.dma_semaphore, #tpu.memory_space<semaphore_mem>>, %arg34: memref<!tpu.dma_semaphore, #tpu.memory_space<semaphore_mem>>, %arg35: memref<!tpu.dma_semaphore, #tpu.memory_space<semaphore_mem>>) attributes {dimension_semantics = [#tpu.dimension_semantics<core_parallel>, #tpu.dimension_semantics<subcore_parallel>], iteration_bounds = array<i64: 2, 16>, scalar_prefetch = 0 : i64, scratch_operands = 29 : i64, tpu.core_type = #tpu.core_type<sc_vector_subcore>, window_params = [{transform_indices = #map}, {transform_indices = #map}, {transform_indices = #map1}, {transform_indices = #map1}, {transform_indices = #map}]} {
    %mul3A = arith.constant 16 : i32
    %mul3A_0 = arith.muli %arg0, %mul3A : i32
    %add3A = arith.addi %mul3A_0, %arg1 : i32
    %broadcast_in_dim3A = arith.constant 0.000000e+00 : f32
    %broadcast_in_dim3A_1 = vector.broadcast %broadcast_in_dim3A : f32 to vector<16xf32>
    %scan3A = arith.constant 0 : i32
    %scan3A_2 = arith.constant 0 : i32
    %scan3A_3 = arith.constant 128 : i32
    %scan3A_4 = arith.addi %scan3A_2, %scan3A_3 : i32
    %scan3A_5 = arith.constant 1 : i32
    %scan3A_6 = scf.for %scan3A_188 = %scan3A_2 to %scan3A_4 step %scan3A_5 iter_args(%scan3A_189 = %scan3A) -> (i32)  : i32 {
      %swap3A = arith.index_cast %scan3A_188 : i32 to index
      %swap3A_190 = arith.constant 0 : index
      %swap3A_191 = tpu.vector_load %arg19[%swap3A, %swap3A_190] {strides = array<i32>} : memref<128x64xf32, #tpu.memory_space<vmem>>, vector<16xf32>,
      tpu.vector_store %arg19[%swap3A, %swap3A_190], %broadcast_in_dim3A_1 {strides = array<i32>} : memref<128x64xf32, #tpu.memory_space<vmem>>, vector<16xf32>,
      %swap3A_192 = arith.index_cast %scan3A_188 : i32 to index
      %swap3A_193 = arith.constant 16 : index
      %swap3A_194 = tpu.vector_load %arg19[%swap3A_192, %swap3A_193] {strides = array<i32>} : memref<128x64xf32, #tpu.memory_space<vmem>>, vector<16xf32>,
      tpu.vector_store %arg19[%swap3A_192, %swap3A_193], %broadcast_in_dim3A_1 {strides = array<i32>} : memref<128x64xf32, #tpu.memory_space<vmem>>, vector<16xf32>,
      %swap3A_195 = arith.index_cast %scan3A_188 : i32 to index
      %swap3A_196 = arith.constant 32 : index
      %swap3A_197 = tpu.vector_load %arg19[%swap3A_195, %swap3A_196] {strides = array<i32>} : memref<128x64xf32, #tpu.memory_space<vmem>>, vector<16xf32>,
      tpu.vector_store %arg19[%swap3A_195, %swap3A_196], %broadcast_in_dim3A_1 {strides = array<i32>} : memref<128x64xf32, #tpu.memory_space<vmem>>, vector<16xf32>,
      %swap3A_198 = arith.index_cast %scan3A_188 : i32 to index
      %swap3A_199 = arith.constant 48 : index
      %swap3A_200 = tpu.vector_load %arg19[%swap3A_198, %swap3A_199] {strides = array<i32>} : memref<128x64xf32, #tpu.memory_space<vmem>>, vector<16xf32>,
      tpu.vector_store %arg19[%swap3A_198, %swap3A_199], %broadcast_in_dim3A_1 {strides = array<i32>} : memref<128x64xf32, #tpu.memory_space<vmem>>, vector<16xf32>,
      %scan3A_201 = arith.constant 0 : i32
      scf.yield %scan3A_201 : i32
    }
    %scan3A_7 = arith.constant 128 : i32
    %mul3A_8 = arith.constant 1024 : i32
    %mul3A_9 = arith.muli %arg1, %mul3A_8 : i32
    %add3A_10 = arith.constant 0 : i32
    %add3A_11 = arith.addi %mul3A_9, %add3A_10 : i32
    "tpu.region"() ({
      %run_scoped3A = tpu.sem_alloc : memref<!tpu.dma_semaphore, #tpu.memory_space<semaphore_mem>>
      %dma_start3A_188 = arith.constant 0 : i32
      %dma_start3A_189 = tpu.memref_slice %arg27[%add3A_11, %dma_start3A_188] : memref<16384x64xf32, #tpu.memory_space<vmem_shared>> -> memref<128x64xf32, #tpu.memory_space<vmem_shared>>
      %dma_start3A_190 = arith.constant 0 : i32
      %dma_start3A_191 = tpu.memref_slice %arg27[%add3A_11, %dma_start3A_190] : memref<16384x64xf32, #tpu.memory_space<vmem_shared>> -> memref<128x64xf32, #tpu.memory_space<vmem_shared>>
      tpu.enqueue_dma source(%arg19 : memref<128x64xf32, #tpu.memory_space<vmem>>) target(%dma_start3A_191 : memref<128x64xf32, #tpu.memory_space<vmem_shared>>) target_semaphore(%run_scoped3A : memref<!tpu.dma_semaphore, #tpu.memory_space<semaphore_mem>>)
      %dma_wait3A_192 = arith.constant 0 : i32
      %dma_wait3A_193 = tpu.memref_slice %arg27[%add3A_11, %dma_wait3A_192] : memref<16384x64xf32, #tpu.memory_space<vmem_shared>> -> memref<128x64xf32, #tpu.memory_space<vmem_shared>>
      %dma_wait3A_194 = arith.constant 0 : i32
      %dma_wait3A_195 = tpu.memref_slice %arg27[%add3A_11, %dma_wait3A_194] : memref<16384x64xf32, #tpu.memory_space<vmem_shared>> -> memref<128x64xf32, #tpu.memory_space<vmem_shared>>
      tpu.wait_dma2 semaphore(%run_scoped3A : memref<!tpu.dma_semaphore, #tpu.memory_space<semaphore_mem>>) src(%arg19 : memref<128x64xf32, #tpu.memory_space<vmem>>) dst(%dma_wait3A_195 : memref<128x64xf32, #tpu.memory_space<vmem_shared>>)
      tpu.yield
    }) : () -> ()
    %mul3A_12 = arith.constant 1024 : i32
    %mul3A_13 = arith.muli %arg1, %mul3A_12 : i32
    %add3A_14 = arith.constant 128 : i32
    %add3A_15 = arith.addi %mul3A_13, %add3A_14 : i32
    "tpu.region"() ({
      %run_scoped3A = tpu.sem_alloc : memref<!tpu.dma_semaphore, #tpu.memory_space<semaphore_mem>>
      %dma_start3A_188 = arith.constant 0 : i32
      %dma_start3A_189 = tpu.memref_slice %arg27[%add3A_15, %dma_start3A_188] : memref<16384x64xf32, #tpu.memory_space<vmem_shared>> -> memref<128x64xf32, #tpu.memory_space<vmem_shared>>
      %dma_start3A_190 = arith.constant 0 : i32
      %dma_start3A_191 = tpu.memref_slice %arg27[%add3A_15, %dma_start3A_190] : memref<16384x64xf32, #tpu.memory_space<vmem_shared>> -> memref<128x64xf32, #tpu.memory_space<vmem_shared>>
      tpu.enqueue_dma source(%arg19 : memref<128x64xf32, #tpu.memory_space<vmem>>) target(%dma_start3A_191 : memref<128x64xf32, #tpu.memory_space<vmem_shared>>) target_semaphore(%run_scoped3A : memref<!tpu.dma_semaphore, #tpu.memory_space<semaphore_mem>>)
      %dma_wait3A_192 = arith.constant 0 : i32
      %dma_wait3A_193 = tpu.memref_slice %arg27[%add3A_15, %dma_wait3A_192] : memref<16384x64xf32, #tpu.memory_space<vmem_shared>> -> memref<128x64xf32, #tpu.memory_space<vmem_shared>>
      %dma_wait3A_194 = arith.constant 0 : i32
      %dma_wait3A_195 = tpu.memref_slice %arg27[%add3A_15, %dma_wait3A_194] : memref<16384x64xf32, #tpu.memory_space<vmem_shared>> -> memref<128x64xf32, #tpu.memory_space<vmem_shared>>
      tpu.wait_dma2 semaphore(%run_scoped3A : memref<!tpu.dma_semaphore, #tpu.memory_space<semaphore_mem>>) src(%arg19 : memref<128x64xf32, #tpu.memory_space<vmem>>) dst(%dma_wait3A_195 : memref<128x64xf32, #tpu.memory_space<vmem_shared>>)
      tpu.yield
    }) : () -> ()
    %mul3A_16 = arith.constant 1024 : i32
    %mul3A_17 = arith.muli %arg1, %mul3A_16 : i32
    %add3A_18 = arith.constant 256 : i32
    %add3A_19 = arith.addi %mul3A_17, %add3A_18 : i32
    "tpu.region"() ({
      %run_scoped3A = tpu.sem_alloc : memref<!tpu.dma_semaphore, #tpu.memory_space<semaphore_mem>>
      %dma_start3A_188 = arith.constant 0 : i32
      %dma_start3A_189 = tpu.memref_slice %arg27[%add3A_19, %dma_start3A_188] : memref<16384x64xf32, #tpu.memory_space<vmem_shared>> -> memref<128x64xf32, #tpu.memory_space<vmem_shared>>
      %dma_start3A_190 = arith.constant 0 : i32
      %dma_start3A_191 = tpu.memref_slice %arg27[%add3A_19, %dma_start3A_190] : memref<16384x64xf32, #tpu.memory_space<vmem_shared>> -> memref<128x64xf32, #tpu.memory_space<vmem_shared>>
      tpu.enqueue_dma source(%arg19 : memref<128x64xf32, #tpu.memory_space<vmem>>) target(%dma_start3A_191 : memref<128x64xf32, #tpu.memory_space<vmem_shared>>) target_semaphore(%run_scoped3A : memref<!tpu.dma_semaphore, #tpu.memory_space<semaphore_mem>>)
      %dma_wait3A_192 = arith.constant 0 : i32
      %dma_wait3A_193 = tpu.memref_slice %arg27[%add3A_19, %dma_wait3A_192] : memref<16384x64xf32, #tpu.memory_space<vmem_shared>> -> memref<128x64xf32, #tpu.memory_space<vmem_shared>>
      %dma_wait3A_194 = arith.constant 0 : i32
      %dma_wait3A_195 = tpu.memref_slice %arg27[%add3A_19, %dma_wait3A_194] : memref<16384x64xf32, #tpu.memory_space<vmem_shared>> -> memref<128x64xf32, #tpu.memory_space<vmem_shared>>
      tpu.wait_dma2 semaphore(%run_scoped3A : memref<!tpu.dma_semaphore, #tpu.memory_space<semaphore_mem>>) src(%arg19 : memref<128x64xf32, #tpu.memory_space<vmem>>) dst(%dma_wait3A_195 : memref<128x64xf32, #tpu.memory_space<vmem_shared>>)
      tpu.yield
    }) : () -> ()
    %mul3A_20 = arith.constant 1024 : i32
    %mul3A_21 = arith.muli %arg1, %mul3A_20 : i32
    %add3A_22 = arith.constant 384 : i32
    %add3A_23 = arith.addi %mul3A_21, %add3A_22 : i32
    "tpu.region"() ({
      %run_scoped3A = tpu.sem_alloc : memref<!tpu.dma_semaphore, #tpu.memory_space<semaphore_mem>>
      %dma_start3A_188 = arith.constant 0 : i32
      %dma_start3A_189 = tpu.memref_slice %arg27[%add3A_23, %dma_start3A_188] : memref<16384x64xf32, #tpu.memory_space<vmem_shared>> -> memref<128x64xf32, #tpu.memory_space<vmem_shared>>
      %dma_start3A_190 = arith.constant 0 : i32
      %dma_start3A_191 = tpu.memref_slice %arg27[%add3A_23, %dma_start3A_190] : memref<16384x64xf32, #tpu.memory_space<vmem_shared>> -> memref<128x64xf32, #tpu.memory_space<vmem_shared>>
      tpu.enqueue_dma source(%arg19 : memref<128x64xf32, #tpu.memory_space<vmem>>) target(%dma_start3A_191 : memref<128x64xf32, #tpu.memory_space<vmem_shared>>) target_semaphore(%run_scoped3A : memref<!tpu.dma_semaphore, #tpu.memory_space<semaphore_mem>>)
      %dma_wait3A_192 = arith.constant 0 : i32
      %dma_wait3A_193 = tpu.memref_slice %arg27[%add3A_23, %dma_wait3A_192] : memref<16384x64xf32, #tpu.memory_space<vmem_shared>> -> memref<128x64xf32, #tpu.memory_space<vmem_shared>>
      %dma_wait3A_194 = arith.constant 0 : i32
      %dma_wait3A_195 = tpu.memref_slice %arg27[%add3A_23, %dma_wait3A_194] : memref<16384x64xf32, #tpu.memory_space<vmem_shared>> -> memref<128x64xf32, #tpu.memory_space<vmem_shared>>
      tpu.wait_dma2 semaphore(%run_scoped3A : memref<!tpu.dma_semaphore, #tpu.memory_space<semaphore_mem>>) src(%arg19 : memref<128x64xf32, #tpu.memory_space<vmem>>) dst(%dma_wait3A_195 : memref<128x64xf32, #tpu.memory_space<vmem_shared>>)
      tpu.yield
    }) : () -> ()
    %mul3A_24 = arith.constant 1024 : i32
    %mul3A_25 = arith.muli %arg1, %mul3A_24 : i32
    %add3A_26 = arith.constant 512 : i32
    %add3A_27 = arith.addi %mul3A_25, %add3A_26 : i32
    "tpu.region"() ({
      %run_scoped3A = tpu.sem_alloc : memref<!tpu.dma_semaphore, #tpu.memory_space<semaphore_mem>>
      %dma_start3A_188 = arith.constant 0 : i32
      %dma_start3A_189 = tpu.memref_slice %arg27[%add3A_27, %dma_start3A_188] : memref<16384x64xf32, #tpu.memory_space<vmem_shared>> -> memref<128x64xf32, #tpu.memory_space<vmem_shared>>
      %dma_start3A_190 = arith.constant 0 : i32
      %dma_start3A_191 = tpu.memref_slice %arg27[%add3A_27, %dma_start3A_190] : memref<16384x64xf32, #tpu.memory_space<vmem_shared>> -> memref<128x64xf32, #tpu.memory_space<vmem_shared>>
      tpu.enqueue_dma source(%arg19 : memref<128x64xf32, #tpu.memory_space<vmem>>) target(%dma_start3A_191 : memref<128x64xf32, #tpu.memory_space<vmem_shared>>) target_semaphore(%run_scoped3A : memref<!tpu.dma_semaphore, #tpu.memory_space<semaphore_mem>>)
      %dma_wait3A_192 = arith.constant 0 : i32
      %dma_wait3A_193 = tpu.memref_slice %arg27[%add3A_27, %dma_wait3A_192] : memref<16384x64xf32, #tpu.memory_space<vmem_shared>> -> memref<128x64xf32, #tpu.memory_space<vmem_shared>>
      %dma_wait3A_194 = arith.constant 0 : i32
      %dma_wait3A_195 = tpu.memref_slice %arg27[%add3A_27, %dma_wait3A_194] : memref<16384x64xf32, #tpu.memory_space<vmem_shared>> -> memref<128x64xf32, #tpu.memory_space<vmem_shared>>
      tpu.wait_dma2 semaphore(%run_scoped3A : memref<!tpu.dma_semaphore, #tpu.memory_space<semaphore_mem>>) src(%arg19 : memref<128x64xf32, #tpu.memory_space<vmem>>) dst(%dma_wait3A_195 : memref<128x64xf32, #tpu.memory_space<vmem_shared>>)
      tpu.yield
    }) : () -> ()
    %mul3A_28 = arith.constant 1024 : i32
    %mul3A_29 = arith.muli %arg1, %mul3A_28 : i32
    %add3A_30 = arith.constant 640 : i32
    %add3A_31 = arith.addi %mul3A_29, %add3A_30 : i32
    "tpu.region"() ({
      %run_scoped3A = tpu.sem_alloc : memref<!tpu.dma_semaphore, #tpu.memory_space<semaphore_mem>>
      %dma_start3A_188 = arith.constant 0 : i32
      %dma_start3A_189 = tpu.memref_slice %arg27[%add3A_31, %dma_start3A_188] : memref<16384x64xf32, #tpu.memory_space<vmem_shared>> -> memref<128x64xf32, #tpu.memory_space<vmem_shared>>
      %dma_start3A_190 = arith.constant 0 : i32
      %dma_start3A_191 = tpu.memref_slice %arg27[%add3A_31, %dma_start3A_190] : memref<16384x64xf32, #tpu.memory_space<vmem_shared>> -> memref<128x64xf32, #tpu.memory_space<vmem_shared>>
      tpu.enqueue_dma source(%arg19 : memref<128x64xf32, #tpu.memory_space<vmem>>) target(%dma_start3A_191 : memref<128x64xf32, #tpu.memory_space<vmem_shared>>) target_semaphore(%run_scoped3A : memref<!tpu.dma_semaphore, #tpu.memory_space<semaphore_mem>>)
      %dma_wait3A_192 = arith.constant 0 : i32
      %dma_wait3A_193 = tpu.memref_slice %arg27[%add3A_31, %dma_wait3A_192] : memref<16384x64xf32, #tpu.memory_space<vmem_shared>> -> memref<128x64xf32, #tpu.memory_space<vmem_shared>>
      %dma_wait3A_194 = arith.constant 0 : i32
      %dma_wait3A_195 = tpu.memref_slice %arg27[%add3A_31, %dma_wait3A_194] : memref<16384x64xf32, #tpu.memory_space<vmem_shared>> -> memref<128x64xf32, #tpu.memory_space<vmem_shared>>
      tpu.wait_dma2 semaphore(%run_scoped3A : memref<!tpu.dma_semaphore, #tpu.memory_space<semaphore_mem>>) src(%arg19 : memref<128x64xf32, #tpu.memory_space<vmem>>) dst(%dma_wait3A_195 : memref<128x64xf32, #tpu.memory_space<vmem_shared>>)
      tpu.yield
    }) : () -> ()
    %mul3A_32 = arith.constant 1024 : i32
    %mul3A_33 = arith.muli %arg1, %mul3A_32 : i32
    %add3A_34 = arith.constant 768 : i32
    %add3A_35 = arith.addi %mul3A_33, %add3A_34 : i32
    "tpu.region"() ({
      %run_scoped3A = tpu.sem_alloc : memref<!tpu.dma_semaphore, #tpu.memory_space<semaphore_mem>>
      %dma_start3A_188 = arith.constant 0 : i32
      %dma_start3A_189 = tpu.memref_slice %arg27[%add3A_35, %dma_start3A_188] : memref<16384x64xf32, #tpu.memory_space<vmem_shared>> -> memref<128x64xf32, #tpu.memory_space<vmem_shared>>
      %dma_start3A_190 = arith.constant 0 : i32
      %dma_start3A_191 = tpu.memref_slice %arg27[%add3A_35, %dma_start3A_190] : memref<16384x64xf32, #tpu.memory_space<vmem_shared>> -> memref<128x64xf32, #tpu.memory_space<vmem_shared>>
      tpu.enqueue_dma source(%arg19 : memref<128x64xf32, #tpu.memory_space<vmem>>) target(%dma_start3A_191 : memref<128x64xf32, #tpu.memory_space<vmem_shared>>) target_semaphore(%run_scoped3A : memref<!tpu.dma_semaphore, #tpu.memory_space<semaphore_mem>>)
      %dma_wait3A_192 = arith.constant 0 : i32
      %dma_wait3A_193 = tpu.memref_slice %arg27[%add3A_35, %dma_wait3A_192] : memref<16384x64xf32, #tpu.memory_space<vmem_shared>> -> memref<128x64xf32, #tpu.memory_space<vmem_shared>>
      %dma_wait3A_194 = arith.constant 0 : i32
      %dma_wait3A_195 = tpu.memref_slice %arg27[%add3A_35, %dma_wait3A_194] : memref<16384x64xf32, #tpu.memory_space<vmem_shared>> -> memref<128x64xf32, #tpu.memory_space<vmem_shared>>
      tpu.wait_dma2 semaphore(%run_scoped3A : memref<!tpu.dma_semaphore, #tpu.memory_space<semaphore_mem>>) src(%arg19 : memref<128x64xf32, #tpu.memory_space<vmem>>) dst(%dma_wait3A_195 : memref<128x64xf32, #tpu.memory_space<vmem_shared>>)
      tpu.yield
    }) : () -> ()
    %mul3A_36 = arith.constant 1024 : i32
    %mul3A_37 = arith.muli %arg1, %mul3A_36 : i32
    %add3A_38 = arith.constant 896 : i32
    %add3A_39 = arith.addi %mul3A_37, %add3A_38 : i32
    "tpu.region"() ({
      %run_scoped3A = tpu.sem_alloc : memref<!tpu.dma_semaphore, #tpu.memory_space<semaphore_mem>>
      %dma_start3A_188 = arith.constant 0 : i32
      %dma_start3A_189 = tpu.memref_slice %arg27[%add3A_39, %dma_start3A_188] : memref<16384x64xf32, #tpu.memory_space<vmem_shared>> -> memref<128x64xf32, #tpu.memory_space<vmem_shared>>
      %dma_start3A_190 = arith.constant 0 : i32
      %dma_start3A_191 = tpu.memref_slice %arg27[%add3A_39, %dma_start3A_190] : memref<16384x64xf32, #tpu.memory_space<vmem_shared>> -> memref<128x64xf32, #tpu.memory_space<vmem_shared>>
      tpu.enqueue_dma source(%arg19 : memref<128x64xf32, #tpu.memory_space<vmem>>) target(%dma_start3A_191 : memref<128x64xf32, #tpu.memory_space<vmem_shared>>) target_semaphore(%run_scoped3A : memref<!tpu.dma_semaphore, #tpu.memory_space<semaphore_mem>>)
      %dma_wait3A_192 = arith.constant 0 : i32
      %dma_wait3A_193 = tpu.memref_slice %arg27[%add3A_39, %dma_wait3A_192] : memref<16384x64xf32, #tpu.memory_space<vmem_shared>> -> memref<128x64xf32, #tpu.memory_space<vmem_shared>>
      %dma_wait3A_194 = arith.constant 0 : i32
      %dma_wait3A_195 = tpu.memref_slice %arg27[%add3A_39, %dma_wait3A_194] : memref<16384x64xf32, #tpu.memory_space<vmem_shared>> -> memref<128x64xf32, #tpu.memory_space<vmem_shared>>
      tpu.wait_dma2 semaphore(%run_scoped3A : memref<!tpu.dma_semaphore, #tpu.memory_space<semaphore_mem>>) src(%arg19 : memref<128x64xf32, #tpu.memory_space<vmem>>) dst(%dma_wait3A_195 : memref<128x64xf32, #tpu.memory_space<vmem_shared>>)
      tpu.yield
    }) : () -> ()
    %barrier3A = arith.constant 0 : index
    tpu.barrier barrier_id(%barrier3A)
    %mul3A_40 = arith.constant 200 : i32
    %mul3A_41 = arith.muli %add3A, %mul3A_40 : i32
    %add3A_42 = arith.constant 0 : i32
    %add3A_43 = arith.addi %mul3A_41, %add3A_42 : i32
    %dma_start3A = arith.constant 0 : i32
    %dma_start3A_44 = arith.constant 0 : i32
    %dma_start3A_45 = tpu.memref_slice %arg2[%add3A_43, %dma_start3A, %dma_start3A_44] : memref<6400x2x128xi32, #tpu.memory_space<hbm>> -> memref<1x2x128xi32, #tpu.memory_space<hbm>>
    %dma_start3A_46 = tpu.memref_squeeze %dma_start3A_45 : memref<1x2x128xi32, #tpu.memory_space<hbm>> -> memref<2x128xi32, #tpu.memory_space<hbm>>
    %dma_start3A_47 = arith.constant 0 : i32
    %dma_start3A_48 = arith.constant 0 : i32
    %dma_start3A_49 = tpu.memref_slice %arg2[%add3A_43, %dma_start3A_47, %dma_start3A_48] : memref<6400x2x128xi32, #tpu.memory_space<hbm>> -> memref<1x2x128xi32, #tpu.memory_space<hbm>>
    %dma_start3A_50 = tpu.memref_squeeze %dma_start3A_49 : memref<1x2x128xi32, #tpu.memory_space<hbm>> -> memref<2x128xi32, #tpu.memory_space<hbm>>
    tpu.enqueue_dma source(%dma_start3A_50 : memref<2x128xi32, #tpu.memory_space<hbm>>) target(%arg7 : memref<2x128xi32, #tpu.memory_space<vmem>>) target_semaphore(%arg28 : memref<!tpu.dma_semaphore, #tpu.memory_space<semaphore_mem>>)
    %dma_start3A_51 = arith.constant 0 : i32
    %dma_start3A_52 = arith.constant 0 : i32
    %dma_start3A_53 = tpu.memref_slice %arg3[%add3A_43, %dma_start3A_51, %dma_start3A_52] : memref<6400x2x128xf32, #tpu.memory_space<hbm>> -> memref<1x2x128xf32, #tpu.memory_space<hbm>>
    %dma_start3A_54 = tpu.memref_squeeze %dma_start3A_53 : memref<1x2x128xf32, #tpu.memory_space<hbm>> -> memref<2x128xf32, #tpu.memory_space<hbm>>
    %dma_start3A_55 = arith.constant 0 : i32
    %dma_start3A_56 = arith.constant 0 : i32
    %dma_start3A_57 = tpu.memref_slice %arg3[%add3A_43, %dma_start3A_55, %dma_start3A_56] : memref<6400x2x128xf32, #tpu.memory_space<hbm>> -> memref<1x2x128xf32, #tpu.memory_space<hbm>>
    %dma_start3A_58 = tpu.memref_squeeze %dma_start3A_57 : memref<1x2x128xf32, #tpu.memory_space<hbm>> -> memref<2x128xf32, #tpu.memory_space<hbm>>
    tpu.enqueue_dma source(%dma_start3A_58 : memref<2x128xf32, #tpu.memory_space<hbm>>) target(%arg9 : memref<2x128xf32, #tpu.memory_space<vmem>>) target_semaphore(%arg28 : memref<!tpu.dma_semaphore, #tpu.memory_space<semaphore_mem>>)
    %mul3A_59 = arith.constant 2 : i32
    %mul3A_60 = arith.muli %add3A_43, %mul3A_59 : i32
    %add3A_61 = arith.constant 0 : i32
    %add3A_62 = arith.addi %mul3A_60, %add3A_61 : i32
    %dma_start3A_63 = arith.constant 0 : i32
    %dma_start3A_64 = tpu.memref_slice %arg4[%add3A_62, %dma_start3A_63] : memref<12800x128xi32, #tpu.memory_space<hbm>> -> memref<1x128xi32, #tpu.memory_space<hbm>>
    %dma_start3A_65 = tpu.memref_squeeze %dma_start3A_64 : memref<1x128xi32, #tpu.memory_space<hbm>> -> memref<128xi32, #tpu.memory_space<hbm>>
    %dma_start3A_66 = arith.constant 0 : i32
    %dma_start3A_67 = tpu.memref_slice %arg4[%add3A_62, %dma_start3A_66] : memref<12800x128xi32, #tpu.memory_space<hbm>> -> memref<1x128xi32, #tpu.memory_space<hbm>>
    %dma_start3A_68 = tpu.memref_squeeze %dma_start3A_67 : memref<1x128xi32, #tpu.memory_space<hbm>> -> memref<128xi32, #tpu.memory_space<hbm>>
    tpu.enqueue_dma source(%dma_start3A_68 : memref<128xi32, #tpu.memory_space<hbm>>) target(%arg11 : memref<128xi32, #tpu.memory_space<vmem>>) target_semaphore(%arg28 : memref<!tpu.dma_semaphore, #tpu.memory_space<semaphore_mem>>)
    %mul3A_69 = arith.constant 2 : i32
    %mul3A_70 = arith.muli %add3A_43, %mul3A_69 : i32
    %add3A_71 = arith.constant 1 : i32
    %add3A_72 = arith.addi %mul3A_70, %add3A_71 : i32
    %dma_start3A_73 = arith.constant 0 : i32
    %dma_start3A_74 = tpu.memref_slice %arg4[%add3A_72, %dma_start3A_73] : memref<12800x128xi32, #tpu.memory_space<hbm>> -> memref<1x128xi32, #tpu.memory_space<hbm>>
    %dma_start3A_75 = tpu.memref_squeeze %dma_start3A_74 : memref<1x128xi32, #tpu.memory_space<hbm>> -> memref<128xi32, #tpu.memory_space<hbm>>
    %dma_start3A_76 = arith.constant 0 : i32
    %dma_start3A_77 = tpu.memref_slice %arg4[%add3A_72, %dma_start3A_76] : memref<12800x128xi32, #tpu.memory_space<hbm>> -> memref<1x128xi32, #tpu.memory_space<hbm>>
    %dma_start3A_78 = tpu.memref_squeeze %dma_start3A_77 : memref<1x128xi32, #tpu.memory_space<hbm>> -> memref<128xi32, #tpu.memory_space<hbm>>
    tpu.enqueue_dma source(%dma_start3A_78 : memref<128xi32, #tpu.memory_space<hbm>>) target(%arg12 : memref<128xi32, #tpu.memory_space<vmem>>) target_semaphore(%arg28 : memref<!tpu.dma_semaphore, #tpu.memory_space<semaphore_mem>>)
    %mul3A_79 = arith.constant 200 : i32
    %mul3A_80 = arith.muli %add3A, %mul3A_79 : i32
    %add3A_81 = arith.constant 1 : i32
    %add3A_82 = arith.addi %mul3A_80, %add3A_81 : i32
    %dma_start3A_83 = arith.constant 0 : i32
    %dma_start3A_84 = arith.constant 0 : i32
    %dma_start3A_85 = tpu.memref_slice %arg2[%add3A_82, %dma_start3A_83, %dma_start3A_84] : memref<6400x2x128xi32, #tpu.memory_space<hbm>> -> memref<1x2x128xi32, #tpu.memory_space<hbm>>
    %dma_start3A_86 = tpu.memref_squeeze %dma_start3A_85 : memref<1x2x128xi32, #tpu.memory_space<hbm>> -> memref<2x128xi32, #tpu.memory_space<hbm>>
    %dma_start3A_87 = arith.constant 0 : i32
    %dma_start3A_88 = arith.constant 0 : i32
    %dma_start3A_89 = tpu.memref_slice %arg2[%add3A_82, %dma_start3A_87, %dma_start3A_88] : memref<6400x2x128xi32, #tpu.memory_space<hbm>> -> memref<1x2x128xi32, #tpu.memory_space<hbm>>
    %dma_start3A_90 = tpu.memref_squeeze %dma_start3A_89 : memref<1x2x128xi32, #tpu.memory_space<hbm>> -> memref<2x128xi32, #tpu.memory_space<hbm>>
    tpu.enqueue_dma source(%dma_start3A_90 : memref<2x128xi32, #tpu.memory_space<hbm>>) target(%arg8 : memref<2x128xi32, #tpu.memory_space<vmem>>) target_semaphore(%arg29 : memref<!tpu.dma_semaphore, #tpu.memory_space<semaphore_mem>>)
    %dma_start3A_91 = arith.constant 0 : i32
    %dma_start3A_92 = arith.constant 0 : i32
    %dma_start3A_93 = tpu.memref_slice %arg3[%add3A_82, %dma_start3A_91, %dma_start3A_92] : memref<6400x2x128xf32, #tpu.memory_space<hbm>> -> memref<1x2x128xf32, #tpu.memory_space<hbm>>
    %dma_start3A_94 = tpu.memref_squeeze %dma_start3A_93 : memref<1x2x128xf32, #tpu.memory_space<hbm>> -> memref<2x128xf32, #tpu.memory_space<hbm>>
    %dma_start3A_95 = arith.constant 0 : i32
    %dma_start3A_96 = arith.constant 0 : i32
    %dma_start3A_97 = tpu.memref_slice %arg3[%add3A_82, %dma_start3A_95, %dma_start3A_96] : memref<6400x2x128xf32, #tpu.memory_space<hbm>> -> memref<1x2x128xf32, #tpu.memory_space<hbm>>
    %dma_start3A_98 = tpu.memref_squeeze %dma_start3A_97 : memref<1x2x128xf32, #tpu.memory_space<hbm>> -> memref<2x128xf32, #tpu.memory_space<hbm>>
    tpu.enqueue_dma source(%dma_start3A_98 : memref<2x128xf32, #tpu.memory_space<hbm>>) target(%arg10 : memref<2x128xf32, #tpu.memory_space<vmem>>) target_semaphore(%arg29 : memref<!tpu.dma_semaphore, #tpu.memory_space<semaphore_mem>>)
    %mul3A_99 = arith.constant 2 : i32
    %mul3A_100 = arith.muli %add3A_82, %mul3A_99 : i32
    %add3A_101 = arith.constant 0 : i32
    %add3A_102 = arith.addi %mul3A_100, %add3A_101 : i32
    %dma_start3A_103 = arith.constant 0 : i32
    %dma_start3A_104 = tpu.memref_slice %arg4[%add3A_102, %dma_start3A_103] : memref<12800x128xi32, #tpu.memory_space<hbm>> -> memref<1x128xi32, #tpu.memory_space<hbm>>
    %dma_start3A_105 = tpu.memref_squeeze %dma_start3A_104 : memref<1x128xi32, #tpu.memory_space<hbm>> -> memref<128xi32, #tpu.memory_space<hbm>>
    %dma_start3A_106 = arith.constant 0 : i32
    %dma_start3A_107 = tpu.memref_slice %arg4[%add3A_102, %dma_start3A_106] : memref<12800x128xi32, #tpu.memory_space<hbm>> -> memref<1x128xi32, #tpu.memory_space<hbm>>
    %dma_start3A_108 = tpu.memref_squeeze %dma_start3A_107 : memref<1x128xi32, #tpu.memory_space<hbm>> -> memref<128xi32, #tpu.memory_space<hbm>>
    tpu.enqueue_dma source(%dma_start3A_108 : memref<128xi32, #tpu.memory_space<hbm>>) target(%arg13 : memref<128xi32, #tpu.memory_space<vmem>>) target_semaphore(%arg29 : memref<!tpu.dma_semaphore, #tpu.memory_space<semaphore_mem>>)
    %mul3A_109 = arith.constant 2 : i32
    %mul3A_110 = arith.muli %add3A_82, %mul3A_109 : i32
    %add3A_111 = arith.constant 1 : i32
    %add3A_112 = arith.addi %mul3A_110, %add3A_111 : i32
    %dma_start3A_113 = arith.constant 0 : i32
    %dma_start3A_114 = tpu.memref_slice %arg4[%add3A_112, %dma_start3A_113] : memref<12800x128xi32, #tpu.memory_space<hbm>> -> memref<1x128xi32, #tpu.memory_space<hbm>>
    %dma_start3A_115 = tpu.memref_squeeze %dma_start3A_114 : memref<1x128xi32, #tpu.memory_space<hbm>> -> memref<128xi32, #tpu.memory_space<hbm>>
    %dma_start3A_116 = arith.constant 0 : i32
    %dma_start3A_117 = tpu.memref_slice %arg4[%add3A_112, %dma_start3A_116] : memref<12800x128xi32, #tpu.memory_space<hbm>> -> memref<1x128xi32, #tpu.memory_space<hbm>>
    %dma_start3A_118 = tpu.memref_squeeze %dma_start3A_117 : memref<1x128xi32, #tpu.memory_space<hbm>> -> memref<128xi32, #tpu.memory_space<hbm>>
    tpu.enqueue_dma source(%dma_start3A_118 : memref<128xi32, #tpu.memory_space<hbm>>) target(%arg14 : memref<128xi32, #tpu.memory_space<vmem>>) target_semaphore(%arg29 : memref<!tpu.dma_semaphore, #tpu.memory_space<semaphore_mem>>)
    %dma_wait3A = arith.constant 0 : i32
    %dma_wait3A_119 = arith.constant 0 : i32
    %dma_wait3A_120 = arith.constant 0 : i32
    %dma_wait3A_121 = tpu.memref_slice %arg2[%dma_wait3A, %dma_wait3A_119, %dma_wait3A_120] : memref<6400x2x128xi32, #tpu.memory_space<hbm>> -> memref<1x2x128xi32, #tpu.memory_space<hbm>>
    %dma_wait3A_122 = tpu.memref_squeeze %dma_wait3A_121 : memref<1x2x128xi32, #tpu.memory_space<hbm>> -> memref<2x128xi32, #tpu.memory_space<hbm>>
    %dma_wait3A_123 = arith.constant 0 : i32
    %dma_wait3A_124 = arith.constant 0 : i32
    %dma_wait3A_125 = tpu.memref_slice %arg2[%dma_wait3A, %dma_wait3A_123, %dma_wait3A_124] : memref<6400x2x128xi32, #tpu.memory_space<hbm>> -> memref<1x2x128xi32, #tpu.memory_space<hbm>>
    %dma_wait3A_126 = tpu.memref_squeeze %dma_wait3A_125 : memref<1x2x128xi32, #tpu.memory_space<hbm>> -> memref<2x128xi32, #tpu.memory_space<hbm>>
    tpu.wait_dma2 semaphore(%arg28 : memref<!tpu.dma_semaphore, #tpu.memory_space<semaphore_mem>>) src(%dma_wait3A_126 : memref<2x128xi32, #tpu.memory_space<hbm>>) dst(%arg7 : memref<2x128xi32, #tpu.memory_space<vmem>>)
    %dma_wait3A_127 = arith.constant 0 : i32
    %dma_wait3A_128 = arith.constant 0 : i32
    %dma_wait3A_129 = arith.constant 0 : i32
    %dma_wait3A_130 = tpu.memref_slice %arg3[%dma_wait3A_127, %dma_wait3A_128, %dma_wait3A_129] : memref<6400x2x128xf32, #tpu.memory_space<hbm>> -> memref<1x2x128xf32, #tpu.memory_space<hbm>>
    %dma_wait3A_131 = tpu.memref_squeeze %dma_wait3A_130 : memref<1x2x128xf32, #tpu.memory_space<hbm>> -> memref<2x128xf32, #tpu.memory_space<hbm>>
    %dma_wait3A_132 = arith.constant 0 : i32
    %dma_wait3A_133 = arith.constant 0 : i32
    %dma_wait3A_134 = tpu.memref_slice %arg3[%dma_wait3A_127, %dma_wait3A_132, %dma_wait3A_133] : memref<6400x2x128xf32, #tpu.memory_space<hbm>> -> memref<1x2x128xf32, #tpu.memory_space<hbm>>
    %dma_wait3A_135 = tpu.memref_squeeze %dma_wait3A_134 : memref<1x2x128xf32, #tpu.memory_space<hbm>> -> memref<2x128xf32, #tpu.memory_space<hbm>>
    tpu.wait_dma2 semaphore(%arg28 : memref<!tpu.dma_semaphore, #tpu.memory_space<semaphore_mem>>) src(%dma_wait3A_135 : memref<2x128xf32, #tpu.memory_space<hbm>>) dst(%arg9 : memref<2x128xf32, #tpu.memory_space<vmem>>)
    %dma_wait3A_136 = arith.constant 0 : i32
    %dma_wait3A_137 = arith.constant 0 : i32
    %dma_wait3A_138 = tpu.memref_slice %arg4[%dma_wait3A_136, %dma_wait3A_137] : memref<12800x128xi32, #tpu.memory_space<hbm>> -> memref<1x128xi32, #tpu.memory_space<hbm>>
    %dma_wait3A_139 = tpu.memref_squeeze %dma_wait3A_138 : memref<1x128xi32, #tpu.memory_space<hbm>> -> memref<128xi32, #tpu.memory_space<hbm>>
    %dma_wait3A_140 = arith.constant 0 : i32
    %dma_wait3A_141 = tpu.memref_slice %arg4[%dma_wait3A_136, %dma_wait3A_140] : memref<12800x128xi32, #tpu.memory_space<hbm>> -> memref<1x128xi32, #tpu.memory_space<hbm>>
    %dma_wait3A_142 = tpu.memref_squeeze %dma_wait3A_141 : memref<1x128xi32, #tpu.memory_space<hbm>> -> memref<128xi32, #tpu.memory_space<hbm>>
    tpu.wait_dma2 semaphore(%arg28 : memref<!tpu.dma_semaphore, #tpu.memory_space<semaphore_mem>>) src(%dma_wait3A_142 : memref<128xi32, #tpu.memory_space<hbm>>) dst(%arg11 : memref<128xi32, #tpu.memory_space<vmem>>)
    %dma_wait3A_143 = arith.constant 0 : i32
    %dma_wait3A_144 = arith.constant 0 : i32
    %dma_wait3A_145 = tpu.memref_slice %arg4[%dma_wait3A_143, %dma_wait3A_144] : memref<12800x128xi32, #tpu.memory_space<hbm>> -> memref<1x128xi32, #tpu.memory_space<hbm>>
    %dma_wait3A_146 = tpu.memref_squeeze %dma_wait3A_145 : memref<1x128xi32, #tpu.memory_space<hbm>> -> memref<128xi32, #tpu.memory_space<hbm>>
    %dma_wait3A_147 = arith.constant 0 : i32
    %dma_wait3A_148 = tpu.memref_slice %arg4[%dma_wait3A_143, %dma_wait3A_147] : memref<12800x128xi32, #tpu.memory_space<hbm>> -> memref<1x128xi32, #tpu.memory_space<hbm>>
    %dma_wait3A_149 = tpu.memref_squeeze %dma_wait3A_148 : memref<1x128xi32, #tpu.memory_space<hbm>> -> memref<128xi32, #tpu.memory_space<hbm>>
    tpu.wait_dma2 semaphore(%arg28 : memref<!tpu.dma_semaphore, #tpu.memory_space<semaphore_mem>>) src(%dma_wait3A_149 : memref<128xi32, #tpu.memory_space<hbm>>) dst(%arg12 : memref<128xi32, #tpu.memory_space<vmem>>)
    %dma_start3A_150 = arith.constant 0 : i32
    %dma_start3A_151 = arith.constant 0 : i32
    %dma_start3A_152 = tpu.memref_slice %arg7[%dma_start3A_150, %dma_start3A_151] : memref<2x128xi32, #tpu.memory_space<vmem>> -> memref<1x128xi32, #tpu.memory_space<vmem>>
    %dma_start3A_153 = tpu.memref_squeeze %dma_start3A_152 : memref<1x128xi32, #tpu.memory_space<vmem>> -> memref<128xi32, #tpu.memory_space<vmem>>
    %dma_start3A_154 = arith.constant 0 : i32
    %dma_start3A_155 = arith.constant 0 : i32
    %dma_start3A_156 = tpu.memref_slice %arg5[%dma_start3A_154, %dma_start3A_155] : memref<100000x64xbf16, #tpu.memory_space<hbm>> -> memref<100000x64xbf16, #tpu.memory_space<hbm>>
    tpu.enqueue_indirect_dma source(%dma_start3A_156 : memref<100000x64xbf16, #tpu.memory_space<hbm>>) target(%arg15 : memref<128x64xbf16, #tpu.memory_space<vmem>>) offsets(%dma_start3A_153 : memref<128xi32, #tpu.memory_space<vmem>>) semaphore(%arg30 : memref<!tpu.dma_semaphore, #tpu.memory_space<semaphore_mem>>)
    %dma_start3A_157 = arith.constant 1 : i32
    %dma_start3A_158 = arith.constant 0 : i32
    %dma_start3A_159 = tpu.memref_slice %arg7[%dma_start3A_157, %dma_start3A_158] : memref<2x128xi32, #tpu.memory_space<vmem>> -> memref<1x128xi32, #tpu.memory_space<vmem>>
    %dma_start3A_160 = tpu.memref_squeeze %dma_start3A_159 : memref<1x128xi32, #tpu.memory_space<vmem>> -> memref<128xi32, #tpu.memory_space<vmem>>
    %dma_start3A_161 = arith.constant 0 : i32
    %dma_start3A_162 = arith.constant 0 : i32
    %dma_start3A_163 = tpu.memref_slice %arg5[%dma_start3A_161, %dma_start3A_162] : memref<100000x64xbf16, #tpu.memory_space<hbm>> -> memref<100000x64xbf16, #tpu.memory_space<hbm>>
    tpu.enqueue_indirect_dma source(%dma_start3A_163 : memref<100000x64xbf16, #tpu.memory_space<hbm>>) target(%arg16 : memref<128x64xbf16, #tpu.memory_space<vmem>>) offsets(%dma_start3A_160 : memref<128xi32, #tpu.memory_space<vmem>>) semaphore(%arg30 : memref<!tpu.dma_semaphore, #tpu.memory_space<semaphore_mem>>)
    %scan3A_164 = arith.constant 0 : i32
    %scan3A_165 = arith.constant 0 : i32
    %scan3A_166 = arith.constant 100 : i32
    %scan3A_167 = arith.addi %scan3A_165, %scan3A_166 : i32
    %scan3A_168 = arith.constant 1 : i32
    %scan3A_169 = scf.for %scan3A_188 = %scan3A_165 to %scan3A_167 step %scan3A_168 iter_args(%scan3A_189 = %scan3A_164) -> (i32)  : i32 {
      %mul3A_190 = arith.constant 2 : i32
      %mul3A_191 = arith.muli %scan3A_188, %mul3A_190 : i32
      %add3A_192 = arith.constant 0 : i32
      %add3A_193 = arith.addi %mul3A_191, %add3A_192 : i32
      %add3A_194 = arith.constant 1 : i32
      %add3A_195 = arith.addi %add3A_193, %add3A_194 : i32
      %lt3A = arith.constant 200 : i32
      %lt3A_196 = arith.cmpi slt, %add3A_195, %lt3A : i32
      %convert_element_type3A = arith.extui %lt3A_196 : i1 to i32
      %cond3A = arith.constant 0 : i32
      %cond3A_197 = arith.cmpi ne, %convert_element_type3A, %cond3A : i32
      scf.if %cond3A_197 {
        %dma_wait3A_440 = arith.constant 0 : i32
        %dma_wait3A_441 = arith.constant 0 : i32
        %dma_wait3A_442 = arith.constant 0 : i32
        %dma_wait3A_443 = tpu.memref_slice %arg2[%dma_wait3A_440, %dma_wait3A_441, %dma_wait3A_442] : memref<6400x2x128xi32, #tpu.memory_space<hbm>> -> memref<1x2x128xi32, #tpu.memory_space<hbm>>
        %dma_wait3A_444 = tpu.memref_squeeze %dma_wait3A_443 : memref<1x2x128xi32, #tpu.memory_space<hbm>> -> memref<2x128xi32, #tpu.memory_space<hbm>>
        %dma_wait3A_445 = arith.constant 0 : i32
        %dma_wait3A_446 = arith.constant 0 : i32
        %dma_wait3A_447 = tpu.memref_slice %arg2[%dma_wait3A_440, %dma_wait3A_445, %dma_wait3A_446] : memref<6400x2x128xi32, #tpu.memory_space<hbm>> -> memref<1x2x128xi32, #tpu.memory_space<hbm>>
        %dma_wait3A_448 = tpu.memref_squeeze %dma_wait3A_447 : memref<1x2x128xi32, #tpu.memory_space<hbm>> -> memref<2x128xi32, #tpu.memory_space<hbm>>
        tpu.wait_dma2 semaphore(%arg29 : memref<!tpu.dma_semaphore, #tpu.memory_space<semaphore_mem>>) src(%dma_wait3A_448 : memref<2x128xi32, #tpu.memory_space<hbm>>) dst(%arg8 : memref<2x128xi32, #tpu.memory_space<vmem>>)
        %dma_wait3A_449 = arith.constant 0 : i32
        %dma_wait3A_450 = arith.constant 0 : i32
        %dma_wait3A_451 = arith.constant 0 : i32
        %dma_wait3A_452 = tpu.memref_slice %arg3[%dma_wait3A_449, %dma_wait3A_450, %dma_wait3A_451] : memref<6400x2x128xf32, #tpu.memory_space<hbm>> -> memref<1x2x128xf32, #tpu.memory_space<hbm>>
        %dma_wait3A_453 = tpu.memref_squeeze %dma_wait3A_452 : memref<1x2x128xf32, #tpu.memory_space<hbm>> -> memref<2x128xf32, #tpu.memory_space<hbm>>
        %dma_wait3A_454 = arith.constant 0 : i32
        %dma_wait3A_455 = arith.constant 0 : i32
        %dma_wait3A_456 = tpu.memref_slice %arg3[%dma_wait3A_449, %dma_wait3A_454, %dma_wait3A_455] : memref<6400x2x128xf32, #tpu.memory_space<hbm>> -> memref<1x2x128xf32, #tpu.memory_space<hbm>>
        %dma_wait3A_457 = tpu.memref_squeeze %dma_wait3A_456 : memref<1x2x128xf32, #tpu.memory_space<hbm>> -> memref<2x128xf32, #tpu.memory_space<hbm>>
        tpu.wait_dma2 semaphore(%arg29 : memref<!tpu.dma_semaphore, #tpu.memory_space<semaphore_mem>>) src(%dma_wait3A_457 : memref<2x128xf32, #tpu.memory_space<hbm>>) dst(%arg10 : memref<2x128xf32, #tpu.memory_space<vmem>>)
        %dma_wait3A_458 = arith.constant 0 : i32
        %dma_wait3A_459 = arith.constant 0 : i32
        %dma_wait3A_460 = tpu.memref_slice %arg4[%dma_wait3A_458, %dma_wait3A_459] : memref<12800x128xi32, #tpu.memory_space<hbm>> -> memref<1x128xi32, #tpu.memory_space<hbm>>
        %dma_wait3A_461 = tpu.memref_squeeze %dma_wait3A_460 : memref<1x128xi32, #tpu.memory_space<hbm>> -> memref<128xi32, #tpu.memory_space<hbm>>
        %dma_wait3A_462 = arith.constant 0 : i32
        %dma_wait3A_463 = tpu.memref_slice %arg4[%dma_wait3A_458, %dma_wait3A_462] : memref<12800x128xi32, #tpu.memory_space<hbm>> -> memref<1x128xi32, #tpu.memory_space<hbm>>
        %dma_wait3A_464 = tpu.memref_squeeze %dma_wait3A_463 : memref<1x128xi32, #tpu.memory_space<hbm>> -> memref<128xi32, #tpu.memory_space<hbm>>
        tpu.wait_dma2 semaphore(%arg29 : memref<!tpu.dma_semaphore, #tpu.memory_space<semaphore_mem>>) src(%dma_wait3A_464 : memref<128xi32, #tpu.memory_space<hbm>>) dst(%arg13 : memref<128xi32, #tpu.memory_space<vmem>>)
        %dma_wait3A_465 = arith.constant 0 : i32
        %dma_wait3A_466 = arith.constant 0 : i32
        %dma_wait3A_467 = tpu.memref_slice %arg4[%dma_wait3A_465, %dma_wait3A_466] : memref<12800x128xi32, #tpu.memory_space<hbm>> -> memref<1x128xi32, #tpu.memory_space<hbm>>
        %dma_wait3A_468 = tpu.memref_squeeze %dma_wait3A_467 : memref<1x128xi32, #tpu.memory_space<hbm>> -> memref<128xi32, #tpu.memory_space<hbm>>
        %dma_wait3A_469 = arith.constant 0 : i32
        %dma_wait3A_470 = tpu.memref_slice %arg4[%dma_wait3A_465, %dma_wait3A_469] : memref<12800x128xi32, #tpu.memory_space<hbm>> -> memref<1x128xi32, #tpu.memory_space<hbm>>
        %dma_wait3A_471 = tpu.memref_squeeze %dma_wait3A_470 : memref<1x128xi32, #tpu.memory_space<hbm>> -> memref<128xi32, #tpu.memory_space<hbm>>
        tpu.wait_dma2 semaphore(%arg29 : memref<!tpu.dma_semaphore, #tpu.memory_space<semaphore_mem>>) src(%dma_wait3A_471 : memref<128xi32, #tpu.memory_space<hbm>>) dst(%arg14 : memref<128xi32, #tpu.memory_space<vmem>>)
        %dma_start3A_472 = arith.constant 0 : i32
        %dma_start3A_473 = arith.constant 0 : i32
        %dma_start3A_474 = tpu.memref_slice %arg8[%dma_start3A_472, %dma_start3A_473] : memref<2x128xi32, #tpu.memory_space<vmem>> -> memref<1x128xi32, #tpu.memory_space<vmem>>
        %dma_start3A_475 = tpu.memref_squeeze %dma_start3A_474 : memref<1x128xi32, #tpu.memory_space<vmem>> -> memref<128xi32, #tpu.memory_space<vmem>>
        %dma_start3A_476 = arith.constant 0 : i32
        %dma_start3A_477 = arith.constant 0 : i32
        %dma_start3A_478 = tpu.memref_slice %arg5[%dma_start3A_476, %dma_start3A_477] : memref<100000x64xbf16, #tpu.memory_space<hbm>> -> memref<100000x64xbf16, #tpu.memory_space<hbm>>
        tpu.enqueue_indirect_dma source(%dma_start3A_478 : memref<100000x64xbf16, #tpu.memory_space<hbm>>) target(%arg17 : memref<128x64xbf16, #tpu.memory_space<vmem>>) offsets(%dma_start3A_475 : memref<128xi32, #tpu.memory_space<vmem>>) semaphore(%arg31 : memref<!tpu.dma_semaphore, #tpu.memory_space<semaphore_mem>>)
        %dma_start3A_479 = arith.constant 1 : i32
        %dma_start3A_480 = arith.constant 0 : i32
        %dma_start3A_481 = tpu.memref_slice %arg8[%dma_start3A_479, %dma_start3A_480] : memref<2x128xi32, #tpu.memory_space<vmem>> -> memref<1x128xi32, #tpu.memory_space<vmem>>
        %dma_start3A_482 = tpu.memref_squeeze %dma_start3A_481 : memref<1x128xi32, #tpu.memory_space<vmem>> -> memref<128xi32, #tpu.memory_space<vmem>>
        %dma_start3A_483 = arith.constant 0 : i32
        %dma_start3A_484 = arith.constant 0 : i32
        %dma_start3A_485 = tpu.memref_slice %arg5[%dma_start3A_483, %dma_start3A_484] : memref<100000x64xbf16, #tpu.memory_space<hbm>> -> memref<100000x64xbf16, #tpu.memory_space<hbm>>
        tpu.enqueue_indirect_dma source(%dma_start3A_485 : memref<100000x64xbf16, #tpu.memory_space<hbm>>) target(%arg18 : memref<128x64xbf16, #tpu.memory_space<vmem>>) offsets(%dma_start3A_482 : memref<128xi32, #tpu.memory_space<vmem>>) semaphore(%arg31 : memref<!tpu.dma_semaphore, #tpu.memory_space<semaphore_mem>>)
      } else {
      }
      %dma_wait3A_198 = arith.constant 0 : i32
      %dma_wait3A_199 = arith.constant 0 : i32
      %dma_wait3A_200 = tpu.memref_slice %arg7[%dma_wait3A_198, %dma_wait3A_199] : memref<2x128xi32, #tpu.memory_space<vmem>> -> memref<1x128xi32, #tpu.memory_space<vmem>>
      %dma_wait3A_201 = tpu.memref_squeeze %dma_wait3A_200 : memref<1x128xi32, #tpu.memory_space<vmem>> -> memref<128xi32, #tpu.memory_space<vmem>>
      %dma_wait3A_202 = arith.constant 0 : i32
      %dma_wait3A_203 = arith.constant 0 : i32
      %dma_wait3A_204 = tpu.memref_slice %arg5[%dma_wait3A_202, %dma_wait3A_203] : memref<100000x64xbf16, #tpu.memory_space<hbm>> -> memref<100000x64xbf16, #tpu.memory_space<hbm>>
      tpu.wait_indirect_dma semaphore(%arg30 : memref<!tpu.dma_semaphore, #tpu.memory_space<semaphore_mem>>) src(%dma_wait3A_204 : memref<100000x64xbf16, #tpu.memory_space<hbm>>) dst(%arg15 : memref<128x64xbf16, #tpu.memory_space<vmem>>)
      %dma_wait3A_205 = arith.constant 1 : i32
      %dma_wait3A_206 = arith.constant 0 : i32
      %dma_wait3A_207 = tpu.memref_slice %arg7[%dma_wait3A_205, %dma_wait3A_206] : memref<2x128xi32, #tpu.memory_space<vmem>> -> memref<1x128xi32, #tpu.memory_space<vmem>>
      %dma_wait3A_208 = tpu.memref_squeeze %dma_wait3A_207 : memref<1x128xi32, #tpu.memory_space<vmem>> -> memref<128xi32, #tpu.memory_space<vmem>>
      %dma_wait3A_209 = arith.constant 0 : i32
      %dma_wait3A_210 = arith.constant 0 : i32
      %dma_wait3A_211 = tpu.memref_slice %arg5[%dma_wait3A_209, %dma_wait3A_210] : memref<100000x64xbf16, #tpu.memory_space<hbm>> -> memref<100000x64xbf16, #tpu.memory_space<hbm>>
      tpu.wait_indirect_dma semaphore(%arg30 : memref<!tpu.dma_semaphore, #tpu.memory_space<semaphore_mem>>) src(%dma_wait3A_211 : memref<100000x64xbf16, #tpu.memory_space<hbm>>) dst(%arg16 : memref<128x64xbf16, #tpu.memory_space<vmem>>)
      %eq3A = arith.constant 0 : i32
      %eq3A_212 = arith.cmpi eq, %scan3A_188, %eq3A : i32
      %not3A = arith.constant true
      %not3A_213 = arith.xori %eq3A_212, %not3A : i1
      %convert_element_type3A_214 = arith.extui %not3A_213 : i1 to i32
      %cond3A_215 = arith.constant 0 : i32
      %cond3A_216 = arith.cmpi ne, %convert_element_type3A_214, %cond3A_215 : i32
      scf.if %cond3A_216 {
        %dma_wait3A_440 = arith.constant 0 : i32
        %dma_wait3A_441 = arith.constant 0 : i32
        %dma_wait3A_442 = tpu.memref_slice %arg27[%dma_wait3A_440, %dma_wait3A_441] : memref<16384x64xf32, #tpu.memory_space<vmem_shared>> -> memref<16384x64xf32, #tpu.memory_space<vmem_shared>>
        tpu.wait_indirect_dma semaphore(%arg32 : memref<!tpu.dma_semaphore, #tpu.memory_space<semaphore_mem>>) src(%arg19 : memref<128x64xf32, #tpu.memory_space<vmem>>) dst(%dma_wait3A_442 : memref<16384x64xf32, #tpu.memory_space<vmem_shared>>)
      } else {
      }
      %scan3A_217 = arith.constant 0 : i32
      %scan3A_218 = arith.constant 0 : i32
      %scan3A_219 = arith.constant 8 : i32
      %scan3A_220 = arith.addi %scan3A_218, %scan3A_219 : i32
      %scan3A_221 = arith.constant 1 : i32
      %scan3A_222 = scf.for %scan3A_440 = %scan3A_218 to %scan3A_220 step %scan3A_221 iter_args(%scan3A_441 = %scan3A_217) -> (i32)  : i32 {
        %mul3A_442 = arith.constant 16 : i32
        %mul3A_443 = arith.muli %scan3A_440, %mul3A_442 : i32
        %get3A_444 = arith.constant 0 : i32
        %get3A_445 = arith.index_cast %get3A_444 : i32 to index
        %get3A_446 = arith.index_cast %mul3A_443 : i32 to index
        %get3A_447 = tpu.vector_load %arg9[%get3A_445, %get3A_446] {strides = array<i32>} : memref<2x128xf32, #tpu.memory_space<vmem>>, vector<16xf32>,
        %mul3A_448 = arith.constant 16 : i32
        %mul3A_449 = arith.muli %scan3A_440, %mul3A_448 : i32
        %add3A_450 = arith.constant 0 : i32
        %add3A_451 = arith.addi %mul3A_449, %add3A_450 : i32
        %get3A_452 = arith.index_cast %add3A_451 : i32 to index
        %get3A_453 = arith.constant 0 : index
        %get3A_454 = tpu.vector_load %arg15[%get3A_452, %get3A_453] {strides = array<i32>} : memref<128x64xbf16, #tpu.memory_space<vmem>>, vector<32xbf16>,
        %add3A_455 = arith.constant 0 : i32
        %add3A_456 = arith.addi %mul3A_449, %add3A_455 : i32
        %get3A_457 = arith.index_cast %add3A_456 : i32 to index
        %get3A_458 = arith.constant 32 : index
        %get3A_459 = tpu.vector_load %arg15[%get3A_457, %get3A_458] {strides = array<i32>} : memref<128x64xbf16, #tpu.memory_space<vmem>>, vector<32xbf16>,
        %add3A_460 = arith.constant 1 : i32
        %add3A_461 = arith.addi %mul3A_449, %add3A_460 : i32
        %get3A_462 = arith.index_cast %add3A_461 : i32 to index
        %get3A_463 = arith.constant 0 : index
        %get3A_464 = tpu.vector_load %arg15[%get3A_462, %get3A_463] {strides = array<i32>} : memref<128x64xbf16, #tpu.memory_space<vmem>>, vector<32xbf16>,
        %add3A_465 = arith.constant 1 : i32
        %add3A_466 = arith.addi %mul3A_449, %add3A_465 : i32
        %get3A_467 = arith.index_cast %add3A_466 : i32 to index
        %get3A_468 = arith.constant 32 : index
        %get3A_469 = tpu.vector_load %arg15[%get3A_467, %get3A_468] {strides = array<i32>} : memref<128x64xbf16, #tpu.memory_space<vmem>>, vector<32xbf16>,
        %add3A_470 = arith.constant 2 : i32
        %add3A_471 = arith.addi %mul3A_449, %add3A_470 : i32
        %get3A_472 = arith.index_cast %add3A_471 : i32 to index
        %get3A_473 = arith.constant 0 : index
        %get3A_474 = tpu.vector_load %arg15[%get3A_472, %get3A_473] {strides = array<i32>} : memref<128x64xbf16, #tpu.memory_space<vmem>>, vector<32xbf16>,
        %slice3A = vector.extract_strided_slice %get3A_447 {offsets = [0], sizes = [1], strides = [1]} : vector<16xf32> to vector<1xf32>
        %squeeze3A = vector.extract %slice3A[0] : f32 from vector<1xf32>
        %unpack3A = tpu.unpack_subelements %get3A_454, 0 {pack_format = #tpu.pack_format<interleaved>} : vector<32xbf16> -> vector<16xf32>
        %unpack3A_475 = tpu.unpack_subelements %get3A_454, 1 {pack_format = #tpu.pack_format<interleaved>} : vector<32xbf16> -> vector<16xf32>
        %mul3A_476 = vector.broadcast %squeeze3A : f32 to vector<16xf32>
        %mul3A_477 = arith.mulf %unpack3A, %mul3A_476 : vector<16xf32>
        %add3A_478 = arith.constant 0 : i32
        %add3A_479 = arith.addi %mul3A_449, %add3A_478 : i32
        %swap3A_480 = arith.index_cast %add3A_479 : i32 to index
        %swap3A_481 = arith.constant 0 : index
        %swap3A_482 = tpu.vector_load %arg19[%swap3A_480, %swap3A_481] {strides = array<i32>} : memref<128x64xf32, #tpu.memory_space<vmem>>, vector<16xf32>,
        tpu.vector_store %arg19[%swap3A_480, %swap3A_481], %mul3A_477 {strides = array<i32>} : memref<128x64xf32, #tpu.memory_space<vmem>>, vector<16xf32>,
        %mul3A_483 = vector.broadcast %squeeze3A : f32 to vector<16xf32>
        %mul3A_484 = arith.mulf %unpack3A_475, %mul3A_483 : vector<16xf32>
        %add3A_485 = arith.constant 0 : i32
        %add3A_486 = arith.addi %mul3A_449, %add3A_485 : i32
        %swap3A_487 = arith.index_cast %add3A_486 : i32 to index
        %swap3A_488 = arith.constant 16 : index
        %swap3A_489 = tpu.vector_load %arg19[%swap3A_487, %swap3A_488] {strides = array<i32>} : memref<128x64xf32, #tpu.memory_space<vmem>>, vector<16xf32>,
        tpu.vector_store %arg19[%swap3A_487, %swap3A_488], %mul3A_484 {strides = array<i32>} : memref<128x64xf32, #tpu.memory_space<vmem>>, vector<16xf32>,
        %add3A_490 = arith.constant 2 : i32
        %add3A_491 = arith.addi %mul3A_449, %add3A_490 : i32
        %get3A_492 = arith.index_cast %add3A_491 : i32 to index
        %get3A_493 = arith.constant 32 : index
        %get3A_494 = tpu.vector_load %arg15[%get3A_492, %get3A_493] {strides = array<i32>} : memref<128x64xbf16, #tpu.memory_space<vmem>>, vector<32xbf16>,
        %slice3A_495 = vector.extract_strided_slice %get3A_447 {offsets = [0], sizes = [1], strides = [1]} : vector<16xf32> to vector<1xf32>
        %squeeze3A_496 = vector.extract %slice3A_495[0] : f32 from vector<1xf32>
        %unpack3A_497 = tpu.unpack_subelements %get3A_459, 0 {pack_format = #tpu.pack_format<interleaved>} : vector<32xbf16> -> vector<16xf32>
        %unpack3A_498 = tpu.unpack_subelements %get3A_459, 1 {pack_format = #tpu.pack_format<interleaved>} : vector<32xbf16> -> vector<16xf32>
        %mul3A_499 = vector.broadcast %squeeze3A_496 : f32 to vector<16xf32>
        %mul3A_500 = arith.mulf %unpack3A_497, %mul3A_499 : vector<16xf32>
        %add3A_501 = arith.constant 0 : i32
        %add3A_502 = arith.addi %mul3A_449, %add3A_501 : i32
        %swap3A_503 = arith.index_cast %add3A_502 : i32 to index
        %swap3A_504 = arith.constant 32 : index
        %swap3A_505 = tpu.vector_load %arg19[%swap3A_503, %swap3A_504] {strides = array<i32>} : memref<128x64xf32, #tpu.memory_space<vmem>>, vector<16xf32>,
        tpu.vector_store %arg19[%swap3A_503, %swap3A_504], %mul3A_500 {strides = array<i32>} : memref<128x64xf32, #tpu.memory_space<vmem>>, vector<16xf32>,
        %mul3A_506 = vector.broadcast %squeeze3A_496 : f32 to vector<16xf32>
        %mul3A_507 = arith.mulf %unpack3A_498, %mul3A_506 : vector<16xf32>
        %add3A_508 = arith.constant 0 : i32
        %add3A_509 = arith.addi %mul3A_449, %add3A_508 : i32
        %swap3A_510 = arith.index_cast %add3A_509 : i32 to index
        %swap3A_511 = arith.constant 48 : index
        %swap3A_512 = tpu.vector_load %arg19[%swap3A_510, %swap3A_511] {strides = array<i32>} : memref<128x64xf32, #tpu.memory_space<vmem>>, vector<16xf32>,
        tpu.vector_store %arg19[%swap3A_510, %swap3A_511], %mul3A_507 {strides = array<i32>} : memref<128x64xf32, #tpu.memory_space<vmem>>, vector<16xf32>,
        %add3A_513 = arith.constant 3 : i32
        %add3A_514 = arith.addi %mul3A_449, %add3A_513 : i32
        %get3A_515 = arith.index_cast %add3A_514 : i32 to index
        %get3A_516 = arith.constant 0 : index
        %get3A_517 = tpu.vector_load %arg15[%get3A_515, %get3A_516] {strides = array<i32>} : memref<128x64xbf16, #tpu.memory_space<vmem>>, vector<32xbf16>,
        %slice3A_518 = vector.extract_strided_slice %get3A_447 {offsets = [1], sizes = [1], strides = [1]} : vector<16xf32> to vector<1xf32>
        %squeeze3A_519 = vector.extract %slice3A_518[0] : f32 from vector<1xf32>
        %unpack3A_520 = tpu.unpack_subelements %get3A_464, 0 {pack_format = #tpu.pack_format<interleaved>} : vector<32xbf16> -> vector<16xf32>
        %unpack3A_521 = tpu.unpack_subelements %get3A_464, 1 {pack_format = #tpu.pack_format<interleaved>} : vector<32xbf16> -> vector<16xf32>
        %mul3A_522 = vector.broadcast %squeeze3A_519 : f32 to vector<16xf32>
        %mul3A_523 = arith.mulf %unpack3A_520, %mul3A_522 : vector<16xf32>
        %add3A_524 = arith.constant 1 : i32
        %add3A_525 = arith.addi %mul3A_449, %add3A_524 : i32
        %swap3A_526 = arith.index_cast %add3A_525 : i32 to index
        %swap3A_527 = arith.constant 0 : index
        %swap3A_528 = tpu.vector_load %arg19[%swap3A_526, %swap3A_527] {strides = array<i32>} : memref<128x64xf32, #tpu.memory_space<vmem>>, vector<16xf32>,
        tpu.vector_store %arg19[%swap3A_526, %swap3A_527], %mul3A_523 {strides = array<i32>} : memref<128x64xf32, #tpu.memory_space<vmem>>, vector<16xf32>,
        %mul3A_529 = vector.broadcast %squeeze3A_519 : f32 to vector<16xf32>
        %mul3A_530 = arith.mulf %unpack3A_521, %mul3A_529 : vector<16xf32>
        %add3A_531 = arith.constant 1 : i32
        %add3A_532 = arith.addi %mul3A_449, %add3A_531 : i32
        %swap3A_533 = arith.index_cast %add3A_532 : i32 to index
        %swap3A_534 = arith.constant 16 : index
        %swap3A_535 = tpu.vector_load %arg19[%swap3A_533, %swap3A_534] {strides = array<i32>} : memref<128x64xf32, #tpu.memory_space<vmem>>, vector<16xf32>,
        tpu.vector_store %arg19[%swap3A_533, %swap3A_534], %mul3A_530 {strides = array<i32>} : memref<128x64xf32, #tpu.memory_space<vmem>>, vector<16xf32>,
        %add3A_536 = arith.constant 3 : i32
        %add3A_537 = arith.addi %mul3A_449, %add3A_536 : i32
        %get3A_538 = arith.index_cast %add3A_537 : i32 to index
        %get3A_539 = arith.constant 32 : index
        %get3A_540 = tpu.vector_load %arg15[%get3A_538, %get3A_539] {strides = array<i32>} : memref<128x64xbf16, #tpu.memory_space<vmem>>, vector<32xbf16>,
        %slice3A_541 = vector.extract_strided_slice %get3A_447 {offsets = [1], sizes = [1], strides = [1]} : vector<16xf32> to vector<1xf32>
        %squeeze3A_542 = vector.extract %slice3A_541[0] : f32 from vector<1xf32>
        %unpack3A_543 = tpu.unpack_subelements %get3A_469, 0 {pack_format = #tpu.pack_format<interleaved>} : vector<32xbf16> -> vector<16xf32>
        %unpack3A_544 = tpu.unpack_subelements %get3A_469, 1 {pack_format = #tpu.pack_format<interleaved>} : vector<32xbf16> -> vector<16xf32>
        %mul3A_545 = vector.broadcast %squeeze3A_542 : f32 to vector<16xf32>
        %mul3A_546 = arith.mulf %unpack3A_543, %mul3A_545 : vector<16xf32>
        %add3A_547 = arith.constant 1 : i32
        %add3A_548 = arith.addi %mul3A_449, %add3A_547 : i32
        %swap3A_549 = arith.index_cast %add3A_548 : i32 to index
        %swap3A_550 = arith.constant 32 : index
        %swap3A_551 = tpu.vector_load %arg19[%swap3A_549, %swap3A_550] {strides = array<i32>} : memref<128x64xf32, #tpu.memory_space<vmem>>, vector<16xf32>,
        tpu.vector_store %arg19[%swap3A_549, %swap3A_550], %mul3A_546 {strides = array<i32>} : memref<128x64xf32, #tpu.memory_space<vmem>>, vector<16xf32>,
        %mul3A_552 = vector.broadcast %squeeze3A_542 : f32 to vector<16xf32>
        %mul3A_553 = arith.mulf %unpack3A_544, %mul3A_552 : vector<16xf32>
        %add3A_554 = arith.constant 1 : i32
        %add3A_555 = arith.addi %mul3A_449, %add3A_554 : i32
        %swap3A_556 = arith.index_cast %add3A_555 : i32 to index
        %swap3A_557 = arith.constant 48 : index
        %swap3A_558 = tpu.vector_load %arg19[%swap3A_556, %swap3A_557] {strides = array<i32>} : memref<128x64xf32, #tpu.memory_space<vmem>>, vector<16xf32>,
        tpu.vector_store %arg19[%swap3A_556, %swap3A_557], %mul3A_553 {strides = array<i32>} : memref<128x64xf32, #tpu.memory_space<vmem>>, vector<16xf32>,
        %add3A_559 = arith.constant 4 : i32
        %add3A_560 = arith.addi %mul3A_449, %add3A_559 : i32
        %get3A_561 = arith.index_cast %add3A_560 : i32 to index
        %get3A_562 = arith.constant 0 : index
        %get3A_563 = tpu.vector_load %arg15[%get3A_561, %get3A_562] {strides = array<i32>} : memref<128x64xbf16, #tpu.memory_space<vmem>>, vector<32xbf16>,
        %slice3A_564 = vector.extract_strided_slice %get3A_447 {offsets = [2], sizes = [1], strides = [1]} : vector<16xf32> to vector<1xf32>
        %squeeze3A_565 = vector.extract %slice3A_564[0] : f32 from vector<1xf32>
        %unpack3A_566 = tpu.unpack_subelements %get3A_474, 0 {pack_format = #tpu.pack_format<interleaved>} : vector<32xbf16> -> vector<16xf32>
        %unpack3A_567 = tpu.unpack_subelements %get3A_474, 1 {pack_format = #tpu.pack_format<interleaved>} : vector<32xbf16> -> vector<16xf32>
        %mul3A_568 = vector.broadcast %squeeze3A_565 : f32 to vector<16xf32>
        %mul3A_569 = arith.mulf %unpack3A_566, %mul3A_568 : vector<16xf32>
        %add3A_570 = arith.constant 2 : i32
        %add3A_571 = arith.addi %mul3A_449, %add3A_570 : i32
        %swap3A_572 = arith.index_cast %add3A_571 : i32 to index
        %swap3A_573 = arith.constant 0 : index
        %swap3A_574 = tpu.vector_load %arg19[%swap3A_572, %swap3A_573] {strides = array<i32>} : memref<128x64xf32, #tpu.memory_space<vmem>>, vector<16xf32>,
        tpu.vector_store %arg19[%swap3A_572, %swap3A_573], %mul3A_569 {strides = array<i32>} : memref<128x64xf32, #tpu.memory_space<vmem>>, vector<16xf32>,
        %mul3A_575 = vector.broadcast %squeeze3A_565 : f32 to vector<16xf32>
        %mul3A_576 = arith.mulf %unpack3A_567, %mul3A_575 : vector<16xf32>
        %add3A_577 = arith.constant 2 : i32
        %add3A_578 = arith.addi %mul3A_449, %add3A_577 : i32
        %swap3A_579 = arith.index_cast %add3A_578 : i32 to index
        %swap3A_580 = arith.constant 16 : index
        %swap3A_581 = tpu.vector_load %arg19[%swap3A_579, %swap3A_580] {strides = array<i32>} : memref<128x64xf32, #tpu.memory_space<vmem>>, vector<16xf32>,
        tpu.vector_store %arg19[%swap3A_579, %swap3A_580], %mul3A_576 {strides = array<i32>} : memref<128x64xf32, #tpu.memory_space<vmem>>, vector<16xf32>,
        %add3A_582 = arith.constant 4 : i32
        %add3A_583 = arith.addi %mul3A_449, %add3A_582 : i32
        %get3A_584 = arith.index_cast %add3A_583 : i32 to index
        %get3A_585 = arith.constant 32 : index
        %get3A_586 = tpu.vector_load %arg15[%get3A_584, %get3A_585] {strides = array<i32>} : memref<128x64xbf16, #tpu.memory_space<vmem>>, vector<32xbf16>,
        %slice3A_587 = vector.extract_strided_slice %get3A_447 {offsets = [2], sizes = [1], strides = [1]} : vector<16xf32> to vector<1xf32>
        %squeeze3A_588 = vector.extract %slice3A_587[0] : f32 from vector<1xf32>
        %unpack3A_589 = tpu.unpack_subelements %get3A_494, 0 {pack_format = #tpu.pack_format<interleaved>} : vector<32xbf16> -> vector<16xf32>
        %unpack3A_590 = tpu.unpack_subelements %get3A_494, 1 {pack_format = #tpu.pack_format<interleaved>} : vector<32xbf16> -> vector<16xf32>
        %mul3A_591 = vector.broadcast %squeeze3A_588 : f32 to vector<16xf32>
        %mul3A_592 = arith.mulf %unpack3A_589, %mul3A_591 : vector<16xf32>
        %add3A_593 = arith.constant 2 : i32
        %add3A_594 = arith.addi %mul3A_449, %add3A_593 : i32
        %swap3A_595 = arith.index_cast %add3A_594 : i32 to index
        %swap3A_596 = arith.constant 32 : index
        %swap3A_597 = tpu.vector_load %arg19[%swap3A_595, %swap3A_596] {strides = array<i32>} : memref<128x64xf32, #tpu.memory_space<vmem>>, vector<16xf32>,
        tpu.vector_store %arg19[%swap3A_595, %swap3A_596], %mul3A_592 {strides = array<i32>} : memref<128x64xf32, #tpu.memory_space<vmem>>, vector<16xf32>,
        %mul3A_598 = vector.broadcast %squeeze3A_588 : f32 to vector<16xf32>
        %mul3A_599 = arith.mulf %unpack3A_590, %mul3A_598 : vector<16xf32>
        %add3A_600 = arith.constant 2 : i32
        %add3A_601 = arith.addi %mul3A_449, %add3A_600 : i32
        %swap3A_602 = arith.index_cast %add3A_601 : i32 to index
        %swap3A_603 = arith.constant 48 : index
        %swap3A_604 = tpu.vector_load %arg19[%swap3A_602, %swap3A_603] {strides = array<i32>} : memref<128x64xf32, #tpu.memory_space<vmem>>, vector<16xf32>,
        tpu.vector_store %arg19[%swap3A_602, %swap3A_603], %mul3A_599 {strides = array<i32>} : memref<128x64xf32, #tpu.memory_space<vmem>>, vector<16xf32>,
        %add3A_605 = arith.constant 5 : i32
        %add3A_606 = arith.addi %mul3A_449, %add3A_605 : i32
        %get3A_607 = arith.index_cast %add3A_606 : i32 to index
        %get3A_608 = arith.constant 0 : index
        %get3A_609 = tpu.vector_load %arg15[%get3A_607, %get3A_608] {strides = array<i32>} : memref<128x64xbf16, #tpu.memory_space<vmem>>, vector<32xbf16>,
        %slice3A_610 = vector.extract_strided_slice %get3A_447 {offsets = [3], sizes = [1], strides = [1]} : vector<16xf32> to vector<1xf32>
        %squeeze3A_611 = vector.extract %slice3A_610[0] : f32 from vector<1xf32>
        %unpack3A_612 = tpu.unpack_subelements %get3A_517, 0 {pack_format = #tpu.pack_format<interleaved>} : vector<32xbf16> -> vector<16xf32>
        %unpack3A_613 = tpu.unpack_subelements %get3A_517, 1 {pack_format = #tpu.pack_format<interleaved>} : vector<32xbf16> -> vector<16xf32>
        %mul3A_614 = vector.broadcast %squeeze3A_611 : f32 to vector<16xf32>
        %mul3A_615 = arith.mulf %unpack3A_612, %mul3A_614 : vector<16xf32>
        %add3A_616 = arith.constant 3 : i32
        %add3A_617 = arith.addi %mul3A_449, %add3A_616 : i32
        %swap3A_618 = arith.index_cast %add3A_617 : i32 to index
        %swap3A_619 = arith.constant 0 : index
        %swap3A_620 = tpu.vector_load %arg19[%swap3A_618, %swap3A_619] {strides = array<i32>} : memref<128x64xf32, #tpu.memory_space<vmem>>, vector<16xf32>,
        tpu.vector_store %arg19[%swap3A_618, %swap3A_619], %mul3A_615 {strides = array<i32>} : memref<128x64xf32, #tpu.memory_space<vmem>>, vector<16xf32>,
        %mul3A_621 = vector.broadcast %squeeze3A_611 : f32 to vector<16xf32>
        %mul3A_622 = arith.mulf %unpack3A_613, %mul3A_621 : vector<16xf32>
        %add3A_623 = arith.constant 3 : i32
        %add3A_624 = arith.addi %mul3A_449, %add3A_623 : i32
        %swap3A_625 = arith.index_cast %add3A_624 : i32 to index
        %swap3A_626 = arith.constant 16 : index
        %swap3A_627 = tpu.vector_load %arg19[%swap3A_625, %swap3A_626] {strides = array<i32>} : memref<128x64xf32, #tpu.memory_space<vmem>>, vector<16xf32>,
        tpu.vector_store %arg19[%swap3A_625, %swap3A_626], %mul3A_622 {strides = array<i32>} : memref<128x64xf32, #tpu.memory_space<vmem>>, vector<16xf32>,
        %add3A_628 = arith.constant 5 : i32
        %add3A_629 = arith.addi %mul3A_449, %add3A_628 : i32
        %get3A_630 = arith.index_cast %add3A_629 : i32 to index
        %get3A_631 = arith.constant 32 : index
        %get3A_632 = tpu.vector_load %arg15[%get3A_630, %get3A_631] {strides = array<i32>} : memref<128x64xbf16, #tpu.memory_space<vmem>>, vector<32xbf16>,
        %slice3A_633 = vector.extract_strided_slice %get3A_447 {offsets = [3], sizes = [1], strides = [1]} : vector<16xf32> to vector<1xf32>
        %squeeze3A_634 = vector.extract %slice3A_633[0] : f32 from vector<1xf32>
        %unpack3A_635 = tpu.unpack_subelements %get3A_540, 0 {pack_format = #tpu.pack_format<interleaved>} : vector<32xbf16> -> vector<16xf32>
        %unpack3A_636 = tpu.unpack_subelements %get3A_540, 1 {pack_format = #tpu.pack_format<interleaved>} : vector<32xbf16> -> vector<16xf32>
        %mul3A_637 = vector.broadcast %squeeze3A_634 : f32 to vector<16xf32>
        %mul3A_638 = arith.mulf %unpack3A_635, %mul3A_637 : vector<16xf32>
        %add3A_639 = arith.constant 3 : i32
        %add3A_640 = arith.addi %mul3A_449, %add3A_639 : i32
        %swap3A_641 = arith.index_cast %add3A_640 : i32 to index
        %swap3A_642 = arith.constant 32 : index
        %swap3A_643 = tpu.vector_load %arg19[%swap3A_641, %swap3A_642] {strides = array<i32>} : memref<128x64xf32, #tpu.memory_space<vmem>>, vector<16xf32>,
        tpu.vector_store %arg19[%swap3A_641, %swap3A_642], %mul3A_638 {strides = array<i32>} : memref<128x64xf32, #tpu.memory_space<vmem>>, vector<16xf32>,
        %mul3A_644 = vector.broadcast %squeeze3A_634 : f32 to vector<16xf32>
        %mul3A_645 = arith.mulf %unpack3A_636, %mul3A_644 : vector<16xf32>
        %add3A_646 = arith.constant 3 : i32
        %add3A_647 = arith.addi %mul3A_449, %add3A_646 : i32
        %swap3A_648 = arith.index_cast %add3A_647 : i32 to index
        %swap3A_649 = arith.constant 48 : index
        %swap3A_650 = tpu.vector_load %arg19[%swap3A_648, %swap3A_649] {strides = array<i32>} : memref<128x64xf32, #tpu.memory_space<vmem>>, vector<16xf32>,
        tpu.vector_store %arg19[%swap3A_648, %swap3A_649], %mul3A_645 {strides = array<i32>} : memref<128x64xf32, #tpu.memory_space<vmem>>, vector<16xf32>,
        %add3A_651 = arith.constant 6 : i32
        %add3A_652 = arith.addi %mul3A_449, %add3A_651 : i32
        %get3A_653 = arith.index_cast %add3A_652 : i32 to index
        %get3A_654 = arith.constant 0 : index
        %get3A_655 = tpu.vector_load %arg15[%get3A_653, %get3A_654] {strides = array<i32>} : memref<128x64xbf16, #tpu.memory_space<vmem>>, vector<32xbf16>,
        %slice3A_656 = vector.extract_strided_slice %get3A_447 {offsets = [4], sizes = [1], strides = [1]} : vector<16xf32> to vector<1xf32>
        %squeeze3A_657 = vector.extract %slice3A_656[0] : f32 from vector<1xf32>
        %unpack3A_658 = tpu.unpack_subelements %get3A_563, 0 {pack_format = #tpu.pack_format<interleaved>} : vector<32xbf16> -> vector<16xf32>
        %unpack3A_659 = tpu.unpack_subelements %get3A_563, 1 {pack_format = #tpu.pack_format<interleaved>} : vector<32xbf16> -> vector<16xf32>
        %mul3A_660 = vector.broadcast %squeeze3A_657 : f32 to vector<16xf32>
        %mul3A_661 = arith.mulf %unpack3A_658, %mul3A_660 : vector<16xf32>
        %add3A_662 = arith.constant 4 : i32
        %add3A_663 = arith.addi %mul3A_449, %add3A_662 : i32
        %swap3A_664 = arith.index_cast %add3A_663 : i32 to index
        %swap3A_665 = arith.constant 0 : index
        %swap3A_666 = tpu.vector_load %arg19[%swap3A_664, %swap3A_665] {strides = array<i32>} : memref<128x64xf32, #tpu.memory_space<vmem>>, vector<16xf32>,
        tpu.vector_store %arg19[%swap3A_664, %swap3A_665], %mul3A_661 {strides = array<i32>} : memref<128x64xf32, #tpu.memory_space<vmem>>, vector<16xf32>,
        %mul3A_667 = vector.broadcast %squeeze3A_657 : f32 to vector<16xf32>
        %mul3A_668 = arith.mulf %unpack3A_659, %mul3A_667 : vector<16xf32>
        %add3A_669 = arith.constant 4 : i32
        %add3A_670 = arith.addi %mul3A_449, %add3A_669 : i32
        %swap3A_671 = arith.index_cast %add3A_670 : i32 to index
        %swap3A_672 = arith.constant 16 : index
        %swap3A_673 = tpu.vector_load %arg19[%swap3A_671, %swap3A_672] {strides = array<i32>} : memref<128x64xf32, #tpu.memory_space<vmem>>, vector<16xf32>,
        tpu.vector_store %arg19[%swap3A_671, %swap3A_672], %mul3A_668 {strides = array<i32>} : memref<128x64xf32, #tpu.memory_space<vmem>>, vector<16xf32>,
        %add3A_674 = arith.constant 6 : i32
        %add3A_675 = arith.addi %mul3A_449, %add3A_674 : i32
        %get3A_676 = arith.index_cast %add3A_675 : i32 to index
        %get3A_677 = arith.constant 32 : index
        %get3A_678 = tpu.vector_load %arg15[%get3A_676, %get3A_677] {strides = array<i32>} : memref<128x64xbf16, #tpu.memory_space<vmem>>, vector<32xbf16>,
        %slice3A_679 = vector.extract_strided_slice %get3A_447 {offsets = [4], sizes = [1], strides = [1]} : vector<16xf32> to vector<1xf32>
        %squeeze3A_680 = vector.extract %slice3A_679[0] : f32 from vector<1xf32>
        %unpack3A_681 = tpu.unpack_subelements %get3A_586, 0 {pack_format = #tpu.pack_format<interleaved>} : vector<32xbf16> -> vector<16xf32>
        %unpack3A_682 = tpu.unpack_subelements %get3A_586, 1 {pack_format = #tpu.pack_format<interleaved>} : vector<32xbf16> -> vector<16xf32>
        %mul3A_683 = vector.broadcast %squeeze3A_680 : f32 to vector<16xf32>
        %mul3A_684 = arith.mulf %unpack3A_681, %mul3A_683 : vector<16xf32>
        %add3A_685 = arith.constant 4 : i32
        %add3A_686 = arith.addi %mul3A_449, %add3A_685 : i32
        %swap3A_687 = arith.index_cast %add3A_686 : i32 to index
        %swap3A_688 = arith.constant 32 : index
        %swap3A_689 = tpu.vector_load %arg19[%swap3A_687, %swap3A_688] {strides = array<i32>} : memref<128x64xf32, #tpu.memory_space<vmem>>, vector<16xf32>,
        tpu.vector_store %arg19[%swap3A_687, %swap3A_688], %mul3A_684 {strides = array<i32>} : memref<128x64xf32, #tpu.memory_space<vmem>>, vector<16xf32>,
        %mul3A_690 = vector.broadcast %squeeze3A_680 : f32 to vector<16xf32>
        %mul3A_691 = arith.mulf %unpack3A_682, %mul3A_690 : vector<16xf32>
        %add3A_692 = arith.constant 4 : i32
        %add3A_693 = arith.addi %mul3A_449, %add3A_692 : i32
        %swap3A_694 = arith.index_cast %add3A_693 : i32 to index
        %swap3A_695 = arith.constant 48 : index
        %swap3A_696 = tpu.vector_load %arg19[%swap3A_694, %swap3A_695] {strides = array<i32>} : memref<128x64xf32, #tpu.memory_space<vmem>>, vector<16xf32>,
        tpu.vector_store %arg19[%swap3A_694, %swap3A_695], %mul3A_691 {strides = array<i32>} : memref<128x64xf32, #tpu.memory_space<vmem>>, vector<16xf32>,
        %add3A_697 = arith.constant 7 : i32
        %add3A_698 = arith.addi %mul3A_449, %add3A_697 : i32
        %get3A_699 = arith.index_cast %add3A_698 : i32 to index
        %get3A_700 = arith.constant 0 : index
        %get3A_701 = tpu.vector_load %arg15[%get3A_699, %get3A_700] {strides = array<i32>} : memref<128x64xbf16, #tpu.memory_space<vmem>>, vector<32xbf16>,
        %slice3A_702 = vector.extract_strided_slice %get3A_447 {offsets = [5], sizes = [1], strides = [1]} : vector<16xf32> to vector<1xf32>
        %squeeze3A_703 = vector.extract %slice3A_702[0] : f32 from vector<1xf32>
        %unpack3A_704 = tpu.unpack_subelements %get3A_609, 0 {pack_format = #tpu.pack_format<interleaved>} : vector<32xbf16> -> vector<16xf32>
        %unpack3A_705 = tpu.unpack_subelements %get3A_609, 1 {pack_format = #tpu.pack_format<interleaved>} : vector<32xbf16> -> vector<16xf32>
        %mul3A_706 = vector.broadcast %squeeze3A_703 : f32 to vector<16xf32>
        %mul3A_707 = arith.mulf %unpack3A_704, %mul3A_706 : vector<16xf32>
        %add3A_708 = arith.constant 5 : i32
        %add3A_709 = arith.addi %mul3A_449, %add3A_708 : i32
        %swap3A_710 = arith.index_cast %add3A_709 : i32 to index
        %swap3A_711 = arith.constant 0 : index
        %swap3A_712 = tpu.vector_load %arg19[%swap3A_710, %swap3A_711] {strides = array<i32>} : memref<128x64xf32, #tpu.memory_space<vmem>>, vector<16xf32>,
        tpu.vector_store %arg19[%swap3A_710, %swap3A_711], %mul3A_707 {strides = array<i32>} : memref<128x64xf32, #tpu.memory_space<vmem>>, vector<16xf32>,
        %mul3A_713 = vector.broadcast %squeeze3A_703 : f32 to vector<16xf32>
        %mul3A_714 = arith.mulf %unpack3A_705, %mul3A_713 : vector<16xf32>
        %add3A_715 = arith.constant 5 : i32
        %add3A_716 = arith.addi %mul3A_449, %add3A_715 : i32
        %swap3A_717 = arith.index_cast %add3A_716 : i32 to index
        %swap3A_718 = arith.constant 16 : index
        %swap3A_719 = tpu.vector_load %arg19[%swap3A_717, %swap3A_718] {strides = array<i32>} : memref<128x64xf32, #tpu.memory_space<vmem>>, vector<16xf32>,
        tpu.vector_store %arg19[%swap3A_717, %swap3A_718], %mul3A_714 {strides = array<i32>} : memref<128x64xf32, #tpu.memory_space<vmem>>, vector<16xf32>,
        %add3A_720 = arith.constant 7 : i32
        %add3A_721 = arith.addi %mul3A_449, %add3A_720 : i32
        %get3A_722 = arith.index_cast %add3A_721 : i32 to index
        %get3A_723 = arith.constant 32 : index
        %get3A_724 = tpu.vector_load %arg15[%get3A_722, %get3A_723] {strides = array<i32>} : memref<128x64xbf16, #tpu.memory_space<vmem>>, vector<32xbf16>,
        %slice3A_725 = vector.extract_strided_slice %get3A_447 {offsets = [5], sizes = [1], strides = [1]} : vector<16xf32> to vector<1xf32>
        %squeeze3A_726 = vector.extract %slice3A_725[0] : f32 from vector<1xf32>
        %unpack3A_727 = tpu.unpack_subelements %get3A_632, 0 {pack_format = #tpu.pack_format<interleaved>} : vector<32xbf16> -> vector<16xf32>
        %unpack3A_728 = tpu.unpack_subelements %get3A_632, 1 {pack_format = #tpu.pack_format<interleaved>} : vector<32xbf16> -> vector<16xf32>
        %mul3A_729 = vector.broadcast %squeeze3A_726 : f32 to vector<16xf32>
        %mul3A_730 = arith.mulf %unpack3A_727, %mul3A_729 : vector<16xf32>
        %add3A_731 = arith.constant 5 : i32
        %add3A_732 = arith.addi %mul3A_449, %add3A_731 : i32
        %swap3A_733 = arith.index_cast %add3A_732 : i32 to index
        %swap3A_734 = arith.constant 32 : index
        %swap3A_735 = tpu.vector_load %arg19[%swap3A_733, %swap3A_734] {strides = array<i32>} : memref<128x64xf32, #tpu.memory_space<vmem>>, vector<16xf32>,
        tpu.vector_store %arg19[%swap3A_733, %swap3A_734], %mul3A_730 {strides = array<i32>} : memref<128x64xf32, #tpu.memory_space<vmem>>, vector<16xf32>,
        %mul3A_736 = vector.broadcast %squeeze3A_726 : f32 to vector<16xf32>
        %mul3A_737 = arith.mulf %unpack3A_728, %mul3A_736 : vector<16xf32>
        %add3A_738 = arith.constant 5 : i32
        %add3A_739 = arith.addi %mul3A_449, %add3A_738 : i32
        %swap3A_740 = arith.index_cast %add3A_739 : i32 to index
        %swap3A_741 = arith.constant 48 : index
        %swap3A_742 = tpu.vector_load %arg19[%swap3A_740, %swap3A_741] {strides = array<i32>} : memref<128x64xf32, #tpu.memory_space<vmem>>, vector<16xf32>,
        tpu.vector_store %arg19[%swap3A_740, %swap3A_741], %mul3A_737 {strides = array<i32>} : memref<128x64xf32, #tpu.memory_space<vmem>>, vector<16xf32>,
        %add3A_743 = arith.constant 8 : i32
        %add3A_744 = arith.addi %mul3A_449, %add3A_743 : i32
        %get3A_745 = arith.index_cast %add3A_744 : i32 to index
        %get3A_746 = arith.constant 0 : index
        %get3A_747 = tpu.vector_load %arg15[%get3A_745, %get3A_746] {strides = array<i32>} : memref<128x64xbf16, #tpu.memory_space<vmem>>, vector<32xbf16>,
        %slice3A_748 = vector.extract_strided_slice %get3A_447 {offsets = [6], sizes = [1], strides = [1]} : vector<16xf32> to vector<1xf32>
        %squeeze3A_749 = vector.extract %slice3A_748[0] : f32 from vector<1xf32>
        %unpack3A_750 = tpu.unpack_subelements %get3A_655, 0 {pack_format = #tpu.pack_format<interleaved>} : vector<32xbf16> -> vector<16xf32>
        %unpack3A_751 = tpu.unpack_subelements %get3A_655, 1 {pack_format = #tpu.pack_format<interleaved>} : vector<32xbf16> -> vector<16xf32>
        %mul3A_752 = vector.broadcast %squeeze3A_749 : f32 to vector<16xf32>
        %mul3A_753 = arith.mulf %unpack3A_750, %mul3A_752 : vector<16xf32>
        %add3A_754 = arith.constant 6 : i32
        %add3A_755 = arith.addi %mul3A_449, %add3A_754 : i32
        %swap3A_756 = arith.index_cast %add3A_755 : i32 to index
        %swap3A_757 = arith.constant 0 : index
        %swap3A_758 = tpu.vector_load %arg19[%swap3A_756, %swap3A_757] {strides = array<i32>} : memref<128x64xf32, #tpu.memory_space<vmem>>, vector<16xf32>,
        tpu.vector_store %arg19[%swap3A_756, %swap3A_757], %mul3A_753 {strides = array<i32>} : memref<128x64xf32, #tpu.memory_space<vmem>>, vector<16xf32>,
        %mul3A_759 = vector.broadcast %squeeze3A_749 : f32 to vector<16xf32>
        %mul3A_760 = arith.mulf %unpack3A_751, %mul3A_759 : vector<16xf32>
        %add3A_761 = arith.constant 6 : i32
        %add3A_762 = arith.addi %mul3A_449, %add3A_761 : i32
        %swap3A_763 = arith.index_cast %add3A_762 : i32 to index
        %swap3A_764 = arith.constant 16 : index
        %swap3A_765 = tpu.vector_load %arg19[%swap3A_763, %swap3A_764] {strides = array<i32>} : memref<128x64xf32, #tpu.memory_space<vmem>>, vector<16xf32>,
        tpu.vector_store %arg19[%swap3A_763, %swap3A_764], %mul3A_760 {strides = array<i32>} : memref<128x64xf32, #tpu.memory_space<vmem>>, vector<16xf32>,
        %add3A_766 = arith.constant 8 : i32
        %add3A_767 = arith.addi %mul3A_449, %add3A_766 : i32
        %get3A_768 = arith.index_cast %add3A_767 : i32 to index
        %get3A_769 = arith.constant 32 : index
        %get3A_770 = tpu.vector_load %arg15[%get3A_768, %get3A_769] {strides = array<i32>} : memref<128x64xbf16, #tpu.memory_space<vmem>>, vector<32xbf16>,
        %slice3A_771 = vector.extract_strided_slice %get3A_447 {offsets = [6], sizes = [1], strides = [1]} : vector<16xf32> to vector<1xf32>
        %squeeze3A_772 = vector.extract %slice3A_771[0] : f32 from vector<1xf32>
        %unpack3A_773 = tpu.unpack_subelements %get3A_678, 0 {pack_format = #tpu.pack_format<interleaved>} : vector<32xbf16> -> vector<16xf32>
        %unpack3A_774 = tpu.unpack_subelements %get3A_678, 1 {pack_format = #tpu.pack_format<interleaved>} : vector<32xbf16> -> vector<16xf32>
        %mul3A_775 = vector.broadcast %squeeze3A_772 : f32 to vector<16xf32>
        %mul3A_776 = arith.mulf %unpack3A_773, %mul3A_775 : vector<16xf32>
        %add3A_777 = arith.constant 6 : i32
        %add3A_778 = arith.addi %mul3A_449, %add3A_777 : i32
        %swap3A_779 = arith.index_cast %add3A_778 : i32 to index
        %swap3A_780 = arith.constant 32 : index
        %swap3A_781 = tpu.vector_load %arg19[%swap3A_779, %swap3A_780] {strides = array<i32>} : memref<128x64xf32, #tpu.memory_space<vmem>>, vector<16xf32>,
        tpu.vector_store %arg19[%swap3A_779, %swap3A_780], %mul3A_776 {strides = array<i32>} : memref<128x64xf32, #tpu.memory_space<vmem>>, vector<16xf32>,
        %mul3A_782 = vector.broadcast %squeeze3A_772 : f32 to vector<16xf32>
        %mul3A_783 = arith.mulf %unpack3A_774, %mul3A_782 : vector<16xf32>
        %add3A_784 = arith.constant 6 : i32
        %add3A_785 = arith.addi %mul3A_449, %add3A_784 : i32
        %swap3A_786 = arith.index_cast %add3A_785 : i32 to index
        %swap3A_787 = arith.constant 48 : index
        %swap3A_788 = tpu.vector_load %arg19[%swap3A_786, %swap3A_787] {strides = array<i32>} : memref<128x64xf32, #tpu.memory_space<vmem>>, vector<16xf32>,
        tpu.vector_store %arg19[%swap3A_786, %swap3A_787], %mul3A_783 {strides = array<i32>} : memref<128x64xf32, #tpu.memory_space<vmem>>, vector<16xf32>,
        %add3A_789 = arith.constant 9 : i32
        %add3A_790 = arith.addi %mul3A_449, %add3A_789 : i32
        %get3A_791 = arith.index_cast %add3A_790 : i32 to index
        %get3A_792 = arith.constant 0 : index
        %get3A_793 = tpu.vector_load %arg15[%get3A_791, %get3A_792] {strides = array<i32>} : memref<128x64xbf16, #tpu.memory_space<vmem>>, vector<32xbf16>,
        %slice3A_794 = vector.extract_strided_slice %get3A_447 {offsets = [7], sizes = [1], strides = [1]} : vector<16xf32> to vector<1xf32>
        %squeeze3A_795 = vector.extract %slice3A_794[0] : f32 from vector<1xf32>
        %unpack3A_796 = tpu.unpack_subelements %get3A_701, 0 {pack_format = #tpu.pack_format<interleaved>} : vector<32xbf16> -> vector<16xf32>
        %unpack3A_797 = tpu.unpack_subelements %get3A_701, 1 {pack_format = #tpu.pack_format<interleaved>} : vector<32xbf16> -> vector<16xf32>
        %mul3A_798 = vector.broadcast %squeeze3A_795 : f32 to vector<16xf32>
        %mul3A_799 = arith.mulf %unpack3A_796, %mul3A_798 : vector<16xf32>
        %add3A_800 = arith.constant 7 : i32
        %add3A_801 = arith.addi %mul3A_449, %add3A_800 : i32
        %swap3A_802 = arith.index_cast %add3A_801 : i32 to index
        %swap3A_803 = arith.constant 0 : index
        %swap3A_804 = tpu.vector_load %arg19[%swap3A_802, %swap3A_803] {strides = array<i32>} : memref<128x64xf32, #tpu.memory_space<vmem>>, vector<16xf32>,
        tpu.vector_store %arg19[%swap3A_802, %swap3A_803], %mul3A_799 {strides = array<i32>} : memref<128x64xf32, #tpu.memory_space<vmem>>, vector<16xf32>,
        %mul3A_805 = vector.broadcast %squeeze3A_795 : f32 to vector<16xf32>
        %mul3A_806 = arith.mulf %unpack3A_797, %mul3A_805 : vector<16xf32>
        %add3A_807 = arith.constant 7 : i32
        %add3A_808 = arith.addi %mul3A_449, %add3A_807 : i32
        %swap3A_809 = arith.index_cast %add3A_808 : i32 to index
        %swap3A_810 = arith.constant 16 : index
        %swap3A_811 = tpu.vector_load %arg19[%swap3A_809, %swap3A_810] {strides = array<i32>} : memref<128x64xf32, #tpu.memory_space<vmem>>, vector<16xf32>,
        tpu.vector_store %arg19[%swap3A_809, %swap3A_810], %mul3A_806 {strides = array<i32>} : memref<128x64xf32, #tpu.memory_space<vmem>>, vector<16xf32>,
        %add3A_812 = arith.constant 9 : i32
        %add3A_813 = arith.addi %mul3A_449, %add3A_812 : i32
        %get3A_814 = arith.index_cast %add3A_813 : i32 to index
        %get3A_815 = arith.constant 32 : index
        %get3A_816 = tpu.vector_load %arg15[%get3A_814, %get3A_815] {strides = array<i32>} : memref<128x64xbf16, #tpu.memory_space<vmem>>, vector<32xbf16>,
        %slice3A_817 = vector.extract_strided_slice %get3A_447 {offsets = [7], sizes = [1], strides = [1]} : vector<16xf32> to vector<1xf32>
        %squeeze3A_818 = vector.extract %slice3A_817[0] : f32 from vector<1xf32>
        %unpack3A_819 = tpu.unpack_subelements %get3A_724, 0 {pack_format = #tpu.pack_format<interleaved>} : vector<32xbf16> -> vector<16xf32>
        %unpack3A_820 = tpu.unpack_subelements %get3A_724, 1 {pack_format = #tpu.pack_format<interleaved>} : vector<32xbf16> -> vector<16xf32>
        %mul3A_821 = vector.broadcast %squeeze3A_818 : f32 to vector<16xf32>
        %mul3A_822 = arith.mulf %unpack3A_819, %mul3A_821 : vector<16xf32>
        %add3A_823 = arith.constant 7 : i32
        %add3A_824 = arith.addi %mul3A_449, %add3A_823 : i32
        %swap3A_825 = arith.index_cast %add3A_824 : i32 to index
        %swap3A_826 = arith.constant 32 : index
        %swap3A_827 = tpu.vector_load %arg19[%swap3A_825, %swap3A_826] {strides = array<i32>} : memref<128x64xf32, #tpu.memory_space<vmem>>, vector<16xf32>,
        tpu.vector_store %arg19[%swap3A_825, %swap3A_826], %mul3A_822 {strides = array<i32>} : memref<128x64xf32, #tpu.memory_space<vmem>>, vector<16xf32>,
        %mul3A_828 = vector.broadcast %squeeze3A_818 : f32 to vector<16xf32>
        %mul3A_829 = arith.mulf %unpack3A_820, %mul3A_828 : vector<16xf32>
        %add3A_830 = arith.constant 7 : i32
        %add3A_831 = arith.addi %mul3A_449, %add3A_830 : i32
        %swap3A_832 = arith.index_cast %add3A_831 : i32 to index
        %swap3A_833 = arith.constant 48 : index
        %swap3A_834 = tpu.vector_load %arg19[%swap3A_832, %swap3A_833] {strides = array<i32>} : memref<128x64xf32, #tpu.memory_space<vmem>>, vector<16xf32>,
        tpu.vector_store %arg19[%swap3A_832, %swap3A_833], %mul3A_829 {strides = array<i32>} : memref<128x64xf32, #tpu.memory_space<vmem>>, vector<16xf32>,
        %add3A_835 = arith.constant 10 : i32
        %add3A_836 = arith.addi %mul3A_449, %add3A_835 : i32
        %get3A_837 = arith.index_cast %add3A_836 : i32 to index
        %get3A_838 = arith.constant 0 : index
        %get3A_839 = tpu.vector_load %arg15[%get3A_837, %get3A_838] {strides = array<i32>} : memref<128x64xbf16, #tpu.memory_space<vmem>>, vector<32xbf16>,
        %slice3A_840 = vector.extract_strided_slice %get3A_447 {offsets = [8], sizes = [1], strides = [1]} : vector<16xf32> to vector<1xf32>
        %squeeze3A_841 = vector.extract %slice3A_840[0] : f32 from vector<1xf32>
        %unpack3A_842 = tpu.unpack_subelements %get3A_747, 0 {pack_format = #tpu.pack_format<interleaved>} : vector<32xbf16> -> vector<16xf32>
        %unpack3A_843 = tpu.unpack_subelements %get3A_747, 1 {pack_format = #tpu.pack_format<interleaved>} : vector<32xbf16> -> vector<16xf32>
        %mul3A_844 = vector.broadcast %squeeze3A_841 : f32 to vector<16xf32>
        %mul3A_845 = arith.mulf %unpack3A_842, %mul3A_844 : vector<16xf32>
        %add3A_846 = arith.constant 8 : i32
        %add3A_847 = arith.addi %mul3A_449, %add3A_846 : i32
        %swap3A_848 = arith.index_cast %add3A_847 : i32 to index
        %swap3A_849 = arith.constant 0 : index
        %swap3A_850 = tpu.vector_load %arg19[%swap3A_848, %swap3A_849] {strides = array<i32>} : memref<128x64xf32, #tpu.memory_space<vmem>>, vector<16xf32>,
        tpu.vector_store %arg19[%swap3A_848, %swap3A_849], %mul3A_845 {strides = array<i32>} : memref<128x64xf32, #tpu.memory_space<vmem>>, vector<16xf32>,
        %mul3A_851 = vector.broadcast %squeeze3A_841 : f32 to vector<16xf32>
        %mul3A_852 = arith.mulf %unpack3A_843, %mul3A_851 : vector<16xf32>
        %add3A_853 = arith.constant 8 : i32
        %add3A_854 = arith.addi %mul3A_449, %add3A_853 : i32
        %swap3A_855 = arith.index_cast %add3A_854 : i32 to index
        %swap3A_856 = arith.constant 16 : index
        %swap3A_857 = tpu.vector_load %arg19[%swap3A_855, %swap3A_856] {strides = array<i32>} : memref<128x64xf32, #tpu.memory_space<vmem>>, vector<16xf32>,
        tpu.vector_store %arg19[%swap3A_855, %swap3A_856], %mul3A_852 {strides = array<i32>} : memref<128x64xf32, #tpu.memory_space<vmem>>, vector<16xf32>,
        %add3A_858 = arith.constant 10 : i32
        %add3A_859 = arith.addi %mul3A_449, %add3A_858 : i32
        %get3A_860 = arith.index_cast %add3A_859 : i32 to index
        %get3A_861 = arith.constant 32 : index
        %get3A_862 = tpu.vector_load %arg15[%get3A_860, %get3A_861] {strides = array<i32>} : memref<128x64xbf16, #tpu.memory_space<vmem>>, vector<32xbf16>,
        %slice3A_863 = vector.extract_strided_slice %get3A_447 {offsets = [8], sizes = [1], strides = [1]} : vector<16xf32> to vector<1xf32>
        %squeeze3A_864 = vector.extract %slice3A_863[0] : f32 from vector<1xf32>
        %unpack3A_865 = tpu.unpack_subelements %get3A_770, 0 {pack_format = #tpu.pack_format<interleaved>} : vector<32xbf16> -> vector<16xf32>
        %unpack3A_866 = tpu.unpack_subelements %get3A_770, 1 {pack_format = #tpu.pack_format<interleaved>} : vector<32xbf16> -> vector<16xf32>
        %mul3A_867 = vector.broadcast %squeeze3A_864 : f32 to vector<16xf32>
        %mul3A_868 = arith.mulf %unpack3A_865, %mul3A_867 : vector<16xf32>
        %add3A_869 = arith.constant 8 : i32
        %add3A_870 = arith.addi %mul3A_449, %add3A_869 : i32
        %swap3A_871 = arith.index_cast %add3A_870 : i32 to index
        %swap3A_872 = arith.constant 32 : index
        %swap3A_873 = tpu.vector_load %arg19[%swap3A_871, %swap3A_872] {strides = array<i32>} : memref<128x64xf32, #tpu.memory_space<vmem>>, vector<16xf32>,
        tpu.vector_store %arg19[%swap3A_871, %swap3A_872], %mul3A_868 {strides = array<i32>} : memref<128x64xf32, #tpu.memory_space<vmem>>, vector<16xf32>,
        %mul3A_874 = vector.broadcast %squeeze3A_864 : f32 to vector<16xf32>
        %mul3A_875 = arith.mulf %unpack3A_866, %mul3A_874 : vector<16xf32>
        %add3A_876 = arith.constant 8 : i32
        %add3A_877 = arith.addi %mul3A_449, %add3A_876 : i32
        %swap3A_878 = arith.index_cast %add3A_877 : i32 to index
        %swap3A_879 = arith.constant 48 : index
        %swap3A_880 = tpu.vector_load %arg19[%swap3A_878, %swap3A_879] {strides = array<i32>} : memref<128x64xf32, #tpu.memory_space<vmem>>, vector<16xf32>,
        tpu.vector_store %arg19[%swap3A_878, %swap3A_879], %mul3A_875 {strides = array<i32>} : memref<128x64xf32, #tpu.memory_space<vmem>>, vector<16xf32>,
        %add3A_881 = arith.constant 11 : i32
        %add3A_882 = arith.addi %mul3A_449, %add3A_881 : i32
        %get3A_883 = arith.index_cast %add3A_882 : i32 to index
        %get3A_884 = arith.constant 0 : index
        %get3A_885 = tpu.vector_load %arg15[%get3A_883, %get3A_884] {strides = array<i32>} : memref<128x64xbf16, #tpu.memory_space<vmem>>, vector<32xbf16>,
        %slice3A_886 = vector.extract_strided_slice %get3A_447 {offsets = [9], sizes = [1], strides = [1]} : vector<16xf32> to vector<1xf32>
        %squeeze3A_887 = vector.extract %slice3A_886[0] : f32 from vector<1xf32>
        %unpack3A_888 = tpu.unpack_subelements %get3A_793, 0 {pack_format = #tpu.pack_format<interleaved>} : vector<32xbf16> -> vector<16xf32>
        %unpack3A_889 = tpu.unpack_subelements %get3A_793, 1 {pack_format = #tpu.pack_format<interleaved>} : vector<32xbf16> -> vector<16xf32>
        %mul3A_890 = vector.broadcast %squeeze3A_887 : f32 to vector<16xf32>
        %mul3A_891 = arith.mulf %unpack3A_888, %mul3A_890 : vector<16xf32>
        %add3A_892 = arith.constant 9 : i32
        %add3A_893 = arith.addi %mul3A_449, %add3A_892 : i32
        %swap3A_894 = arith.index_cast %add3A_893 : i32 to index
        %swap3A_895 = arith.constant 0 : index
        %swap3A_896 = tpu.vector_load %arg19[%swap3A_894, %swap3A_895] {strides = array<i32>} : memref<128x64xf32, #tpu.memory_space<vmem>>, vector<16xf32>,
        tpu.vector_store %arg19[%swap3A_894, %swap3A_895], %mul3A_891 {strides = array<i32>} : memref<128x64xf32, #tpu.memory_space<vmem>>, vector<16xf32>,
        %mul3A_897 = vector.broadcast %squeeze3A_887 : f32 to vector<16xf32>
        %mul3A_898 = arith.mulf %unpack3A_889, %mul3A_897 : vector<16xf32>
        %add3A_899 = arith.constant 9 : i32
        %add3A_900 = arith.addi %mul3A_449, %add3A_899 : i32
        %swap3A_901 = arith.index_cast %add3A_900 : i32 to index
        %swap3A_902 = arith.constant 16 : index
        %swap3A_903 = tpu.vector_load %arg19[%swap3A_901, %swap3A_902] {strides = array<i32>} : memref<128x64xf32, #tpu.memory_space<vmem>>, vector<16xf32>,
        tpu.vector_store %arg19[%swap3A_901, %swap3A_902], %mul3A_898 {strides = array<i32>} : memref<128x64xf32, #tpu.memory_space<vmem>>, vector<16xf32>,
        %add3A_904 = arith.constant 11 : i32
        %add3A_905 = arith.addi %mul3A_449, %add3A_904 : i32
        %get3A_906 = arith.index_cast %add3A_905 : i32 to index
        %get3A_907 = arith.constant 32 : index
        %get3A_908 = tpu.vector_load %arg15[%get3A_906, %get3A_907] {strides = array<i32>} : memref<128x64xbf16, #tpu.memory_space<vmem>>, vector<32xbf16>,
        %slice3A_909 = vector.extract_strided_slice %get3A_447 {offsets = [9], sizes = [1], strides = [1]} : vector<16xf32> to vector<1xf32>
        %squeeze3A_910 = vector.extract %slice3A_909[0] : f32 from vector<1xf32>
        %unpack3A_911 = tpu.unpack_subelements %get3A_816, 0 {pack_format = #tpu.pack_format<interleaved>} : vector<32xbf16> -> vector<16xf32>
        %unpack3A_912 = tpu.unpack_subelements %get3A_816, 1 {pack_format = #tpu.pack_format<interleaved>} : vector<32xbf16> -> vector<16xf32>
        %mul3A_913 = vector.broadcast %squeeze3A_910 : f32 to vector<16xf32>
        %mul3A_914 = arith.mulf %unpack3A_911, %mul3A_913 : vector<16xf32>
        %add3A_915 = arith.constant 9 : i32
        %add3A_916 = arith.addi %mul3A_449, %add3A_915 : i32
        %swap3A_917 = arith.index_cast %add3A_916 : i32 to index
        %swap3A_918 = arith.constant 32 : index
        %swap3A_919 = tpu.vector_load %arg19[%swap3A_917, %swap3A_918] {strides = array<i32>} : memref<128x64xf32, #tpu.memory_space<vmem>>, vector<16xf32>,
        tpu.vector_store %arg19[%swap3A_917, %swap3A_918], %mul3A_914 {strides = array<i32>} : memref<128x64xf32, #tpu.memory_space<vmem>>, vector<16xf32>,
        %mul3A_920 = vector.broadcast %squeeze3A_910 : f32 to vector<16xf32>
        %mul3A_921 = arith.mulf %unpack3A_912, %mul3A_920 : vector<16xf32>
        %add3A_922 = arith.constant 9 : i32
        %add3A_923 = arith.addi %mul3A_449, %add3A_922 : i32
        %swap3A_924 = arith.index_cast %add3A_923 : i32 to index
        %swap3A_925 = arith.constant 48 : index
        %swap3A_926 = tpu.vector_load %arg19[%swap3A_924, %swap3A_925] {strides = array<i32>} : memref<128x64xf32, #tpu.memory_space<vmem>>, vector<16xf32>,
        tpu.vector_store %arg19[%swap3A_924, %swap3A_925], %mul3A_921 {strides = array<i32>} : memref<128x64xf32, #tpu.memory_space<vmem>>, vector<16xf32>,
        %add3A_927 = arith.constant 12 : i32
        %add3A_928 = arith.addi %mul3A_449, %add3A_927 : i32
        %get3A_929 = arith.index_cast %add3A_928 : i32 to index
        %get3A_930 = arith.constant 0 : index
        %get3A_931 = tpu.vector_load %arg15[%get3A_929, %get3A_930] {strides = array<i32>} : memref<128x64xbf16, #tpu.memory_space<vmem>>, vector<32xbf16>,
        %slice3A_932 = vector.extract_strided_slice %get3A_447 {offsets = [10], sizes = [1], strides = [1]} : vector<16xf32> to vector<1xf32>
        %squeeze3A_933 = vector.extract %slice3A_932[0] : f32 from vector<1xf32>
        %unpack3A_934 = tpu.unpack_subelements %get3A_839, 0 {pack_format = #tpu.pack_format<interleaved>} : vector<32xbf16> -> vector<16xf32>
        %unpack3A_935 = tpu.unpack_subelements %get3A_839, 1 {pack_format = #tpu.pack_format<interleaved>} : vector<32xbf16> -> vector<16xf32>
        %mul3A_936 = vector.broadcast %squeeze3A_933 : f32 to vector<16xf32>
        %mul3A_937 = arith.mulf %unpack3A_934, %mul3A_936 : vector<16xf32>
        %add3A_938 = arith.constant 10 : i32
        %add3A_939 = arith.addi %mul3A_449, %add3A_938 : i32
        %swap3A_940 = arith.index_cast %add3A_939 : i32 to index
        %swap3A_941 = arith.constant 0 : index
        %swap3A_942 = tpu.vector_load %arg19[%swap3A_940, %swap3A_941] {strides = array<i32>} : memref<128x64xf32, #tpu.memory_space<vmem>>, vector<16xf32>,
        tpu.vector_store %arg19[%swap3A_940, %swap3A_941], %mul3A_937 {strides = array<i32>} : memref<128x64xf32, #tpu.memory_space<vmem>>, vector<16xf32>,
        %mul3A_943 = vector.broadcast %squeeze3A_933 : f32 to vector<16xf32>
        %mul3A_944 = arith.mulf %unpack3A_935, %mul3A_943 : vector<16xf32>
        %add3A_945 = arith.constant 10 : i32
        %add3A_946 = arith.addi %mul3A_449, %add3A_945 : i32
        %swap3A_947 = arith.index_cast %add3A_946 : i32 to index
        %swap3A_948 = arith.constant 16 : index
        %swap3A_949 = tpu.vector_load %arg19[%swap3A_947, %swap3A_948] {strides = array<i32>} : memref<128x64xf32, #tpu.memory_space<vmem>>, vector<16xf32>,
        tpu.vector_store %arg19[%swap3A_947, %swap3A_948], %mul3A_944 {strides = array<i32>} : memref<128x64xf32, #tpu.memory_space<vmem>>, vector<16xf32>,
        %add3A_950 = arith.constant 12 : i32
        %add3A_951 = arith.addi %mul3A_449, %add3A_950 : i32
        %get3A_952 = arith.index_cast %add3A_951 : i32 to index
        %get3A_953 = arith.constant 32 : index
        %get3A_954 = tpu.vector_load %arg15[%get3A_952, %get3A_953] {strides = array<i32>} : memref<128x64xbf16, #tpu.memory_space<vmem>>, vector<32xbf16>,
        %slice3A_955 = vector.extract_strided_slice %get3A_447 {offsets = [10], sizes = [1], strides = [1]} : vector<16xf32> to vector<1xf32>
        %squeeze3A_956 = vector.extract %slice3A_955[0] : f32 from vector<1xf32>
        %unpack3A_957 = tpu.unpack_subelements %get3A_862, 0 {pack_format = #tpu.pack_format<interleaved>} : vector<32xbf16> -> vector<16xf32>
        %unpack3A_958 = tpu.unpack_subelements %get3A_862, 1 {pack_format = #tpu.pack_format<interleaved>} : vector<32xbf16> -> vector<16xf32>
        %mul3A_959 = vector.broadcast %squeeze3A_956 : f32 to vector<16xf32>
        %mul3A_960 = arith.mulf %unpack3A_957, %mul3A_959 : vector<16xf32>
        %add3A_961 = arith.constant 10 : i32
        %add3A_962 = arith.addi %mul3A_449, %add3A_961 : i32
        %swap3A_963 = arith.index_cast %add3A_962 : i32 to index
        %swap3A_964 = arith.constant 32 : index
        %swap3A_965 = tpu.vector_load %arg19[%swap3A_963, %swap3A_964] {strides = array<i32>} : memref<128x64xf32, #tpu.memory_space<vmem>>, vector<16xf32>,
        tpu.vector_store %arg19[%swap3A_963, %swap3A_964], %mul3A_960 {strides = array<i32>} : memref<128x64xf32, #tpu.memory_space<vmem>>, vector<16xf32>,
        %mul3A_966 = vector.broadcast %squeeze3A_956 : f32 to vector<16xf32>
        %mul3A_967 = arith.mulf %unpack3A_958, %mul3A_966 : vector<16xf32>
        %add3A_968 = arith.constant 10 : i32
        %add3A_969 = arith.addi %mul3A_449, %add3A_968 : i32
        %swap3A_970 = arith.index_cast %add3A_969 : i32 to index
        %swap3A_971 = arith.constant 48 : index
        %swap3A_972 = tpu.vector_load %arg19[%swap3A_970, %swap3A_971] {strides = array<i32>} : memref<128x64xf32, #tpu.memory_space<vmem>>, vector<16xf32>,
        tpu.vector_store %arg19[%swap3A_970, %swap3A_971], %mul3A_967 {strides = array<i32>} : memref<128x64xf32, #tpu.memory_space<vmem>>, vector<16xf32>,
        %add3A_973 = arith.constant 13 : i32
        %add3A_974 = arith.addi %mul3A_449, %add3A_973 : i32
        %get3A_975 = arith.index_cast %add3A_974 : i32 to index
        %get3A_976 = arith.constant 0 : index
        %get3A_977 = tpu.vector_load %arg15[%get3A_975, %get3A_976] {strides = array<i32>} : memref<128x64xbf16, #tpu.memory_space<vmem>>, vector<32xbf16>,
        %slice3A_978 = vector.extract_strided_slice %get3A_447 {offsets = [11], sizes = [1], strides = [1]} : vector<16xf32> to vector<1xf32>
        %squeeze3A_979 = vector.extract %slice3A_978[0] : f32 from vector<1xf32>
        %unpack3A_980 = tpu.unpack_subelements %get3A_885, 0 {pack_format = #tpu.pack_format<interleaved>} : vector<32xbf16> -> vector<16xf32>
        %unpack3A_981 = tpu.unpack_subelements %get3A_885, 1 {pack_format = #tpu.pack_format<interleaved>} : vector<32xbf16> -> vector<16xf32>
        %mul3A_982 = vector.broadcast %squeeze3A_979 : f32 to vector<16xf32>
        %mul3A_983 = arith.mulf %unpack3A_980, %mul3A_982 : vector<16xf32>
        %add3A_984 = arith.constant 11 : i32
        %add3A_985 = arith.addi %mul3A_449, %add3A_984 : i32
        %swap3A_986 = arith.index_cast %add3A_985 : i32 to index
        %swap3A_987 = arith.constant 0 : index
        %swap3A_988 = tpu.vector_load %arg19[%swap3A_986, %swap3A_987] {strides = array<i32>} : memref<128x64xf32, #tpu.memory_space<vmem>>, vector<16xf32>,
        tpu.vector_store %arg19[%swap3A_986, %swap3A_987], %mul3A_983 {strides = array<i32>} : memref<128x64xf32, #tpu.memory_space<vmem>>, vector<16xf32>,
        %mul3A_989 = vector.broadcast %squeeze3A_979 : f32 to vector<16xf32>
        %mul3A_990 = arith.mulf %unpack3A_981, %mul3A_989 : vector<16xf32>
        %add3A_991 = arith.constant 11 : i32
        %add3A_992 = arith.addi %mul3A_449, %add3A_991 : i32
        %swap3A_993 = arith.index_cast %add3A_992 : i32 to index
        %swap3A_994 = arith.constant 16 : index
        %swap3A_995 = tpu.vector_load %arg19[%swap3A_993, %swap3A_994] {strides = array<i32>} : memref<128x64xf32, #tpu.memory_space<vmem>>, vector<16xf32>,
        tpu.vector_store %arg19[%swap3A_993, %swap3A_994], %mul3A_990 {strides = array<i32>} : memref<128x64xf32, #tpu.memory_space<vmem>>, vector<16xf32>,
        %add3A_996 = arith.constant 13 : i32
        %add3A_997 = arith.addi %mul3A_449, %add3A_996 : i32
        %get3A_998 = arith.index_cast %add3A_997 : i32 to index
        %get3A_999 = arith.constant 32 : index
        %get3A_1000 = tpu.vector_load %arg15[%get3A_998, %get3A_999] {strides = array<i32>} : memref<128x64xbf16, #tpu.memory_space<vmem>>, vector<32xbf16>,
        %slice3A_1001 = vector.extract_strided_slice %get3A_447 {offsets = [11], sizes = [1], strides = [1]} : vector<16xf32> to vector<1xf32>
        %squeeze3A_1002 = vector.extract %slice3A_1001[0] : f32 from vector<1xf32>
        %unpack3A_1003 = tpu.unpack_subelements %get3A_908, 0 {pack_format = #tpu.pack_format<interleaved>} : vector<32xbf16> -> vector<16xf32>
        %unpack3A_1004 = tpu.unpack_subelements %get3A_908, 1 {pack_format = #tpu.pack_format<interleaved>} : vector<32xbf16> -> vector<16xf32>
        %mul3A_1005 = vector.broadcast %squeeze3A_1002 : f32 to vector<16xf32>
        %mul3A_1006 = arith.mulf %unpack3A_1003, %mul3A_1005 : vector<16xf32>
        %add3A_1007 = arith.constant 11 : i32
        %add3A_1008 = arith.addi %mul3A_449, %add3A_1007 : i32
        %swap3A_1009 = arith.index_cast %add3A_1008 : i32 to index
        %swap3A_1010 = arith.constant 32 : index
        %swap3A_1011 = tpu.vector_load %arg19[%swap3A_1009, %swap3A_1010] {strides = array<i32>} : memref<128x64xf32, #tpu.memory_space<vmem>>, vector<16xf32>,
        tpu.vector_store %arg19[%swap3A_1009, %swap3A_1010], %mul3A_1006 {strides = array<i32>} : memref<128x64xf32, #tpu.memory_space<vmem>>, vector<16xf32>,
        %mul3A_1012 = vector.broadcast %squeeze3A_1002 : f32 to vector<16xf32>
        %mul3A_1013 = arith.mulf %unpack3A_1004, %mul3A_1012 : vector<16xf32>
        %add3A_1014 = arith.constant 11 : i32
        %add3A_1015 = arith.addi %mul3A_449, %add3A_1014 : i32
        %swap3A_1016 = arith.index_cast %add3A_1015 : i32 to index
        %swap3A_1017 = arith.constant 48 : index
        %swap3A_1018 = tpu.vector_load %arg19[%swap3A_1016, %swap3A_1017] {strides = array<i32>} : memref<128x64xf32, #tpu.memory_space<vmem>>, vector<16xf32>,
        tpu.vector_store %arg19[%swap3A_1016, %swap3A_1017], %mul3A_1013 {strides = array<i32>} : memref<128x64xf32, #tpu.memory_space<vmem>>, vector<16xf32>,
        %add3A_1019 = arith.constant 14 : i32
        %add3A_1020 = arith.addi %mul3A_449, %add3A_1019 : i32
        %get3A_1021 = arith.index_cast %add3A_1020 : i32 to index
        %get3A_1022 = arith.constant 0 : index
        %get3A_1023 = tpu.vector_load %arg15[%get3A_1021, %get3A_1022] {strides = array<i32>} : memref<128x64xbf16, #tpu.memory_space<vmem>>, vector<32xbf16>,
        %slice3A_1024 = vector.extract_strided_slice %get3A_447 {offsets = [12], sizes = [1], strides = [1]} : vector<16xf32> to vector<1xf32>
        %squeeze3A_1025 = vector.extract %slice3A_1024[0] : f32 from vector<1xf32>
        %unpack3A_1026 = tpu.unpack_subelements %get3A_931, 0 {pack_format = #tpu.pack_format<interleaved>} : vector<32xbf16> -> vector<16xf32>
        %unpack3A_1027 = tpu.unpack_subelements %get3A_931, 1 {pack_format = #tpu.pack_format<interleaved>} : vector<32xbf16> -> vector<16xf32>
        %mul3A_1028 = vector.broadcast %squeeze3A_1025 : f32 to vector<16xf32>
        %mul3A_1029 = arith.mulf %unpack3A_1026, %mul3A_1028 : vector<16xf32>
        %add3A_1030 = arith.constant 12 : i32
        %add3A_1031 = arith.addi %mul3A_449, %add3A_1030 : i32
        %swap3A_1032 = arith.index_cast %add3A_1031 : i32 to index
        %swap3A_1033 = arith.constant 0 : index
        %swap3A_1034 = tpu.vector_load %arg19[%swap3A_1032, %swap3A_1033] {strides = array<i32>} : memref<128x64xf32, #tpu.memory_space<vmem>>, vector<16xf32>,
        tpu.vector_store %arg19[%swap3A_1032, %swap3A_1033], %mul3A_1029 {strides = array<i32>} : memref<128x64xf32, #tpu.memory_space<vmem>>, vector<16xf32>,
        %mul3A_1035 = vector.broadcast %squeeze3A_1025 : f32 to vector<16xf32>
        %mul3A_1036 = arith.mulf %unpack3A_1027, %mul3A_1035 : vector<16xf32>
        %add3A_1037 = arith.constant 12 : i32
        %add3A_1038 = arith.addi %mul3A_449, %add3A_1037 : i32
        %swap3A_1039 = arith.index_cast %add3A_1038 : i32 to index
        %swap3A_1040 = arith.constant 16 : index
        %swap3A_1041 = tpu.vector_load %arg19[%swap3A_1039, %swap3A_1040] {strides = array<i32>} : memref<128x64xf32, #tpu.memory_space<vmem>>, vector<16xf32>,
        tpu.vector_store %arg19[%swap3A_1039, %swap3A_1040], %mul3A_1036 {strides = array<i32>} : memref<128x64xf32, #tpu.memory_space<vmem>>, vector<16xf32>,
        %add3A_1042 = arith.constant 14 : i32
        %add3A_1043 = arith.addi %mul3A_449, %add3A_1042 : i32
        %get3A_1044 = arith.index_cast %add3A_1043 : i32 to index
        %get3A_1045 = arith.constant 32 : index
        %get3A_1046 = tpu.vector_load %arg15[%get3A_1044, %get3A_1045] {strides = array<i32>} : memref<128x64xbf16, #tpu.memory_space<vmem>>, vector<32xbf16>,
        %slice3A_1047 = vector.extract_strided_slice %get3A_447 {offsets = [12], sizes = [1], strides = [1]} : vector<16xf32> to vector<1xf32>
        %squeeze3A_1048 = vector.extract %slice3A_1047[0] : f32 from vector<1xf32>
        %unpack3A_1049 = tpu.unpack_subelements %get3A_954, 0 {pack_format = #tpu.pack_format<interleaved>} : vector<32xbf16> -> vector<16xf32>
        %unpack3A_1050 = tpu.unpack_subelements %get3A_954, 1 {pack_format = #tpu.pack_format<interleaved>} : vector<32xbf16> -> vector<16xf32>
        %mul3A_1051 = vector.broadcast %squeeze3A_1048 : f32 to vector<16xf32>
        %mul3A_1052 = arith.mulf %unpack3A_1049, %mul3A_1051 : vector<16xf32>
        %add3A_1053 = arith.constant 12 : i32
        %add3A_1054 = arith.addi %mul3A_449, %add3A_1053 : i32
        %swap3A_1055 = arith.index_cast %add3A_1054 : i32 to index
        %swap3A_1056 = arith.constant 32 : index
        %swap3A_1057 = tpu.vector_load %arg19[%swap3A_1055, %swap3A_1056] {strides = array<i32>} : memref<128x64xf32, #tpu.memory_space<vmem>>, vector<16xf32>,
        tpu.vector_store %arg19[%swap3A_1055, %swap3A_1056], %mul3A_1052 {strides = array<i32>} : memref<128x64xf32, #tpu.memory_space<vmem>>, vector<16xf32>,
        %mul3A_1058 = vector.broadcast %squeeze3A_1048 : f32 to vector<16xf32>
        %mul3A_1059 = arith.mulf %unpack3A_1050, %mul3A_1058 : vector<16xf32>
        %add3A_1060 = arith.constant 12 : i32
        %add3A_1061 = arith.addi %mul3A_449, %add3A_1060 : i32
        %swap3A_1062 = arith.index_cast %add3A_1061 : i32 to index
        %swap3A_1063 = arith.constant 48 : index
        %swap3A_1064 = tpu.vector_load %arg19[%swap3A_1062, %swap3A_1063] {strides = array<i32>} : memref<128x64xf32, #tpu.memory_space<vmem>>, vector<16xf32>,
        tpu.vector_store %arg19[%swap3A_1062, %swap3A_1063], %mul3A_1059 {strides = array<i32>} : memref<128x64xf32, #tpu.memory_space<vmem>>, vector<16xf32>,
        %add3A_1065 = arith.constant 15 : i32
        %add3A_1066 = arith.addi %mul3A_449, %add3A_1065 : i32
        %get3A_1067 = arith.index_cast %add3A_1066 : i32 to index
        %get3A_1068 = arith.constant 0 : index
        %get3A_1069 = tpu.vector_load %arg15[%get3A_1067, %get3A_1068] {strides = array<i32>} : memref<128x64xbf16, #tpu.memory_space<vmem>>, vector<32xbf16>,
        %slice3A_1070 = vector.extract_strided_slice %get3A_447 {offsets = [13], sizes = [1], strides = [1]} : vector<16xf32> to vector<1xf32>
        %squeeze3A_1071 = vector.extract %slice3A_1070[0] : f32 from vector<1xf32>
        %unpack3A_1072 = tpu.unpack_subelements %get3A_977, 0 {pack_format = #tpu.pack_format<interleaved>} : vector<32xbf16> -> vector<16xf32>
        %unpack3A_1073 = tpu.unpack_subelements %get3A_977, 1 {pack_format = #tpu.pack_format<interleaved>} : vector<32xbf16> -> vector<16xf32>
        %mul3A_1074 = vector.broadcast %squeeze3A_1071 : f32 to vector<16xf32>
        %mul3A_1075 = arith.mulf %unpack3A_1072, %mul3A_1074 : vector<16xf32>
        %add3A_1076 = arith.constant 13 : i32
        %add3A_1077 = arith.addi %mul3A_449, %add3A_1076 : i32
        %swap3A_1078 = arith.index_cast %add3A_1077 : i32 to index
        %swap3A_1079 = arith.constant 0 : index
        %swap3A_1080 = tpu.vector_load %arg19[%swap3A_1078, %swap3A_1079] {strides = array<i32>} : memref<128x64xf32, #tpu.memory_space<vmem>>, vector<16xf32>,
        tpu.vector_store %arg19[%swap3A_1078, %swap3A_1079], %mul3A_1075 {strides = array<i32>} : memref<128x64xf32, #tpu.memory_space<vmem>>, vector<16xf32>,
        %mul3A_1081 = vector.broadcast %squeeze3A_1071 : f32 to vector<16xf32>
        %mul3A_1082 = arith.mulf %unpack3A_1073, %mul3A_1081 : vector<16xf32>
        %add3A_1083 = arith.constant 13 : i32
        %add3A_1084 = arith.addi %mul3A_449, %add3A_1083 : i32
        %swap3A_1085 = arith.index_cast %add3A_1084 : i32 to index
        %swap3A_1086 = arith.constant 16 : index
        %swap3A_1087 = tpu.vector_load %arg19[%swap3A_1085, %swap3A_1086] {strides = array<i32>} : memref<128x64xf32, #tpu.memory_space<vmem>>, vector<16xf32>,
        tpu.vector_store %arg19[%swap3A_1085, %swap3A_1086], %mul3A_1082 {strides = array<i32>} : memref<128x64xf32, #tpu.memory_space<vmem>>, vector<16xf32>,
        %add3A_1088 = arith.constant 15 : i32
        %add3A_1089 = arith.addi %mul3A_449, %add3A_1088 : i32
        %get3A_1090 = arith.index_cast %add3A_1089 : i32 to index
        %get3A_1091 = arith.constant 32 : index
        %get3A_1092 = tpu.vector_load %arg15[%get3A_1090, %get3A_1091] {strides = array<i32>} : memref<128x64xbf16, #tpu.memory_space<vmem>>, vector<32xbf16>,
        %slice3A_1093 = vector.extract_strided_slice %get3A_447 {offsets = [13], sizes = [1], strides = [1]} : vector<16xf32> to vector<1xf32>
        %squeeze3A_1094 = vector.extract %slice3A_1093[0] : f32 from vector<1xf32>
        %unpack3A_1095 = tpu.unpack_subelements %get3A_1000, 0 {pack_format = #tpu.pack_format<interleaved>} : vector<32xbf16> -> vector<16xf32>
        %unpack3A_1096 = tpu.unpack_subelements %get3A_1000, 1 {pack_format = #tpu.pack_format<interleaved>} : vector<32xbf16> -> vector<16xf32>
        %mul3A_1097 = vector.broadcast %squeeze3A_1094 : f32 to vector<16xf32>
        %mul3A_1098 = arith.mulf %unpack3A_1095, %mul3A_1097 : vector<16xf32>
        %add3A_1099 = arith.constant 13 : i32
        %add3A_1100 = arith.addi %mul3A_449, %add3A_1099 : i32
        %swap3A_1101 = arith.index_cast %add3A_1100 : i32 to index
        %swap3A_1102 = arith.constant 32 : index
        %swap3A_1103 = tpu.vector_load %arg19[%swap3A_1101, %swap3A_1102] {strides = array<i32>} : memref<128x64xf32, #tpu.memory_space<vmem>>, vector<16xf32>,
        tpu.vector_store %arg19[%swap3A_1101, %swap3A_1102], %mul3A_1098 {strides = array<i32>} : memref<128x64xf32, #tpu.memory_space<vmem>>, vector<16xf32>,
        %mul3A_1104 = vector.broadcast %squeeze3A_1094 : f32 to vector<16xf32>
        %mul3A_1105 = arith.mulf %unpack3A_1096, %mul3A_1104 : vector<16xf32>
        %add3A_1106 = arith.constant 13 : i32
        %add3A_1107 = arith.addi %mul3A_449, %add3A_1106 : i32
        %swap3A_1108 = arith.index_cast %add3A_1107 : i32 to index
        %swap3A_1109 = arith.constant 48 : index
        %swap3A_1110 = tpu.vector_load %arg19[%swap3A_1108, %swap3A_1109] {strides = array<i32>} : memref<128x64xf32, #tpu.memory_space<vmem>>, vector<16xf32>,
        tpu.vector_store %arg19[%swap3A_1108, %swap3A_1109], %mul3A_1105 {strides = array<i32>} : memref<128x64xf32, #tpu.memory_space<vmem>>, vector<16xf32>,
        %slice3A_1111 = vector.extract_strided_slice %get3A_447 {offsets = [14], sizes = [1], strides = [1]} : vector<16xf32> to vector<1xf32>
        %squeeze3A_1112 = vector.extract %slice3A_1111[0] : f32 from vector<1xf32>
        %unpack3A_1113 = tpu.unpack_subelements %get3A_1023, 0 {pack_format = #tpu.pack_format<interleaved>} : vector<32xbf16> -> vector<16xf32>
        %unpack3A_1114 = tpu.unpack_subelements %get3A_1023, 1 {pack_format = #tpu.pack_format<interleaved>} : vector<32xbf16> -> vector<16xf32>
        %mul3A_1115 = vector.broadcast %squeeze3A_1112 : f32 to vector<16xf32>
        %mul3A_1116 = arith.mulf %unpack3A_1113, %mul3A_1115 : vector<16xf32>
        %add3A_1117 = arith.constant 14 : i32
        %add3A_1118 = arith.addi %mul3A_449, %add3A_1117 : i32
        %swap3A_1119 = arith.index_cast %add3A_1118 : i32 to index
        %swap3A_1120 = arith.constant 0 : index
        %swap3A_1121 = tpu.vector_load %arg19[%swap3A_1119, %swap3A_1120] {strides = array<i32>} : memref<128x64xf32, #tpu.memory_space<vmem>>, vector<16xf32>,
        tpu.vector_store %arg19[%swap3A_1119, %swap3A_1120], %mul3A_1116 {strides = array<i32>} : memref<128x64xf32, #tpu.memory_space<vmem>>, vector<16xf32>,
        %mul3A_1122 = vector.broadcast %squeeze3A_1112 : f32 to vector<16xf32>
        %mul3A_1123 = arith.mulf %unpack3A_1114, %mul3A_1122 : vector<16xf32>
        %add3A_1124 = arith.constant 14 : i32
        %add3A_1125 = arith.addi %mul3A_449, %add3A_1124 : i32
        %swap3A_1126 = arith.index_cast %add3A_1125 : i32 to index
        %swap3A_1127 = arith.constant 16 : index
        %swap3A_1128 = tpu.vector_load %arg19[%swap3A_1126, %swap3A_1127] {strides = array<i32>} : memref<128x64xf32, #tpu.memory_space<vmem>>, vector<16xf32>,
        tpu.vector_store %arg19[%swap3A_1126, %swap3A_1127], %mul3A_1123 {strides = array<i32>} : memref<128x64xf32, #tpu.memory_space<vmem>>, vector<16xf32>,
        %slice3A_1129 = vector.extract_strided_slice %get3A_447 {offsets = [14], sizes = [1], strides = [1]} : vector<16xf32> to vector<1xf32>
        %squeeze3A_1130 = vector.extract %slice3A_1129[0] : f32 from vector<1xf32>
        %unpack3A_1131 = tpu.unpack_subelements %get3A_1046, 0 {pack_format = #tpu.pack_format<interleaved>} : vector<32xbf16> -> vector<16xf32>
        %unpack3A_1132 = tpu.unpack_subelements %get3A_1046, 1 {pack_format = #tpu.pack_format<interleaved>} : vector<32xbf16> -> vector<16xf32>
        %mul3A_1133 = vector.broadcast %squeeze3A_1130 : f32 to vector<16xf32>
        %mul3A_1134 = arith.mulf %unpack3A_1131, %mul3A_1133 : vector<16xf32>
        %add3A_1135 = arith.constant 14 : i32
        %add3A_1136 = arith.addi %mul3A_449, %add3A_1135 : i32
        %swap3A_1137 = arith.index_cast %add3A_1136 : i32 to index
        %swap3A_1138 = arith.constant 32 : index
        %swap3A_1139 = tpu.vector_load %arg19[%swap3A_1137, %swap3A_1138] {strides = array<i32>} : memref<128x64xf32, #tpu.memory_space<vmem>>, vector<16xf32>,
        tpu.vector_store %arg19[%swap3A_1137, %swap3A_1138], %mul3A_1134 {strides = array<i32>} : memref<128x64xf32, #tpu.memory_space<vmem>>, vector<16xf32>,
        %mul3A_1140 = vector.broadcast %squeeze3A_1130 : f32 to vector<16xf32>
        %mul3A_1141 = arith.mulf %unpack3A_1132, %mul3A_1140 : vector<16xf32>
        %add3A_1142 = arith.constant 14 : i32
        %add3A_1143 = arith.addi %mul3A_449, %add3A_1142 : i32
        %swap3A_1144 = arith.index_cast %add3A_1143 : i32 to index
        %swap3A_1145 = arith.constant 48 : index
        %swap3A_1146 = tpu.vector_load %arg19[%swap3A_1144, %swap3A_1145] {strides = array<i32>} : memref<128x64xf32, #tpu.memory_space<vmem>>, vector<16xf32>,
        tpu.vector_store %arg19[%swap3A_1144, %swap3A_1145], %mul3A_1141 {strides = array<i32>} : memref<128x64xf32, #tpu.memory_space<vmem>>, vector<16xf32>,
        %slice3A_1147 = vector.extract_strided_slice %get3A_447 {offsets = [15], sizes = [1], strides = [1]} : vector<16xf32> to vector<1xf32>
        %squeeze3A_1148 = vector.extract %slice3A_1147[0] : f32 from vector<1xf32>
        %unpack3A_1149 = tpu.unpack_subelements %get3A_1069, 0 {pack_format = #tpu.pack_format<interleaved>} : vector<32xbf16> -> vector<16xf32>
        %unpack3A_1150 = tpu.unpack_subelements %get3A_1069, 1 {pack_format = #tpu.pack_format<interleaved>} : vector<32xbf16> -> vector<16xf32>
        %mul3A_1151 = vector.broadcast %squeeze3A_1148 : f32 to vector<16xf32>
        %mul3A_1152 = arith.mulf %unpack3A_1149, %mul3A_1151 : vector<16xf32>
        %add3A_1153 = arith.constant 15 : i32
        %add3A_1154 = arith.addi %mul3A_449, %add3A_1153 : i32
        %swap3A_1155 = arith.index_cast %add3A_1154 : i32 to index
        %swap3A_1156 = arith.constant 0 : index
        %swap3A_1157 = tpu.vector_load %arg19[%swap3A_1155, %swap3A_1156] {strides = array<i32>} : memref<128x64xf32, #tpu.memory_space<vmem>>, vector<16xf32>,
        tpu.vector_store %arg19[%swap3A_1155, %swap3A_1156], %mul3A_1152 {strides = array<i32>} : memref<128x64xf32, #tpu.memory_space<vmem>>, vector<16xf32>,
        %mul3A_1158 = vector.broadcast %squeeze3A_1148 : f32 to vector<16xf32>
        %mul3A_1159 = arith.mulf %unpack3A_1150, %mul3A_1158 : vector<16xf32>
        %add3A_1160 = arith.constant 15 : i32
        %add3A_1161 = arith.addi %mul3A_449, %add3A_1160 : i32
        %swap3A_1162 = arith.index_cast %add3A_1161 : i32 to index
        %swap3A_1163 = arith.constant 16 : index
        %swap3A_1164 = tpu.vector_load %arg19[%swap3A_1162, %swap3A_1163] {strides = array<i32>} : memref<128x64xf32, #tpu.memory_space<vmem>>, vector<16xf32>,
        tpu.vector_store %arg19[%swap3A_1162, %swap3A_1163], %mul3A_1159 {strides = array<i32>} : memref<128x64xf32, #tpu.memory_space<vmem>>, vector<16xf32>,
        %slice3A_1165 = vector.extract_strided_slice %get3A_447 {offsets = [15], sizes = [1], strides = [1]} : vector<16xf32> to vector<1xf32>
        %squeeze3A_1166 = vector.extract %slice3A_1165[0] : f32 from vector<1xf32>
        %unpack3A_1167 = tpu.unpack_subelements %get3A_1092, 0 {pack_format = #tpu.pack_format<interleaved>} : vector<32xbf16> -> vector<16xf32>
        %unpack3A_1168 = tpu.unpack_subelements %get3A_1092, 1 {pack_format = #tpu.pack_format<interleaved>} : vector<32xbf16> -> vector<16xf32>
        %mul3A_1169 = vector.broadcast %squeeze3A_1166 : f32 to vector<16xf32>
        %mul3A_1170 = arith.mulf %unpack3A_1167, %mul3A_1169 : vector<16xf32>
        %add3A_1171 = arith.constant 15 : i32
        %add3A_1172 = arith.addi %mul3A_449, %add3A_1171 : i32
        %swap3A_1173 = arith.index_cast %add3A_1172 : i32 to index
        %swap3A_1174 = arith.constant 32 : index
        %swap3A_1175 = tpu.vector_load %arg19[%swap3A_1173, %swap3A_1174] {strides = array<i32>} : memref<128x64xf32, #tpu.memory_space<vmem>>, vector<16xf32>,
        tpu.vector_store %arg19[%swap3A_1173, %swap3A_1174], %mul3A_1170 {strides = array<i32>} : memref<128x64xf32, #tpu.memory_space<vmem>>, vector<16xf32>,
        %mul3A_1176 = vector.broadcast %squeeze3A_1166 : f32 to vector<16xf32>
        %mul3A_1177 = arith.mulf %unpack3A_1168, %mul3A_1176 : vector<16xf32>
        %add3A_1178 = arith.constant 15 : i32
        %add3A_1179 = arith.addi %mul3A_449, %add3A_1178 : i32
        %swap3A_1180 = arith.index_cast %add3A_1179 : i32 to index
        %swap3A_1181 = arith.constant 48 : index
        %swap3A_1182 = tpu.vector_load %arg19[%swap3A_1180, %swap3A_1181] {strides = array<i32>} : memref<128x64xf32, #tpu.memory_space<vmem>>, vector<16xf32>,
        tpu.vector_store %arg19[%swap3A_1180, %swap3A_1181], %mul3A_1177 {strides = array<i32>} : memref<128x64xf32, #tpu.memory_space<vmem>>, vector<16xf32>,
        %scan3A_1183 = arith.constant 0 : i32
        scf.yield %scan3A_1183 : i32
      }
      %scan3A_223 = arith.constant 8 : i32
      %get3A = arith.constant 0 : index
      %get3A_224 = tpu.vector_load %arg11[%get3A] {strides = array<i32>} : memref<128xi32, #tpu.memory_space<vmem>>, vector<16xi32>,
      %swap3A = arith.constant 0 : index
      %swap3A_225 = tpu.vector_load %arg23[%swap3A] {strides = array<i32>} : memref<128xi32, #tpu.memory_space<vmem>>, vector<16xi32>,
      tpu.vector_store %arg23[%swap3A], %get3A_224 {strides = array<i32>} : memref<128xi32, #tpu.memory_space<vmem>>, vector<16xi32>,
      %get3A_226 = arith.constant 16 : index
      %get3A_227 = tpu.vector_load %arg11[%get3A_226] {strides = array<i32>} : memref<128xi32, #tpu.memory_space<vmem>>, vector<16xi32>,
      %swap3A_228 = arith.constant 16 : index
      %swap3A_229 = tpu.vector_load %arg23[%swap3A_228] {strides = array<i32>} : memref<128xi32, #tpu.memory_space<vmem>>, vector<16xi32>,
      tpu.vector_store %arg23[%swap3A_228], %get3A_227 {strides = array<i32>} : memref<128xi32, #tpu.memory_space<vmem>>, vector<16xi32>,
      %get3A_230 = arith.constant 32 : index
      %get3A_231 = tpu.vector_load %arg11[%get3A_230] {strides = array<i32>} : memref<128xi32, #tpu.memory_space<vmem>>, vector<16xi32>,
      %swap3A_232 = arith.constant 32 : index
      %swap3A_233 = tpu.vector_load %arg23[%swap3A_232] {strides = array<i32>} : memref<128xi32, #tpu.memory_space<vmem>>, vector<16xi32>,
      tpu.vector_store %arg23[%swap3A_232], %get3A_231 {strides = array<i32>} : memref<128xi32, #tpu.memory_space<vmem>>, vector<16xi32>,
      %get3A_234 = arith.constant 48 : index
      %get3A_235 = tpu.vector_load %arg11[%get3A_234] {strides = array<i32>} : memref<128xi32, #tpu.memory_space<vmem>>, vector<16xi32>,
      %swap3A_236 = arith.constant 48 : index
      %swap3A_237 = tpu.vector_load %arg23[%swap3A_236] {strides = array<i32>} : memref<128xi32, #tpu.memory_space<vmem>>, vector<16xi32>,
      tpu.vector_store %arg23[%swap3A_236], %get3A_235 {strides = array<i32>} : memref<128xi32, #tpu.memory_space<vmem>>, vector<16xi32>,
      %get3A_238 = arith.constant 64 : index
      %get3A_239 = tpu.vector_load %arg11[%get3A_238] {strides = array<i32>} : memref<128xi32, #tpu.memory_space<vmem>>, vector<16xi32>,
      %swap3A_240 = arith.constant 64 : index
      %swap3A_241 = tpu.vector_load %arg23[%swap3A_240] {strides = array<i32>} : memref<128xi32, #tpu.memory_space<vmem>>, vector<16xi32>,
      tpu.vector_store %arg23[%swap3A_240], %get3A_239 {strides = array<i32>} : memref<128xi32, #tpu.memory_space<vmem>>, vector<16xi32>,
      %get3A_242 = arith.constant 80 : index
      %get3A_243 = tpu.vector_load %arg11[%get3A_242] {strides = array<i32>} : memref<128xi32, #tpu.memory_space<vmem>>, vector<16xi32>,
      %swap3A_244 = arith.constant 80 : index
      %swap3A_245 = tpu.vector_load %arg23[%swap3A_244] {strides = array<i32>} : memref<128xi32, #tpu.memory_space<vmem>>, vector<16xi32>,
      tpu.vector_store %arg23[%swap3A_244], %get3A_243 {strides = array<i32>} : memref<128xi32, #tpu.memory_space<vmem>>, vector<16xi32>,
      %get3A_246 = arith.constant 96 : index
      %get3A_247 = tpu.vector_load %arg11[%get3A_246] {strides = array<i32>} : memref<128xi32, #tpu.memory_space<vmem>>, vector<16xi32>,
      %swap3A_248 = arith.constant 96 : index
      %swap3A_249 = tpu.vector_load %arg23[%swap3A_248] {strides = array<i32>} : memref<128xi32, #tpu.memory_space<vmem>>, vector<16xi32>,
      tpu.vector_store %arg23[%swap3A_248], %get3A_247 {strides = array<i32>} : memref<128xi32, #tpu.memory_space<vmem>>, vector<16xi32>,
      %get3A_250 = arith.constant 112 : index
      %get3A_251 = tpu.vector_load %arg11[%get3A_250] {strides = array<i32>} : memref<128xi32, #tpu.memory_space<vmem>>, vector<16xi32>,
      %swap3A_252 = arith.constant 112 : index
      %swap3A_253 = tpu.vector_load %arg23[%swap3A_252] {strides = array<i32>} : memref<128xi32, #tpu.memory_space<vmem>>, vector<16xi32>,
      tpu.vector_store %arg23[%swap3A_252], %get3A_251 {strides = array<i32>} : memref<128xi32, #tpu.memory_space<vmem>>, vector<16xi32>,
      %dma_start3A_254 = arith.constant 0 : i32
      %dma_start3A_255 = arith.constant 0 : i32
      %dma_start3A_256 = tpu.memref_slice %arg27[%dma_start3A_254, %dma_start3A_255] : memref<16384x64xf32, #tpu.memory_space<vmem_shared>> -> memref<16384x64xf32, #tpu.memory_space<vmem_shared>>
      tpu.enqueue_indirect_dma source(%arg19 : memref<128x64xf32, #tpu.memory_space<vmem>>) target(%dma_start3A_256 : memref<16384x64xf32, #tpu.memory_space<vmem_shared>>) offsets(%arg23 : memref<128xi32, #tpu.memory_space<vmem>>) semaphore(%arg32 : memref<!tpu.dma_semaphore, #tpu.memory_space<semaphore_mem>>) {add = true}
      %not3A_257 = arith.constant true
      %not3A_258 = arith.xori %eq3A_212, %not3A_257 : i1
      %convert_element_type3A_259 = arith.extui %not3A_258 : i1 to i32
      %cond3A_260 = arith.constant 0 : i32
      %cond3A_261 = arith.cmpi ne, %convert_element_type3A_259, %cond3A_260 : i32
      scf.if %cond3A_261 {
        %dma_wait3A_440 = arith.constant 0 : i32
        %dma_wait3A_441 = arith.constant 0 : i32
        %dma_wait3A_442 = tpu.memref_slice %arg27[%dma_wait3A_440, %dma_wait3A_441] : memref<16384x64xf32, #tpu.memory_space<vmem_shared>> -> memref<16384x64xf32, #tpu.memory_space<vmem_shared>>
        tpu.wait_indirect_dma semaphore(%arg33 : memref<!tpu.dma_semaphore, #tpu.memory_space<semaphore_mem>>) src(%arg20 : memref<128x64xf32, #tpu.memory_space<vmem>>) dst(%dma_wait3A_442 : memref<16384x64xf32, #tpu.memory_space<vmem_shared>>)
      } else {
      }
      %scan3A_262 = arith.constant 0 : i32
      %scan3A_263 = arith.constant 0 : i32
      %scan3A_264 = arith.constant 8 : i32
      %scan3A_265 = arith.addi %scan3A_263, %scan3A_264 : i32
      %scan3A_266 = arith.constant 1 : i32
      %scan3A_267 = scf.for %scan3A_440 = %scan3A_263 to %scan3A_265 step %scan3A_266 iter_args(%scan3A_441 = %scan3A_262) -> (i32)  : i32 {
        %mul3A_442 = arith.constant 16 : i32
        %mul3A_443 = arith.muli %scan3A_440, %mul3A_442 : i32
        %get3A_444 = arith.constant 1 : i32
        %get3A_445 = arith.index_cast %get3A_444 : i32 to index
        %get3A_446 = arith.index_cast %mul3A_443 : i32 to index
        %get3A_447 = tpu.vector_load %arg9[%get3A_445, %get3A_446] {strides = array<i32>} : memref<2x128xf32, #tpu.memory_space<vmem>>, vector<16xf32>,
        %mul3A_448 = arith.constant 16 : i32
        %mul3A_449 = arith.muli %scan3A_440, %mul3A_448 : i32
        %add3A_450 = arith.constant 0 : i32
        %add3A_451 = arith.addi %mul3A_449, %add3A_450 : i32
        %get3A_452 = arith.index_cast %add3A_451 : i32 to index
        %get3A_453 = arith.constant 0 : index
        %get3A_454 = tpu.vector_load %arg16[%get3A_452, %get3A_453] {strides = array<i32>} : memref<128x64xbf16, #tpu.memory_space<vmem>>, vector<32xbf16>,
        %add3A_455 = arith.constant 0 : i32
        %add3A_456 = arith.addi %mul3A_449, %add3A_455 : i32
        %get3A_457 = arith.index_cast %add3A_456 : i32 to index
        %get3A_458 = arith.constant 32 : index
        %get3A_459 = tpu.vector_load %arg16[%get3A_457, %get3A_458] {strides = array<i32>} : memref<128x64xbf16, #tpu.memory_space<vmem>>, vector<32xbf16>,
        %add3A_460 = arith.constant 1 : i32
        %add3A_461 = arith.addi %mul3A_449, %add3A_460 : i32
        %get3A_462 = arith.index_cast %add3A_461 : i32 to index
        %get3A_463 = arith.constant 0 : index
        %get3A_464 = tpu.vector_load %arg16[%get3A_462, %get3A_463] {strides = array<i32>} : memref<128x64xbf16, #tpu.memory_space<vmem>>, vector<32xbf16>,
        %add3A_465 = arith.constant 1 : i32
        %add3A_466 = arith.addi %mul3A_449, %add3A_465 : i32
        %get3A_467 = arith.index_cast %add3A_466 : i32 to index
        %get3A_468 = arith.constant 32 : index
        %get3A_469 = tpu.vector_load %arg16[%get3A_467, %get3A_468] {strides = array<i32>} : memref<128x64xbf16, #tpu.memory_space<vmem>>, vector<32xbf16>,
        %add3A_470 = arith.constant 2 : i32
        %add3A_471 = arith.addi %mul3A_449, %add3A_470 : i32
        %get3A_472 = arith.index_cast %add3A_471 : i32 to index
        %get3A_473 = arith.constant 0 : index
        %get3A_474 = tpu.vector_load %arg16[%get3A_472, %get3A_473] {strides = array<i32>} : memref<128x64xbf16, #tpu.memory_space<vmem>>, vector<32xbf16>,
        %slice3A = vector.extract_strided_slice %get3A_447 {offsets = [0], sizes = [1], strides = [1]} : vector<16xf32> to vector<1xf32>
        %squeeze3A = vector.extract %slice3A[0] : f32 from vector<1xf32>
        %unpack3A = tpu.unpack_subelements %get3A_454, 0 {pack_format = #tpu.pack_format<interleaved>} : vector<32xbf16> -> vector<16xf32>
        %unpack3A_475 = tpu.unpack_subelements %get3A_454, 1 {pack_format = #tpu.pack_format<interleaved>} : vector<32xbf16> -> vector<16xf32>
        %mul3A_476 = vector.broadcast %squeeze3A : f32 to vector<16xf32>
        %mul3A_477 = arith.mulf %unpack3A, %mul3A_476 : vector<16xf32>
        %add3A_478 = arith.constant 0 : i32
        %add3A_479 = arith.addi %mul3A_449, %add3A_478 : i32
        %swap3A_480 = arith.index_cast %add3A_479 : i32 to index
        %swap3A_481 = arith.constant 0 : index
        %swap3A_482 = tpu.vector_load %arg20[%swap3A_480, %swap3A_481] {strides = array<i32>} : memref<128x64xf32, #tpu.memory_space<vmem>>, vector<16xf32>,
        tpu.vector_store %arg20[%swap3A_480, %swap3A_481], %mul3A_477 {strides = array<i32>} : memref<128x64xf32, #tpu.memory_space<vmem>>, vector<16xf32>,
        %mul3A_483 = vector.broadcast %squeeze3A : f32 to vector<16xf32>
        %mul3A_484 = arith.mulf %unpack3A_475, %mul3A_483 : vector<16xf32>
        %add3A_485 = arith.constant 0 : i32
        %add3A_486 = arith.addi %mul3A_449, %add3A_485 : i32
        %swap3A_487 = arith.index_cast %add3A_486 : i32 to index
        %swap3A_488 = arith.constant 16 : index
        %swap3A_489 = tpu.vector_load %arg20[%swap3A_487, %swap3A_488] {strides = array<i32>} : memref<128x64xf32, #tpu.memory_space<vmem>>, vector<16xf32>,
        tpu.vector_store %arg20[%swap3A_487, %swap3A_488], %mul3A_484 {strides = array<i32>} : memref<128x64xf32, #tpu.memory_space<vmem>>, vector<16xf32>,
        %add3A_490 = arith.constant 2 : i32
        %add3A_491 = arith.addi %mul3A_449, %add3A_490 : i32
        %get3A_492 = arith.index_cast %add3A_491 : i32 to index
        %get3A_493 = arith.constant 32 : index
        %get3A_494 = tpu.vector_load %arg16[%get3A_492, %get3A_493] {strides = array<i32>} : memref<128x64xbf16, #tpu.memory_space<vmem>>, vector<32xbf16>,
        %slice3A_495 = vector.extract_strided_slice %get3A_447 {offsets = [0], sizes = [1], strides = [1]} : vector<16xf32> to vector<1xf32>
        %squeeze3A_496 = vector.extract %slice3A_495[0] : f32 from vector<1xf32>
        %unpack3A_497 = tpu.unpack_subelements %get3A_459, 0 {pack_format = #tpu.pack_format<interleaved>} : vector<32xbf16> -> vector<16xf32>
        %unpack3A_498 = tpu.unpack_subelements %get3A_459, 1 {pack_format = #tpu.pack_format<interleaved>} : vector<32xbf16> -> vector<16xf32>
        %mul3A_499 = vector.broadcast %squeeze3A_496 : f32 to vector<16xf32>
        %mul3A_500 = arith.mulf %unpack3A_497, %mul3A_499 : vector<16xf32>
        %add3A_501 = arith.constant 0 : i32
        %add3A_502 = arith.addi %mul3A_449, %add3A_501 : i32
        %swap3A_503 = arith.index_cast %add3A_502 : i32 to index
        %swap3A_504 = arith.constant 32 : index
        %swap3A_505 = tpu.vector_load %arg20[%swap3A_503, %swap3A_504] {strides = array<i32>} : memref<128x64xf32, #tpu.memory_space<vmem>>, vector<16xf32>,
        tpu.vector_store %arg20[%swap3A_503, %swap3A_504], %mul3A_500 {strides = array<i32>} : memref<128x64xf32, #tpu.memory_space<vmem>>, vector<16xf32>,
        %mul3A_506 = vector.broadcast %squeeze3A_496 : f32 to vector<16xf32>
        %mul3A_507 = arith.mulf %unpack3A_498, %mul3A_506 : vector<16xf32>
        %add3A_508 = arith.constant 0 : i32
        %add3A_509 = arith.addi %mul3A_449, %add3A_508 : i32
        %swap3A_510 = arith.index_cast %add3A_509 : i32 to index
        %swap3A_511 = arith.constant 48 : index
        %swap3A_512 = tpu.vector_load %arg20[%swap3A_510, %swap3A_511] {strides = array<i32>} : memref<128x64xf32, #tpu.memory_space<vmem>>, vector<16xf32>,
        tpu.vector_store %arg20[%swap3A_510, %swap3A_511], %mul3A_507 {strides = array<i32>} : memref<128x64xf32, #tpu.memory_space<vmem>>, vector<16xf32>,
        %add3A_513 = arith.constant 3 : i32
        %add3A_514 = arith.addi %mul3A_449, %add3A_513 : i32
        %get3A_515 = arith.index_cast %add3A_514 : i32 to index
        %get3A_516 = arith.constant 0 : index
        %get3A_517 = tpu.vector_load %arg16[%get3A_515, %get3A_516] {strides = array<i32>} : memref<128x64xbf16, #tpu.memory_space<vmem>>, vector<32xbf16>,
        %slice3A_518 = vector.extract_strided_slice %get3A_447 {offsets = [1], sizes = [1], strides = [1]} : vector<16xf32> to vector<1xf32>
        %squeeze3A_519 = vector.extract %slice3A_518[0] : f32 from vector<1xf32>
        %unpack3A_520 = tpu.unpack_subelements %get3A_464, 0 {pack_format = #tpu.pack_format<interleaved>} : vector<32xbf16> -> vector<16xf32>
        %unpack3A_521 = tpu.unpack_subelements %get3A_464, 1 {pack_format = #tpu.pack_format<interleaved>} : vector<32xbf16> -> vector<16xf32>
        %mul3A_522 = vector.broadcast %squeeze3A_519 : f32 to vector<16xf32>
        %mul3A_523 = arith.mulf %unpack3A_520, %mul3A_522 : vector<16xf32>
        %add3A_524 = arith.constant 1 : i32
        %add3A_525 = arith.addi %mul3A_449, %add3A_524 : i32
        %swap3A_526 = arith.index_cast %add3A_525 : i32 to index
        %swap3A_527 = arith.constant 0 : index
        %swap3A_528 = tpu.vector_load %arg20[%swap3A_526, %swap3A_527] {strides = array<i32>} : memref<128x64xf32, #tpu.memory_space<vmem>>, vector<16xf32>,
        tpu.vector_store %arg20[%swap3A_526, %swap3A_527], %mul3A_523 {strides = array<i32>} : memref<128x64xf32, #tpu.memory_space<vmem>>, vector<16xf32>,
        %mul3A_529 = vector.broadcast %squeeze3A_519 : f32 to vector<16xf32>
        %mul3A_530 = arith.mulf %unpack3A_521, %mul3A_529 : vector<16xf32>
        %add3A_531 = arith.constant 1 : i32
        %add3A_532 = arith.addi %mul3A_449, %add3A_531 : i32
        %swap3A_533 = arith.index_cast %add3A_532 : i32 to index
        %swap3A_534 = arith.constant 16 : index
        %swap3A_535 = tpu.vector_load %arg20[%swap3A_533, %swap3A_534] {strides = array<i32>} : memref<128x64xf32, #tpu.memory_space<vmem>>, vector<16xf32>,
        tpu.vector_store %arg20[%swap3A_533, %swap3A_534], %mul3A_530 {strides = array<i32>} : memref<128x64xf32, #tpu.memory_space<vmem>>, vector<16xf32>,
        %add3A_536 = arith.constant 3 : i32
        %add3A_537 = arith.addi %mul3A_449, %add3A_536 : i32
        %get3A_538 = arith.index_cast %add3A_537 : i32 to index
        %get3A_539 = arith.constant 32 : index
        %get3A_540 = tpu.vector_load %arg16[%get3A_538, %get3A_539] {strides = array<i32>} : memref<128x64xbf16, #tpu.memory_space<vmem>>, vector<32xbf16>,
        %slice3A_541 = vector.extract_strided_slice %get3A_447 {offsets = [1], sizes = [1], strides = [1]} : vector<16xf32> to vector<1xf32>
        %squeeze3A_542 = vector.extract %slice3A_541[0] : f32 from vector<1xf32>
        %unpack3A_543 = tpu.unpack_subelements %get3A_469, 0 {pack_format = #tpu.pack_format<interleaved>} : vector<32xbf16> -> vector<16xf32>
        %unpack3A_544 = tpu.unpack_subelements %get3A_469, 1 {pack_format = #tpu.pack_format<interleaved>} : vector<32xbf16> -> vector<16xf32>
        %mul3A_545 = vector.broadcast %squeeze3A_542 : f32 to vector<16xf32>
        %mul3A_546 = arith.mulf %unpack3A_543, %mul3A_545 : vector<16xf32>
        %add3A_547 = arith.constant 1 : i32
        %add3A_548 = arith.addi %mul3A_449, %add3A_547 : i32
        %swap3A_549 = arith.index_cast %add3A_548 : i32 to index
        %swap3A_550 = arith.constant 32 : index
        %swap3A_551 = tpu.vector_load %arg20[%swap3A_549, %swap3A_550] {strides = array<i32>} : memref<128x64xf32, #tpu.memory_space<vmem>>, vector<16xf32>,
        tpu.vector_store %arg20[%swap3A_549, %swap3A_550], %mul3A_546 {strides = array<i32>} : memref<128x64xf32, #tpu.memory_space<vmem>>, vector<16xf32>,
        %mul3A_552 = vector.broadcast %squeeze3A_542 : f32 to vector<16xf32>
        %mul3A_553 = arith.mulf %unpack3A_544, %mul3A_552 : vector<16xf32>
        %add3A_554 = arith.constant 1 : i32
        %add3A_555 = arith.addi %mul3A_449, %add3A_554 : i32
        %swap3A_556 = arith.index_cast %add3A_555 : i32 to index
        %swap3A_557 = arith.constant 48 : index
        %swap3A_558 = tpu.vector_load %arg20[%swap3A_556, %swap3A_557] {strides = array<i32>} : memref<128x64xf32, #tpu.memory_space<vmem>>, vector<16xf32>,
        tpu.vector_store %arg20[%swap3A_556, %swap3A_557], %mul3A_553 {strides = array<i32>} : memref<128x64xf32, #tpu.memory_space<vmem>>, vector<16xf32>,
        %add3A_559 = arith.constant 4 : i32
        %add3A_560 = arith.addi %mul3A_449, %add3A_559 : i32
        %get3A_561 = arith.index_cast %add3A_560 : i32 to index
        %get3A_562 = arith.constant 0 : index
        %get3A_563 = tpu.vector_load %arg16[%get3A_561, %get3A_562] {strides = array<i32>} : memref<128x64xbf16, #tpu.memory_space<vmem>>, vector<32xbf16>,
        %slice3A_564 = vector.extract_strided_slice %get3A_447 {offsets = [2], sizes = [1], strides = [1]} : vector<16xf32> to vector<1xf32>
        %squeeze3A_565 = vector.extract %slice3A_564[0] : f32 from vector<1xf32>
        %unpack3A_566 = tpu.unpack_subelements %get3A_474, 0 {pack_format = #tpu.pack_format<interleaved>} : vector<32xbf16> -> vector<16xf32>
        %unpack3A_567 = tpu.unpack_subelements %get3A_474, 1 {pack_format = #tpu.pack_format<interleaved>} : vector<32xbf16> -> vector<16xf32>
        %mul3A_568 = vector.broadcast %squeeze3A_565 : f32 to vector<16xf32>
        %mul3A_569 = arith.mulf %unpack3A_566, %mul3A_568 : vector<16xf32>
        %add3A_570 = arith.constant 2 : i32
        %add3A_571 = arith.addi %mul3A_449, %add3A_570 : i32
        %swap3A_572 = arith.index_cast %add3A_571 : i32 to index
        %swap3A_573 = arith.constant 0 : index
        %swap3A_574 = tpu.vector_load %arg20[%swap3A_572, %swap3A_573] {strides = array<i32>} : memref<128x64xf32, #tpu.memory_space<vmem>>, vector<16xf32>,
        tpu.vector_store %arg20[%swap3A_572, %swap3A_573], %mul3A_569 {strides = array<i32>} : memref<128x64xf32, #tpu.memory_space<vmem>>, vector<16xf32>,
        %mul3A_575 = vector.broadcast %squeeze3A_565 : f32 to vector<16xf32>
        %mul3A_576 = arith.mulf %unpack3A_567, %mul3A_575 : vector<16xf32>
        %add3A_577 = arith.constant 2 : i32
        %add3A_578 = arith.addi %mul3A_449, %add3A_577 : i32
        %swap3A_579 = arith.index_cast %add3A_578 : i32 to index
        %swap3A_580 = arith.constant 16 : index
        %swap3A_581 = tpu.vector_load %arg20[%swap3A_579, %swap3A_580] {strides = array<i32>} : memref<128x64xf32, #tpu.memory_space<vmem>>, vector<16xf32>,
        tpu.vector_store %arg20[%swap3A_579, %swap3A_580], %mul3A_576 {strides = array<i32>} : memref<128x64xf32, #tpu.memory_space<vmem>>, vector<16xf32>,
        %add3A_582 = arith.constant 4 : i32
        %add3A_583 = arith.addi %mul3A_449, %add3A_582 : i32
        %get3A_584 = arith.index_cast %add3A_583 : i32 to index
        %get3A_585 = arith.constant 32 : index
        %get3A_586 = tpu.vector_load %arg16[%get3A_584, %get3A_585] {strides = array<i32>} : memref<128x64xbf16, #tpu.memory_space<vmem>>, vector<32xbf16>,
        %slice3A_587 = vector.extract_strided_slice %get3A_447 {offsets = [2], sizes = [1], strides = [1]} : vector<16xf32> to vector<1xf32>
        %squeeze3A_588 = vector.extract %slice3A_587[0] : f32 from vector<1xf32>
        %unpack3A_589 = tpu.unpack_subelements %get3A_494, 0 {pack_format = #tpu.pack_format<interleaved>} : vector<32xbf16> -> vector<16xf32>
        %unpack3A_590 = tpu.unpack_subelements %get3A_494, 1 {pack_format = #tpu.pack_format<interleaved>} : vector<32xbf16> -> vector<16xf32>
        %mul3A_591 = vector.broadcast %squeeze3A_588 : f32 to vector<16xf32>
        %mul3A_592 = arith.mulf %unpack3A_589, %mul3A_591 : vector<16xf32>
        %add3A_593 = arith.constant 2 : i32
        %add3A_594 = arith.addi %mul3A_449, %add3A_593 : i32
        %swap3A_595 = arith.index_cast %add3A_594 : i32 to index
        %swap3A_596 = arith.constant 32 : index
        %swap3A_597 = tpu.vector_load %arg20[%swap3A_595, %swap3A_596] {strides = array<i32>} : memref<128x64xf32, #tpu.memory_space<vmem>>, vector<16xf32>,
        tpu.vector_store %arg20[%swap3A_595, %swap3A_596], %mul3A_592 {strides = array<i32>} : memref<128x64xf32, #tpu.memory_space<vmem>>, vector<16xf32>,
        %mul3A_598 = vector.broadcast %squeeze3A_588 : f32 to vector<16xf32>
        %mul3A_599 = arith.mulf %unpack3A_590, %mul3A_598 : vector<16xf32>
        %add3A_600 = arith.constant 2 : i32
        %add3A_601 = arith.addi %mul3A_449, %add3A_600 : i32
        %swap3A_602 = arith.index_cast %add3A_601 : i32 to index
        %swap3A_603 = arith.constant 48 : index
        %swap3A_604 = tpu.vector_load %arg20[%swap3A_602, %swap3A_603] {strides = array<i32>} : memref<128x64xf32, #tpu.memory_space<vmem>>, vector<16xf32>,
        tpu.vector_store %arg20[%swap3A_602, %swap3A_603], %mul3A_599 {strides = array<i32>} : memref<128x64xf32, #tpu.memory_space<vmem>>, vector<16xf32>,
        %add3A_605 = arith.constant 5 : i32
        %add3A_606 = arith.addi %mul3A_449, %add3A_605 : i32
        %get3A_607 = arith.index_cast %add3A_606 : i32 to index
        %get3A_608 = arith.constant 0 : index
        %get3A_609 = tpu.vector_load %arg16[%get3A_607, %get3A_608] {strides = array<i32>} : memref<128x64xbf16, #tpu.memory_space<vmem>>, vector<32xbf16>,
        %slice3A_610 = vector.extract_strided_slice %get3A_447 {offsets = [3], sizes = [1], strides = [1]} : vector<16xf32> to vector<1xf32>
        %squeeze3A_611 = vector.extract %slice3A_610[0] : f32 from vector<1xf32>
        %unpack3A_612 = tpu.unpack_subelements %get3A_517, 0 {pack_format = #tpu.pack_format<interleaved>} : vector<32xbf16> -> vector<16xf32>
        %unpack3A_613 = tpu.unpack_subelements %get3A_517, 1 {pack_format = #tpu.pack_format<interleaved>} : vector<32xbf16> -> vector<16xf32>
        %mul3A_614 = vector.broadcast %squeeze3A_611 : f32 to vector<16xf32>
        %mul3A_615 = arith.mulf %unpack3A_612, %mul3A_614 : vector<16xf32>
        %add3A_616 = arith.constant 3 : i32
        %add3A_617 = arith.addi %mul3A_449, %add3A_616 : i32
        %swap3A_618 = arith.index_cast %add3A_617 : i32 to index
        %swap3A_619 = arith.constant 0 : index
        %swap3A_620 = tpu.vector_load %arg20[%swap3A_618, %swap3A_619] {strides = array<i32>} : memref<128x64xf32, #tpu.memory_space<vmem>>, vector<16xf32>,
        tpu.vector_store %arg20[%swap3A_618, %swap3A_619], %mul3A_615 {strides = array<i32>} : memref<128x64xf32, #tpu.memory_space<vmem>>, vector<16xf32>,
        %mul3A_621 = vector.broadcast %squeeze3A_611 : f32 to vector<16xf32>
        %mul3A_622 = arith.mulf %unpack3A_613, %mul3A_621 : vector<16xf32>
        %add3A_623 = arith.constant 3 : i32
        %add3A_624 = arith.addi %mul3A_449, %add3A_623 : i32
        %swap3A_625 = arith.index_cast %add3A_624 : i32 to index
        %swap3A_626 = arith.constant 16 : index
        %swap3A_627 = tpu.vector_load %arg20[%swap3A_625, %swap3A_626] {strides = array<i32>} : memref<128x64xf32, #tpu.memory_space<vmem>>, vector<16xf32>,
        tpu.vector_store %arg20[%swap3A_625, %swap3A_626], %mul3A_622 {strides = array<i32>} : memref<128x64xf32, #tpu.memory_space<vmem>>, vector<16xf32>,
        %add3A_628 = arith.constant 5 : i32
        %add3A_629 = arith.addi %mul3A_449, %add3A_628 : i32
        %get3A_630 = arith.index_cast %add3A_629 : i32 to index
        %get3A_631 = arith.constant 32 : index
        %get3A_632 = tpu.vector_load %arg16[%get3A_630, %get3A_631] {strides = array<i32>} : memref<128x64xbf16, #tpu.memory_space<vmem>>, vector<32xbf16>,
        %slice3A_633 = vector.extract_strided_slice %get3A_447 {offsets = [3], sizes = [1], strides = [1]} : vector<16xf32> to vector<1xf32>
        %squeeze3A_634 = vector.extract %slice3A_633[0] : f32 from vector<1xf32>
        %unpack3A_635 = tpu.unpack_subelements %get3A_540, 0 {pack_format = #tpu.pack_format<interleaved>} : vector<32xbf16> -> vector<16xf32>
        %unpack3A_636 = tpu.unpack_subelements %get3A_540, 1 {pack_format = #tpu.pack_format<interleaved>} : vector<32xbf16> -> vector<16xf32>
        %mul3A_637 = vector.broadcast %squeeze3A_634 : f32 to vector<16xf32>
        %mul3A_638 = arith.mulf %unpack3A_635, %mul3A_637 : vector<16xf32>
        %add3A_639 = arith.constant 3 : i32
        %add3A_640 = arith.addi %mul3A_449, %add3A_639 : i32
        %swap3A_641 = arith.index_cast %add3A_640 : i32 to index
        %swap3A_642 = arith.constant 32 : index
        %swap3A_643 = tpu.vector_load %arg20[%swap3A_641, %swap3A_642] {strides = array<i32>} : memref<128x64xf32, #tpu.memory_space<vmem>>, vector<16xf32>,
        tpu.vector_store %arg20[%swap3A_641, %swap3A_642], %mul3A_638 {strides = array<i32>} : memref<128x64xf32, #tpu.memory_space<vmem>>, vector<16xf32>,
        %mul3A_644 = vector.broadcast %squeeze3A_634 : f32 to vector<16xf32>
        %mul3A_645 = arith.mulf %unpack3A_636, %mul3A_644 : vector<16xf32>
        %add3A_646 = arith.constant 3 : i32
        %add3A_647 = arith.addi %mul3A_449, %add3A_646 : i32
        %swap3A_648 = arith.index_cast %add3A_647 : i32 to index
        %swap3A_649 = arith.constant 48 : index
        %swap3A_650 = tpu.vector_load %arg20[%swap3A_648, %swap3A_649] {strides = array<i32>} : memref<128x64xf32, #tpu.memory_space<vmem>>, vector<16xf32>,
        tpu.vector_store %arg20[%swap3A_648, %swap3A_649], %mul3A_645 {strides = array<i32>} : memref<128x64xf32, #tpu.memory_space<vmem>>, vector<16xf32>,
        %add3A_651 = arith.constant 6 : i32
        %add3A_652 = arith.addi %mul3A_449, %add3A_651 : i32
        %get3A_653 = arith.index_cast %add3A_652 : i32 to index
        %get3A_654 = arith.constant 0 : index
        %get3A_655 = tpu.vector_load %arg16[%get3A_653, %get3A_654] {strides = array<i32>} : memref<128x64xbf16, #tpu.memory_space<vmem>>, vector<32xbf16>,
        %slice3A_656 = vector.extract_strided_slice %get3A_447 {offsets = [4], sizes = [1], strides = [1]} : vector<16xf32> to vector<1xf32>
        %squeeze3A_657 = vector.extract %slice3A_656[0] : f32 from vector<1xf32>
        %unpack3A_658 = tpu.unpack_subelements %get3A_563, 0 {pack_format = #tpu.pack_format<interleaved>} : vector<32xbf16> -> vector<16xf32>
        %unpack3A_659 = tpu.unpack_subelements %get3A_563, 1 {pack_format = #tpu.pack_format<interleaved>} : vector<32xbf16> -> vector<16xf32>
        %mul3A_660 = vector.broadcast %squeeze3A_657 : f32 to vector<16xf32>
        %mul3A_661 = arith.mulf %unpack3A_658, %mul3A_660 : vector<16xf32>
        %add3A_662 = arith.constant 4 : i32
        %add3A_663 = arith.addi %mul3A_449, %add3A_662 : i32
        %swap3A_664 = arith.index_cast %add3A_663 : i32 to index
        %swap3A_665 = arith.constant 0 : index
        %swap3A_666 = tpu.vector_load %arg20[%swap3A_664, %swap3A_665] {strides = array<i32>} : memref<128x64xf32, #tpu.memory_space<vmem>>, vector<16xf32>,
        tpu.vector_store %arg20[%swap3A_664, %swap3A_665], %mul3A_661 {strides = array<i32>} : memref<128x64xf32, #tpu.memory_space<vmem>>, vector<16xf32>,
        %mul3A_667 = vector.broadcast %squeeze3A_657 : f32 to vector<16xf32>
        %mul3A_668 = arith.mulf %unpack3A_659, %mul3A_667 : vector<16xf32>
        %add3A_669 = arith.constant 4 : i32
        %add3A_670 = arith.addi %mul3A_449, %add3A_669 : i32
        %swap3A_671 = arith.index_cast %add3A_670 : i32 to index
        %swap3A_672 = arith.constant 16 : index
        %swap3A_673 = tpu.vector_load %arg20[%swap3A_671, %swap3A_672] {strides = array<i32>} : memref<128x64xf32, #tpu.memory_space<vmem>>, vector<16xf32>,
        tpu.vector_store %arg20[%swap3A_671, %swap3A_672], %mul3A_668 {strides = array<i32>} : memref<128x64xf32, #tpu.memory_space<vmem>>, vector<16xf32>,
        %add3A_674 = arith.constant 6 : i32
        %add3A_675 = arith.addi %mul3A_449, %add3A_674 : i32
        %get3A_676 = arith.index_cast %add3A_675 : i32 to index
        %get3A_677 = arith.constant 32 : index
        %get3A_678 = tpu.vector_load %arg16[%get3A_676, %get3A_677] {strides = array<i32>} : memref<128x64xbf16, #tpu.memory_space<vmem>>, vector<32xbf16>,
        %slice3A_679 = vector.extract_strided_slice %get3A_447 {offsets = [4], sizes = [1], strides = [1]} : vector<16xf32> to vector<1xf32>
        %squeeze3A_680 = vector.extract %slice3A_679[0] : f32 from vector<1xf32>
        %unpack3A_681 = tpu.unpack_subelements %get3A_586, 0 {pack_format = #tpu.pack_format<interleaved>} : vector<32xbf16> -> vector<16xf32>
        %unpack3A_682 = tpu.unpack_subelements %get3A_586, 1 {pack_format = #tpu.pack_format<interleaved>} : vector<32xbf16> -> vector<16xf32>
        %mul3A_683 = vector.broadcast %squeeze3A_680 : f32 to vector<16xf32>
        %mul3A_684 = arith.mulf %unpack3A_681, %mul3A_683 : vector<16xf32>
        %add3A_685 = arith.constant 4 : i32
        %add3A_686 = arith.addi %mul3A_449, %add3A_685 : i32
        %swap3A_687 = arith.index_cast %add3A_686 : i32 to index
        %swap3A_688 = arith.constant 32 : index
        %swap3A_689 = tpu.vector_load %arg20[%swap3A_687, %swap3A_688] {strides = array<i32>} : memref<128x64xf32, #tpu.memory_space<vmem>>, vector<16xf32>,
        tpu.vector_store %arg20[%swap3A_687, %swap3A_688], %mul3A_684 {strides = array<i32>} : memref<128x64xf32, #tpu.memory_space<vmem>>, vector<16xf32>,
        %mul3A_690 = vector.broadcast %squeeze3A_680 : f32 to vector<16xf32>
        %mul3A_691 = arith.mulf %unpack3A_682, %mul3A_690 : vector<16xf32>
        %add3A_692 = arith.constant 4 : i32
        %add3A_693 = arith.addi %mul3A_449, %add3A_692 : i32
        %swap3A_694 = arith.index_cast %add3A_693 : i32 to index
        %swap3A_695 = arith.constant 48 : index
        %swap3A_696 = tpu.vector_load %arg20[%swap3A_694, %swap3A_695] {strides = array<i32>} : memref<128x64xf32, #tpu.memory_space<vmem>>, vector<16xf32>,
        tpu.vector_store %arg20[%swap3A_694, %swap3A_695], %mul3A_691 {strides = array<i32>} : memref<128x64xf32, #tpu.memory_space<vmem>>, vector<16xf32>,
        %add3A_697 = arith.constant 7 : i32
        %add3A_698 = arith.addi %mul3A_449, %add3A_697 : i32
        %get3A_699 = arith.index_cast %add3A_698 : i32 to index
        %get3A_700 = arith.constant 0 : index
        %get3A_701 = tpu.vector_load %arg16[%get3A_699, %get3A_700] {strides = array<i32>} : memref<128x64xbf16, #tpu.memory_space<vmem>>, vector<32xbf16>,
        %slice3A_702 = vector.extract_strided_slice %get3A_447 {offsets = [5], sizes = [1], strides = [1]} : vector<16xf32> to vector<1xf32>
        %squeeze3A_703 = vector.extract %slice3A_702[0] : f32 from vector<1xf32>
        %unpack3A_704 = tpu.unpack_subelements %get3A_609, 0 {pack_format = #tpu.pack_format<interleaved>} : vector<32xbf16> -> vector<16xf32>
        %unpack3A_705 = tpu.unpack_subelements %get3A_609, 1 {pack_format = #tpu.pack_format<interleaved>} : vector<32xbf16> -> vector<16xf32>
        %mul3A_706 = vector.broadcast %squeeze3A_703 : f32 to vector<16xf32>
        %mul3A_707 = arith.mulf %unpack3A_704, %mul3A_706 : vector<16xf32>
        %add3A_708 = arith.constant 5 : i32
        %add3A_709 = arith.addi %mul3A_449, %add3A_708 : i32
        %swap3A_710 = arith.index_cast %add3A_709 : i32 to index
        %swap3A_711 = arith.constant 0 : index
        %swap3A_712 = tpu.vector_load %arg20[%swap3A_710, %swap3A_711] {strides = array<i32>} : memref<128x64xf32, #tpu.memory_space<vmem>>, vector<16xf32>,
        tpu.vector_store %arg20[%swap3A_710, %swap3A_711], %mul3A_707 {strides = array<i32>} : memref<128x64xf32, #tpu.memory_space<vmem>>, vector<16xf32>,
        %mul3A_713 = vector.broadcast %squeeze3A_703 : f32 to vector<16xf32>
        %mul3A_714 = arith.mulf %unpack3A_705, %mul3A_713 : vector<16xf32>
        %add3A_715 = arith.constant 5 : i32
        %add3A_716 = arith.addi %mul3A_449, %add3A_715 : i32
        %swap3A_717 = arith.index_cast %add3A_716 : i32 to index
        %swap3A_718 = arith.constant 16 : index
        %swap3A_719 = tpu.vector_load %arg20[%swap3A_717, %swap3A_718] {strides = array<i32>} : memref<128x64xf32, #tpu.memory_space<vmem>>, vector<16xf32>,
        tpu.vector_store %arg20[%swap3A_717, %swap3A_718], %mul3A_714 {strides = array<i32>} : memref<128x64xf32, #tpu.memory_space<vmem>>, vector<16xf32>,
        %add3A_720 = arith.constant 7 : i32
        %add3A_721 = arith.addi %mul3A_449, %add3A_720 : i32
        %get3A_722 = arith.index_cast %add3A_721 : i32 to index
        %get3A_723 = arith.constant 32 : index
        %get3A_724 = tpu.vector_load %arg16[%get3A_722, %get3A_723] {strides = array<i32>} : memref<128x64xbf16, #tpu.memory_space<vmem>>, vector<32xbf16>,
        %slice3A_725 = vector.extract_strided_slice %get3A_447 {offsets = [5], sizes = [1], strides = [1]} : vector<16xf32> to vector<1xf32>
        %squeeze3A_726 = vector.extract %slice3A_725[0] : f32 from vector<1xf32>
        %unpack3A_727 = tpu.unpack_subelements %get3A_632, 0 {pack_format = #tpu.pack_format<interleaved>} : vector<32xbf16> -> vector<16xf32>
        %unpack3A_728 = tpu.unpack_subelements %get3A_632, 1 {pack_format = #tpu.pack_format<interleaved>} : vector<32xbf16> -> vector<16xf32>
        %mul3A_729 = vector.broadcast %squeeze3A_726 : f32 to vector<16xf32>
        %mul3A_730 = arith.mulf %unpack3A_727, %mul3A_729 : vector<16xf32>
        %add3A_731 = arith.constant 5 : i32
        %add3A_732 = arith.addi %mul3A_449, %add3A_731 : i32
        %swap3A_733 = arith.index_cast %add3A_732 : i32 to index
        %swap3A_734 = arith.constant 32 : index
        %swap3A_735 = tpu.vector_load %arg20[%swap3A_733, %swap3A_734] {strides = array<i32>} : memref<128x64xf32, #tpu.memory_space<vmem>>, vector<16xf32>,
        tpu.vector_store %arg20[%swap3A_733, %swap3A_734], %mul3A_730 {strides = array<i32>} : memref<128x64xf32, #tpu.memory_space<vmem>>, vector<16xf32>,
        %mul3A_736 = vector.broadcast %squeeze3A_726 : f32 to vector<16xf32>
        %mul3A_737 = arith.mulf %unpack3A_728, %mul3A_736 : vector<16xf32>
        %add3A_738 = arith.constant 5 : i32
        %add3A_739 = arith.addi %mul3A_449, %add3A_738 : i32
        %swap3A_740 = arith.index_cast %add3A_739 : i32 to index
        %swap3A_741 = arith.constant 48 : index
        %swap3A_742 = tpu.vector_load %arg20[%swap3A_740, %swap3A_741] {strides = array<i32>} : memref<128x64xf32, #tpu.memory_space<vmem>>, vector<16xf32>,
        tpu.vector_store %arg20[%swap3A_740, %swap3A_741], %mul3A_737 {strides = array<i32>} : memref<128x64xf32, #tpu.memory_space<vmem>>, vector<16xf32>,
        %add3A_743 = arith.constant 8 : i32
        %add3A_744 = arith.addi %mul3A_449, %add3A_743 : i32
        %get3A_745 = arith.index_cast %add3A_744 : i32 to index
        %get3A_746 = arith.constant 0 : index
        %get3A_747 = tpu.vector_load %arg16[%get3A_745, %get3A_746] {strides = array<i32>} : memref<128x64xbf16, #tpu.memory_space<vmem>>, vector<32xbf16>,
        %slice3A_748 = vector.extract_strided_slice %get3A_447 {offsets = [6], sizes = [1], strides = [1]} : vector<16xf32> to vector<1xf32>
        %squeeze3A_749 = vector.extract %slice3A_748[0] : f32 from vector<1xf32>
        %unpack3A_750 = tpu.unpack_subelements %get3A_655, 0 {pack_format = #tpu.pack_format<interleaved>} : vector<32xbf16> -> vector<16xf32>
        %unpack3A_751 = tpu.unpack_subelements %get3A_655, 1 {pack_format = #tpu.pack_format<interleaved>} : vector<32xbf16> -> vector<16xf32>
        %mul3A_752 = vector.broadcast %squeeze3A_749 : f32 to vector<16xf32>
        %mul3A_753 = arith.mulf %unpack3A_750, %mul3A_752 : vector<16xf32>
        %add3A_754 = arith.constant 6 : i32
        %add3A_755 = arith.addi %mul3A_449, %add3A_754 : i32
        %swap3A_756 = arith.index_cast %add3A_755 : i32 to index
        %swap3A_757 = arith.constant 0 : index
        %swap3A_758 = tpu.vector_load %arg20[%swap3A_756, %swap3A_757] {strides = array<i32>} : memref<128x64xf32, #tpu.memory_space<vmem>>, vector<16xf32>,
        tpu.vector_store %arg20[%swap3A_756, %swap3A_757], %mul3A_753 {strides = array<i32>} : memref<128x64xf32, #tpu.memory_space<vmem>>, vector<16xf32>,
        %mul3A_759 = vector.broadcast %squeeze3A_749 : f32 to vector<16xf32>
        %mul3A_760 = arith.mulf %unpack3A_751, %mul3A_759 : vector<16xf32>
        %add3A_761 = arith.constant 6 : i32
        %add3A_762 = arith.addi %mul3A_449, %add3A_761 : i32
        %swap3A_763 = arith.index_cast %add3A_762 : i32 to index
        %swap3A_764 = arith.constant 16 : index
        %swap3A_765 = tpu.vector_load %arg20[%swap3A_763, %swap3A_764] {strides = array<i32>} : memref<128x64xf32, #tpu.memory_space<vmem>>, vector<16xf32>,
        tpu.vector_store %arg20[%swap3A_763, %swap3A_764], %mul3A_760 {strides = array<i32>} : memref<128x64xf32, #tpu.memory_space<vmem>>, vector<16xf32>,
        %add3A_766 = arith.constant 8 : i32
        %add3A_767 = arith.addi %mul3A_449, %add3A_766 : i32
        %get3A_768 = arith.index_cast %add3A_767 : i32 to index
        %get3A_769 = arith.constant 32 : index
        %get3A_770 = tpu.vector_load %arg16[%get3A_768, %get3A_769] {strides = array<i32>} : memref<128x64xbf16, #tpu.memory_space<vmem>>, vector<32xbf16>,
        %slice3A_771 = vector.extract_strided_slice %get3A_447 {offsets = [6], sizes = [1], strides = [1]} : vector<16xf32> to vector<1xf32>
        %squeeze3A_772 = vector.extract %slice3A_771[0] : f32 from vector<1xf32>
        %unpack3A_773 = tpu.unpack_subelements %get3A_678, 0 {pack_format = #tpu.pack_format<interleaved>} : vector<32xbf16> -> vector<16xf32>
        %unpack3A_774 = tpu.unpack_subelements %get3A_678, 1 {pack_format = #tpu.pack_format<interleaved>} : vector<32xbf16> -> vector<16xf32>
        %mul3A_775 = vector.broadcast %squeeze3A_772 : f32 to vector<16xf32>
        %mul3A_776 = arith.mulf %unpack3A_773, %mul3A_775 : vector<16xf32>
        %add3A_777 = arith.constant 6 : i32
        %add3A_778 = arith.addi %mul3A_449, %add3A_777 : i32
        %swap3A_779 = arith.index_cast %add3A_778 : i32 to index
        %swap3A_780 = arith.constant 32 : index
        %swap3A_781 = tpu.vector_load %arg20[%swap3A_779, %swap3A_780] {strides = array<i32>} : memref<128x64xf32, #tpu.memory_space<vmem>>, vector<16xf32>,
        tpu.vector_store %arg20[%swap3A_779, %swap3A_780], %mul3A_776 {strides = array<i32>} : memref<128x64xf32, #tpu.memory_space<vmem>>, vector<16xf32>,
        %mul3A_782 = vector.broadcast %squeeze3A_772 : f32 to vector<16xf32>
        %mul3A_783 = arith.mulf %unpack3A_774, %mul3A_782 : vector<16xf32>
        %add3A_784 = arith.constant 6 : i32
        %add3A_785 = arith.addi %mul3A_449, %add3A_784 : i32
        %swap3A_786 = arith.index_cast %add3A_785 : i32 to index
        %swap3A_787 = arith.constant 48 : index
        %swap3A_788 = tpu.vector_load %arg20[%swap3A_786, %swap3A_787] {strides = array<i32>} : memref<128x64xf32, #tpu.memory_space<vmem>>, vector<16xf32>,
        tpu.vector_store %arg20[%swap3A_786, %swap3A_787], %mul3A_783 {strides = array<i32>} : memref<128x64xf32, #tpu.memory_space<vmem>>, vector<16xf32>,
        %add3A_789 = arith.constant 9 : i32
        %add3A_790 = arith.addi %mul3A_449, %add3A_789 : i32
        %get3A_791 = arith.index_cast %add3A_790 : i32 to index
        %get3A_792 = arith.constant 0 : index
        %get3A_793 = tpu.vector_load %arg16[%get3A_791, %get3A_792] {strides = array<i32>} : memref<128x64xbf16, #tpu.memory_space<vmem>>, vector<32xbf16>,
        %slice3A_794 = vector.extract_strided_slice %get3A_447 {offsets = [7], sizes = [1], strides = [1]} : vector<16xf32> to vector<1xf32>
        %squeeze3A_795 = vector.extract %slice3A_794[0] : f32 from vector<1xf32>
        %unpack3A_796 = tpu.unpack_subelements %get3A_701, 0 {pack_format = #tpu.pack_format<interleaved>} : vector<32xbf16> -> vector<16xf32>
        %unpack3A_797 = tpu.unpack_subelements %get3A_701, 1 {pack_format = #tpu.pack_format<interleaved>} : vector<32xbf16> -> vector<16xf32>
        %mul3A_798 = vector.broadcast %squeeze3A_795 : f32 to vector<16xf32>
        %mul3A_799 = arith.mulf %unpack3A_796, %mul3A_798 : vector<16xf32>
        %add3A_800 = arith.constant 7 : i32
        %add3A_801 = arith.addi %mul3A_449, %add3A_800 : i32
        %swap3A_802 = arith.index_cast %add3A_801 : i32 to index
        %swap3A_803 = arith.constant 0 : index
        %swap3A_804 = tpu.vector_load %arg20[%swap3A_802, %swap3A_803] {strides = array<i32>} : memref<128x64xf32, #tpu.memory_space<vmem>>, vector<16xf32>,
        tpu.vector_store %arg20[%swap3A_802, %swap3A_803], %mul3A_799 {strides = array<i32>} : memref<128x64xf32, #tpu.memory_space<vmem>>, vector<16xf32>,
        %mul3A_805 = vector.broadcast %squeeze3A_795 : f32 to vector<16xf32>
        %mul3A_806 = arith.mulf %unpack3A_797, %mul3A_805 : vector<16xf32>
        %add3A_807 = arith.constant 7 : i32
        %add3A_808 = arith.addi %mul3A_449, %add3A_807 : i32
        %swap3A_809 = arith.index_cast %add3A_808 : i32 to index
        %swap3A_810 = arith.constant 16 : index
        %swap3A_811 = tpu.vector_load %arg20[%swap3A_809, %swap3A_810] {strides = array<i32>} : memref<128x64xf32, #tpu.memory_space<vmem>>, vector<16xf32>,
        tpu.vector_store %arg20[%swap3A_809, %swap3A_810], %mul3A_806 {strides = array<i32>} : memref<128x64xf32, #tpu.memory_space<vmem>>, vector<16xf32>,
        %add3A_812 = arith.constant 9 : i32
        %add3A_813 = arith.addi %mul3A_449, %add3A_812 : i32
        %get3A_814 = arith.index_cast %add3A_813 : i32 to index
        %get3A_815 = arith.constant 32 : index
        %get3A_816 = tpu.vector_load %arg16[%get3A_814, %get3A_815] {strides = array<i32>} : memref<128x64xbf16, #tpu.memory_space<vmem>>, vector<32xbf16>,
        %slice3A_817 = vector.extract_strided_slice %get3A_447 {offsets = [7], sizes = [1], strides = [1]} : vector<16xf32> to vector<1xf32>
        %squeeze3A_818 = vector.extract %slice3A_817[0] : f32 from vector<1xf32>
        %unpack3A_819 = tpu.unpack_subelements %get3A_724, 0 {pack_format = #tpu.pack_format<interleaved>} : vector<32xbf16> -> vector<16xf32>
        %unpack3A_820 = tpu.unpack_subelements %get3A_724, 1 {pack_format = #tpu.pack_format<interleaved>} : vector<32xbf16> -> vector<16xf32>
        %mul3A_821 = vector.broadcast %squeeze3A_818 : f32 to vector<16xf32>
        %mul3A_822 = arith.mulf %unpack3A_819, %mul3A_821 : vector<16xf32>
        %add3A_823 = arith.constant 7 : i32
        %add3A_824 = arith.addi %mul3A_449, %add3A_823 : i32
        %swap3A_825 = arith.index_cast %add3A_824 : i32 to index
        %swap3A_826 = arith.constant 32 : index
        %swap3A_827 = tpu.vector_load %arg20[%swap3A_825, %swap3A_826] {strides = array<i32>} : memref<128x64xf32, #tpu.memory_space<vmem>>, vector<16xf32>,
        tpu.vector_store %arg20[%swap3A_825, %swap3A_826], %mul3A_822 {strides = array<i32>} : memref<128x64xf32, #tpu.memory_space<vmem>>, vector<16xf32>,
        %mul3A_828 = vector.broadcast %squeeze3A_818 : f32 to vector<16xf32>
        %mul3A_829 = arith.mulf %unpack3A_820, %mul3A_828 : vector<16xf32>
        %add3A_830 = arith.constant 7 : i32
        %add3A_831 = arith.addi %mul3A_449, %add3A_830 : i32
        %swap3A_832 = arith.index_cast %add3A_831 : i32 to index
        %swap3A_833 = arith.constant 48 : index
        %swap3A_834 = tpu.vector_load %arg20[%swap3A_832, %swap3A_833] {strides = array<i32>} : memref<128x64xf32, #tpu.memory_space<vmem>>, vector<16xf32>,
        tpu.vector_store %arg20[%swap3A_832, %swap3A_833], %mul3A_829 {strides = array<i32>} : memref<128x64xf32, #tpu.memory_space<vmem>>, vector<16xf32>,
        %add3A_835 = arith.constant 10 : i32
        %add3A_836 = arith.addi %mul3A_449, %add3A_835 : i32
        %get3A_837 = arith.index_cast %add3A_836 : i32 to index
        %get3A_838 = arith.constant 0 : index
        %get3A_839 = tpu.vector_load %arg16[%get3A_837, %get3A_838] {strides = array<i32>} : memref<128x64xbf16, #tpu.memory_space<vmem>>, vector<32xbf16>,
        %slice3A_840 = vector.extract_strided_slice %get3A_447 {offsets = [8], sizes = [1], strides = [1]} : vector<16xf32> to vector<1xf32>
        %squeeze3A_841 = vector.extract %slice3A_840[0] : f32 from vector<1xf32>
        %unpack3A_842 = tpu.unpack_subelements %get3A_747, 0 {pack_format = #tpu.pack_format<interleaved>} : vector<32xbf16> -> vector<16xf32>
        %unpack3A_843 = tpu.unpack_subelements %get3A_747, 1 {pack_format = #tpu.pack_format<interleaved>} : vector<32xbf16> -> vector<16xf32>
        %mul3A_844 = vector.broadcast %squeeze3A_841 : f32 to vector<16xf32>
        %mul3A_845 = arith.mulf %unpack3A_842, %mul3A_844 : vector<16xf32>
        %add3A_846 = arith.constant 8 : i32
        %add3A_847 = arith.addi %mul3A_449, %add3A_846 : i32
        %swap3A_848 = arith.index_cast %add3A_847 : i32 to index
        %swap3A_849 = arith.constant 0 : index
        %swap3A_850 = tpu.vector_load %arg20[%swap3A_848, %swap3A_849] {strides = array<i32>} : memref<128x64xf32, #tpu.memory_space<vmem>>, vector<16xf32>,
        tpu.vector_store %arg20[%swap3A_848, %swap3A_849], %mul3A_845 {strides = array<i32>} : memref<128x64xf32, #tpu.memory_space<vmem>>, vector<16xf32>,
        %mul3A_851 = vector.broadcast %squeeze3A_841 : f32 to vector<16xf32>
        %mul3A_852 = arith.mulf %unpack3A_843, %mul3A_851 : vector<16xf32>
        %add3A_853 = arith.constant 8 : i32
        %add3A_854 = arith.addi %mul3A_449, %add3A_853 : i32
        %swap3A_855 = arith.index_cast %add3A_854 : i32 to index
        %swap3A_856 = arith.constant 16 : index
        %swap3A_857 = tpu.vector_load %arg20[%swap3A_855, %swap3A_856] {strides = array<i32>} : memref<128x64xf32, #tpu.memory_space<vmem>>, vector<16xf32>,
        tpu.vector_store %arg20[%swap3A_855, %swap3A_856], %mul3A_852 {strides = array<i32>} : memref<128x64xf32, #tpu.memory_space<vmem>>, vector<16xf32>,
        %add3A_858 = arith.constant 10 : i32
        %add3A_859 = arith.addi %mul3A_449, %add3A_858 : i32
        %get3A_860 = arith.index_cast %add3A_859 : i32 to index
        %get3A_861 = arith.constant 32 : index
        %get3A_862 = tpu.vector_load %arg16[%get3A_860, %get3A_861] {strides = array<i32>} : memref<128x64xbf16, #tpu.memory_space<vmem>>, vector<32xbf16>,
        %slice3A_863 = vector.extract_strided_slice %get3A_447 {offsets = [8], sizes = [1], strides = [1]} : vector<16xf32> to vector<1xf32>
        %squeeze3A_864 = vector.extract %slice3A_863[0] : f32 from vector<1xf32>
        %unpack3A_865 = tpu.unpack_subelements %get3A_770, 0 {pack_format = #tpu.pack_format<interleaved>} : vector<32xbf16> -> vector<16xf32>
        %unpack3A_866 = tpu.unpack_subelements %get3A_770, 1 {pack_format = #tpu.pack_format<interleaved>} : vector<32xbf16> -> vector<16xf32>
        %mul3A_867 = vector.broadcast %squeeze3A_864 : f32 to vector<16xf32>
        %mul3A_868 = arith.mulf %unpack3A_865, %mul3A_867 : vector<16xf32>
        %add3A_869 = arith.constant 8 : i32
        %add3A_870 = arith.addi %mul3A_449, %add3A_869 : i32
        %swap3A_871 = arith.index_cast %add3A_870 : i32 to index
        %swap3A_872 = arith.constant 32 : index
        %swap3A_873 = tpu.vector_load %arg20[%swap3A_871, %swap3A_872] {strides = array<i32>} : memref<128x64xf32, #tpu.memory_space<vmem>>, vector<16xf32>,
        tpu.vector_store %arg20[%swap3A_871, %swap3A_872], %mul3A_868 {strides = array<i32>} : memref<128x64xf32, #tpu.memory_space<vmem>>, vector<16xf32>,
        %mul3A_874 = vector.broadcast %squeeze3A_864 : f32 to vector<16xf32>
        %mul3A_875 = arith.mulf %unpack3A_866, %mul3A_874 : vector<16xf32>
        %add3A_876 = arith.constant 8 : i32
        %add3A_877 = arith.addi %mul3A_449, %add3A_876 : i32
        %swap3A_878 = arith.index_cast %add3A_877 : i32 to index
        %swap3A_879 = arith.constant 48 : index
        %swap3A_880 = tpu.vector_load %arg20[%swap3A_878, %swap3A_879] {strides = array<i32>} : memref<128x64xf32, #tpu.memory_space<vmem>>, vector<16xf32>,
        tpu.vector_store %arg20[%swap3A_878, %swap3A_879], %mul3A_875 {strides = array<i32>} : memref<128x64xf32, #tpu.memory_space<vmem>>, vector<16xf32>,
        %add3A_881 = arith.constant 11 : i32
        %add3A_882 = arith.addi %mul3A_449, %add3A_881 : i32
        %get3A_883 = arith.index_cast %add3A_882 : i32 to index
        %get3A_884 = arith.constant 0 : index
        %get3A_885 = tpu.vector_load %arg16[%get3A_883, %get3A_884] {strides = array<i32>} : memref<128x64xbf16, #tpu.memory_space<vmem>>, vector<32xbf16>,
        %slice3A_886 = vector.extract_strided_slice %get3A_447 {offsets = [9], sizes = [1], strides = [1]} : vector<16xf32> to vector<1xf32>
        %squeeze3A_887 = vector.extract %slice3A_886[0] : f32 from vector<1xf32>
        %unpack3A_888 = tpu.unpack_subelements %get3A_793, 0 {pack_format = #tpu.pack_format<interleaved>} : vector<32xbf16> -> vector<16xf32>
        %unpack3A_889 = tpu.unpack_subelements %get3A_793, 1 {pack_format = #tpu.pack_format<interleaved>} : vector<32xbf16> -> vector<16xf32>
        %mul3A_890 = vector.broadcast %squeeze3A_887 : f32 to vector<16xf32>
        %mul3A_891 = arith.mulf %unpack3A_888, %mul3A_890 : vector<16xf32>
        %add3A_892 = arith.constant 9 : i32
        %add3A_893 = arith.addi %mul3A_449, %add3A_892 : i32
        %swap3A_894 = arith.index_cast %add3A_893 : i32 to index
        %swap3A_895 = arith.constant 0 : index
        %swap3A_896 = tpu.vector_load %arg20[%swap3A_894, %swap3A_895] {strides = array<i32>} : memref<128x64xf32, #tpu.memory_space<vmem>>, vector<16xf32>,
        tpu.vector_store %arg20[%swap3A_894, %swap3A_895], %mul3A_891 {strides = array<i32>} : memref<128x64xf32, #tpu.memory_space<vmem>>, vector<16xf32>,
        %mul3A_897 = vector.broadcast %squeeze3A_887 : f32 to vector<16xf32>
        %mul3A_898 = arith.mulf %unpack3A_889, %mul3A_897 : vector<16xf32>
        %add3A_899 = arith.constant 9 : i32
        %add3A_900 = arith.addi %mul3A_449, %add3A_899 : i32
        %swap3A_901 = arith.index_cast %add3A_900 : i32 to index
        %swap3A_902 = arith.constant 16 : index
        %swap3A_903 = tpu.vector_load %arg20[%swap3A_901, %swap3A_902] {strides = array<i32>} : memref<128x64xf32, #tpu.memory_space<vmem>>, vector<16xf32>,
        tpu.vector_store %arg20[%swap3A_901, %swap3A_902], %mul3A_898 {strides = array<i32>} : memref<128x64xf32, #tpu.memory_space<vmem>>, vector<16xf32>,
        %add3A_904 = arith.constant 11 : i32
        %add3A_905 = arith.addi %mul3A_449, %add3A_904 : i32
        %get3A_906 = arith.index_cast %add3A_905 : i32 to index
        %get3A_907 = arith.constant 32 : index
        %get3A_908 = tpu.vector_load %arg16[%get3A_906, %get3A_907] {strides = array<i32>} : memref<128x64xbf16, #tpu.memory_space<vmem>>, vector<32xbf16>,
        %slice3A_909 = vector.extract_strided_slice %get3A_447 {offsets = [9], sizes = [1], strides = [1]} : vector<16xf32> to vector<1xf32>
        %squeeze3A_910 = vector.extract %slice3A_909[0] : f32 from vector<1xf32>
        %unpack3A_911 = tpu.unpack_subelements %get3A_816, 0 {pack_format = #tpu.pack_format<interleaved>} : vector<32xbf16> -> vector<16xf32>
        %unpack3A_912 = tpu.unpack_subelements %get3A_816, 1 {pack_format = #tpu.pack_format<interleaved>} : vector<32xbf16> -> vector<16xf32>
        %mul3A_913 = vector.broadcast %squeeze3A_910 : f32 to vector<16xf32>
        %mul3A_914 = arith.mulf %unpack3A_911, %mul3A_913 : vector<16xf32>
        %add3A_915 = arith.constant 9 : i32
        %add3A_916 = arith.addi %mul3A_449, %add3A_915 : i32
        %swap3A_917 = arith.index_cast %add3A_916 : i32 to index
        %swap3A_918 = arith.constant 32 : index
        %swap3A_919 = tpu.vector_load %arg20[%swap3A_917, %swap3A_918] {strides = array<i32>} : memref<128x64xf32, #tpu.memory_space<vmem>>, vector<16xf32>,
        tpu.vector_store %arg20[%swap3A_917, %swap3A_918], %mul3A_914 {strides = array<i32>} : memref<128x64xf32, #tpu.memory_space<vmem>>, vector<16xf32>,
        %mul3A_920 = vector.broadcast %squeeze3A_910 : f32 to vector<16xf32>
        %mul3A_921 = arith.mulf %unpack3A_912, %mul3A_920 : vector<16xf32>
        %add3A_922 = arith.constant 9 : i32
        %add3A_923 = arith.addi %mul3A_449, %add3A_922 : i32
        %swap3A_924 = arith.index_cast %add3A_923 : i32 to index
        %swap3A_925 = arith.constant 48 : index
        %swap3A_926 = tpu.vector_load %arg20[%swap3A_924, %swap3A_925] {strides = array<i32>} : memref<128x64xf32, #tpu.memory_space<vmem>>, vector<16xf32>,
        tpu.vector_store %arg20[%swap3A_924, %swap3A_925], %mul3A_921 {strides = array<i32>} : memref<128x64xf32, #tpu.memory_space<vmem>>, vector<16xf32>,
        %add3A_927 = arith.constant 12 : i32
        %add3A_928 = arith.addi %mul3A_449, %add3A_927 : i32
        %get3A_929 = arith.index_cast %add3A_928 : i32 to index
        %get3A_930 = arith.constant 0 : index
        %get3A_931 = tpu.vector_load %arg16[%get3A_929, %get3A_930] {strides = array<i32>} : memref<128x64xbf16, #tpu.memory_space<vmem>>, vector<32xbf16>,
        %slice3A_932 = vector.extract_strided_slice %get3A_447 {offsets = [10], sizes = [1], strides = [1]} : vector<16xf32> to vector<1xf32>
        %squeeze3A_933 = vector.extract %slice3A_932[0] : f32 from vector<1xf32>
        %unpack3A_934 = tpu.unpack_subelements %get3A_839, 0 {pack_format = #tpu.pack_format<interleaved>} : vector<32xbf16> -> vector<16xf32>
        %unpack3A_935 = tpu.unpack_subelements %get3A_839, 1 {pack_format = #tpu.pack_format<interleaved>} : vector<32xbf16> -> vector<16xf32>
        %mul3A_936 = vector.broadcast %squeeze3A_933 : f32 to vector<16xf32>
        %mul3A_937 = arith.mulf %unpack3A_934, %mul3A_936 : vector<16xf32>
        %add3A_938 = arith.constant 10 : i32
        %add3A_939 = arith.addi %mul3A_449, %add3A_938 : i32
        %swap3A_940 = arith.index_cast %add3A_939 : i32 to index
        %swap3A_941 = arith.constant 0 : index
        %swap3A_942 = tpu.vector_load %arg20[%swap3A_940, %swap3A_941] {strides = array<i32>} : memref<128x64xf32, #tpu.memory_space<vmem>>, vector<16xf32>,
        tpu.vector_store %arg20[%swap3A_940, %swap3A_941], %mul3A_937 {strides = array<i32>} : memref<128x64xf32, #tpu.memory_space<vmem>>, vector<16xf32>,
        %mul3A_943 = vector.broadcast %squeeze3A_933 : f32 to vector<16xf32>
        %mul3A_944 = arith.mulf %unpack3A_935, %mul3A_943 : vector<16xf32>
        %add3A_945 = arith.constant 10 : i32
        %add3A_946 = arith.addi %mul3A_449, %add3A_945 : i32
        %swap3A_947 = arith.index_cast %add3A_946 : i32 to index
        %swap3A_948 = arith.constant 16 : index
        %swap3A_949 = tpu.vector_load %arg20[%swap3A_947, %swap3A_948] {strides = array<i32>} : memref<128x64xf32, #tpu.memory_space<vmem>>, vector<16xf32>,
        tpu.vector_store %arg20[%swap3A_947, %swap3A_948], %mul3A_944 {strides = array<i32>} : memref<128x64xf32, #tpu.memory_space<vmem>>, vector<16xf32>,
        %add3A_950 = arith.constant 12 : i32
        %add3A_951 = arith.addi %mul3A_449, %add3A_950 : i32
        %get3A_952 = arith.index_cast %add3A_951 : i32 to index
        %get3A_953 = arith.constant 32 : index
        %get3A_954 = tpu.vector_load %arg16[%get3A_952, %get3A_953] {strides = array<i32>} : memref<128x64xbf16, #tpu.memory_space<vmem>>, vector<32xbf16>,
        %slice3A_955 = vector.extract_strided_slice %get3A_447 {offsets = [10], sizes = [1], strides = [1]} : vector<16xf32> to vector<1xf32>
        %squeeze3A_956 = vector.extract %slice3A_955[0] : f32 from vector<1xf32>
        %unpack3A_957 = tpu.unpack_subelements %get3A_862, 0 {pack_format = #tpu.pack_format<interleaved>} : vector<32xbf16> -> vector<16xf32>
        %unpack3A_958 = tpu.unpack_subelements %get3A_862, 1 {pack_format = #tpu.pack_format<interleaved>} : vector<32xbf16> -> vector<16xf32>
        %mul3A_959 = vector.broadcast %squeeze3A_956 : f32 to vector<16xf32>
        %mul3A_960 = arith.mulf %unpack3A_957, %mul3A_959 : vector<16xf32>
        %add3A_961 = arith.constant 10 : i32
        %add3A_962 = arith.addi %mul3A_449, %add3A_961 : i32
        %swap3A_963 = arith.index_cast %add3A_962 : i32 to index
        %swap3A_964 = arith.constant 32 : index
        %swap3A_965 = tpu.vector_load %arg20[%swap3A_963, %swap3A_964] {strides = array<i32>} : memref<128x64xf32, #tpu.memory_space<vmem>>, vector<16xf32>,
        tpu.vector_store %arg20[%swap3A_963, %swap3A_964], %mul3A_960 {strides = array<i32>} : memref<128x64xf32, #tpu.memory_space<vmem>>, vector<16xf32>,
        %mul3A_966 = vector.broadcast %squeeze3A_956 : f32 to vector<16xf32>
        %mul3A_967 = arith.mulf %unpack3A_958, %mul3A_966 : vector<16xf32>
        %add3A_968 = arith.constant 10 : i32
        %add3A_969 = arith.addi %mul3A_449, %add3A_968 : i32
        %swap3A_970 = arith.index_cast %add3A_969 : i32 to index
        %swap3A_971 = arith.constant 48 : index
        %swap3A_972 = tpu.vector_load %arg20[%swap3A_970, %swap3A_971] {strides = array<i32>} : memref<128x64xf32, #tpu.memory_space<vmem>>, vector<16xf32>,
        tpu.vector_store %arg20[%swap3A_970, %swap3A_971], %mul3A_967 {strides = array<i32>} : memref<128x64xf32, #tpu.memory_space<vmem>>, vector<16xf32>,
        %add3A_973 = arith.constant 13 : i32
        %add3A_974 = arith.addi %mul3A_449, %add3A_973 : i32
        %get3A_975 = arith.index_cast %add3A_974 : i32 to index
        %get3A_976 = arith.constant 0 : index
        %get3A_977 = tpu.vector_load %arg16[%get3A_975, %get3A_976] {strides = array<i32>} : memref<128x64xbf16, #tpu.memory_space<vmem>>, vector<32xbf16>,
        %slice3A_978 = vector.extract_strided_slice %get3A_447 {offsets = [11], sizes = [1], strides = [1]} : vector<16xf32> to vector<1xf32>
        %squeeze3A_979 = vector.extract %slice3A_978[0] : f32 from vector<1xf32>
        %unpack3A_980 = tpu.unpack_subelements %get3A_885, 0 {pack_format = #tpu.pack_format<interleaved>} : vector<32xbf16> -> vector<16xf32>
        %unpack3A_981 = tpu.unpack_subelements %get3A_885, 1 {pack_format = #tpu.pack_format<interleaved>} : vector<32xbf16> -> vector<16xf32>
        %mul3A_982 = vector.broadcast %squeeze3A_979 : f32 to vector<16xf32>
        %mul3A_983 = arith.mulf %unpack3A_980, %mul3A_982 : vector<16xf32>
        %add3A_984 = arith.constant 11 : i32
        %add3A_985 = arith.addi %mul3A_449, %add3A_984 : i32
        %swap3A_986 = arith.index_cast %add3A_985 : i32 to index
        %swap3A_987 = arith.constant 0 : index
        %swap3A_988 = tpu.vector_load %arg20[%swap3A_986, %swap3A_987] {strides = array<i32>} : memref<128x64xf32, #tpu.memory_space<vmem>>, vector<16xf32>,
        tpu.vector_store %arg20[%swap3A_986, %swap3A_987], %mul3A_983 {strides = array<i32>} : memref<128x64xf32, #tpu.memory_space<vmem>>, vector<16xf32>,
        %mul3A_989 = vector.broadcast %squeeze3A_979 : f32 to vector<16xf32>
        %mul3A_990 = arith.mulf %unpack3A_981, %mul3A_989 : vector<16xf32>
        %add3A_991 = arith.constant 11 : i32
        %add3A_992 = arith.addi %mul3A_449, %add3A_991 : i32
        %swap3A_993 = arith.index_cast %add3A_992 : i32 to index
        %swap3A_994 = arith.constant 16 : index
        %swap3A_995 = tpu.vector_load %arg20[%swap3A_993, %swap3A_994] {strides = array<i32>} : memref<128x64xf32, #tpu.memory_space<vmem>>, vector<16xf32>,
        tpu.vector_store %arg20[%swap3A_993, %swap3A_994], %mul3A_990 {strides = array<i32>} : memref<128x64xf32, #tpu.memory_space<vmem>>, vector<16xf32>,
        %add3A_996 = arith.constant 13 : i32
        %add3A_997 = arith.addi %mul3A_449, %add3A_996 : i32
        %get3A_998 = arith.index_cast %add3A_997 : i32 to index
        %get3A_999 = arith.constant 32 : index
        %get3A_1000 = tpu.vector_load %arg16[%get3A_998, %get3A_999] {strides = array<i32>} : memref<128x64xbf16, #tpu.memory_space<vmem>>, vector<32xbf16>,
        %slice3A_1001 = vector.extract_strided_slice %get3A_447 {offsets = [11], sizes = [1], strides = [1]} : vector<16xf32> to vector<1xf32>
        %squeeze3A_1002 = vector.extract %slice3A_1001[0] : f32 from vector<1xf32>
        %unpack3A_1003 = tpu.unpack_subelements %get3A_908, 0 {pack_format = #tpu.pack_format<interleaved>} : vector<32xbf16> -> vector<16xf32>
        %unpack3A_1004 = tpu.unpack_subelements %get3A_908, 1 {pack_format = #tpu.pack_format<interleaved>} : vector<32xbf16> -> vector<16xf32>
        %mul3A_1005 = vector.broadcast %squeeze3A_1002 : f32 to vector<16xf32>
        %mul3A_1006 = arith.mulf %unpack3A_1003, %mul3A_1005 : vector<16xf32>
        %add3A_1007 = arith.constant 11 : i32
        %add3A_1008 = arith.addi %mul3A_449, %add3A_1007 : i32
        %swap3A_1009 = arith.index_cast %add3A_1008 : i32 to index
        %swap3A_1010 = arith.constant 32 : index
        %swap3A_1011 = tpu.vector_load %arg20[%swap3A_1009, %swap3A_1010] {strides = array<i32>} : memref<128x64xf32, #tpu.memory_space<vmem>>, vector<16xf32>,
        tpu.vector_store %arg20[%swap3A_1009, %swap3A_1010], %mul3A_1006 {strides = array<i32>} : memref<128x64xf32, #tpu.memory_space<vmem>>, vector<16xf32>,
        %mul3A_1012 = vector.broadcast %squeeze3A_1002 : f32 to vector<16xf32>
        %mul3A_1013 = arith.mulf %unpack3A_1004, %mul3A_1012 : vector<16xf32>
        %add3A_1014 = arith.constant 11 : i32
        %add3A_1015 = arith.addi %mul3A_449, %add3A_1014 : i32
        %swap3A_1016 = arith.index_cast %add3A_1015 : i32 to index
        %swap3A_1017 = arith.constant 48 : index
        %swap3A_1018 = tpu.vector_load %arg20[%swap3A_1016, %swap3A_1017] {strides = array<i32>} : memref<128x64xf32, #tpu.memory_space<vmem>>, vector<16xf32>,
        tpu.vector_store %arg20[%swap3A_1016, %swap3A_1017], %mul3A_1013 {strides = array<i32>} : memref<128x64xf32, #tpu.memory_space<vmem>>, vector<16xf32>,
        %add3A_1019 = arith.constant 14 : i32
        %add3A_1020 = arith.addi %mul3A_449, %add3A_1019 : i32
        %get3A_1021 = arith.index_cast %add3A_1020 : i32 to index
        %get3A_1022 = arith.constant 0 : index
        %get3A_1023 = tpu.vector_load %arg16[%get3A_1021, %get3A_1022] {strides = array<i32>} : memref<128x64xbf16, #tpu.memory_space<vmem>>, vector<32xbf16>,
        %slice3A_1024 = vector.extract_strided_slice %get3A_447 {offsets = [12], sizes = [1], strides = [1]} : vector<16xf32> to vector<1xf32>
        %squeeze3A_1025 = vector.extract %slice3A_1024[0] : f32 from vector<1xf32>
        %unpack3A_1026 = tpu.unpack_subelements %get3A_931, 0 {pack_format = #tpu.pack_format<interleaved>} : vector<32xbf16> -> vector<16xf32>
        %unpack3A_1027 = tpu.unpack_subelements %get3A_931, 1 {pack_format = #tpu.pack_format<interleaved>} : vector<32xbf16> -> vector<16xf32>
        %mul3A_1028 = vector.broadcast %squeeze3A_1025 : f32 to vector<16xf32>
        %mul3A_1029 = arith.mulf %unpack3A_1026, %mul3A_1028 : vector<16xf32>
        %add3A_1030 = arith.constant 12 : i32
        %add3A_1031 = arith.addi %mul3A_449, %add3A_1030 : i32
        %swap3A_1032 = arith.index_cast %add3A_1031 : i32 to index
        %swap3A_1033 = arith.constant 0 : index
        %swap3A_1034 = tpu.vector_load %arg20[%swap3A_1032, %swap3A_1033] {strides = array<i32>} : memref<128x64xf32, #tpu.memory_space<vmem>>, vector<16xf32>,
        tpu.vector_store %arg20[%swap3A_1032, %swap3A_1033], %mul3A_1029 {strides = array<i32>} : memref<128x64xf32, #tpu.memory_space<vmem>>, vector<16xf32>,
        %mul3A_1035 = vector.broadcast %squeeze3A_1025 : f32 to vector<16xf32>
        %mul3A_1036 = arith.mulf %unpack3A_1027, %mul3A_1035 : vector<16xf32>
        %add3A_1037 = arith.constant 12 : i32
        %add3A_1038 = arith.addi %mul3A_449, %add3A_1037 : i32
        %swap3A_1039 = arith.index_cast %add3A_1038 : i32 to index
        %swap3A_1040 = arith.constant 16 : index
        %swap3A_1041 = tpu.vector_load %arg20[%swap3A_1039, %swap3A_1040] {strides = array<i32>} : memref<128x64xf32, #tpu.memory_space<vmem>>, vector<16xf32>,
        tpu.vector_store %arg20[%swap3A_1039, %swap3A_1040], %mul3A_1036 {strides = array<i32>} : memref<128x64xf32, #tpu.memory_space<vmem>>, vector<16xf32>,
        %add3A_1042 = arith.constant 14 : i32
        %add3A_1043 = arith.addi %mul3A_449, %add3A_1042 : i32
        %get3A_1044 = arith.index_cast %add3A_1043 : i32 to index
        %get3A_1045 = arith.constant 32 : index
        %get3A_1046 = tpu.vector_load %arg16[%get3A_1044, %get3A_1045] {strides = array<i32>} : memref<128x64xbf16, #tpu.memory_space<vmem>>, vector<32xbf16>,
        %slice3A_1047 = vector.extract_strided_slice %get3A_447 {offsets = [12], sizes = [1], strides = [1]} : vector<16xf32> to vector<1xf32>
        %squeeze3A_1048 = vector.extract %slice3A_1047[0] : f32 from vector<1xf32>
        %unpack3A_1049 = tpu.unpack_subelements %get3A_954, 0 {pack_format = #tpu.pack_format<interleaved>} : vector<32xbf16> -> vector<16xf32>
        %unpack3A_1050 = tpu.unpack_subelements %get3A_954, 1 {pack_format = #tpu.pack_format<interleaved>} : vector<32xbf16> -> vector<16xf32>
        %mul3A_1051 = vector.broadcast %squeeze3A_1048 : f32 to vector<16xf32>
        %mul3A_1052 = arith.mulf %unpack3A_1049, %mul3A_1051 : vector<16xf32>
        %add3A_1053 = arith.constant 12 : i32
        %add3A_1054 = arith.addi %mul3A_449, %add3A_1053 : i32
        %swap3A_1055 = arith.index_cast %add3A_1054 : i32 to index
        %swap3A_1056 = arith.constant 32 : index
        %swap3A_1057 = tpu.vector_load %arg20[%swap3A_1055, %swap3A_1056] {strides = array<i32>} : memref<128x64xf32, #tpu.memory_space<vmem>>, vector<16xf32>,
        tpu.vector_store %arg20[%swap3A_1055, %swap3A_1056], %mul3A_1052 {strides = array<i32>} : memref<128x64xf32, #tpu.memory_space<vmem>>, vector<16xf32>,
        %mul3A_1058 = vector.broadcast %squeeze3A_1048 : f32 to vector<16xf32>
        %mul3A_1059 = arith.mulf %unpack3A_1050, %mul3A_1058 : vector<16xf32>
        %add3A_1060 = arith.constant 12 : i32
        %add3A_1061 = arith.addi %mul3A_449, %add3A_1060 : i32
        %swap3A_1062 = arith.index_cast %add3A_1061 : i32 to index
        %swap3A_1063 = arith.constant 48 : index
        %swap3A_1064 = tpu.vector_load %arg20[%swap3A_1062, %swap3A_1063] {strides = array<i32>} : memref<128x64xf32, #tpu.memory_space<vmem>>, vector<16xf32>,
        tpu.vector_store %arg20[%swap3A_1062, %swap3A_1063], %mul3A_1059 {strides = array<i32>} : memref<128x64xf32, #tpu.memory_space<vmem>>, vector<16xf32>,
        %add3A_1065 = arith.constant 15 : i32
        %add3A_1066 = arith.addi %mul3A_449, %add3A_1065 : i32
        %get3A_1067 = arith.index_cast %add3A_1066 : i32 to index
        %get3A_1068 = arith.constant 0 : index
        %get3A_1069 = tpu.vector_load %arg16[%get3A_1067, %get3A_1068] {strides = array<i32>} : memref<128x64xbf16, #tpu.memory_space<vmem>>, vector<32xbf16>,
        %slice3A_1070 = vector.extract_strided_slice %get3A_447 {offsets = [13], sizes = [1], strides = [1]} : vector<16xf32> to vector<1xf32>
        %squeeze3A_1071 = vector.extract %slice3A_1070[0] : f32 from vector<1xf32>
        %unpack3A_1072 = tpu.unpack_subelements %get3A_977, 0 {pack_format = #tpu.pack_format<interleaved>} : vector<32xbf16> -> vector<16xf32>
        %unpack3A_1073 = tpu.unpack_subelements %get3A_977, 1 {pack_format = #tpu.pack_format<interleaved>} : vector<32xbf16> -> vector<16xf32>
        %mul3A_1074 = vector.broadcast %squeeze3A_1071 : f32 to vector<16xf32>
        %mul3A_1075 = arith.mulf %unpack3A_1072, %mul3A_1074 : vector<16xf32>
        %add3A_1076 = arith.constant 13 : i32
        %add3A_1077 = arith.addi %mul3A_449, %add3A_1076 : i32
        %swap3A_1078 = arith.index_cast %add3A_1077 : i32 to index
        %swap3A_1079 = arith.constant 0 : index
        %swap3A_1080 = tpu.vector_load %arg20[%swap3A_1078, %swap3A_1079] {strides = array<i32>} : memref<128x64xf32, #tpu.memory_space<vmem>>, vector<16xf32>,
        tpu.vector_store %arg20[%swap3A_1078, %swap3A_1079], %mul3A_1075 {strides = array<i32>} : memref<128x64xf32, #tpu.memory_space<vmem>>, vector<16xf32>,
        %mul3A_1081 = vector.broadcast %squeeze3A_1071 : f32 to vector<16xf32>
        %mul3A_1082 = arith.mulf %unpack3A_1073, %mul3A_1081 : vector<16xf32>
        %add3A_1083 = arith.constant 13 : i32
        %add3A_1084 = arith.addi %mul3A_449, %add3A_1083 : i32
        %swap3A_1085 = arith.index_cast %add3A_1084 : i32 to index
        %swap3A_1086 = arith.constant 16 : index
        %swap3A_1087 = tpu.vector_load %arg20[%swap3A_1085, %swap3A_1086] {strides = array<i32>} : memref<128x64xf32, #tpu.memory_space<vmem>>, vector<16xf32>,
        tpu.vector_store %arg20[%swap3A_1085, %swap3A_1086], %mul3A_1082 {strides = array<i32>} : memref<128x64xf32, #tpu.memory_space<vmem>>, vector<16xf32>,
        %add3A_1088 = arith.constant 15 : i32
        %add3A_1089 = arith.addi %mul3A_449, %add3A_1088 : i32
        %get3A_1090 = arith.index_cast %add3A_1089 : i32 to index
        %get3A_1091 = arith.constant 32 : index
        %get3A_1092 = tpu.vector_load %arg16[%get3A_1090, %get3A_1091] {strides = array<i32>} : memref<128x64xbf16, #tpu.memory_space<vmem>>, vector<32xbf16>,
        %slice3A_1093 = vector.extract_strided_slice %get3A_447 {offsets = [13], sizes = [1], strides = [1]} : vector<16xf32> to vector<1xf32>
        %squeeze3A_1094 = vector.extract %slice3A_1093[0] : f32 from vector<1xf32>
        %unpack3A_1095 = tpu.unpack_subelements %get3A_1000, 0 {pack_format = #tpu.pack_format<interleaved>} : vector<32xbf16> -> vector<16xf32>
        %unpack3A_1096 = tpu.unpack_subelements %get3A_1000, 1 {pack_format = #tpu.pack_format<interleaved>} : vector<32xbf16> -> vector<16xf32>
        %mul3A_1097 = vector.broadcast %squeeze3A_1094 : f32 to vector<16xf32>
        %mul3A_1098 = arith.mulf %unpack3A_1095, %mul3A_1097 : vector<16xf32>
        %add3A_1099 = arith.constant 13 : i32
        %add3A_1100 = arith.addi %mul3A_449, %add3A_1099 : i32
        %swap3A_1101 = arith.index_cast %add3A_1100 : i32 to index
        %swap3A_1102 = arith.constant 32 : index
        %swap3A_1103 = tpu.vector_load %arg20[%swap3A_1101, %swap3A_1102] {strides = array<i32>} : memref<128x64xf32, #tpu.memory_space<vmem>>, vector<16xf32>,
        tpu.vector_store %arg20[%swap3A_1101, %swap3A_1102], %mul3A_1098 {strides = array<i32>} : memref<128x64xf32, #tpu.memory_space<vmem>>, vector<16xf32>,
        %mul3A_1104 = vector.broadcast %squeeze3A_1094 : f32 to vector<16xf32>
        %mul3A_1105 = arith.mulf %unpack3A_1096, %mul3A_1104 : vector<16xf32>
        %add3A_1106 = arith.constant 13 : i32
        %add3A_1107 = arith.addi %mul3A_449, %add3A_1106 : i32
        %swap3A_1108 = arith.index_cast %add3A_1107 : i32 to index
        %swap3A_1109 = arith.constant 48 : index
        %swap3A_1110 = tpu.vector_load %arg20[%swap3A_1108, %swap3A_1109] {strides = array<i32>} : memref<128x64xf32, #tpu.memory_space<vmem>>, vector<16xf32>,
        tpu.vector_store %arg20[%swap3A_1108, %swap3A_1109], %mul3A_1105 {strides = array<i32>} : memref<128x64xf32, #tpu.memory_space<vmem>>, vector<16xf32>,
        %slice3A_1111 = vector.extract_strided_slice %get3A_447 {offsets = [14], sizes = [1], strides = [1]} : vector<16xf32> to vector<1xf32>
        %squeeze3A_1112 = vector.extract %slice3A_1111[0] : f32 from vector<1xf32>
        %unpack3A_1113 = tpu.unpack_subelements %get3A_1023, 0 {pack_format = #tpu.pack_format<interleaved>} : vector<32xbf16> -> vector<16xf32>
        %unpack3A_1114 = tpu.unpack_subelements %get3A_1023, 1 {pack_format = #tpu.pack_format<interleaved>} : vector<32xbf16> -> vector<16xf32>
        %mul3A_1115 = vector.broadcast %squeeze3A_1112 : f32 to vector<16xf32>
        %mul3A_1116 = arith.mulf %unpack3A_1113, %mul3A_1115 : vector<16xf32>
        %add3A_1117 = arith.constant 14 : i32
        %add3A_1118 = arith.addi %mul3A_449, %add3A_1117 : i32
        %swap3A_1119 = arith.index_cast %add3A_1118 : i32 to index
        %swap3A_1120 = arith.constant 0 : index
        %swap3A_1121 = tpu.vector_load %arg20[%swap3A_1119, %swap3A_1120] {strides = array<i32>} : memref<128x64xf32, #tpu.memory_space<vmem>>, vector<16xf32>,
        tpu.vector_store %arg20[%swap3A_1119, %swap3A_1120], %mul3A_1116 {strides = array<i32>} : memref<128x64xf32, #tpu.memory_space<vmem>>, vector<16xf32>,
        %mul3A_1122 = vector.broadcast %squeeze3A_1112 : f32 to vector<16xf32>
        %mul3A_1123 = arith.mulf %unpack3A_1114, %mul3A_1122 : vector<16xf32>
        %add3A_1124 = arith.constant 14 : i32
        %add3A_1125 = arith.addi %mul3A_449, %add3A_1124 : i32
        %swap3A_1126 = arith.index_cast %add3A_1125 : i32 to index
        %swap3A_1127 = arith.constant 16 : index
        %swap3A_1128 = tpu.vector_load %arg20[%swap3A_1126, %swap3A_1127] {strides = array<i32>} : memref<128x64xf32, #tpu.memory_space<vmem>>, vector<16xf32>,
        tpu.vector_store %arg20[%swap3A_1126, %swap3A_1127], %mul3A_1123 {strides = array<i32>} : memref<128x64xf32, #tpu.memory_space<vmem>>, vector<16xf32>,
        %slice3A_1129 = vector.extract_strided_slice %get3A_447 {offsets = [14], sizes = [1], strides = [1]} : vector<16xf32> to vector<1xf32>
        %squeeze3A_1130 = vector.extract %slice3A_1129[0] : f32 from vector<1xf32>
        %unpack3A_1131 = tpu.unpack_subelements %get3A_1046, 0 {pack_format = #tpu.pack_format<interleaved>} : vector<32xbf16> -> vector<16xf32>
        %unpack3A_1132 = tpu.unpack_subelements %get3A_1046, 1 {pack_format = #tpu.pack_format<interleaved>} : vector<32xbf16> -> vector<16xf32>
        %mul3A_1133 = vector.broadcast %squeeze3A_1130 : f32 to vector<16xf32>
        %mul3A_1134 = arith.mulf %unpack3A_1131, %mul3A_1133 : vector<16xf32>
        %add3A_1135 = arith.constant 14 : i32
        %add3A_1136 = arith.addi %mul3A_449, %add3A_1135 : i32
        %swap3A_1137 = arith.index_cast %add3A_1136 : i32 to index
        %swap3A_1138 = arith.constant 32 : index
        %swap3A_1139 = tpu.vector_load %arg20[%swap3A_1137, %swap3A_1138] {strides = array<i32>} : memref<128x64xf32, #tpu.memory_space<vmem>>, vector<16xf32>,
        tpu.vector_store %arg20[%swap3A_1137, %swap3A_1138], %mul3A_1134 {strides = array<i32>} : memref<128x64xf32, #tpu.memory_space<vmem>>, vector<16xf32>,
        %mul3A_1140 = vector.broadcast %squeeze3A_1130 : f32 to vector<16xf32>
        %mul3A_1141 = arith.mulf %unpack3A_1132, %mul3A_1140 : vector<16xf32>
        %add3A_1142 = arith.constant 14 : i32
        %add3A_1143 = arith.addi %mul3A_449, %add3A_1142 : i32
        %swap3A_1144 = arith.index_cast %add3A_1143 : i32 to index
        %swap3A_1145 = arith.constant 48 : index
        %swap3A_1146 = tpu.vector_load %arg20[%swap3A_1144, %swap3A_1145] {strides = array<i32>} : memref<128x64xf32, #tpu.memory_space<vmem>>, vector<16xf32>,
        tpu.vector_store %arg20[%swap3A_1144, %swap3A_1145], %mul3A_1141 {strides = array<i32>} : memref<128x64xf32, #tpu.memory_space<vmem>>, vector<16xf32>,
        %slice3A_1147 = vector.extract_strided_slice %get3A_447 {offsets = [15], sizes = [1], strides = [1]} : vector<16xf32> to vector<1xf32>
        %squeeze3A_1148 = vector.extract %slice3A_1147[0] : f32 from vector<1xf32>
        %unpack3A_1149 = tpu.unpack_subelements %get3A_1069, 0 {pack_format = #tpu.pack_format<interleaved>} : vector<32xbf16> -> vector<16xf32>
        %unpack3A_1150 = tpu.unpack_subelements %get3A_1069, 1 {pack_format = #tpu.pack_format<interleaved>} : vector<32xbf16> -> vector<16xf32>
        %mul3A_1151 = vector.broadcast %squeeze3A_1148 : f32 to vector<16xf32>
        %mul3A_1152 = arith.mulf %unpack3A_1149, %mul3A_1151 : vector<16xf32>
        %add3A_1153 = arith.constant 15 : i32
        %add3A_1154 = arith.addi %mul3A_449, %add3A_1153 : i32
        %swap3A_1155 = arith.index_cast %add3A_1154 : i32 to index
        %swap3A_1156 = arith.constant 0 : index
        %swap3A_1157 = tpu.vector_load %arg20[%swap3A_1155, %swap3A_1156] {strides = array<i32>} : memref<128x64xf32, #tpu.memory_space<vmem>>, vector<16xf32>,
        tpu.vector_store %arg20[%swap3A_1155, %swap3A_1156], %mul3A_1152 {strides = array<i32>} : memref<128x64xf32, #tpu.memory_space<vmem>>, vector<16xf32>,
        %mul3A_1158 = vector.broadcast %squeeze3A_1148 : f32 to vector<16xf32>
        %mul3A_1159 = arith.mulf %unpack3A_1150, %mul3A_1158 : vector<16xf32>
        %add3A_1160 = arith.constant 15 : i32
        %add3A_1161 = arith.addi %mul3A_449, %add3A_1160 : i32
        %swap3A_1162 = arith.index_cast %add3A_1161 : i32 to index
        %swap3A_1163 = arith.constant 16 : index
        %swap3A_1164 = tpu.vector_load %arg20[%swap3A_1162, %swap3A_1163] {strides = array<i32>} : memref<128x64xf32, #tpu.memory_space<vmem>>, vector<16xf32>,
        tpu.vector_store %arg20[%swap3A_1162, %swap3A_1163], %mul3A_1159 {strides = array<i32>} : memref<128x64xf32, #tpu.memory_space<vmem>>, vector<16xf32>,
        %slice3A_1165 = vector.extract_strided_slice %get3A_447 {offsets = [15], sizes = [1], strides = [1]} : vector<16xf32> to vector<1xf32>
        %squeeze3A_1166 = vector.extract %slice3A_1165[0] : f32 from vector<1xf32>
        %unpack3A_1167 = tpu.unpack_subelements %get3A_1092, 0 {pack_format = #tpu.pack_format<interleaved>} : vector<32xbf16> -> vector<16xf32>
        %unpack3A_1168 = tpu.unpack_subelements %get3A_1092, 1 {pack_format = #tpu.pack_format<interleaved>} : vector<32xbf16> -> vector<16xf32>
        %mul3A_1169 = vector.broadcast %squeeze3A_1166 : f32 to vector<16xf32>
        %mul3A_1170 = arith.mulf %unpack3A_1167, %mul3A_1169 : vector<16xf32>
        %add3A_1171 = arith.constant 15 : i32
        %add3A_1172 = arith.addi %mul3A_449, %add3A_1171 : i32
        %swap3A_1173 = arith.index_cast %add3A_1172 : i32 to index
        %swap3A_1174 = arith.constant 32 : index
        %swap3A_1175 = tpu.vector_load %arg20[%swap3A_1173, %swap3A_1174] {strides = array<i32>} : memref<128x64xf32, #tpu.memory_space<vmem>>, vector<16xf32>,
        tpu.vector_store %arg20[%swap3A_1173, %swap3A_1174], %mul3A_1170 {strides = array<i32>} : memref<128x64xf32, #tpu.memory_space<vmem>>, vector<16xf32>,
        %mul3A_1176 = vector.broadcast %squeeze3A_1166 : f32 to vector<16xf32>
        %mul3A_1177 = arith.mulf %unpack3A_1168, %mul3A_1176 : vector<16xf32>
        %add3A_1178 = arith.constant 15 : i32
        %add3A_1179 = arith.addi %mul3A_449, %add3A_1178 : i32
        %swap3A_1180 = arith.index_cast %add3A_1179 : i32 to index
        %swap3A_1181 = arith.constant 48 : index
        %swap3A_1182 = tpu.vector_load %arg20[%swap3A_1180, %swap3A_1181] {strides = array<i32>} : memref<128x64xf32, #tpu.memory_space<vmem>>, vector<16xf32>,
        tpu.vector_store %arg20[%swap3A_1180, %swap3A_1181], %mul3A_1177 {strides = array<i32>} : memref<128x64xf32, #tpu.memory_space<vmem>>, vector<16xf32>,
        %scan3A_1183 = arith.constant 0 : i32
        scf.yield %scan3A_1183 : i32
      }
      %scan3A_268 = arith.constant 8 : i32
      %get3A_269 = arith.constant 0 : index
      %get3A_270 = tpu.vector_load %arg12[%get3A_269] {strides = array<i32>} : memref<128xi32, #tpu.memory_space<vmem>>, vector<16xi32>,
      %swap3A_271 = arith.constant 0 : index
      %swap3A_272 = tpu.vector_load %arg24[%swap3A_271] {strides = array<i32>} : memref<128xi32, #tpu.memory_space<vmem>>, vector<16xi32>,
      tpu.vector_store %arg24[%swap3A_271], %get3A_270 {strides = array<i32>} : memref<128xi32, #tpu.memory_space<vmem>>, vector<16xi32>,
      %get3A_273 = arith.constant 16 : index
      %get3A_274 = tpu.vector_load %arg12[%get3A_273] {strides = array<i32>} : memref<128xi32, #tpu.memory_space<vmem>>, vector<16xi32>,
      %swap3A_275 = arith.constant 16 : index
      %swap3A_276 = tpu.vector_load %arg24[%swap3A_275] {strides = array<i32>} : memref<128xi32, #tpu.memory_space<vmem>>, vector<16xi32>,
      tpu.vector_store %arg24[%swap3A_275], %get3A_274 {strides = array<i32>} : memref<128xi32, #tpu.memory_space<vmem>>, vector<16xi32>,
      %get3A_277 = arith.constant 32 : index
      %get3A_278 = tpu.vector_load %arg12[%get3A_277] {strides = array<i32>} : memref<128xi32, #tpu.memory_space<vmem>>, vector<16xi32>,
      %swap3A_279 = arith.constant 32 : index
      %swap3A_280 = tpu.vector_load %arg24[%swap3A_279] {strides = array<i32>} : memref<128xi32, #tpu.memory_space<vmem>>, vector<16xi32>,
      tpu.vector_store %arg24[%swap3A_279], %get3A_278 {strides = array<i32>} : memref<128xi32, #tpu.memory_space<vmem>>, vector<16xi32>,
      %get3A_281 = arith.constant 48 : index
      %get3A_282 = tpu.vector_load %arg12[%get3A_281] {strides = array<i32>} : memref<128xi32, #tpu.memory_space<vmem>>, vector<16xi32>,
      %swap3A_283 = arith.constant 48 : index
      %swap3A_284 = tpu.vector_load %arg24[%swap3A_283] {strides = array<i32>} : memref<128xi32, #tpu.memory_space<vmem>>, vector<16xi32>,
      tpu.vector_store %arg24[%swap3A_283], %get3A_282 {strides = array<i32>} : memref<128xi32, #tpu.memory_space<vmem>>, vector<16xi32>,
      %get3A_285 = arith.constant 64 : index
      %get3A_286 = tpu.vector_load %arg12[%get3A_285] {strides = array<i32>} : memref<128xi32, #tpu.memory_space<vmem>>, vector<16xi32>,
      %swap3A_287 = arith.constant 64 : index
      %swap3A_288 = tpu.vector_load %arg24[%swap3A_287] {strides = array<i32>} : memref<128xi32, #tpu.memory_space<vmem>>, vector<16xi32>,
      tpu.vector_store %arg24[%swap3A_287], %get3A_286 {strides = array<i32>} : memref<128xi32, #tpu.memory_space<vmem>>, vector<16xi32>,
      %get3A_289 = arith.constant 80 : index
      %get3A_290 = tpu.vector_load %arg12[%get3A_289] {strides = array<i32>} : memref<128xi32, #tpu.memory_space<vmem>>, vector<16xi32>,
      %swap3A_291 = arith.constant 80 : index
      %swap3A_292 = tpu.vector_load %arg24[%swap3A_291] {strides = array<i32>} : memref<128xi32, #tpu.memory_space<vmem>>, vector<16xi32>,
      tpu.vector_store %arg24[%swap3A_291], %get3A_290 {strides = array<i32>} : memref<128xi32, #tpu.memory_space<vmem>>, vector<16xi32>,
      %get3A_293 = arith.constant 96 : index
      %get3A_294 = tpu.vector_load %arg12[%get3A_293] {strides = array<i32>} : memref<128xi32, #tpu.memory_space<vmem>>, vector<16xi32>,
      %swap3A_295 = arith.constant 96 : index
      %swap3A_296 = tpu.vector_load %arg24[%swap3A_295] {strides = array<i32>} : memref<128xi32, #tpu.memory_space<vmem>>, vector<16xi32>,
      tpu.vector_store %arg24[%swap3A_295], %get3A_294 {strides = array<i32>} : memref<128xi32, #tpu.memory_space<vmem>>, vector<16xi32>,
      %get3A_297 = arith.constant 112 : index
      %get3A_298 = tpu.vector_load %arg12[%get3A_297] {strides = array<i32>} : memref<128xi32, #tpu.memory_space<vmem>>, vector<16xi32>,
      %swap3A_299 = arith.constant 112 : index
      %swap3A_300 = tpu.vector_load %arg24[%swap3A_299] {strides = array<i32>} : memref<128xi32, #tpu.memory_space<vmem>>, vector<16xi32>,
      tpu.vector_store %arg24[%swap3A_299], %get3A_298 {strides = array<i32>} : memref<128xi32, #tpu.memory_space<vmem>>, vector<16xi32>,
      %dma_start3A_301 = arith.constant 0 : i32
      %dma_start3A_302 = arith.constant 0 : i32
      %dma_start3A_303 = tpu.memref_slice %arg27[%dma_start3A_301, %dma_start3A_302] : memref<16384x64xf32, #tpu.memory_space<vmem_shared>> -> memref<16384x64xf32, #tpu.memory_space<vmem_shared>>
      tpu.enqueue_indirect_dma source(%arg20 : memref<128x64xf32, #tpu.memory_space<vmem>>) target(%dma_start3A_303 : memref<16384x64xf32, #tpu.memory_space<vmem_shared>>) offsets(%arg24 : memref<128xi32, #tpu.memory_space<vmem>>) semaphore(%arg33 : memref<!tpu.dma_semaphore, #tpu.memory_space<semaphore_mem>>) {add = true}
      %add3A_304 = arith.constant 2 : i32
      %add3A_305 = arith.addi %add3A_193, %add3A_304 : i32
      %lt3A_306 = arith.constant 200 : i32
      %lt3A_307 = arith.cmpi slt, %add3A_305, %lt3A_306 : i32
      %convert_element_type3A_308 = arith.extui %lt3A_307 : i1 to i32
      %cond3A_309 = arith.constant 0 : i32
      %cond3A_310 = arith.cmpi ne, %convert_element_type3A_308, %cond3A_309 : i32
      scf.if %cond3A_310 {
        %add3A_440 = arith.constant 2 : i32
        %add3A_441 = arith.addi %add3A_193, %add3A_440 : i32
        %mul3A_442 = arith.constant 200 : i32
        %mul3A_443 = arith.muli %add3A, %mul3A_442 : i32
        %add3A_444 = arith.addi %mul3A_443, %add3A_441 : i32
        %dma_start3A_445 = arith.constant 0 : i32
        %dma_start3A_446 = arith.constant 0 : i32
        %dma_start3A_447 = tpu.memref_slice %arg2[%add3A_444, %dma_start3A_445, %dma_start3A_446] : memref<6400x2x128xi32, #tpu.memory_space<hbm>> -> memref<1x2x128xi32, #tpu.memory_space<hbm>>
        %dma_start3A_448 = tpu.memref_squeeze %dma_start3A_447 : memref<1x2x128xi32, #tpu.memory_space<hbm>> -> memref<2x128xi32, #tpu.memory_space<hbm>>
        %dma_start3A_449 = arith.constant 0 : i32
        %dma_start3A_450 = arith.constant 0 : i32
        %dma_start3A_451 = tpu.memref_slice %arg2[%add3A_444, %dma_start3A_449, %dma_start3A_450] : memref<6400x2x128xi32, #tpu.memory_space<hbm>> -> memref<1x2x128xi32, #tpu.memory_space<hbm>>
        %dma_start3A_452 = tpu.memref_squeeze %dma_start3A_451 : memref<1x2x128xi32, #tpu.memory_space<hbm>> -> memref<2x128xi32, #tpu.memory_space<hbm>>
        tpu.enqueue_dma source(%dma_start3A_452 : memref<2x128xi32, #tpu.memory_space<hbm>>) target(%arg7 : memref<2x128xi32, #tpu.memory_space<vmem>>) target_semaphore(%arg28 : memref<!tpu.dma_semaphore, #tpu.memory_space<semaphore_mem>>)
        %dma_start3A_453 = arith.constant 0 : i32
        %dma_start3A_454 = arith.constant 0 : i32
        %dma_start3A_455 = tpu.memref_slice %arg3[%add3A_444, %dma_start3A_453, %dma_start3A_454] : memref<6400x2x128xf32, #tpu.memory_space<hbm>> -> memref<1x2x128xf32, #tpu.memory_space<hbm>>
        %dma_start3A_456 = tpu.memref_squeeze %dma_start3A_455 : memref<1x2x128xf32, #tpu.memory_space<hbm>> -> memref<2x128xf32, #tpu.memory_space<hbm>>
        %dma_start3A_457 = arith.constant 0 : i32
        %dma_start3A_458 = arith.constant 0 : i32
        %dma_start3A_459 = tpu.memref_slice %arg3[%add3A_444, %dma_start3A_457, %dma_start3A_458] : memref<6400x2x128xf32, #tpu.memory_space<hbm>> -> memref<1x2x128xf32, #tpu.memory_space<hbm>>
        %dma_start3A_460 = tpu.memref_squeeze %dma_start3A_459 : memref<1x2x128xf32, #tpu.memory_space<hbm>> -> memref<2x128xf32, #tpu.memory_space<hbm>>
        tpu.enqueue_dma source(%dma_start3A_460 : memref<2x128xf32, #tpu.memory_space<hbm>>) target(%arg9 : memref<2x128xf32, #tpu.memory_space<vmem>>) target_semaphore(%arg28 : memref<!tpu.dma_semaphore, #tpu.memory_space<semaphore_mem>>)
        %mul3A_461 = arith.constant 2 : i32
        %mul3A_462 = arith.muli %add3A_444, %mul3A_461 : i32
        %add3A_463 = arith.constant 0 : i32
        %add3A_464 = arith.addi %mul3A_462, %add3A_463 : i32
        %dma_start3A_465 = arith.constant 0 : i32
        %dma_start3A_466 = tpu.memref_slice %arg4[%add3A_464, %dma_start3A_465] : memref<12800x128xi32, #tpu.memory_space<hbm>> -> memref<1x128xi32, #tpu.memory_space<hbm>>
        %dma_start3A_467 = tpu.memref_squeeze %dma_start3A_466 : memref<1x128xi32, #tpu.memory_space<hbm>> -> memref<128xi32, #tpu.memory_space<hbm>>
        %dma_start3A_468 = arith.constant 0 : i32
        %dma_start3A_469 = tpu.memref_slice %arg4[%add3A_464, %dma_start3A_468] : memref<12800x128xi32, #tpu.memory_space<hbm>> -> memref<1x128xi32, #tpu.memory_space<hbm>>
        %dma_start3A_470 = tpu.memref_squeeze %dma_start3A_469 : memref<1x128xi32, #tpu.memory_space<hbm>> -> memref<128xi32, #tpu.memory_space<hbm>>
        tpu.enqueue_dma source(%dma_start3A_470 : memref<128xi32, #tpu.memory_space<hbm>>) target(%arg11 : memref<128xi32, #tpu.memory_space<vmem>>) target_semaphore(%arg28 : memref<!tpu.dma_semaphore, #tpu.memory_space<semaphore_mem>>)
        %mul3A_471 = arith.constant 2 : i32
        %mul3A_472 = arith.muli %add3A_444, %mul3A_471 : i32
        %add3A_473 = arith.constant 1 : i32
        %add3A_474 = arith.addi %mul3A_472, %add3A_473 : i32
        %dma_start3A_475 = arith.constant 0 : i32
        %dma_start3A_476 = tpu.memref_slice %arg4[%add3A_474, %dma_start3A_475] : memref<12800x128xi32, #tpu.memory_space<hbm>> -> memref<1x128xi32, #tpu.memory_space<hbm>>
        %dma_start3A_477 = tpu.memref_squeeze %dma_start3A_476 : memref<1x128xi32, #tpu.memory_space<hbm>> -> memref<128xi32, #tpu.memory_space<hbm>>
        %dma_start3A_478 = arith.constant 0 : i32
        %dma_start3A_479 = tpu.memref_slice %arg4[%add3A_474, %dma_start3A_478] : memref<12800x128xi32, #tpu.memory_space<hbm>> -> memref<1x128xi32, #tpu.memory_space<hbm>>
        %dma_start3A_480 = tpu.memref_squeeze %dma_start3A_479 : memref<1x128xi32, #tpu.memory_space<hbm>> -> memref<128xi32, #tpu.memory_space<hbm>>
        tpu.enqueue_dma source(%dma_start3A_480 : memref<128xi32, #tpu.memory_space<hbm>>) target(%arg12 : memref<128xi32, #tpu.memory_space<vmem>>) target_semaphore(%arg28 : memref<!tpu.dma_semaphore, #tpu.memory_space<semaphore_mem>>)
      } else {
      }
      %mul3A_311 = arith.constant 2 : i32
      %mul3A_312 = arith.muli %scan3A_188, %mul3A_311 : i32
      %add3A_313 = arith.constant 1 : i32
      %add3A_314 = arith.addi %mul3A_312, %add3A_313 : i32
      %add3A_315 = arith.constant 1 : i32
      %add3A_316 = arith.addi %add3A_314, %add3A_315 : i32
      %lt3A_317 = arith.constant 200 : i32
      %lt3A_318 = arith.cmpi slt, %add3A_316, %lt3A_317 : i32
      %convert_element_type3A_319 = arith.extui %lt3A_318 : i1 to i32
      %cond3A_320 = arith.constant 0 : i32
      %cond3A_321 = arith.cmpi ne, %convert_element_type3A_319, %cond3A_320 : i32
      scf.if %cond3A_321 {
        %dma_wait3A_440 = arith.constant 0 : i32
        %dma_wait3A_441 = arith.constant 0 : i32
        %dma_wait3A_442 = arith.constant 0 : i32
        %dma_wait3A_443 = tpu.memref_slice %arg2[%dma_wait3A_440, %dma_wait3A_441, %dma_wait3A_442] : memref<6400x2x128xi32, #tpu.memory_space<hbm>> -> memref<1x2x128xi32, #tpu.memory_space<hbm>>
        %dma_wait3A_444 = tpu.memref_squeeze %dma_wait3A_443 : memref<1x2x128xi32, #tpu.memory_space<hbm>> -> memref<2x128xi32, #tpu.memory_space<hbm>>
        %dma_wait3A_445 = arith.constant 0 : i32
        %dma_wait3A_446 = arith.constant 0 : i32
        %dma_wait3A_447 = tpu.memref_slice %arg2[%dma_wait3A_440, %dma_wait3A_445, %dma_wait3A_446] : memref<6400x2x128xi32, #tpu.memory_space<hbm>> -> memref<1x2x128xi32, #tpu.memory_space<hbm>>
        %dma_wait3A_448 = tpu.memref_squeeze %dma_wait3A_447 : memref<1x2x128xi32, #tpu.memory_space<hbm>> -> memref<2x128xi32, #tpu.memory_space<hbm>>
        tpu.wait_dma2 semaphore(%arg28 : memref<!tpu.dma_semaphore, #tpu.memory_space<semaphore_mem>>) src(%dma_wait3A_448 : memref<2x128xi32, #tpu.memory_space<hbm>>) dst(%arg7 : memref<2x128xi32, #tpu.memory_space<vmem>>)
        %dma_wait3A_449 = arith.constant 0 : i32
        %dma_wait3A_450 = arith.constant 0 : i32
        %dma_wait3A_451 = arith.constant 0 : i32
        %dma_wait3A_452 = tpu.memref_slice %arg3[%dma_wait3A_449, %dma_wait3A_450, %dma_wait3A_451] : memref<6400x2x128xf32, #tpu.memory_space<hbm>> -> memref<1x2x128xf32, #tpu.memory_space<hbm>>
        %dma_wait3A_453 = tpu.memref_squeeze %dma_wait3A_452 : memref<1x2x128xf32, #tpu.memory_space<hbm>> -> memref<2x128xf32, #tpu.memory_space<hbm>>
        %dma_wait3A_454 = arith.constant 0 : i32
        %dma_wait3A_455 = arith.constant 0 : i32
        %dma_wait3A_456 = tpu.memref_slice %arg3[%dma_wait3A_449, %dma_wait3A_454, %dma_wait3A_455] : memref<6400x2x128xf32, #tpu.memory_space<hbm>> -> memref<1x2x128xf32, #tpu.memory_space<hbm>>
        %dma_wait3A_457 = tpu.memref_squeeze %dma_wait3A_456 : memref<1x2x128xf32, #tpu.memory_space<hbm>> -> memref<2x128xf32, #tpu.memory_space<hbm>>
        tpu.wait_dma2 semaphore(%arg28 : memref<!tpu.dma_semaphore, #tpu.memory_space<semaphore_mem>>) src(%dma_wait3A_457 : memref<2x128xf32, #tpu.memory_space<hbm>>) dst(%arg9 : memref<2x128xf32, #tpu.memory_space<vmem>>)
        %dma_wait3A_458 = arith.constant 0 : i32
        %dma_wait3A_459 = arith.constant 0 : i32
        %dma_wait3A_460 = tpu.memref_slice %arg4[%dma_wait3A_458, %dma_wait3A_459] : memref<12800x128xi32, #tpu.memory_space<hbm>> -> memref<1x128xi32, #tpu.memory_space<hbm>>
        %dma_wait3A_461 = tpu.memref_squeeze %dma_wait3A_460 : memref<1x128xi32, #tpu.memory_space<hbm>> -> memref<128xi32, #tpu.memory_space<hbm>>
        %dma_wait3A_462 = arith.constant 0 : i32
        %dma_wait3A_463 = tpu.memref_slice %arg4[%dma_wait3A_458, %dma_wait3A_462] : memref<12800x128xi32, #tpu.memory_space<hbm>> -> memref<1x128xi32, #tpu.memory_space<hbm>>
        %dma_wait3A_464 = tpu.memref_squeeze %dma_wait3A_463 : memref<1x128xi32, #tpu.memory_space<hbm>> -> memref<128xi32, #tpu.memory_space<hbm>>
        tpu.wait_dma2 semaphore(%arg28 : memref<!tpu.dma_semaphore, #tpu.memory_space<semaphore_mem>>) src(%dma_wait3A_464 : memref<128xi32, #tpu.memory_space<hbm>>) dst(%arg11 : memref<128xi32, #tpu.memory_space<vmem>>)
        %dma_wait3A_465 = arith.constant 0 : i32
        %dma_wait3A_466 = arith.constant 0 : i32
        %dma_wait3A_467 = tpu.memref_slice %arg4[%dma_wait3A_465, %dma_wait3A_466] : memref<12800x128xi32, #tpu.memory_space<hbm>> -> memref<1x128xi32, #tpu.memory_space<hbm>>
        %dma_wait3A_468 = tpu.memref_squeeze %dma_wait3A_467 : memref<1x128xi32, #tpu.memory_space<hbm>> -> memref<128xi32, #tpu.memory_space<hbm>>
        %dma_wait3A_469 = arith.constant 0 : i32
        %dma_wait3A_470 = tpu.memref_slice %arg4[%dma_wait3A_465, %dma_wait3A_469] : memref<12800x128xi32, #tpu.memory_space<hbm>> -> memref<1x128xi32, #tpu.memory_space<hbm>>
        %dma_wait3A_471 = tpu.memref_squeeze %dma_wait3A_470 : memref<1x128xi32, #tpu.memory_space<hbm>> -> memref<128xi32, #tpu.memory_space<hbm>>
        tpu.wait_dma2 semaphore(%arg28 : memref<!tpu.dma_semaphore, #tpu.memory_space<semaphore_mem>>) src(%dma_wait3A_471 : memref<128xi32, #tpu.memory_space<hbm>>) dst(%arg12 : memref<128xi32, #tpu.memory_space<vmem>>)
        %dma_start3A_472 = arith.constant 0 : i32
        %dma_start3A_473 = arith.constant 0 : i32
        %dma_start3A_474 = tpu.memref_slice %arg7[%dma_start3A_472, %dma_start3A_473] : memref<2x128xi32, #tpu.memory_space<vmem>> -> memref<1x128xi32, #tpu.memory_space<vmem>>
        %dma_start3A_475 = tpu.memref_squeeze %dma_start3A_474 : memref<1x128xi32, #tpu.memory_space<vmem>> -> memref<128xi32, #tpu.memory_space<vmem>>
        %dma_start3A_476 = arith.constant 0 : i32
        %dma_start3A_477 = arith.constant 0 : i32
        %dma_start3A_478 = tpu.memref_slice %arg5[%dma_start3A_476, %dma_start3A_477] : memref<100000x64xbf16, #tpu.memory_space<hbm>> -> memref<100000x64xbf16, #tpu.memory_space<hbm>>
        tpu.enqueue_indirect_dma source(%dma_start3A_478 : memref<100000x64xbf16, #tpu.memory_space<hbm>>) target(%arg15 : memref<128x64xbf16, #tpu.memory_space<vmem>>) offsets(%dma_start3A_475 : memref<128xi32, #tpu.memory_space<vmem>>) semaphore(%arg30 : memref<!tpu.dma_semaphore, #tpu.memory_space<semaphore_mem>>)
        %dma_start3A_479 = arith.constant 1 : i32
        %dma_start3A_480 = arith.constant 0 : i32
        %dma_start3A_481 = tpu.memref_slice %arg7[%dma_start3A_479, %dma_start3A_480] : memref<2x128xi32, #tpu.memory_space<vmem>> -> memref<1x128xi32, #tpu.memory_space<vmem>>
        %dma_start3A_482 = tpu.memref_squeeze %dma_start3A_481 : memref<1x128xi32, #tpu.memory_space<vmem>> -> memref<128xi32, #tpu.memory_space<vmem>>
        %dma_start3A_483 = arith.constant 0 : i32
        %dma_start3A_484 = arith.constant 0 : i32
        %dma_start3A_485 = tpu.memref_slice %arg5[%dma_start3A_483, %dma_start3A_484] : memref<100000x64xbf16, #tpu.memory_space<hbm>> -> memref<100000x64xbf16, #tpu.memory_space<hbm>>
        tpu.enqueue_indirect_dma source(%dma_start3A_485 : memref<100000x64xbf16, #tpu.memory_space<hbm>>) target(%arg16 : memref<128x64xbf16, #tpu.memory_space<vmem>>) offsets(%dma_start3A_482 : memref<128xi32, #tpu.memory_space<vmem>>) semaphore(%arg30 : memref<!tpu.dma_semaphore, #tpu.memory_space<semaphore_mem>>)
      } else {
      }
      %dma_wait3A_322 = arith.constant 0 : i32
      %dma_wait3A_323 = arith.constant 0 : i32
      %dma_wait3A_324 = tpu.memref_slice %arg8[%dma_wait3A_322, %dma_wait3A_323] : memref<2x128xi32, #tpu.memory_space<vmem>> -> memref<1x128xi32, #tpu.memory_space<vmem>>
      %dma_wait3A_325 = tpu.memref_squeeze %dma_wait3A_324 : memref<1x128xi32, #tpu.memory_space<vmem>> -> memref<128xi32, #tpu.memory_space<vmem>>
      %dma_wait3A_326 = arith.constant 0 : i32
      %dma_wait3A_327 = arith.constant 0 : i32
      %dma_wait3A_328 = tpu.memref_slice %arg5[%dma_wait3A_326, %dma_wait3A_327] : memref<100000x64xbf16, #tpu.memory_space<hbm>> -> memref<100000x64xbf16, #tpu.memory_space<hbm>>
      tpu.wait_indirect_dma semaphore(%arg31 : memref<!tpu.dma_semaphore, #tpu.memory_space<semaphore_mem>>) src(%dma_wait3A_328 : memref<100000x64xbf16, #tpu.memory_space<hbm>>) dst(%arg17 : memref<128x64xbf16, #tpu.memory_space<vmem>>)
      %dma_wait3A_329 = arith.constant 1 : i32
      %dma_wait3A_330 = arith.constant 0 : i32
      %dma_wait3A_331 = tpu.memref_slice %arg8[%dma_wait3A_329, %dma_wait3A_330] : memref<2x128xi32, #tpu.memory_space<vmem>> -> memref<1x128xi32, #tpu.memory_space<vmem>>
      %dma_wait3A_332 = tpu.memref_squeeze %dma_wait3A_331 : memref<1x128xi32, #tpu.memory_space<vmem>> -> memref<128xi32, #tpu.memory_space<vmem>>
      %dma_wait3A_333 = arith.constant 0 : i32
      %dma_wait3A_334 = arith.constant 0 : i32
      %dma_wait3A_335 = tpu.memref_slice %arg5[%dma_wait3A_333, %dma_wait3A_334] : memref<100000x64xbf16, #tpu.memory_space<hbm>> -> memref<100000x64xbf16, #tpu.memory_space<hbm>>
      tpu.wait_indirect_dma semaphore(%arg31 : memref<!tpu.dma_semaphore, #tpu.memory_space<semaphore_mem>>) src(%dma_wait3A_335 : memref<100000x64xbf16, #tpu.memory_space<hbm>>) dst(%arg18 : memref<128x64xbf16, #tpu.memory_space<vmem>>)
      %eq3A_336 = arith.constant 0 : i32
      %eq3A_337 = arith.cmpi eq, %scan3A_188, %eq3A_336 : i32
      %not3A_338 = arith.constant true
      %not3A_339 = arith.xori %eq3A_337, %not3A_338 : i1
      %convert_element_type3A_340 = arith.extui %not3A_339 : i1 to i32
      %cond3A_341 = arith.constant 0 : i32
      %cond3A_342 = arith.cmpi ne, %convert_element_type3A_340, %cond3A_341 : i32
      scf.if %cond3A_342 {
        %dma_wait3A_440 = arith.constant 0 : i32
        %dma_wait3A_441 = arith.constant 0 : i32
        %dma_wait3A_442 = tpu.memref_slice %arg27[%dma_wait3A_440, %dma_wait3A_441] : memref<16384x64xf32, #tpu.memory_space<vmem_shared>> -> memref<16384x64xf32, #tpu.memory_space<vmem_shared>>
        tpu.wait_indirect_dma semaphore(%arg34 : memref<!tpu.dma_semaphore, #tpu.memory_space<semaphore_mem>>) src(%arg21 : memref<128x64xf32, #tpu.memory_space<vmem>>) dst(%dma_wait3A_442 : memref<16384x64xf32, #tpu.memory_space<vmem_shared>>)
      } else {
      }
      %scan3A_343 = arith.constant 0 : i32
      %scan3A_344 = arith.constant 0 : i32
      %scan3A_345 = arith.constant 8 : i32
      %scan3A_346 = arith.addi %scan3A_344, %scan3A_345 : i32
      %scan3A_347 = arith.constant 1 : i32
      %scan3A_348 = scf.for %scan3A_440 = %scan3A_344 to %scan3A_346 step %scan3A_347 iter_args(%scan3A_441 = %scan3A_343) -> (i32)  : i32 {
        %mul3A_442 = arith.constant 16 : i32
        %mul3A_443 = arith.muli %scan3A_440, %mul3A_442 : i32
        %get3A_444 = arith.constant 0 : i32
        %get3A_445 = arith.index_cast %get3A_444 : i32 to index
        %get3A_446 = arith.index_cast %mul3A_443 : i32 to index
        %get3A_447 = tpu.vector_load %arg10[%get3A_445, %get3A_446] {strides = array<i32>} : memref<2x128xf32, #tpu.memory_space<vmem>>, vector<16xf32>,
        %mul3A_448 = arith.constant 16 : i32
        %mul3A_449 = arith.muli %scan3A_440, %mul3A_448 : i32
        %add3A_450 = arith.constant 0 : i32
        %add3A_451 = arith.addi %mul3A_449, %add3A_450 : i32
        %get3A_452 = arith.index_cast %add3A_451 : i32 to index
        %get3A_453 = arith.constant 0 : index
        %get3A_454 = tpu.vector_load %arg17[%get3A_452, %get3A_453] {strides = array<i32>} : memref<128x64xbf16, #tpu.memory_space<vmem>>, vector<32xbf16>,
        %add3A_455 = arith.constant 0 : i32
        %add3A_456 = arith.addi %mul3A_449, %add3A_455 : i32
        %get3A_457 = arith.index_cast %add3A_456 : i32 to index
        %get3A_458 = arith.constant 32 : index
        %get3A_459 = tpu.vector_load %arg17[%get3A_457, %get3A_458] {strides = array<i32>} : memref<128x64xbf16, #tpu.memory_space<vmem>>, vector<32xbf16>,
        %add3A_460 = arith.constant 1 : i32
        %add3A_461 = arith.addi %mul3A_449, %add3A_460 : i32
        %get3A_462 = arith.index_cast %add3A_461 : i32 to index
        %get3A_463 = arith.constant 0 : index
        %get3A_464 = tpu.vector_load %arg17[%get3A_462, %get3A_463] {strides = array<i32>} : memref<128x64xbf16, #tpu.memory_space<vmem>>, vector<32xbf16>,
        %add3A_465 = arith.constant 1 : i32
        %add3A_466 = arith.addi %mul3A_449, %add3A_465 : i32
        %get3A_467 = arith.index_cast %add3A_466 : i32 to index
        %get3A_468 = arith.constant 32 : index
        %get3A_469 = tpu.vector_load %arg17[%get3A_467, %get3A_468] {strides = array<i32>} : memref<128x64xbf16, #tpu.memory_space<vmem>>, vector<32xbf16>,
        %add3A_470 = arith.constant 2 : i32
        %add3A_471 = arith.addi %mul3A_449, %add3A_470 : i32
        %get3A_472 = arith.index_cast %add3A_471 : i32 to index
        %get3A_473 = arith.constant 0 : index
        %get3A_474 = tpu.vector_load %arg17[%get3A_472, %get3A_473] {strides = array<i32>} : memref<128x64xbf16, #tpu.memory_space<vmem>>, vector<32xbf16>,
        %slice3A = vector.extract_strided_slice %get3A_447 {offsets = [0], sizes = [1], strides = [1]} : vector<16xf32> to vector<1xf32>
        %squeeze3A = vector.extract %slice3A[0] : f32 from vector<1xf32>
        %unpack3A = tpu.unpack_subelements %get3A_454, 0 {pack_format = #tpu.pack_format<interleaved>} : vector<32xbf16> -> vector<16xf32>
        %unpack3A_475 = tpu.unpack_subelements %get3A_454, 1 {pack_format = #tpu.pack_format<interleaved>} : vector<32xbf16> -> vector<16xf32>
        %mul3A_476 = vector.broadcast %squeeze3A : f32 to vector<16xf32>
        %mul3A_477 = arith.mulf %unpack3A, %mul3A_476 : vector<16xf32>
        %add3A_478 = arith.constant 0 : i32
        %add3A_479 = arith.addi %mul3A_449, %add3A_478 : i32
        %swap3A_480 = arith.index_cast %add3A_479 : i32 to index
        %swap3A_481 = arith.constant 0 : index
        %swap3A_482 = tpu.vector_load %arg21[%swap3A_480, %swap3A_481] {strides = array<i32>} : memref<128x64xf32, #tpu.memory_space<vmem>>, vector<16xf32>,
        tpu.vector_store %arg21[%swap3A_480, %swap3A_481], %mul3A_477 {strides = array<i32>} : memref<128x64xf32, #tpu.memory_space<vmem>>, vector<16xf32>,
        %mul3A_483 = vector.broadcast %squeeze3A : f32 to vector<16xf32>
        %mul3A_484 = arith.mulf %unpack3A_475, %mul3A_483 : vector<16xf32>
        %add3A_485 = arith.constant 0 : i32
        %add3A_486 = arith.addi %mul3A_449, %add3A_485 : i32
        %swap3A_487 = arith.index_cast %add3A_486 : i32 to index
        %swap3A_488 = arith.constant 16 : index
        %swap3A_489 = tpu.vector_load %arg21[%swap3A_487, %swap3A_488] {strides = array<i32>} : memref<128x64xf32, #tpu.memory_space<vmem>>, vector<16xf32>,
        tpu.vector_store %arg21[%swap3A_487, %swap3A_488], %mul3A_484 {strides = array<i32>} : memref<128x64xf32, #tpu.memory_space<vmem>>, vector<16xf32>,
        %add3A_490 = arith.constant 2 : i32
        %add3A_491 = arith.addi %mul3A_449, %add3A_490 : i32
        %get3A_492 = arith.index_cast %add3A_491 : i32 to index
        %get3A_493 = arith.constant 32 : index
        %get3A_494 = tpu.vector_load %arg17[%get3A_492, %get3A_493] {strides = array<i32>} : memref<128x64xbf16, #tpu.memory_space<vmem>>, vector<32xbf16>,
        %slice3A_495 = vector.extract_strided_slice %get3A_447 {offsets = [0], sizes = [1], strides = [1]} : vector<16xf32> to vector<1xf32>
        %squeeze3A_496 = vector.extract %slice3A_495[0] : f32 from vector<1xf32>
        %unpack3A_497 = tpu.unpack_subelements %get3A_459, 0 {pack_format = #tpu.pack_format<interleaved>} : vector<32xbf16> -> vector<16xf32>
        %unpack3A_498 = tpu.unpack_subelements %get3A_459, 1 {pack_format = #tpu.pack_format<interleaved>} : vector<32xbf16> -> vector<16xf32>
        %mul3A_499 = vector.broadcast %squeeze3A_496 : f32 to vector<16xf32>
        %mul3A_500 = arith.mulf %unpack3A_497, %mul3A_499 : vector<16xf32>
        %add3A_501 = arith.constant 0 : i32
        %add3A_502 = arith.addi %mul3A_449, %add3A_501 : i32
        %swap3A_503 = arith.index_cast %add3A_502 : i32 to index
        %swap3A_504 = arith.constant 32 : index
        %swap3A_505 = tpu.vector_load %arg21[%swap3A_503, %swap3A_504] {strides = array<i32>} : memref<128x64xf32, #tpu.memory_space<vmem>>, vector<16xf32>,
        tpu.vector_store %arg21[%swap3A_503, %swap3A_504], %mul3A_500 {strides = array<i32>} : memref<128x64xf32, #tpu.memory_space<vmem>>, vector<16xf32>,
        %mul3A_506 = vector.broadcast %squeeze3A_496 : f32 to vector<16xf32>
        %mul3A_507 = arith.mulf %unpack3A_498, %mul3A_506 : vector<16xf32>
        %add3A_508 = arith.constant 0 : i32
        %add3A_509 = arith.addi %mul3A_449, %add3A_508 : i32
        %swap3A_510 = arith.index_cast %add3A_509 : i32 to index
        %swap3A_511 = arith.constant 48 : index
        %swap3A_512 = tpu.vector_load %arg21[%swap3A_510, %swap3A_511] {strides = array<i32>} : memref<128x64xf32, #tpu.memory_space<vmem>>, vector<16xf32>,
        tpu.vector_store %arg21[%swap3A_510, %swap3A_511], %mul3A_507 {strides = array<i32>} : memref<128x64xf32, #tpu.memory_space<vmem>>, vector<16xf32>,
        %add3A_513 = arith.constant 3 : i32
        %add3A_514 = arith.addi %mul3A_449, %add3A_513 : i32
        %get3A_515 = arith.index_cast %add3A_514 : i32 to index
        %get3A_516 = arith.constant 0 : index
        %get3A_517 = tpu.vector_load %arg17[%get3A_515, %get3A_516] {strides = array<i32>} : memref<128x64xbf16, #tpu.memory_space<vmem>>, vector<32xbf16>,
        %slice3A_518 = vector.extract_strided_slice %get3A_447 {offsets = [1], sizes = [1], strides = [1]} : vector<16xf32> to vector<1xf32>
        %squeeze3A_519 = vector.extract %slice3A_518[0] : f32 from vector<1xf32>
        %unpack3A_520 = tpu.unpack_subelements %get3A_464, 0 {pack_format = #tpu.pack_format<interleaved>} : vector<32xbf16> -> vector<16xf32>
        %unpack3A_521 = tpu.unpack_subelements %get3A_464, 1 {pack_format = #tpu.pack_format<interleaved>} : vector<32xbf16> -> vector<16xf32>
        %mul3A_522 = vector.broadcast %squeeze3A_519 : f32 to vector<16xf32>
        %mul3A_523 = arith.mulf %unpack3A_520, %mul3A_522 : vector<16xf32>
        %add3A_524 = arith.constant 1 : i32
        %add3A_525 = arith.addi %mul3A_449, %add3A_524 : i32
        %swap3A_526 = arith.index_cast %add3A_525 : i32 to index
        %swap3A_527 = arith.constant 0 : index
        %swap3A_528 = tpu.vector_load %arg21[%swap3A_526, %swap3A_527] {strides = array<i32>} : memref<128x64xf32, #tpu.memory_space<vmem>>, vector<16xf32>,
        tpu.vector_store %arg21[%swap3A_526, %swap3A_527], %mul3A_523 {strides = array<i32>} : memref<128x64xf32, #tpu.memory_space<vmem>>, vector<16xf32>,
        %mul3A_529 = vector.broadcast %squeeze3A_519 : f32 to vector<16xf32>
        %mul3A_530 = arith.mulf %unpack3A_521, %mul3A_529 : vector<16xf32>
        %add3A_531 = arith.constant 1 : i32
        %add3A_532 = arith.addi %mul3A_449, %add3A_531 : i32
        %swap3A_533 = arith.index_cast %add3A_532 : i32 to index
        %swap3A_534 = arith.constant 16 : index
        %swap3A_535 = tpu.vector_load %arg21[%swap3A_533, %swap3A_534] {strides = array<i32>} : memref<128x64xf32, #tpu.memory_space<vmem>>, vector<16xf32>,
        tpu.vector_store %arg21[%swap3A_533, %swap3A_534], %mul3A_530 {strides = array<i32>} : memref<128x64xf32, #tpu.memory_space<vmem>>, vector<16xf32>,
        %add3A_536 = arith.constant 3 : i32
        %add3A_537 = arith.addi %mul3A_449, %add3A_536 : i32
        %get3A_538 = arith.index_cast %add3A_537 : i32 to index
        %get3A_539 = arith.constant 32 : index
        %get3A_540 = tpu.vector_load %arg17[%get3A_538, %get3A_539] {strides = array<i32>} : memref<128x64xbf16, #tpu.memory_space<vmem>>, vector<32xbf16>,
        %slice3A_541 = vector.extract_strided_slice %get3A_447 {offsets = [1], sizes = [1], strides = [1]} : vector<16xf32> to vector<1xf32>
        %squeeze3A_542 = vector.extract %slice3A_541[0] : f32 from vector<1xf32>
        %unpack3A_543 = tpu.unpack_subelements %get3A_469, 0 {pack_format = #tpu.pack_format<interleaved>} : vector<32xbf16> -> vector<16xf32>
        %unpack3A_544 = tpu.unpack_subelements %get3A_469, 1 {pack_format = #tpu.pack_format<interleaved>} : vector<32xbf16> -> vector<16xf32>
        %mul3A_545 = vector.broadcast %squeeze3A_542 : f32 to vector<16xf32>
        %mul3A_546 = arith.mulf %unpack3A_543, %mul3A_545 : vector<16xf32>
        %add3A_547 = arith.constant 1 : i32
        %add3A_548 = arith.addi %mul3A_449, %add3A_547 : i32
        %swap3A_549 = arith.index_cast %add3A_548 : i32 to index
        %swap3A_550 = arith.constant 32 : index
        %swap3A_551 = tpu.vector_load %arg21[%swap3A_549, %swap3A_550] {strides = array<i32>} : memref<128x64xf32, #tpu.memory_space<vmem>>, vector<16xf32>,
        tpu.vector_store %arg21[%swap3A_549, %swap3A_550], %mul3A_546 {strides = array<i32>} : memref<128x64xf32, #tpu.memory_space<vmem>>, vector<16xf32>,
        %mul3A_552 = vector.broadcast %squeeze3A_542 : f32 to vector<16xf32>
        %mul3A_553 = arith.mulf %unpack3A_544, %mul3A_552 : vector<16xf32>
        %add3A_554 = arith.constant 1 : i32
        %add3A_555 = arith.addi %mul3A_449, %add3A_554 : i32
        %swap3A_556 = arith.index_cast %add3A_555 : i32 to index
        %swap3A_557 = arith.constant 48 : index
        %swap3A_558 = tpu.vector_load %arg21[%swap3A_556, %swap3A_557] {strides = array<i32>} : memref<128x64xf32, #tpu.memory_space<vmem>>, vector<16xf32>,
        tpu.vector_store %arg21[%swap3A_556, %swap3A_557], %mul3A_553 {strides = array<i32>} : memref<128x64xf32, #tpu.memory_space<vmem>>, vector<16xf32>,
        %add3A_559 = arith.constant 4 : i32
        %add3A_560 = arith.addi %mul3A_449, %add3A_559 : i32
        %get3A_561 = arith.index_cast %add3A_560 : i32 to index
        %get3A_562 = arith.constant 0 : index
        %get3A_563 = tpu.vector_load %arg17[%get3A_561, %get3A_562] {strides = array<i32>} : memref<128x64xbf16, #tpu.memory_space<vmem>>, vector<32xbf16>,
        %slice3A_564 = vector.extract_strided_slice %get3A_447 {offsets = [2], sizes = [1], strides = [1]} : vector<16xf32> to vector<1xf32>
        %squeeze3A_565 = vector.extract %slice3A_564[0] : f32 from vector<1xf32>
        %unpack3A_566 = tpu.unpack_subelements %get3A_474, 0 {pack_format = #tpu.pack_format<interleaved>} : vector<32xbf16> -> vector<16xf32>
        %unpack3A_567 = tpu.unpack_subelements %get3A_474, 1 {pack_format = #tpu.pack_format<interleaved>} : vector<32xbf16> -> vector<16xf32>
        %mul3A_568 = vector.broadcast %squeeze3A_565 : f32 to vector<16xf32>
        %mul3A_569 = arith.mulf %unpack3A_566, %mul3A_568 : vector<16xf32>
        %add3A_570 = arith.constant 2 : i32
        %add3A_571 = arith.addi %mul3A_449, %add3A_570 : i32
        %swap3A_572 = arith.index_cast %add3A_571 : i32 to index
        %swap3A_573 = arith.constant 0 : index
        %swap3A_574 = tpu.vector_load %arg21[%swap3A_572, %swap3A_573] {strides = array<i32>} : memref<128x64xf32, #tpu.memory_space<vmem>>, vector<16xf32>,
        tpu.vector_store %arg21[%swap3A_572, %swap3A_573], %mul3A_569 {strides = array<i32>} : memref<128x64xf32, #tpu.memory_space<vmem>>, vector<16xf32>,
        %mul3A_575 = vector.broadcast %squeeze3A_565 : f32 to vector<16xf32>
        %mul3A_576 = arith.mulf %unpack3A_567, %mul3A_575 : vector<16xf32>
        %add3A_577 = arith.constant 2 : i32
        %add3A_578 = arith.addi %mul3A_449, %add3A_577 : i32
        %swap3A_579 = arith.index_cast %add3A_578 : i32 to index
        %swap3A_580 = arith.constant 16 : index
        %swap3A_581 = tpu.vector_load %arg21[%swap3A_579, %swap3A_580] {strides = array<i32>} : memref<128x64xf32, #tpu.memory_space<vmem>>, vector<16xf32>,
        tpu.vector_store %arg21[%swap3A_579, %swap3A_580], %mul3A_576 {strides = array<i32>} : memref<128x64xf32, #tpu.memory_space<vmem>>, vector<16xf32>,
        %add3A_582 = arith.constant 4 : i32
        %add3A_583 = arith.addi %mul3A_449, %add3A_582 : i32
        %get3A_584 = arith.index_cast %add3A_583 : i32 to index
        %get3A_585 = arith.constant 32 : index
        %get3A_586 = tpu.vector_load %arg17[%get3A_584, %get3A_585] {strides = array<i32>} : memref<128x64xbf16, #tpu.memory_space<vmem>>, vector<32xbf16>,
        %slice3A_587 = vector.extract_strided_slice %get3A_447 {offsets = [2], sizes = [1], strides = [1]} : vector<16xf32> to vector<1xf32>
        %squeeze3A_588 = vector.extract %slice3A_587[0] : f32 from vector<1xf32>
        %unpack3A_589 = tpu.unpack_subelements %get3A_494, 0 {pack_format = #tpu.pack_format<interleaved>} : vector<32xbf16> -> vector<16xf32>
        %unpack3A_590 = tpu.unpack_subelements %get3A_494, 1 {pack_format = #tpu.pack_format<interleaved>} : vector<32xbf16> -> vector<16xf32>
        %mul3A_591 = vector.broadcast %squeeze3A_588 : f32 to vector<16xf32>
        %mul3A_592 = arith.mulf %unpack3A_589, %mul3A_591 : vector<16xf32>
        %add3A_593 = arith.constant 2 : i32
        %add3A_594 = arith.addi %mul3A_449, %add3A_593 : i32
        %swap3A_595 = arith.index_cast %add3A_594 : i32 to index
        %swap3A_596 = arith.constant 32 : index
        %swap3A_597 = tpu.vector_load %arg21[%swap3A_595, %swap3A_596] {strides = array<i32>} : memref<128x64xf32, #tpu.memory_space<vmem>>, vector<16xf32>,
        tpu.vector_store %arg21[%swap3A_595, %swap3A_596], %mul3A_592 {strides = array<i32>} : memref<128x64xf32, #tpu.memory_space<vmem>>, vector<16xf32>,
        %mul3A_598 = vector.broadcast %squeeze3A_588 : f32 to vector<16xf32>
        %mul3A_599 = arith.mulf %unpack3A_590, %mul3A_598 : vector<16xf32>
        %add3A_600 = arith.constant 2 : i32
        %add3A_601 = arith.addi %mul3A_449, %add3A_600 : i32
        %swap3A_602 = arith.index_cast %add3A_601 : i32 to index
        %swap3A_603 = arith.constant 48 : index
        %swap3A_604 = tpu.vector_load %arg21[%swap3A_602, %swap3A_603] {strides = array<i32>} : memref<128x64xf32, #tpu.memory_space<vmem>>, vector<16xf32>,
        tpu.vector_store %arg21[%swap3A_602, %swap3A_603], %mul3A_599 {strides = array<i32>} : memref<128x64xf32, #tpu.memory_space<vmem>>, vector<16xf32>,
        %add3A_605 = arith.constant 5 : i32
        %add3A_606 = arith.addi %mul3A_449, %add3A_605 : i32
        %get3A_607 = arith.index_cast %add3A_606 : i32 to index
        %get3A_608 = arith.constant 0 : index
        %get3A_609 = tpu.vector_load %arg17[%get3A_607, %get3A_608] {strides = array<i32>} : memref<128x64xbf16, #tpu.memory_space<vmem>>, vector<32xbf16>,
        %slice3A_610 = vector.extract_strided_slice %get3A_447 {offsets = [3], sizes = [1], strides = [1]} : vector<16xf32> to vector<1xf32>
        %squeeze3A_611 = vector.extract %slice3A_610[0] : f32 from vector<1xf32>
        %unpack3A_612 = tpu.unpack_subelements %get3A_517, 0 {pack_format = #tpu.pack_format<interleaved>} : vector<32xbf16> -> vector<16xf32>
        %unpack3A_613 = tpu.unpack_subelements %get3A_517, 1 {pack_format = #tpu.pack_format<interleaved>} : vector<32xbf16> -> vector<16xf32>
        %mul3A_614 = vector.broadcast %squeeze3A_611 : f32 to vector<16xf32>
        %mul3A_615 = arith.mulf %unpack3A_612, %mul3A_614 : vector<16xf32>
        %add3A_616 = arith.constant 3 : i32
        %add3A_617 = arith.addi %mul3A_449, %add3A_616 : i32
        %swap3A_618 = arith.index_cast %add3A_617 : i32 to index
        %swap3A_619 = arith.constant 0 : index
        %swap3A_620 = tpu.vector_load %arg21[%swap3A_618, %swap3A_619] {strides = array<i32>} : memref<128x64xf32, #tpu.memory_space<vmem>>, vector<16xf32>,
        tpu.vector_store %arg21[%swap3A_618, %swap3A_619], %mul3A_615 {strides = array<i32>} : memref<128x64xf32, #tpu.memory_space<vmem>>, vector<16xf32>,
        %mul3A_621 = vector.broadcast %squeeze3A_611 : f32 to vector<16xf32>
        %mul3A_622 = arith.mulf %unpack3A_613, %mul3A_621 : vector<16xf32>
        %add3A_623 = arith.constant 3 : i32
        %add3A_624 = arith.addi %mul3A_449, %add3A_623 : i32
        %swap3A_625 = arith.index_cast %add3A_624 : i32 to index
        %swap3A_626 = arith.constant 16 : index
        %swap3A_627 = tpu.vector_load %arg21[%swap3A_625, %swap3A_626] {strides = array<i32>} : memref<128x64xf32, #tpu.memory_space<vmem>>, vector<16xf32>,
        tpu.vector_store %arg21[%swap3A_625, %swap3A_626], %mul3A_622 {strides = array<i32>} : memref<128x64xf32, #tpu.memory_space<vmem>>, vector<16xf32>,
        %add3A_628 = arith.constant 5 : i32
        %add3A_629 = arith.addi %mul3A_449, %add3A_628 : i32
        %get3A_630 = arith.index_cast %add3A_629 : i32 to index
        %get3A_631 = arith.constant 32 : index
        %get3A_632 = tpu.vector_load %arg17[%get3A_630, %get3A_631] {strides = array<i32>} : memref<128x64xbf16, #tpu.memory_space<vmem>>, vector<32xbf16>,
        %slice3A_633 = vector.extract_strided_slice %get3A_447 {offsets = [3], sizes = [1], strides = [1]} : vector<16xf32> to vector<1xf32>
        %squeeze3A_634 = vector.extract %slice3A_633[0] : f32 from vector<1xf32>
        %unpack3A_635 = tpu.unpack_subelements %get3A_540, 0 {pack_format = #tpu.pack_format<interleaved>} : vector<32xbf16> -> vector<16xf32>
        %unpack3A_636 = tpu.unpack_subelements %get3A_540, 1 {pack_format = #tpu.pack_format<interleaved>} : vector<32xbf16> -> vector<16xf32>
        %mul3A_637 = vector.broadcast %squeeze3A_634 : f32 to vector<16xf32>
        %mul3A_638 = arith.mulf %unpack3A_635, %mul3A_637 : vector<16xf32>
        %add3A_639 = arith.constant 3 : i32
        %add3A_640 = arith.addi %mul3A_449, %add3A_639 : i32
        %swap3A_641 = arith.index_cast %add3A_640 : i32 to index
        %swap3A_642 = arith.constant 32 : index
        %swap3A_643 = tpu.vector_load %arg21[%swap3A_641, %swap3A_642] {strides = array<i32>} : memref<128x64xf32, #tpu.memory_space<vmem>>, vector<16xf32>,
        tpu.vector_store %arg21[%swap3A_641, %swap3A_642], %mul3A_638 {strides = array<i32>} : memref<128x64xf32, #tpu.memory_space<vmem>>, vector<16xf32>,
        %mul3A_644 = vector.broadcast %squeeze3A_634 : f32 to vector<16xf32>
        %mul3A_645 = arith.mulf %unpack3A_636, %mul3A_644 : vector<16xf32>
        %add3A_646 = arith.constant 3 : i32
        %add3A_647 = arith.addi %mul3A_449, %add3A_646 : i32
        %swap3A_648 = arith.index_cast %add3A_647 : i32 to index
        %swap3A_649 = arith.constant 48 : index
        %swap3A_650 = tpu.vector_load %arg21[%swap3A_648, %swap3A_649] {strides = array<i32>} : memref<128x64xf32, #tpu.memory_space<vmem>>, vector<16xf32>,
        tpu.vector_store %arg21[%swap3A_648, %swap3A_649], %mul3A_645 {strides = array<i32>} : memref<128x64xf32, #tpu.memory_space<vmem>>, vector<16xf32>,
        %add3A_651 = arith.constant 6 : i32
        %add3A_652 = arith.addi %mul3A_449, %add3A_651 : i32
        %get3A_653 = arith.index_cast %add3A_652 : i32 to index
        %get3A_654 = arith.constant 0 : index
        %get3A_655 = tpu.vector_load %arg17[%get3A_653, %get3A_654] {strides = array<i32>} : memref<128x64xbf16, #tpu.memory_space<vmem>>, vector<32xbf16>,
        %slice3A_656 = vector.extract_strided_slice %get3A_447 {offsets = [4], sizes = [1], strides = [1]} : vector<16xf32> to vector<1xf32>
        %squeeze3A_657 = vector.extract %slice3A_656[0] : f32 from vector<1xf32>
        %unpack3A_658 = tpu.unpack_subelements %get3A_563, 0 {pack_format = #tpu.pack_format<interleaved>} : vector<32xbf16> -> vector<16xf32>
        %unpack3A_659 = tpu.unpack_subelements %get3A_563, 1 {pack_format = #tpu.pack_format<interleaved>} : vector<32xbf16> -> vector<16xf32>
        %mul3A_660 = vector.broadcast %squeeze3A_657 : f32 to vector<16xf32>
        %mul3A_661 = arith.mulf %unpack3A_658, %mul3A_660 : vector<16xf32>
        %add3A_662 = arith.constant 4 : i32
        %add3A_663 = arith.addi %mul3A_449, %add3A_662 : i32
        %swap3A_664 = arith.index_cast %add3A_663 : i32 to index
        %swap3A_665 = arith.constant 0 : index
        %swap3A_666 = tpu.vector_load %arg21[%swap3A_664, %swap3A_665] {strides = array<i32>} : memref<128x64xf32, #tpu.memory_space<vmem>>, vector<16xf32>,
        tpu.vector_store %arg21[%swap3A_664, %swap3A_665], %mul3A_661 {strides = array<i32>} : memref<128x64xf32, #tpu.memory_space<vmem>>, vector<16xf32>,
        %mul3A_667 = vector.broadcast %squeeze3A_657 : f32 to vector<16xf32>
        %mul3A_668 = arith.mulf %unpack3A_659, %mul3A_667 : vector<16xf32>
        %add3A_669 = arith.constant 4 : i32
        %add3A_670 = arith.addi %mul3A_449, %add3A_669 : i32
        %swap3A_671 = arith.index_cast %add3A_670 : i32 to index
        %swap3A_672 = arith.constant 16 : index
        %swap3A_673 = tpu.vector_load %arg21[%swap3A_671, %swap3A_672] {strides = array<i32>} : memref<128x64xf32, #tpu.memory_space<vmem>>, vector<16xf32>,
        tpu.vector_store %arg21[%swap3A_671, %swap3A_672], %mul3A_668 {strides = array<i32>} : memref<128x64xf32, #tpu.memory_space<vmem>>, vector<16xf32>,
        %add3A_674 = arith.constant 6 : i32
        %add3A_675 = arith.addi %mul3A_449, %add3A_674 : i32
        %get3A_676 = arith.index_cast %add3A_675 : i32 to index
        %get3A_677 = arith.constant 32 : index
        %get3A_678 = tpu.vector_load %arg17[%get3A_676, %get3A_677] {strides = array<i32>} : memref<128x64xbf16, #tpu.memory_space<vmem>>, vector<32xbf16>,
        %slice3A_679 = vector.extract_strided_slice %get3A_447 {offsets = [4], sizes = [1], strides = [1]} : vector<16xf32> to vector<1xf32>
        %squeeze3A_680 = vector.extract %slice3A_679[0] : f32 from vector<1xf32>
        %unpack3A_681 = tpu.unpack_subelements %get3A_586, 0 {pack_format = #tpu.pack_format<interleaved>} : vector<32xbf16> -> vector<16xf32>
        %unpack3A_682 = tpu.unpack_subelements %get3A_586, 1 {pack_format = #tpu.pack_format<interleaved>} : vector<32xbf16> -> vector<16xf32>
        %mul3A_683 = vector.broadcast %squeeze3A_680 : f32 to vector<16xf32>
        %mul3A_684 = arith.mulf %unpack3A_681, %mul3A_683 : vector<16xf32>
        %add3A_685 = arith.constant 4 : i32
        %add3A_686 = arith.addi %mul3A_449, %add3A_685 : i32
        %swap3A_687 = arith.index_cast %add3A_686 : i32 to index
        %swap3A_688 = arith.constant 32 : index
        %swap3A_689 = tpu.vector_load %arg21[%swap3A_687, %swap3A_688] {strides = array<i32>} : memref<128x64xf32, #tpu.memory_space<vmem>>, vector<16xf32>,
        tpu.vector_store %arg21[%swap3A_687, %swap3A_688], %mul3A_684 {strides = array<i32>} : memref<128x64xf32, #tpu.memory_space<vmem>>, vector<16xf32>,
        %mul3A_690 = vector.broadcast %squeeze3A_680 : f32 to vector<16xf32>
        %mul3A_691 = arith.mulf %unpack3A_682, %mul3A_690 : vector<16xf32>
        %add3A_692 = arith.constant 4 : i32
        %add3A_693 = arith.addi %mul3A_449, %add3A_692 : i32
        %swap3A_694 = arith.index_cast %add3A_693 : i32 to index
        %swap3A_695 = arith.constant 48 : index
        %swap3A_696 = tpu.vector_load %arg21[%swap3A_694, %swap3A_695] {strides = array<i32>} : memref<128x64xf32, #tpu.memory_space<vmem>>, vector<16xf32>,
        tpu.vector_store %arg21[%swap3A_694, %swap3A_695], %mul3A_691 {strides = array<i32>} : memref<128x64xf32, #tpu.memory_space<vmem>>, vector<16xf32>,
        %add3A_697 = arith.constant 7 : i32
        %add3A_698 = arith.addi %mul3A_449, %add3A_697 : i32
        %get3A_699 = arith.index_cast %add3A_698 : i32 to index
        %get3A_700 = arith.constant 0 : index
        %get3A_701 = tpu.vector_load %arg17[%get3A_699, %get3A_700] {strides = array<i32>} : memref<128x64xbf16, #tpu.memory_space<vmem>>, vector<32xbf16>,
        %slice3A_702 = vector.extract_strided_slice %get3A_447 {offsets = [5], sizes = [1], strides = [1]} : vector<16xf32> to vector<1xf32>
        %squeeze3A_703 = vector.extract %slice3A_702[0] : f32 from vector<1xf32>
        %unpack3A_704 = tpu.unpack_subelements %get3A_609, 0 {pack_format = #tpu.pack_format<interleaved>} : vector<32xbf16> -> vector<16xf32>
        %unpack3A_705 = tpu.unpack_subelements %get3A_609, 1 {pack_format = #tpu.pack_format<interleaved>} : vector<32xbf16> -> vector<16xf32>
        %mul3A_706 = vector.broadcast %squeeze3A_703 : f32 to vector<16xf32>
        %mul3A_707 = arith.mulf %unpack3A_704, %mul3A_706 : vector<16xf32>
        %add3A_708 = arith.constant 5 : i32
        %add3A_709 = arith.addi %mul3A_449, %add3A_708 : i32
        %swap3A_710 = arith.index_cast %add3A_709 : i32 to index
        %swap3A_711 = arith.constant 0 : index
        %swap3A_712 = tpu.vector_load %arg21[%swap3A_710, %swap3A_711] {strides = array<i32>} : memref<128x64xf32, #tpu.memory_space<vmem>>, vector<16xf32>,
        tpu.vector_store %arg21[%swap3A_710, %swap3A_711], %mul3A_707 {strides = array<i32>} : memref<128x64xf32, #tpu.memory_space<vmem>>, vector<16xf32>,
        %mul3A_713 = vector.broadcast %squeeze3A_703 : f32 to vector<16xf32>
        %mul3A_714 = arith.mulf %unpack3A_705, %mul3A_713 : vector<16xf32>
        %add3A_715 = arith.constant 5 : i32
        %add3A_716 = arith.addi %mul3A_449, %add3A_715 : i32
        %swap3A_717 = arith.index_cast %add3A_716 : i32 to index
        %swap3A_718 = arith.constant 16 : index
        %swap3A_719 = tpu.vector_load %arg21[%swap3A_717, %swap3A_718] {strides = array<i32>} : memref<128x64xf32, #tpu.memory_space<vmem>>, vector<16xf32>,
        tpu.vector_store %arg21[%swap3A_717, %swap3A_718], %mul3A_714 {strides = array<i32>} : memref<128x64xf32, #tpu.memory_space<vmem>>, vector<16xf32>,
        %add3A_720 = arith.constant 7 : i32
        %add3A_721 = arith.addi %mul3A_449, %add3A_720 : i32
        %get3A_722 = arith.index_cast %add3A_721 : i32 to index
        %get3A_723 = arith.constant 32 : index
        %get3A_724 = tpu.vector_load %arg17[%get3A_722, %get3A_723] {strides = array<i32>} : memref<128x64xbf16, #tpu.memory_space<vmem>>, vector<32xbf16>,
        %slice3A_725 = vector.extract_strided_slice %get3A_447 {offsets = [5], sizes = [1], strides = [1]} : vector<16xf32> to vector<1xf32>
        %squeeze3A_726 = vector.extract %slice3A_725[0] : f32 from vector<1xf32>
        %unpack3A_727 = tpu.unpack_subelements %get3A_632, 0 {pack_format = #tpu.pack_format<interleaved>} : vector<32xbf16> -> vector<16xf32>
        %unpack3A_728 = tpu.unpack_subelements %get3A_632, 1 {pack_format = #tpu.pack_format<interleaved>} : vector<32xbf16> -> vector<16xf32>
        %mul3A_729 = vector.broadcast %squeeze3A_726 : f32 to vector<16xf32>
        %mul3A_730 = arith.mulf %unpack3A_727, %mul3A_729 : vector<16xf32>
        %add3A_731 = arith.constant 5 : i32
        %add3A_732 = arith.addi %mul3A_449, %add3A_731 : i32
        %swap3A_733 = arith.index_cast %add3A_732 : i32 to index
        %swap3A_734 = arith.constant 32 : index
        %swap3A_735 = tpu.vector_load %arg21[%swap3A_733, %swap3A_734] {strides = array<i32>} : memref<128x64xf32, #tpu.memory_space<vmem>>, vector<16xf32>,
        tpu.vector_store %arg21[%swap3A_733, %swap3A_734], %mul3A_730 {strides = array<i32>} : memref<128x64xf32, #tpu.memory_space<vmem>>, vector<16xf32>,
        %mul3A_736 = vector.broadcast %squeeze3A_726 : f32 to vector<16xf32>
        %mul3A_737 = arith.mulf %unpack3A_728, %mul3A_736 : vector<16xf32>
        %add3A_738 = arith.constant 5 : i32
        %add3A_739 = arith.addi %mul3A_449, %add3A_738 : i32
        %swap3A_740 = arith.index_cast %add3A_739 : i32 to index
        %swap3A_741 = arith.constant 48 : index
        %swap3A_742 = tpu.vector_load %arg21[%swap3A_740, %swap3A_741] {strides = array<i32>} : memref<128x64xf32, #tpu.memory_space<vmem>>, vector<16xf32>,
        tpu.vector_store %arg21[%swap3A_740, %swap3A_741], %mul3A_737 {strides = array<i32>} : memref<128x64xf32, #tpu.memory_space<vmem>>, vector<16xf32>,
        %add3A_743 = arith.constant 8 : i32
        %add3A_744 = arith.addi %mul3A_449, %add3A_743 : i32
        %get3A_745 = arith.index_cast %add3A_744 : i32 to index
        %get3A_746 = arith.constant 0 : index
        %get3A_747 = tpu.vector_load %arg17[%get3A_745, %get3A_746] {strides = array<i32>} : memref<128x64xbf16, #tpu.memory_space<vmem>>, vector<32xbf16>,
        %slice3A_748 = vector.extract_strided_slice %get3A_447 {offsets = [6], sizes = [1], strides = [1]} : vector<16xf32> to vector<1xf32>
        %squeeze3A_749 = vector.extract %slice3A_748[0] : f32 from vector<1xf32>
        %unpack3A_750 = tpu.unpack_subelements %get3A_655, 0 {pack_format = #tpu.pack_format<interleaved>} : vector<32xbf16> -> vector<16xf32>
        %unpack3A_751 = tpu.unpack_subelements %get3A_655, 1 {pack_format = #tpu.pack_format<interleaved>} : vector<32xbf16> -> vector<16xf32>
        %mul3A_752 = vector.broadcast %squeeze3A_749 : f32 to vector<16xf32>
        %mul3A_753 = arith.mulf %unpack3A_750, %mul3A_752 : vector<16xf32>
        %add3A_754 = arith.constant 6 : i32
        %add3A_755 = arith.addi %mul3A_449, %add3A_754 : i32
        %swap3A_756 = arith.index_cast %add3A_755 : i32 to index
        %swap3A_757 = arith.constant 0 : index
        %swap3A_758 = tpu.vector_load %arg21[%swap3A_756, %swap3A_757] {strides = array<i32>} : memref<128x64xf32, #tpu.memory_space<vmem>>, vector<16xf32>,
        tpu.vector_store %arg21[%swap3A_756, %swap3A_757], %mul3A_753 {strides = array<i32>} : memref<128x64xf32, #tpu.memory_space<vmem>>, vector<16xf32>,
        %mul3A_759 = vector.broadcast %squeeze3A_749 : f32 to vector<16xf32>
        %mul3A_760 = arith.mulf %unpack3A_751, %mul3A_759 : vector<16xf32>
        %add3A_761 = arith.constant 6 : i32
        %add3A_762 = arith.addi %mul3A_449, %add3A_761 : i32
        %swap3A_763 = arith.index_cast %add3A_762 : i32 to index
        %swap3A_764 = arith.constant 16 : index
        %swap3A_765 = tpu.vector_load %arg21[%swap3A_763, %swap3A_764] {strides = array<i32>} : memref<128x64xf32, #tpu.memory_space<vmem>>, vector<16xf32>,
        tpu.vector_store %arg21[%swap3A_763, %swap3A_764], %mul3A_760 {strides = array<i32>} : memref<128x64xf32, #tpu.memory_space<vmem>>, vector<16xf32>,
        %add3A_766 = arith.constant 8 : i32
        %add3A_767 = arith.addi %mul3A_449, %add3A_766 : i32
        %get3A_768 = arith.index_cast %add3A_767 : i32 to index
        %get3A_769 = arith.constant 32 : index
        %get3A_770 = tpu.vector_load %arg17[%get3A_768, %get3A_769] {strides = array<i32>} : memref<128x64xbf16, #tpu.memory_space<vmem>>, vector<32xbf16>,
        %slice3A_771 = vector.extract_strided_slice %get3A_447 {offsets = [6], sizes = [1], strides = [1]} : vector<16xf32> to vector<1xf32>
        %squeeze3A_772 = vector.extract %slice3A_771[0] : f32 from vector<1xf32>
        %unpack3A_773 = tpu.unpack_subelements %get3A_678, 0 {pack_format = #tpu.pack_format<interleaved>} : vector<32xbf16> -> vector<16xf32>
        %unpack3A_774 = tpu.unpack_subelements %get3A_678, 1 {pack_format = #tpu.pack_format<interleaved>} : vector<32xbf16> -> vector<16xf32>
        %mul3A_775 = vector.broadcast %squeeze3A_772 : f32 to vector<16xf32>
        %mul3A_776 = arith.mulf %unpack3A_773, %mul3A_775 : vector<16xf32>
        %add3A_777 = arith.constant 6 : i32
        %add3A_778 = arith.addi %mul3A_449, %add3A_777 : i32
        %swap3A_779 = arith.index_cast %add3A_778 : i32 to index
        %swap3A_780 = arith.constant 32 : index
        %swap3A_781 = tpu.vector_load %arg21[%swap3A_779, %swap3A_780] {strides = array<i32>} : memref<128x64xf32, #tpu.memory_space<vmem>>, vector<16xf32>,
        tpu.vector_store %arg21[%swap3A_779, %swap3A_780], %mul3A_776 {strides = array<i32>} : memref<128x64xf32, #tpu.memory_space<vmem>>, vector<16xf32>,
        %mul3A_782 = vector.broadcast %squeeze3A_772 : f32 to vector<16xf32>
        %mul3A_783 = arith.mulf %unpack3A_774, %mul3A_782 : vector<16xf32>
        %add3A_784 = arith.constant 6 : i32
        %add3A_785 = arith.addi %mul3A_449, %add3A_784 : i32
        %swap3A_786 = arith.index_cast %add3A_785 : i32 to index
        %swap3A_787 = arith.constant 48 : index
        %swap3A_788 = tpu.vector_load %arg21[%swap3A_786, %swap3A_787] {strides = array<i32>} : memref<128x64xf32, #tpu.memory_space<vmem>>, vector<16xf32>,
        tpu.vector_store %arg21[%swap3A_786, %swap3A_787], %mul3A_783 {strides = array<i32>} : memref<128x64xf32, #tpu.memory_space<vmem>>, vector<16xf32>,
        %add3A_789 = arith.constant 9 : i32
        %add3A_790 = arith.addi %mul3A_449, %add3A_789 : i32
        %get3A_791 = arith.index_cast %add3A_790 : i32 to index
        %get3A_792 = arith.constant 0 : index
        %get3A_793 = tpu.vector_load %arg17[%get3A_791, %get3A_792] {strides = array<i32>} : memref<128x64xbf16, #tpu.memory_space<vmem>>, vector<32xbf16>,
        %slice3A_794 = vector.extract_strided_slice %get3A_447 {offsets = [7], sizes = [1], strides = [1]} : vector<16xf32> to vector<1xf32>
        %squeeze3A_795 = vector.extract %slice3A_794[0] : f32 from vector<1xf32>
        %unpack3A_796 = tpu.unpack_subelements %get3A_701, 0 {pack_format = #tpu.pack_format<interleaved>} : vector<32xbf16> -> vector<16xf32>
        %unpack3A_797 = tpu.unpack_subelements %get3A_701, 1 {pack_format = #tpu.pack_format<interleaved>} : vector<32xbf16> -> vector<16xf32>
        %mul3A_798 = vector.broadcast %squeeze3A_795 : f32 to vector<16xf32>
        %mul3A_799 = arith.mulf %unpack3A_796, %mul3A_798 : vector<16xf32>
        %add3A_800 = arith.constant 7 : i32
        %add3A_801 = arith.addi %mul3A_449, %add3A_800 : i32
        %swap3A_802 = arith.index_cast %add3A_801 : i32 to index
        %swap3A_803 = arith.constant 0 : index
        %swap3A_804 = tpu.vector_load %arg21[%swap3A_802, %swap3A_803] {strides = array<i32>} : memref<128x64xf32, #tpu.memory_space<vmem>>, vector<16xf32>,
        tpu.vector_store %arg21[%swap3A_802, %swap3A_803], %mul3A_799 {strides = array<i32>} : memref<128x64xf32, #tpu.memory_space<vmem>>, vector<16xf32>,
        %mul3A_805 = vector.broadcast %squeeze3A_795 : f32 to vector<16xf32>
        %mul3A_806 = arith.mulf %unpack3A_797, %mul3A_805 : vector<16xf32>
        %add3A_807 = arith.constant 7 : i32
        %add3A_808 = arith.addi %mul3A_449, %add3A_807 : i32
        %swap3A_809 = arith.index_cast %add3A_808 : i32 to index
        %swap3A_810 = arith.constant 16 : index
        %swap3A_811 = tpu.vector_load %arg21[%swap3A_809, %swap3A_810] {strides = array<i32>} : memref<128x64xf32, #tpu.memory_space<vmem>>, vector<16xf32>,
        tpu.vector_store %arg21[%swap3A_809, %swap3A_810], %mul3A_806 {strides = array<i32>} : memref<128x64xf32, #tpu.memory_space<vmem>>, vector<16xf32>,
        %add3A_812 = arith.constant 9 : i32
        %add3A_813 = arith.addi %mul3A_449, %add3A_812 : i32
        %get3A_814 = arith.index_cast %add3A_813 : i32 to index
        %get3A_815 = arith.constant 32 : index
        %get3A_816 = tpu.vector_load %arg17[%get3A_814, %get3A_815] {strides = array<i32>} : memref<128x64xbf16, #tpu.memory_space<vmem>>, vector<32xbf16>,
        %slice3A_817 = vector.extract_strided_slice %get3A_447 {offsets = [7], sizes = [1], strides = [1]} : vector<16xf32> to vector<1xf32>
        %squeeze3A_818 = vector.extract %slice3A_817[0] : f32 from vector<1xf32>
        %unpack3A_819 = tpu.unpack_subelements %get3A_724, 0 {pack_format = #tpu.pack_format<interleaved>} : vector<32xbf16> -> vector<16xf32>
        %unpack3A_820 = tpu.unpack_subelements %get3A_724, 1 {pack_format = #tpu.pack_format<interleaved>} : vector<32xbf16> -> vector<16xf32>
        %mul3A_821 = vector.broadcast %squeeze3A_818 : f32 to vector<16xf32>
        %mul3A_822 = arith.mulf %unpack3A_819, %mul3A_821 : vector<16xf32>
        %add3A_823 = arith.constant 7 : i32
        %add3A_824 = arith.addi %mul3A_449, %add3A_823 : i32
        %swap3A_825 = arith.index_cast %add3A_824 : i32 to index
        %swap3A_826 = arith.constant 32 : index
        %swap3A_827 = tpu.vector_load %arg21[%swap3A_825, %swap3A_826] {strides = array<i32>} : memref<128x64xf32, #tpu.memory_space<vmem>>, vector<16xf32>,
        tpu.vector_store %arg21[%swap3A_825, %swap3A_826], %mul3A_822 {strides = array<i32>} : memref<128x64xf32, #tpu.memory_space<vmem>>, vector<16xf32>,
        %mul3A_828 = vector.broadcast %squeeze3A_818 : f32 to vector<16xf32>
        %mul3A_829 = arith.mulf %unpack3A_820, %mul3A_828 : vector<16xf32>
        %add3A_830 = arith.constant 7 : i32
        %add3A_831 = arith.addi %mul3A_449, %add3A_830 : i32
        %swap3A_832 = arith.index_cast %add3A_831 : i32 to index
        %swap3A_833 = arith.constant 48 : index
        %swap3A_834 = tpu.vector_load %arg21[%swap3A_832, %swap3A_833] {strides = array<i32>} : memref<128x64xf32, #tpu.memory_space<vmem>>, vector<16xf32>,
        tpu.vector_store %arg21[%swap3A_832, %swap3A_833], %mul3A_829 {strides = array<i32>} : memref<128x64xf32, #tpu.memory_space<vmem>>, vector<16xf32>,
        %add3A_835 = arith.constant 10 : i32
        %add3A_836 = arith.addi %mul3A_449, %add3A_835 : i32
        %get3A_837 = arith.index_cast %add3A_836 : i32 to index
        %get3A_838 = arith.constant 0 : index
        %get3A_839 = tpu.vector_load %arg17[%get3A_837, %get3A_838] {strides = array<i32>} : memref<128x64xbf16, #tpu.memory_space<vmem>>, vector<32xbf16>,
        %slice3A_840 = vector.extract_strided_slice %get3A_447 {offsets = [8], sizes = [1], strides = [1]} : vector<16xf32> to vector<1xf32>
        %squeeze3A_841 = vector.extract %slice3A_840[0] : f32 from vector<1xf32>
        %unpack3A_842 = tpu.unpack_subelements %get3A_747, 0 {pack_format = #tpu.pack_format<interleaved>} : vector<32xbf16> -> vector<16xf32>
        %unpack3A_843 = tpu.unpack_subelements %get3A_747, 1 {pack_format = #tpu.pack_format<interleaved>} : vector<32xbf16> -> vector<16xf32>
        %mul3A_844 = vector.broadcast %squeeze3A_841 : f32 to vector<16xf32>
        %mul3A_845 = arith.mulf %unpack3A_842, %mul3A_844 : vector<16xf32>
        %add3A_846 = arith.constant 8 : i32
        %add3A_847 = arith.addi %mul3A_449, %add3A_846 : i32
        %swap3A_848 = arith.index_cast %add3A_847 : i32 to index
        %swap3A_849 = arith.constant 0 : index
        %swap3A_850 = tpu.vector_load %arg21[%swap3A_848, %swap3A_849] {strides = array<i32>} : memref<128x64xf32, #tpu.memory_space<vmem>>, vector<16xf32>,
        tpu.vector_store %arg21[%swap3A_848, %swap3A_849], %mul3A_845 {strides = array<i32>} : memref<128x64xf32, #tpu.memory_space<vmem>>, vector<16xf32>,
        %mul3A_851 = vector.broadcast %squeeze3A_841 : f32 to vector<16xf32>
        %mul3A_852 = arith.mulf %unpack3A_843, %mul3A_851 : vector<16xf32>
        %add3A_853 = arith.constant 8 : i32
        %add3A_854 = arith.addi %mul3A_449, %add3A_853 : i32
        %swap3A_855 = arith.index_cast %add3A_854 : i32 to index
        %swap3A_856 = arith.constant 16 : index
        %swap3A_857 = tpu.vector_load %arg21[%swap3A_855, %swap3A_856] {strides = array<i32>} : memref<128x64xf32, #tpu.memory_space<vmem>>, vector<16xf32>,
        tpu.vector_store %arg21[%swap3A_855, %swap3A_856], %mul3A_852 {strides = array<i32>} : memref<128x64xf32, #tpu.memory_space<vmem>>, vector<16xf32>,
        %add3A_858 = arith.constant 10 : i32
        %add3A_859 = arith.addi %mul3A_449, %add3A_858 : i32
        %get3A_860 = arith.index_cast %add3A_859 : i32 to index
        %get3A_861 = arith.constant 32 : index
        %get3A_862 = tpu.vector_load %arg17[%get3A_860, %get3A_861] {strides = array<i32>} : memref<128x64xbf16, #tpu.memory_space<vmem>>, vector<32xbf16>,
        %slice3A_863 = vector.extract_strided_slice %get3A_447 {offsets = [8], sizes = [1], strides = [1]} : vector<16xf32> to vector<1xf32>
        %squeeze3A_864 = vector.extract %slice3A_863[0] : f32 from vector<1xf32>
        %unpack3A_865 = tpu.unpack_subelements %get3A_770, 0 {pack_format = #tpu.pack_format<interleaved>} : vector<32xbf16> -> vector<16xf32>
        %unpack3A_866 = tpu.unpack_subelements %get3A_770, 1 {pack_format = #tpu.pack_format<interleaved>} : vector<32xbf16> -> vector<16xf32>
        %mul3A_867 = vector.broadcast %squeeze3A_864 : f32 to vector<16xf32>
        %mul3A_868 = arith.mulf %unpack3A_865, %mul3A_867 : vector<16xf32>
        %add3A_869 = arith.constant 8 : i32
        %add3A_870 = arith.addi %mul3A_449, %add3A_869 : i32
        %swap3A_871 = arith.index_cast %add3A_870 : i32 to index
        %swap3A_872 = arith.constant 32 : index
        %swap3A_873 = tpu.vector_load %arg21[%swap3A_871, %swap3A_872] {strides = array<i32>} : memref<128x64xf32, #tpu.memory_space<vmem>>, vector<16xf32>,
        tpu.vector_store %arg21[%swap3A_871, %swap3A_872], %mul3A_868 {strides = array<i32>} : memref<128x64xf32, #tpu.memory_space<vmem>>, vector<16xf32>,
        %mul3A_874 = vector.broadcast %squeeze3A_864 : f32 to vector<16xf32>
        %mul3A_875 = arith.mulf %unpack3A_866, %mul3A_874 : vector<16xf32>
        %add3A_876 = arith.constant 8 : i32
        %add3A_877 = arith.addi %mul3A_449, %add3A_876 : i32
        %swap3A_878 = arith.index_cast %add3A_877 : i32 to index
        %swap3A_879 = arith.constant 48 : index
        %swap3A_880 = tpu.vector_load %arg21[%swap3A_878, %swap3A_879] {strides = array<i32>} : memref<128x64xf32, #tpu.memory_space<vmem>>, vector<16xf32>,
        tpu.vector_store %arg21[%swap3A_878, %swap3A_879], %mul3A_875 {strides = array<i32>} : memref<128x64xf32, #tpu.memory_space<vmem>>, vector<16xf32>,
        %add3A_881 = arith.constant 11 : i32
        %add3A_882 = arith.addi %mul3A_449, %add3A_881 : i32
        %get3A_883 = arith.index_cast %add3A_882 : i32 to index
        %get3A_884 = arith.constant 0 : index
        %get3A_885 = tpu.vector_load %arg17[%get3A_883, %get3A_884] {strides = array<i32>} : memref<128x64xbf16, #tpu.memory_space<vmem>>, vector<32xbf16>,
        %slice3A_886 = vector.extract_strided_slice %get3A_447 {offsets = [9], sizes = [1], strides = [1]} : vector<16xf32> to vector<1xf32>
        %squeeze3A_887 = vector.extract %slice3A_886[0] : f32 from vector<1xf32>
        %unpack3A_888 = tpu.unpack_subelements %get3A_793, 0 {pack_format = #tpu.pack_format<interleaved>} : vector<32xbf16> -> vector<16xf32>
        %unpack3A_889 = tpu.unpack_subelements %get3A_793, 1 {pack_format = #tpu.pack_format<interleaved>} : vector<32xbf16> -> vector<16xf32>
        %mul3A_890 = vector.broadcast %squeeze3A_887 : f32 to vector<16xf32>
        %mul3A_891 = arith.mulf %unpack3A_888, %mul3A_890 : vector<16xf32>
        %add3A_892 = arith.constant 9 : i32
        %add3A_893 = arith.addi %mul3A_449, %add3A_892 : i32
        %swap3A_894 = arith.index_cast %add3A_893 : i32 to index
        %swap3A_895 = arith.constant 0 : index
        %swap3A_896 = tpu.vector_load %arg21[%swap3A_894, %swap3A_895] {strides = array<i32>} : memref<128x64xf32, #tpu.memory_space<vmem>>, vector<16xf32>,
        tpu.vector_store %arg21[%swap3A_894, %swap3A_895], %mul3A_891 {strides = array<i32>} : memref<128x64xf32, #tpu.memory_space<vmem>>, vector<16xf32>,
        %mul3A_897 = vector.broadcast %squeeze3A_887 : f32 to vector<16xf32>
        %mul3A_898 = arith.mulf %unpack3A_889, %mul3A_897 : vector<16xf32>
        %add3A_899 = arith.constant 9 : i32
        %add3A_900 = arith.addi %mul3A_449, %add3A_899 : i32
        %swap3A_901 = arith.index_cast %add3A_900 : i32 to index
        %swap3A_902 = arith.constant 16 : index
        %swap3A_903 = tpu.vector_load %arg21[%swap3A_901, %swap3A_902] {strides = array<i32>} : memref<128x64xf32, #tpu.memory_space<vmem>>, vector<16xf32>,
        tpu.vector_store %arg21[%swap3A_901, %swap3A_902], %mul3A_898 {strides = array<i32>} : memref<128x64xf32, #tpu.memory_space<vmem>>, vector<16xf32>,
        %add3A_904 = arith.constant 11 : i32
        %add3A_905 = arith.addi %mul3A_449, %add3A_904 : i32
        %get3A_906 = arith.index_cast %add3A_905 : i32 to index
        %get3A_907 = arith.constant 32 : index
        %get3A_908 = tpu.vector_load %arg17[%get3A_906, %get3A_907] {strides = array<i32>} : memref<128x64xbf16, #tpu.memory_space<vmem>>, vector<32xbf16>,
        %slice3A_909 = vector.extract_strided_slice %get3A_447 {offsets = [9], sizes = [1], strides = [1]} : vector<16xf32> to vector<1xf32>
        %squeeze3A_910 = vector.extract %slice3A_909[0] : f32 from vector<1xf32>
        %unpack3A_911 = tpu.unpack_subelements %get3A_816, 0 {pack_format = #tpu.pack_format<interleaved>} : vector<32xbf16> -> vector<16xf32>
        %unpack3A_912 = tpu.unpack_subelements %get3A_816, 1 {pack_format = #tpu.pack_format<interleaved>} : vector<32xbf16> -> vector<16xf32>
        %mul3A_913 = vector.broadcast %squeeze3A_910 : f32 to vector<16xf32>
        %mul3A_914 = arith.mulf %unpack3A_911, %mul3A_913 : vector<16xf32>
        %add3A_915 = arith.constant 9 : i32
        %add3A_916 = arith.addi %mul3A_449, %add3A_915 : i32
        %swap3A_917 = arith.index_cast %add3A_916 : i32 to index
        %swap3A_918 = arith.constant 32 : index
        %swap3A_919 = tpu.vector_load %arg21[%swap3A_917, %swap3A_918] {strides = array<i32>} : memref<128x64xf32, #tpu.memory_space<vmem>>, vector<16xf32>,
        tpu.vector_store %arg21[%swap3A_917, %swap3A_918], %mul3A_914 {strides = array<i32>} : memref<128x64xf32, #tpu.memory_space<vmem>>, vector<16xf32>,
        %mul3A_920 = vector.broadcast %squeeze3A_910 : f32 to vector<16xf32>
        %mul3A_921 = arith.mulf %unpack3A_912, %mul3A_920 : vector<16xf32>
        %add3A_922 = arith.constant 9 : i32
        %add3A_923 = arith.addi %mul3A_449, %add3A_922 : i32
        %swap3A_924 = arith.index_cast %add3A_923 : i32 to index
        %swap3A_925 = arith.constant 48 : index
        %swap3A_926 = tpu.vector_load %arg21[%swap3A_924, %swap3A_925] {strides = array<i32>} : memref<128x64xf32, #tpu.memory_space<vmem>>, vector<16xf32>,
        tpu.vector_store %arg21[%swap3A_924, %swap3A_925], %mul3A_921 {strides = array<i32>} : memref<128x64xf32, #tpu.memory_space<vmem>>, vector<16xf32>,
        %add3A_927 = arith.constant 12 : i32
        %add3A_928 = arith.addi %mul3A_449, %add3A_927 : i32
        %get3A_929 = arith.index_cast %add3A_928 : i32 to index
        %get3A_930 = arith.constant 0 : index
        %get3A_931 = tpu.vector_load %arg17[%get3A_929, %get3A_930] {strides = array<i32>} : memref<128x64xbf16, #tpu.memory_space<vmem>>, vector<32xbf16>,
        %slice3A_932 = vector.extract_strided_slice %get3A_447 {offsets = [10], sizes = [1], strides = [1]} : vector<16xf32> to vector<1xf32>
        %squeeze3A_933 = vector.extract %slice3A_932[0] : f32 from vector<1xf32>
        %unpack3A_934 = tpu.unpack_subelements %get3A_839, 0 {pack_format = #tpu.pack_format<interleaved>} : vector<32xbf16> -> vector<16xf32>
        %unpack3A_935 = tpu.unpack_subelements %get3A_839, 1 {pack_format = #tpu.pack_format<interleaved>} : vector<32xbf16> -> vector<16xf32>
        %mul3A_936 = vector.broadcast %squeeze3A_933 : f32 to vector<16xf32>
        %mul3A_937 = arith.mulf %unpack3A_934, %mul3A_936 : vector<16xf32>
        %add3A_938 = arith.constant 10 : i32
        %add3A_939 = arith.addi %mul3A_449, %add3A_938 : i32
        %swap3A_940 = arith.index_cast %add3A_939 : i32 to index
        %swap3A_941 = arith.constant 0 : index
        %swap3A_942 = tpu.vector_load %arg21[%swap3A_940, %swap3A_941] {strides = array<i32>} : memref<128x64xf32, #tpu.memory_space<vmem>>, vector<16xf32>,
        tpu.vector_store %arg21[%swap3A_940, %swap3A_941], %mul3A_937 {strides = array<i32>} : memref<128x64xf32, #tpu.memory_space<vmem>>, vector<16xf32>,
        %mul3A_943 = vector.broadcast %squeeze3A_933 : f32 to vector<16xf32>
        %mul3A_944 = arith.mulf %unpack3A_935, %mul3A_943 : vector<16xf32>
        %add3A_945 = arith.constant 10 : i32
        %add3A_946 = arith.addi %mul3A_449, %add3A_945 : i32
        %swap3A_947 = arith.index_cast %add3A_946 : i32 to index
        %swap3A_948 = arith.constant 16 : index
        %swap3A_949 = tpu.vector_load %arg21[%swap3A_947, %swap3A_948] {strides = array<i32>} : memref<128x64xf32, #tpu.memory_space<vmem>>, vector<16xf32>,
        tpu.vector_store %arg21[%swap3A_947, %swap3A_948], %mul3A_944 {strides = array<i32>} : memref<128x64xf32, #tpu.memory_space<vmem>>, vector<16xf32>,
        %add3A_950 = arith.constant 12 : i32
        %add3A_951 = arith.addi %mul3A_449, %add3A_950 : i32
        %get3A_952 = arith.index_cast %add3A_951 : i32 to index
        %get3A_953 = arith.constant 32 : index
        %get3A_954 = tpu.vector_load %arg17[%get3A_952, %get3A_953] {strides = array<i32>} : memref<128x64xbf16, #tpu.memory_space<vmem>>, vector<32xbf16>,
        %slice3A_955 = vector.extract_strided_slice %get3A_447 {offsets = [10], sizes = [1], strides = [1]} : vector<16xf32> to vector<1xf32>
        %squeeze3A_956 = vector.extract %slice3A_955[0] : f32 from vector<1xf32>
        %unpack3A_957 = tpu.unpack_subelements %get3A_862, 0 {pack_format = #tpu.pack_format<interleaved>} : vector<32xbf16> -> vector<16xf32>
        %unpack3A_958 = tpu.unpack_subelements %get3A_862, 1 {pack_format = #tpu.pack_format<interleaved>} : vector<32xbf16> -> vector<16xf32>
        %mul3A_959 = vector.broadcast %squeeze3A_956 : f32 to vector<16xf32>
        %mul3A_960 = arith.mulf %unpack3A_957, %mul3A_959 : vector<16xf32>
        %add3A_961 = arith.constant 10 : i32
        %add3A_962 = arith.addi %mul3A_449, %add3A_961 : i32
        %swap3A_963 = arith.index_cast %add3A_962 : i32 to index
        %swap3A_964 = arith.constant 32 : index
        %swap3A_965 = tpu.vector_load %arg21[%swap3A_963, %swap3A_964] {strides = array<i32>} : memref<128x64xf32, #tpu.memory_space<vmem>>, vector<16xf32>,
        tpu.vector_store %arg21[%swap3A_963, %swap3A_964], %mul3A_960 {strides = array<i32>} : memref<128x64xf32, #tpu.memory_space<vmem>>, vector<16xf32>,
        %mul3A_966 = vector.broadcast %squeeze3A_956 : f32 to vector<16xf32>
        %mul3A_967 = arith.mulf %unpack3A_958, %mul3A_966 : vector<16xf32>
        %add3A_968 = arith.constant 10 : i32
        %add3A_969 = arith.addi %mul3A_449, %add3A_968 : i32
        %swap3A_970 = arith.index_cast %add3A_969 : i32 to index
        %swap3A_971 = arith.constant 48 : index
        %swap3A_972 = tpu.vector_load %arg21[%swap3A_970, %swap3A_971] {strides = array<i32>} : memref<128x64xf32, #tpu.memory_space<vmem>>, vector<16xf32>,
        tpu.vector_store %arg21[%swap3A_970, %swap3A_971], %mul3A_967 {strides = array<i32>} : memref<128x64xf32, #tpu.memory_space<vmem>>, vector<16xf32>,
        %add3A_973 = arith.constant 13 : i32
        %add3A_974 = arith.addi %mul3A_449, %add3A_973 : i32
        %get3A_975 = arith.index_cast %add3A_974 : i32 to index
        %get3A_976 = arith.constant 0 : index
        %get3A_977 = tpu.vector_load %arg17[%get3A_975, %get3A_976] {strides = array<i32>} : memref<128x64xbf16, #tpu.memory_space<vmem>>, vector<32xbf16>,
        %slice3A_978 = vector.extract_strided_slice %get3A_447 {offsets = [11], sizes = [1], strides = [1]} : vector<16xf32> to vector<1xf32>
        %squeeze3A_979 = vector.extract %slice3A_978[0] : f32 from vector<1xf32>
        %unpack3A_980 = tpu.unpack_subelements %get3A_885, 0 {pack_format = #tpu.pack_format<interleaved>} : vector<32xbf16> -> vector<16xf32>
        %unpack3A_981 = tpu.unpack_subelements %get3A_885, 1 {pack_format = #tpu.pack_format<interleaved>} : vector<32xbf16> -> vector<16xf32>
        %mul3A_982 = vector.broadcast %squeeze3A_979 : f32 to vector<16xf32>
        %mul3A_983 = arith.mulf %unpack3A_980, %mul3A_982 : vector<16xf32>
        %add3A_984 = arith.constant 11 : i32
        %add3A_985 = arith.addi %mul3A_449, %add3A_984 : i32
        %swap3A_986 = arith.index_cast %add3A_985 : i32 to index
        %swap3A_987 = arith.constant 0 : index
        %swap3A_988 = tpu.vector_load %arg21[%swap3A_986, %swap3A_987] {strides = array<i32>} : memref<128x64xf32, #tpu.memory_space<vmem>>, vector<16xf32>,
        tpu.vector_store %arg21[%swap3A_986, %swap3A_987], %mul3A_983 {strides = array<i32>} : memref<128x64xf32, #tpu.memory_space<vmem>>, vector<16xf32>,
        %mul3A_989 = vector.broadcast %squeeze3A_979 : f32 to vector<16xf32>
        %mul3A_990 = arith.mulf %unpack3A_981, %mul3A_989 : vector<16xf32>
        %add3A_991 = arith.constant 11 : i32
        %add3A_992 = arith.addi %mul3A_449, %add3A_991 : i32
        %swap3A_993 = arith.index_cast %add3A_992 : i32 to index
        %swap3A_994 = arith.constant 16 : index
        %swap3A_995 = tpu.vector_load %arg21[%swap3A_993, %swap3A_994] {strides = array<i32>} : memref<128x64xf32, #tpu.memory_space<vmem>>, vector<16xf32>,
        tpu.vector_store %arg21[%swap3A_993, %swap3A_994], %mul3A_990 {strides = array<i32>} : memref<128x64xf32, #tpu.memory_space<vmem>>, vector<16xf32>,
        %add3A_996 = arith.constant 13 : i32
        %add3A_997 = arith.addi %mul3A_449, %add3A_996 : i32
        %get3A_998 = arith.index_cast %add3A_997 : i32 to index
        %get3A_999 = arith.constant 32 : index
        %get3A_1000 = tpu.vector_load %arg17[%get3A_998, %get3A_999] {strides = array<i32>} : memref<128x64xbf16, #tpu.memory_space<vmem>>, vector<32xbf16>,
        %slice3A_1001 = vector.extract_strided_slice %get3A_447 {offsets = [11], sizes = [1], strides = [1]} : vector<16xf32> to vector<1xf32>
        %squeeze3A_1002 = vector.extract %slice3A_1001[0] : f32 from vector<1xf32>
        %unpack3A_1003 = tpu.unpack_subelements %get3A_908, 0 {pack_format = #tpu.pack_format<interleaved>} : vector<32xbf16> -> vector<16xf32>
        %unpack3A_1004 = tpu.unpack_subelements %get3A_908, 1 {pack_format = #tpu.pack_format<interleaved>} : vector<32xbf16> -> vector<16xf32>
        %mul3A_1005 = vector.broadcast %squeeze3A_1002 : f32 to vector<16xf32>
        %mul3A_1006 = arith.mulf %unpack3A_1003, %mul3A_1005 : vector<16xf32>
        %add3A_1007 = arith.constant 11 : i32
        %add3A_1008 = arith.addi %mul3A_449, %add3A_1007 : i32
        %swap3A_1009 = arith.index_cast %add3A_1008 : i32 to index
        %swap3A_1010 = arith.constant 32 : index
        %swap3A_1011 = tpu.vector_load %arg21[%swap3A_1009, %swap3A_1010] {strides = array<i32>} : memref<128x64xf32, #tpu.memory_space<vmem>>, vector<16xf32>,
        tpu.vector_store %arg21[%swap3A_1009, %swap3A_1010], %mul3A_1006 {strides = array<i32>} : memref<128x64xf32, #tpu.memory_space<vmem>>, vector<16xf32>,
        %mul3A_1012 = vector.broadcast %squeeze3A_1002 : f32 to vector<16xf32>
        %mul3A_1013 = arith.mulf %unpack3A_1004, %mul3A_1012 : vector<16xf32>
        %add3A_1014 = arith.constant 11 : i32
        %add3A_1015 = arith.addi %mul3A_449, %add3A_1014 : i32
        %swap3A_1016 = arith.index_cast %add3A_1015 : i32 to index
        %swap3A_1017 = arith.constant 48 : index
        %swap3A_1018 = tpu.vector_load %arg21[%swap3A_1016, %swap3A_1017] {strides = array<i32>} : memref<128x64xf32, #tpu.memory_space<vmem>>, vector<16xf32>,
        tpu.vector_store %arg21[%swap3A_1016, %swap3A_1017], %mul3A_1013 {strides = array<i32>} : memref<128x64xf32, #tpu.memory_space<vmem>>, vector<16xf32>,
        %add3A_1019 = arith.constant 14 : i32
        %add3A_1020 = arith.addi %mul3A_449, %add3A_1019 : i32
        %get3A_1021 = arith.index_cast %add3A_1020 : i32 to index
        %get3A_1022 = arith.constant 0 : index
        %get3A_1023 = tpu.vector_load %arg17[%get3A_1021, %get3A_1022] {strides = array<i32>} : memref<128x64xbf16, #tpu.memory_space<vmem>>, vector<32xbf16>,
        %slice3A_1024 = vector.extract_strided_slice %get3A_447 {offsets = [12], sizes = [1], strides = [1]} : vector<16xf32> to vector<1xf32>
        %squeeze3A_1025 = vector.extract %slice3A_1024[0] : f32 from vector<1xf32>
        %unpack3A_1026 = tpu.unpack_subelements %get3A_931, 0 {pack_format = #tpu.pack_format<interleaved>} : vector<32xbf16> -> vector<16xf32>
        %unpack3A_1027 = tpu.unpack_subelements %get3A_931, 1 {pack_format = #tpu.pack_format<interleaved>} : vector<32xbf16> -> vector<16xf32>
        %mul3A_1028 = vector.broadcast %squeeze3A_1025 : f32 to vector<16xf32>
        %mul3A_1029 = arith.mulf %unpack3A_1026, %mul3A_1028 : vector<16xf32>
        %add3A_1030 = arith.constant 12 : i32
        %add3A_1031 = arith.addi %mul3A_449, %add3A_1030 : i32
        %swap3A_1032 = arith.index_cast %add3A_1031 : i32 to index
        %swap3A_1033 = arith.constant 0 : index
        %swap3A_1034 = tpu.vector_load %arg21[%swap3A_1032, %swap3A_1033] {strides = array<i32>} : memref<128x64xf32, #tpu.memory_space<vmem>>, vector<16xf32>,
        tpu.vector_store %arg21[%swap3A_1032, %swap3A_1033], %mul3A_1029 {strides = array<i32>} : memref<128x64xf32, #tpu.memory_space<vmem>>, vector<16xf32>,
        %mul3A_1035 = vector.broadcast %squeeze3A_1025 : f32 to vector<16xf32>
        %mul3A_1036 = arith.mulf %unpack3A_1027, %mul3A_1035 : vector<16xf32>
        %add3A_1037 = arith.constant 12 : i32
        %add3A_1038 = arith.addi %mul3A_449, %add3A_1037 : i32
        %swap3A_1039 = arith.index_cast %add3A_1038 : i32 to index
        %swap3A_1040 = arith.constant 16 : index
        %swap3A_1041 = tpu.vector_load %arg21[%swap3A_1039, %swap3A_1040] {strides = array<i32>} : memref<128x64xf32, #tpu.memory_space<vmem>>, vector<16xf32>,
        tpu.vector_store %arg21[%swap3A_1039, %swap3A_1040], %mul3A_1036 {strides = array<i32>} : memref<128x64xf32, #tpu.memory_space<vmem>>, vector<16xf32>,
        %add3A_1042 = arith.constant 14 : i32
        %add3A_1043 = arith.addi %mul3A_449, %add3A_1042 : i32
        %get3A_1044 = arith.index_cast %add3A_1043 : i32 to index
        %get3A_1045 = arith.constant 32 : index
        %get3A_1046 = tpu.vector_load %arg17[%get3A_1044, %get3A_1045] {strides = array<i32>} : memref<128x64xbf16, #tpu.memory_space<vmem>>, vector<32xbf16>,
        %slice3A_1047 = vector.extract_strided_slice %get3A_447 {offsets = [12], sizes = [1], strides = [1]} : vector<16xf32> to vector<1xf32>
        %squeeze3A_1048 = vector.extract %slice3A_1047[0] : f32 from vector<1xf32>
        %unpack3A_1049 = tpu.unpack_subelements %get3A_954, 0 {pack_format = #tpu.pack_format<interleaved>} : vector<32xbf16> -> vector<16xf32>
        %unpack3A_1050 = tpu.unpack_subelements %get3A_954, 1 {pack_format = #tpu.pack_format<interleaved>} : vector<32xbf16> -> vector<16xf32>
        %mul3A_1051 = vector.broadcast %squeeze3A_1048 : f32 to vector<16xf32>
        %mul3A_1052 = arith.mulf %unpack3A_1049, %mul3A_1051 : vector<16xf32>
        %add3A_1053 = arith.constant 12 : i32
        %add3A_1054 = arith.addi %mul3A_449, %add3A_1053 : i32
        %swap3A_1055 = arith.index_cast %add3A_1054 : i32 to index
        %swap3A_1056 = arith.constant 32 : index
        %swap3A_1057 = tpu.vector_load %arg21[%swap3A_1055, %swap3A_1056] {strides = array<i32>} : memref<128x64xf32, #tpu.memory_space<vmem>>, vector<16xf32>,
        tpu.vector_store %arg21[%swap3A_1055, %swap3A_1056], %mul3A_1052 {strides = array<i32>} : memref<128x64xf32, #tpu.memory_space<vmem>>, vector<16xf32>,
        %mul3A_1058 = vector.broadcast %squeeze3A_1048 : f32 to vector<16xf32>
        %mul3A_1059 = arith.mulf %unpack3A_1050, %mul3A_1058 : vector<16xf32>
        %add3A_1060 = arith.constant 12 : i32
        %add3A_1061 = arith.addi %mul3A_449, %add3A_1060 : i32
        %swap3A_1062 = arith.index_cast %add3A_1061 : i32 to index
        %swap3A_1063 = arith.constant 48 : index
        %swap3A_1064 = tpu.vector_load %arg21[%swap3A_1062, %swap3A_1063] {strides = array<i32>} : memref<128x64xf32, #tpu.memory_space<vmem>>, vector<16xf32>,
        tpu.vector_store %arg21[%swap3A_1062, %swap3A_1063], %mul3A_1059 {strides = array<i32>} : memref<128x64xf32, #tpu.memory_space<vmem>>, vector<16xf32>,
        %add3A_1065 = arith.constant 15 : i32
        %add3A_1066 = arith.addi %mul3A_449, %add3A_1065 : i32
        %get3A_1067 = arith.index_cast %add3A_1066 : i32 to index
        %get3A_1068 = arith.constant 0 : index
        %get3A_1069 = tpu.vector_load %arg17[%get3A_1067, %get3A_1068] {strides = array<i32>} : memref<128x64xbf16, #tpu.memory_space<vmem>>, vector<32xbf16>,
        %slice3A_1070 = vector.extract_strided_slice %get3A_447 {offsets = [13], sizes = [1], strides = [1]} : vector<16xf32> to vector<1xf32>
        %squeeze3A_1071 = vector.extract %slice3A_1070[0] : f32 from vector<1xf32>
        %unpack3A_1072 = tpu.unpack_subelements %get3A_977, 0 {pack_format = #tpu.pack_format<interleaved>} : vector<32xbf16> -> vector<16xf32>
        %unpack3A_1073 = tpu.unpack_subelements %get3A_977, 1 {pack_format = #tpu.pack_format<interleaved>} : vector<32xbf16> -> vector<16xf32>
        %mul3A_1074 = vector.broadcast %squeeze3A_1071 : f32 to vector<16xf32>
        %mul3A_1075 = arith.mulf %unpack3A_1072, %mul3A_1074 : vector<16xf32>
        %add3A_1076 = arith.constant 13 : i32
        %add3A_1077 = arith.addi %mul3A_449, %add3A_1076 : i32
        %swap3A_1078 = arith.index_cast %add3A_1077 : i32 to index
        %swap3A_1079 = arith.constant 0 : index
        %swap3A_1080 = tpu.vector_load %arg21[%swap3A_1078, %swap3A_1079] {strides = array<i32>} : memref<128x64xf32, #tpu.memory_space<vmem>>, vector<16xf32>,
        tpu.vector_store %arg21[%swap3A_1078, %swap3A_1079], %mul3A_1075 {strides = array<i32>} : memref<128x64xf32, #tpu.memory_space<vmem>>, vector<16xf32>,
        %mul3A_1081 = vector.broadcast %squeeze3A_1071 : f32 to vector<16xf32>
        %mul3A_1082 = arith.mulf %unpack3A_1073, %mul3A_1081 : vector<16xf32>
        %add3A_1083 = arith.constant 13 : i32
        %add3A_1084 = arith.addi %mul3A_449, %add3A_1083 : i32
        %swap3A_1085 = arith.index_cast %add3A_1084 : i32 to index
        %swap3A_1086 = arith.constant 16 : index
        %swap3A_1087 = tpu.vector_load %arg21[%swap3A_1085, %swap3A_1086] {strides = array<i32>} : memref<128x64xf32, #tpu.memory_space<vmem>>, vector<16xf32>,
        tpu.vector_store %arg21[%swap3A_1085, %swap3A_1086], %mul3A_1082 {strides = array<i32>} : memref<128x64xf32, #tpu.memory_space<vmem>>, vector<16xf32>,
        %add3A_1088 = arith.constant 15 : i32
        %add3A_1089 = arith.addi %mul3A_449, %add3A_1088 : i32
        %get3A_1090 = arith.index_cast %add3A_1089 : i32 to index
        %get3A_1091 = arith.constant 32 : index
        %get3A_1092 = tpu.vector_load %arg17[%get3A_1090, %get3A_1091] {strides = array<i32>} : memref<128x64xbf16, #tpu.memory_space<vmem>>, vector<32xbf16>,
        %slice3A_1093 = vector.extract_strided_slice %get3A_447 {offsets = [13], sizes = [1], strides = [1]} : vector<16xf32> to vector<1xf32>
        %squeeze3A_1094 = vector.extract %slice3A_1093[0] : f32 from vector<1xf32>
        %unpack3A_1095 = tpu.unpack_subelements %get3A_1000, 0 {pack_format = #tpu.pack_format<interleaved>} : vector<32xbf16> -> vector<16xf32>
        %unpack3A_1096 = tpu.unpack_subelements %get3A_1000, 1 {pack_format = #tpu.pack_format<interleaved>} : vector<32xbf16> -> vector<16xf32>
        %mul3A_1097 = vector.broadcast %squeeze3A_1094 : f32 to vector<16xf32>
        %mul3A_1098 = arith.mulf %unpack3A_1095, %mul3A_1097 : vector<16xf32>
        %add3A_1099 = arith.constant 13 : i32
        %add3A_1100 = arith.addi %mul3A_449, %add3A_1099 : i32
        %swap3A_1101 = arith.index_cast %add3A_1100 : i32 to index
        %swap3A_1102 = arith.constant 32 : index
        %swap3A_1103 = tpu.vector_load %arg21[%swap3A_1101, %swap3A_1102] {strides = array<i32>} : memref<128x64xf32, #tpu.memory_space<vmem>>, vector<16xf32>,
        tpu.vector_store %arg21[%swap3A_1101, %swap3A_1102], %mul3A_1098 {strides = array<i32>} : memref<128x64xf32, #tpu.memory_space<vmem>>, vector<16xf32>,
        %mul3A_1104 = vector.broadcast %squeeze3A_1094 : f32 to vector<16xf32>
        %mul3A_1105 = arith.mulf %unpack3A_1096, %mul3A_1104 : vector<16xf32>
        %add3A_1106 = arith.constant 13 : i32
        %add3A_1107 = arith.addi %mul3A_449, %add3A_1106 : i32
        %swap3A_1108 = arith.index_cast %add3A_1107 : i32 to index
        %swap3A_1109 = arith.constant 48 : index
        %swap3A_1110 = tpu.vector_load %arg21[%swap3A_1108, %swap3A_1109] {strides = array<i32>} : memref<128x64xf32, #tpu.memory_space<vmem>>, vector<16xf32>,
        tpu.vector_store %arg21[%swap3A_1108, %swap3A_1109], %mul3A_1105 {strides = array<i32>} : memref<128x64xf32, #tpu.memory_space<vmem>>, vector<16xf32>,
        %slice3A_1111 = vector.extract_strided_slice %get3A_447 {offsets = [14], sizes = [1], strides = [1]} : vector<16xf32> to vector<1xf32>
        %squeeze3A_1112 = vector.extract %slice3A_1111[0] : f32 from vector<1xf32>
        %unpack3A_1113 = tpu.unpack_subelements %get3A_1023, 0 {pack_format = #tpu.pack_format<interleaved>} : vector<32xbf16> -> vector<16xf32>
        %unpack3A_1114 = tpu.unpack_subelements %get3A_1023, 1 {pack_format = #tpu.pack_format<interleaved>} : vector<32xbf16> -> vector<16xf32>
        %mul3A_1115 = vector.broadcast %squeeze3A_1112 : f32 to vector<16xf32>
        %mul3A_1116 = arith.mulf %unpack3A_1113, %mul3A_1115 : vector<16xf32>
        %add3A_1117 = arith.constant 14 : i32
        %add3A_1118 = arith.addi %mul3A_449, %add3A_1117 : i32
        %swap3A_1119 = arith.index_cast %add3A_1118 : i32 to index
        %swap3A_1120 = arith.constant 0 : index
        %swap3A_1121 = tpu.vector_load %arg21[%swap3A_1119, %swap3A_1120] {strides = array<i32>} : memref<128x64xf32, #tpu.memory_space<vmem>>, vector<16xf32>,
        tpu.vector_store %arg21[%swap3A_1119, %swap3A_1120], %mul3A_1116 {strides = array<i32>} : memref<128x64xf32, #tpu.memory_space<vmem>>, vector<16xf32>,
        %mul3A_1122 = vector.broadcast %squeeze3A_1112 : f32 to vector<16xf32>
        %mul3A_1123 = arith.mulf %unpack3A_1114, %mul3A_1122 : vector<16xf32>
        %add3A_1124 = arith.constant 14 : i32
        %add3A_1125 = arith.addi %mul3A_449, %add3A_1124 : i32
        %swap3A_1126 = arith.index_cast %add3A_1125 : i32 to index
        %swap3A_1127 = arith.constant 16 : index
        %swap3A_1128 = tpu.vector_load %arg21[%swap3A_1126, %swap3A_1127] {strides = array<i32>} : memref<128x64xf32, #tpu.memory_space<vmem>>, vector<16xf32>,
        tpu.vector_store %arg21[%swap3A_1126, %swap3A_1127], %mul3A_1123 {strides = array<i32>} : memref<128x64xf32, #tpu.memory_space<vmem>>, vector<16xf32>,
        %slice3A_1129 = vector.extract_strided_slice %get3A_447 {offsets = [14], sizes = [1], strides = [1]} : vector<16xf32> to vector<1xf32>
        %squeeze3A_1130 = vector.extract %slice3A_1129[0] : f32 from vector<1xf32>
        %unpack3A_1131 = tpu.unpack_subelements %get3A_1046, 0 {pack_format = #tpu.pack_format<interleaved>} : vector<32xbf16> -> vector<16xf32>
        %unpack3A_1132 = tpu.unpack_subelements %get3A_1046, 1 {pack_format = #tpu.pack_format<interleaved>} : vector<32xbf16> -> vector<16xf32>
        %mul3A_1133 = vector.broadcast %squeeze3A_1130 : f32 to vector<16xf32>
        %mul3A_1134 = arith.mulf %unpack3A_1131, %mul3A_1133 : vector<16xf32>
        %add3A_1135 = arith.constant 14 : i32
        %add3A_1136 = arith.addi %mul3A_449, %add3A_1135 : i32
        %swap3A_1137 = arith.index_cast %add3A_1136 : i32 to index
        %swap3A_1138 = arith.constant 32 : index
        %swap3A_1139 = tpu.vector_load %arg21[%swap3A_1137, %swap3A_1138] {strides = array<i32>} : memref<128x64xf32, #tpu.memory_space<vmem>>, vector<16xf32>,
        tpu.vector_store %arg21[%swap3A_1137, %swap3A_1138], %mul3A_1134 {strides = array<i32>} : memref<128x64xf32, #tpu.memory_space<vmem>>, vector<16xf32>,
        %mul3A_1140 = vector.broadcast %squeeze3A_1130 : f32 to vector<16xf32>
        %mul3A_1141 = arith.mulf %unpack3A_1132, %mul3A_1140 : vector<16xf32>
        %add3A_1142 = arith.constant 14 : i32
        %add3A_1143 = arith.addi %mul3A_449, %add3A_1142 : i32
        %swap3A_1144 = arith.index_cast %add3A_1143 : i32 to index
        %swap3A_1145 = arith.constant 48 : index
        %swap3A_1146 = tpu.vector_load %arg21[%swap3A_1144, %swap3A_1145] {strides = array<i32>} : memref<128x64xf32, #tpu.memory_space<vmem>>, vector<16xf32>,
        tpu.vector_store %arg21[%swap3A_1144, %swap3A_1145], %mul3A_1141 {strides = array<i32>} : memref<128x64xf32, #tpu.memory_space<vmem>>, vector<16xf32>,
        %slice3A_1147 = vector.extract_strided_slice %get3A_447 {offsets = [15], sizes = [1], strides = [1]} : vector<16xf32> to vector<1xf32>
        %squeeze3A_1148 = vector.extract %slice3A_1147[0] : f32 from vector<1xf32>
        %unpack3A_1149 = tpu.unpack_subelements %get3A_1069, 0 {pack_format = #tpu.pack_format<interleaved>} : vector<32xbf16> -> vector<16xf32>
        %unpack3A_1150 = tpu.unpack_subelements %get3A_1069, 1 {pack_format = #tpu.pack_format<interleaved>} : vector<32xbf16> -> vector<16xf32>
        %mul3A_1151 = vector.broadcast %squeeze3A_1148 : f32 to vector<16xf32>
        %mul3A_1152 = arith.mulf %unpack3A_1149, %mul3A_1151 : vector<16xf32>
        %add3A_1153 = arith.constant 15 : i32
        %add3A_1154 = arith.addi %mul3A_449, %add3A_1153 : i32
        %swap3A_1155 = arith.index_cast %add3A_1154 : i32 to index
        %swap3A_1156 = arith.constant 0 : index
        %swap3A_1157 = tpu.vector_load %arg21[%swap3A_1155, %swap3A_1156] {strides = array<i32>} : memref<128x64xf32, #tpu.memory_space<vmem>>, vector<16xf32>,
        tpu.vector_store %arg21[%swap3A_1155, %swap3A_1156], %mul3A_1152 {strides = array<i32>} : memref<128x64xf32, #tpu.memory_space<vmem>>, vector<16xf32>,
        %mul3A_1158 = vector.broadcast %squeeze3A_1148 : f32 to vector<16xf32>
        %mul3A_1159 = arith.mulf %unpack3A_1150, %mul3A_1158 : vector<16xf32>
        %add3A_1160 = arith.constant 15 : i32
        %add3A_1161 = arith.addi %mul3A_449, %add3A_1160 : i32
        %swap3A_1162 = arith.index_cast %add3A_1161 : i32 to index
        %swap3A_1163 = arith.constant 16 : index
        %swap3A_1164 = tpu.vector_load %arg21[%swap3A_1162, %swap3A_1163] {strides = array<i32>} : memref<128x64xf32, #tpu.memory_space<vmem>>, vector<16xf32>,
        tpu.vector_store %arg21[%swap3A_1162, %swap3A_1163], %mul3A_1159 {strides = array<i32>} : memref<128x64xf32, #tpu.memory_space<vmem>>, vector<16xf32>,
        %slice3A_1165 = vector.extract_strided_slice %get3A_447 {offsets = [15], sizes = [1], strides = [1]} : vector<16xf32> to vector<1xf32>
        %squeeze3A_1166 = vector.extract %slice3A_1165[0] : f32 from vector<1xf32>
        %unpack3A_1167 = tpu.unpack_subelements %get3A_1092, 0 {pack_format = #tpu.pack_format<interleaved>} : vector<32xbf16> -> vector<16xf32>
        %unpack3A_1168 = tpu.unpack_subelements %get3A_1092, 1 {pack_format = #tpu.pack_format<interleaved>} : vector<32xbf16> -> vector<16xf32>
        %mul3A_1169 = vector.broadcast %squeeze3A_1166 : f32 to vector<16xf32>
        %mul3A_1170 = arith.mulf %unpack3A_1167, %mul3A_1169 : vector<16xf32>
        %add3A_1171 = arith.constant 15 : i32
        %add3A_1172 = arith.addi %mul3A_449, %add3A_1171 : i32
        %swap3A_1173 = arith.index_cast %add3A_1172 : i32 to index
        %swap3A_1174 = arith.constant 32 : index
        %swap3A_1175 = tpu.vector_load %arg21[%swap3A_1173, %swap3A_1174] {strides = array<i32>} : memref<128x64xf32, #tpu.memory_space<vmem>>, vector<16xf32>,
        tpu.vector_store %arg21[%swap3A_1173, %swap3A_1174], %mul3A_1170 {strides = array<i32>} : memref<128x64xf32, #tpu.memory_space<vmem>>, vector<16xf32>,
        %mul3A_1176 = vector.broadcast %squeeze3A_1166 : f32 to vector<16xf32>
        %mul3A_1177 = arith.mulf %unpack3A_1168, %mul3A_1176 : vector<16xf32>
        %add3A_1178 = arith.constant 15 : i32
        %add3A_1179 = arith.addi %mul3A_449, %add3A_1178 : i32
        %swap3A_1180 = arith.index_cast %add3A_1179 : i32 to index
        %swap3A_1181 = arith.constant 48 : index
        %swap3A_1182 = tpu.vector_load %arg21[%swap3A_1180, %swap3A_1181] {strides = array<i32>} : memref<128x64xf32, #tpu.memory_space<vmem>>, vector<16xf32>,
        tpu.vector_store %arg21[%swap3A_1180, %swap3A_1181], %mul3A_1177 {strides = array<i32>} : memref<128x64xf32, #tpu.memory_space<vmem>>, vector<16xf32>,
        %scan3A_1183 = arith.constant 0 : i32
        scf.yield %scan3A_1183 : i32
      }
      %scan3A_349 = arith.constant 8 : i32
      %get3A_350 = arith.constant 0 : index
      %get3A_351 = tpu.vector_load %arg13[%get3A_350] {strides = array<i32>} : memref<128xi32, #tpu.memory_space<vmem>>, vector<16xi32>,
      %swap3A_352 = arith.constant 0 : index
      %swap3A_353 = tpu.vector_load %arg25[%swap3A_352] {strides = array<i32>} : memref<128xi32, #tpu.memory_space<vmem>>, vector<16xi32>,
      tpu.vector_store %arg25[%swap3A_352], %get3A_351 {strides = array<i32>} : memref<128xi32, #tpu.memory_space<vmem>>, vector<16xi32>,
      %get3A_354 = arith.constant 16 : index
      %get3A_355 = tpu.vector_load %arg13[%get3A_354] {strides = array<i32>} : memref<128xi32, #tpu.memory_space<vmem>>, vector<16xi32>,
      %swap3A_356 = arith.constant 16 : index
      %swap3A_357 = tpu.vector_load %arg25[%swap3A_356] {strides = array<i32>} : memref<128xi32, #tpu.memory_space<vmem>>, vector<16xi32>,
      tpu.vector_store %arg25[%swap3A_356], %get3A_355 {strides = array<i32>} : memref<128xi32, #tpu.memory_space<vmem>>, vector<16xi32>,
      %get3A_358 = arith.constant 32 : index
      %get3A_359 = tpu.vector_load %arg13[%get3A_358] {strides = array<i32>} : memref<128xi32, #tpu.memory_space<vmem>>, vector<16xi32>,
      %swap3A_360 = arith.constant 32 : index
      %swap3A_361 = tpu.vector_load %arg25[%swap3A_360] {strides = array<i32>} : memref<128xi32, #tpu.memory_space<vmem>>, vector<16xi32>,
      tpu.vector_store %arg25[%swap3A_360], %get3A_359 {strides = array<i32>} : memref<128xi32, #tpu.memory_space<vmem>>, vector<16xi32>,
      %get3A_362 = arith.constant 48 : index
      %get3A_363 = tpu.vector_load %arg13[%get3A_362] {strides = array<i32>} : memref<128xi32, #tpu.memory_space<vmem>>, vector<16xi32>,
      %swap3A_364 = arith.constant 48 : index
      %swap3A_365 = tpu.vector_load %arg25[%swap3A_364] {strides = array<i32>} : memref<128xi32, #tpu.memory_space<vmem>>, vector<16xi32>,
      tpu.vector_store %arg25[%swap3A_364], %get3A_363 {strides = array<i32>} : memref<128xi32, #tpu.memory_space<vmem>>, vector<16xi32>,
      %get3A_366 = arith.constant 64 : index
      %get3A_367 = tpu.vector_load %arg13[%get3A_366] {strides = array<i32>} : memref<128xi32, #tpu.memory_space<vmem>>, vector<16xi32>,
      %swap3A_368 = arith.constant 64 : index
      %swap3A_369 = tpu.vector_load %arg25[%swap3A_368] {strides = array<i32>} : memref<128xi32, #tpu.memory_space<vmem>>, vector<16xi32>,
      tpu.vector_store %arg25[%swap3A_368], %get3A_367 {strides = array<i32>} : memref<128xi32, #tpu.memory_space<vmem>>, vector<16xi32>,
      %get3A_370 = arith.constant 80 : index
      %get3A_371 = tpu.vector_load %arg13[%get3A_370] {strides = array<i32>} : memref<128xi32, #tpu.memory_space<vmem>>, vector<16xi32>,
      %swap3A_372 = arith.constant 80 : index
      %swap3A_373 = tpu.vector_load %arg25[%swap3A_372] {strides = array<i32>} : memref<128xi32, #tpu.memory_space<vmem>>, vector<16xi32>,
      tpu.vector_store %arg25[%swap3A_372], %get3A_371 {strides = array<i32>} : memref<128xi32, #tpu.memory_space<vmem>>, vector<16xi32>,
      %get3A_374 = arith.constant 96 : index
      %get3A_375 = tpu.vector_load %arg13[%get3A_374] {strides = array<i32>} : memref<128xi32, #tpu.memory_space<vmem>>, vector<16xi32>,
      %swap3A_376 = arith.constant 96 : index
      %swap3A_377 = tpu.vector_load %arg25[%swap3A_376] {strides = array<i32>} : memref<128xi32, #tpu.memory_space<vmem>>, vector<16xi32>,
      tpu.vector_store %arg25[%swap3A_376], %get3A_375 {strides = array<i32>} : memref<128xi32, #tpu.memory_space<vmem>>, vector<16xi32>,
      %get3A_378 = arith.constant 112 : index
      %get3A_379 = tpu.vector_load %arg13[%get3A_378] {strides = array<i32>} : memref<128xi32, #tpu.memory_space<vmem>>, vector<16xi32>,
      %swap3A_380 = arith.constant 112 : index
      %swap3A_381 = tpu.vector_load %arg25[%swap3A_380] {strides = array<i32>} : memref<128xi32, #tpu.memory_space<vmem>>, vector<16xi32>,
      tpu.vector_store %arg25[%swap3A_380], %get3A_379 {strides = array<i32>} : memref<128xi32, #tpu.memory_space<vmem>>, vector<16xi32>,
      %dma_start3A_382 = arith.constant 0 : i32
      %dma_start3A_383 = arith.constant 0 : i32
      %dma_start3A_384 = tpu.memref_slice %arg27[%dma_start3A_382, %dma_start3A_383] : memref<16384x64xf32, #tpu.memory_space<vmem_shared>> -> memref<16384x64xf32, #tpu.memory_space<vmem_shared>>
      tpu.enqueue_indirect_dma source(%arg21 : memref<128x64xf32, #tpu.memory_space<vmem>>) target(%dma_start3A_384 : memref<16384x64xf32, #tpu.memory_space<vmem_shared>>) offsets(%arg25 : memref<128xi32, #tpu.memory_space<vmem>>) semaphore(%arg34 : memref<!tpu.dma_semaphore, #tpu.memory_space<semaphore_mem>>) {add = true}
      %not3A_385 = arith.constant true
      %not3A_386 = arith.xori %eq3A_337, %not3A_385 : i1
      %convert_element_type3A_387 = arith.extui %not3A_386 : i1 to i32
      %cond3A_388 = arith.constant 0 : i32
      %cond3A_389 = arith.cmpi ne, %convert_element_type3A_387, %cond3A_388 : i32
      scf.if %cond3A_389 {
        %dma_wait3A_440 = arith.constant 0 : i32
        %dma_wait3A_441 = arith.constant 0 : i32
        %dma_wait3A_442 = tpu.memref_slice %arg27[%dma_wait3A_440, %dma_wait3A_441] : memref<16384x64xf32, #tpu.memory_space<vmem_shared>> -> memref<16384x64xf32, #tpu.memory_space<vmem_shared>>
        tpu.wait_indirect_dma semaphore(%arg35 : memref<!tpu.dma_semaphore, #tpu.memory_space<semaphore_mem>>) src(%arg22 : memref<128x64xf32, #tpu.memory_space<vmem>>) dst(%dma_wait3A_442 : memref<16384x64xf32, #tpu.memory_space<vmem_shared>>)
      } else {
      }
      %scan3A_390 = arith.constant 0 : i32
      %scan3A_391 = arith.constant 0 : i32
      %scan3A_392 = arith.constant 8 : i32
      %scan3A_393 = arith.addi %scan3A_391, %scan3A_392 : i32
      %scan3A_394 = arith.constant 1 : i32
      %scan3A_395 = scf.for %scan3A_440 = %scan3A_391 to %scan3A_393 step %scan3A_394 iter_args(%scan3A_441 = %scan3A_390) -> (i32)  : i32 {
        %mul3A_442 = arith.constant 16 : i32
        %mul3A_443 = arith.muli %scan3A_440, %mul3A_442 : i32
        %get3A_444 = arith.constant 1 : i32
        %get3A_445 = arith.index_cast %get3A_444 : i32 to index
        %get3A_446 = arith.index_cast %mul3A_443 : i32 to index
        %get3A_447 = tpu.vector_load %arg10[%get3A_445, %get3A_446] {strides = array<i32>} : memref<2x128xf32, #tpu.memory_space<vmem>>, vector<16xf32>,
        %mul3A_448 = arith.constant 16 : i32
        %mul3A_449 = arith.muli %scan3A_440, %mul3A_448 : i32
        %add3A_450 = arith.constant 0 : i32
        %add3A_451 = arith.addi %mul3A_449, %add3A_450 : i32
        %get3A_452 = arith.index_cast %add3A_451 : i32 to index
        %get3A_453 = arith.constant 0 : index
        %get3A_454 = tpu.vector_load %arg18[%get3A_452, %get3A_453] {strides = array<i32>} : memref<128x64xbf16, #tpu.memory_space<vmem>>, vector<32xbf16>,
        %add3A_455 = arith.constant 0 : i32
        %add3A_456 = arith.addi %mul3A_449, %add3A_455 : i32
        %get3A_457 = arith.index_cast %add3A_456 : i32 to index
        %get3A_458 = arith.constant 32 : index
        %get3A_459 = tpu.vector_load %arg18[%get3A_457, %get3A_458] {strides = array<i32>} : memref<128x64xbf16, #tpu.memory_space<vmem>>, vector<32xbf16>,
        %add3A_460 = arith.constant 1 : i32
        %add3A_461 = arith.addi %mul3A_449, %add3A_460 : i32
        %get3A_462 = arith.index_cast %add3A_461 : i32 to index
        %get3A_463 = arith.constant 0 : index
        %get3A_464 = tpu.vector_load %arg18[%get3A_462, %get3A_463] {strides = array<i32>} : memref<128x64xbf16, #tpu.memory_space<vmem>>, vector<32xbf16>,
        %add3A_465 = arith.constant 1 : i32
        %add3A_466 = arith.addi %mul3A_449, %add3A_465 : i32
        %get3A_467 = arith.index_cast %add3A_466 : i32 to index
        %get3A_468 = arith.constant 32 : index
        %get3A_469 = tpu.vector_load %arg18[%get3A_467, %get3A_468] {strides = array<i32>} : memref<128x64xbf16, #tpu.memory_space<vmem>>, vector<32xbf16>,
        %add3A_470 = arith.constant 2 : i32
        %add3A_471 = arith.addi %mul3A_449, %add3A_470 : i32
        %get3A_472 = arith.index_cast %add3A_471 : i32 to index
        %get3A_473 = arith.constant 0 : index
        %get3A_474 = tpu.vector_load %arg18[%get3A_472, %get3A_473] {strides = array<i32>} : memref<128x64xbf16, #tpu.memory_space<vmem>>, vector<32xbf16>,
        %slice3A = vector.extract_strided_slice %get3A_447 {offsets = [0], sizes = [1], strides = [1]} : vector<16xf32> to vector<1xf32>
        %squeeze3A = vector.extract %slice3A[0] : f32 from vector<1xf32>
        %unpack3A = tpu.unpack_subelements %get3A_454, 0 {pack_format = #tpu.pack_format<interleaved>} : vector<32xbf16> -> vector<16xf32>
        %unpack3A_475 = tpu.unpack_subelements %get3A_454, 1 {pack_format = #tpu.pack_format<interleaved>} : vector<32xbf16> -> vector<16xf32>
        %mul3A_476 = vector.broadcast %squeeze3A : f32 to vector<16xf32>
        %mul3A_477 = arith.mulf %unpack3A, %mul3A_476 : vector<16xf32>
        %add3A_478 = arith.constant 0 : i32
        %add3A_479 = arith.addi %mul3A_449, %add3A_478 : i32
        %swap3A_480 = arith.index_cast %add3A_479 : i32 to index
        %swap3A_481 = arith.constant 0 : index
        %swap3A_482 = tpu.vector_load %arg22[%swap3A_480, %swap3A_481] {strides = array<i32>} : memref<128x64xf32, #tpu.memory_space<vmem>>, vector<16xf32>,
        tpu.vector_store %arg22[%swap3A_480, %swap3A_481], %mul3A_477 {strides = array<i32>} : memref<128x64xf32, #tpu.memory_space<vmem>>, vector<16xf32>,
        %mul3A_483 = vector.broadcast %squeeze3A : f32 to vector<16xf32>
        %mul3A_484 = arith.mulf %unpack3A_475, %mul3A_483 : vector<16xf32>
        %add3A_485 = arith.constant 0 : i32
        %add3A_486 = arith.addi %mul3A_449, %add3A_485 : i32
        %swap3A_487 = arith.index_cast %add3A_486 : i32 to index
        %swap3A_488 = arith.constant 16 : index
        %swap3A_489 = tpu.vector_load %arg22[%swap3A_487, %swap3A_488] {strides = array<i32>} : memref<128x64xf32, #tpu.memory_space<vmem>>, vector<16xf32>,
        tpu.vector_store %arg22[%swap3A_487, %swap3A_488], %mul3A_484 {strides = array<i32>} : memref<128x64xf32, #tpu.memory_space<vmem>>, vector<16xf32>,
        %add3A_490 = arith.constant 2 : i32
        %add3A_491 = arith.addi %mul3A_449, %add3A_490 : i32
        %get3A_492 = arith.index_cast %add3A_491 : i32 to index
        %get3A_493 = arith.constant 32 : index
        %get3A_494 = tpu.vector_load %arg18[%get3A_492, %get3A_493] {strides = array<i32>} : memref<128x64xbf16, #tpu.memory_space<vmem>>, vector<32xbf16>,
        %slice3A_495 = vector.extract_strided_slice %get3A_447 {offsets = [0], sizes = [1], strides = [1]} : vector<16xf32> to vector<1xf32>
        %squeeze3A_496 = vector.extract %slice3A_495[0] : f32 from vector<1xf32>
        %unpack3A_497 = tpu.unpack_subelements %get3A_459, 0 {pack_format = #tpu.pack_format<interleaved>} : vector<32xbf16> -> vector<16xf32>
        %unpack3A_498 = tpu.unpack_subelements %get3A_459, 1 {pack_format = #tpu.pack_format<interleaved>} : vector<32xbf16> -> vector<16xf32>
        %mul3A_499 = vector.broadcast %squeeze3A_496 : f32 to vector<16xf32>
        %mul3A_500 = arith.mulf %unpack3A_497, %mul3A_499 : vector<16xf32>
        %add3A_501 = arith.constant 0 : i32
        %add3A_502 = arith.addi %mul3A_449, %add3A_501 : i32
        %swap3A_503 = arith.index_cast %add3A_502 : i32 to index
        %swap3A_504 = arith.constant 32 : index
        %swap3A_505 = tpu.vector_load %arg22[%swap3A_503, %swap3A_504] {strides = array<i32>} : memref<128x64xf32, #tpu.memory_space<vmem>>, vector<16xf32>,
        tpu.vector_store %arg22[%swap3A_503, %swap3A_504], %mul3A_500 {strides = array<i32>} : memref<128x64xf32, #tpu.memory_space<vmem>>, vector<16xf32>,
        %mul3A_506 = vector.broadcast %squeeze3A_496 : f32 to vector<16xf32>
        %mul3A_507 = arith.mulf %unpack3A_498, %mul3A_506 : vector<16xf32>
        %add3A_508 = arith.constant 0 : i32
        %add3A_509 = arith.addi %mul3A_449, %add3A_508 : i32
        %swap3A_510 = arith.index_cast %add3A_509 : i32 to index
        %swap3A_511 = arith.constant 48 : index
        %swap3A_512 = tpu.vector_load %arg22[%swap3A_510, %swap3A_511] {strides = array<i32>} : memref<128x64xf32, #tpu.memory_space<vmem>>, vector<16xf32>,
        tpu.vector_store %arg22[%swap3A_510, %swap3A_511], %mul3A_507 {strides = array<i32>} : memref<128x64xf32, #tpu.memory_space<vmem>>, vector<16xf32>,
        %add3A_513 = arith.constant 3 : i32
        %add3A_514 = arith.addi %mul3A_449, %add3A_513 : i32
        %get3A_515 = arith.index_cast %add3A_514 : i32 to index
        %get3A_516 = arith.constant 0 : index
        %get3A_517 = tpu.vector_load %arg18[%get3A_515, %get3A_516] {strides = array<i32>} : memref<128x64xbf16, #tpu.memory_space<vmem>>, vector<32xbf16>,
        %slice3A_518 = vector.extract_strided_slice %get3A_447 {offsets = [1], sizes = [1], strides = [1]} : vector<16xf32> to vector<1xf32>
        %squeeze3A_519 = vector.extract %slice3A_518[0] : f32 from vector<1xf32>
        %unpack3A_520 = tpu.unpack_subelements %get3A_464, 0 {pack_format = #tpu.pack_format<interleaved>} : vector<32xbf16> -> vector<16xf32>
        %unpack3A_521 = tpu.unpack_subelements %get3A_464, 1 {pack_format = #tpu.pack_format<interleaved>} : vector<32xbf16> -> vector<16xf32>
        %mul3A_522 = vector.broadcast %squeeze3A_519 : f32 to vector<16xf32>
        %mul3A_523 = arith.mulf %unpack3A_520, %mul3A_522 : vector<16xf32>
        %add3A_524 = arith.constant 1 : i32
        %add3A_525 = arith.addi %mul3A_449, %add3A_524 : i32
        %swap3A_526 = arith.index_cast %add3A_525 : i32 to index
        %swap3A_527 = arith.constant 0 : index
        %swap3A_528 = tpu.vector_load %arg22[%swap3A_526, %swap3A_527] {strides = array<i32>} : memref<128x64xf32, #tpu.memory_space<vmem>>, vector<16xf32>,
        tpu.vector_store %arg22[%swap3A_526, %swap3A_527], %mul3A_523 {strides = array<i32>} : memref<128x64xf32, #tpu.memory_space<vmem>>, vector<16xf32>,
        %mul3A_529 = vector.broadcast %squeeze3A_519 : f32 to vector<16xf32>
        %mul3A_530 = arith.mulf %unpack3A_521, %mul3A_529 : vector<16xf32>
        %add3A_531 = arith.constant 1 : i32
        %add3A_532 = arith.addi %mul3A_449, %add3A_531 : i32
        %swap3A_533 = arith.index_cast %add3A_532 : i32 to index
        %swap3A_534 = arith.constant 16 : index
        %swap3A_535 = tpu.vector_load %arg22[%swap3A_533, %swap3A_534] {strides = array<i32>} : memref<128x64xf32, #tpu.memory_space<vmem>>, vector<16xf32>,
        tpu.vector_store %arg22[%swap3A_533, %swap3A_534], %mul3A_530 {strides = array<i32>} : memref<128x64xf32, #tpu.memory_space<vmem>>, vector<16xf32>,
        %add3A_536 = arith.constant 3 : i32
        %add3A_537 = arith.addi %mul3A_449, %add3A_536 : i32
        %get3A_538 = arith.index_cast %add3A_537 : i32 to index
        %get3A_539 = arith.constant 32 : index
        %get3A_540 = tpu.vector_load %arg18[%get3A_538, %get3A_539] {strides = array<i32>} : memref<128x64xbf16, #tpu.memory_space<vmem>>, vector<32xbf16>,
        %slice3A_541 = vector.extract_strided_slice %get3A_447 {offsets = [1], sizes = [1], strides = [1]} : vector<16xf32> to vector<1xf32>
        %squeeze3A_542 = vector.extract %slice3A_541[0] : f32 from vector<1xf32>
        %unpack3A_543 = tpu.unpack_subelements %get3A_469, 0 {pack_format = #tpu.pack_format<interleaved>} : vector<32xbf16> -> vector<16xf32>
        %unpack3A_544 = tpu.unpack_subelements %get3A_469, 1 {pack_format = #tpu.pack_format<interleaved>} : vector<32xbf16> -> vector<16xf32>
        %mul3A_545 = vector.broadcast %squeeze3A_542 : f32 to vector<16xf32>
        %mul3A_546 = arith.mulf %unpack3A_543, %mul3A_545 : vector<16xf32>
        %add3A_547 = arith.constant 1 : i32
        %add3A_548 = arith.addi %mul3A_449, %add3A_547 : i32
        %swap3A_549 = arith.index_cast %add3A_548 : i32 to index
        %swap3A_550 = arith.constant 32 : index
        %swap3A_551 = tpu.vector_load %arg22[%swap3A_549, %swap3A_550] {strides = array<i32>} : memref<128x64xf32, #tpu.memory_space<vmem>>, vector<16xf32>,
        tpu.vector_store %arg22[%swap3A_549, %swap3A_550], %mul3A_546 {strides = array<i32>} : memref<128x64xf32, #tpu.memory_space<vmem>>, vector<16xf32>,
        %mul3A_552 = vector.broadcast %squeeze3A_542 : f32 to vector<16xf32>
        %mul3A_553 = arith.mulf %unpack3A_544, %mul3A_552 : vector<16xf32>
        %add3A_554 = arith.constant 1 : i32
        %add3A_555 = arith.addi %mul3A_449, %add3A_554 : i32
        %swap3A_556 = arith.index_cast %add3A_555 : i32 to index
        %swap3A_557 = arith.constant 48 : index
        %swap3A_558 = tpu.vector_load %arg22[%swap3A_556, %swap3A_557] {strides = array<i32>} : memref<128x64xf32, #tpu.memory_space<vmem>>, vector<16xf32>,
        tpu.vector_store %arg22[%swap3A_556, %swap3A_557], %mul3A_553 {strides = array<i32>} : memref<128x64xf32, #tpu.memory_space<vmem>>, vector<16xf32>,
        %add3A_559 = arith.constant 4 : i32
        %add3A_560 = arith.addi %mul3A_449, %add3A_559 : i32
        %get3A_561 = arith.index_cast %add3A_560 : i32 to index
        %get3A_562 = arith.constant 0 : index
        %get3A_563 = tpu.vector_load %arg18[%get3A_561, %get3A_562] {strides = array<i32>} : memref<128x64xbf16, #tpu.memory_space<vmem>>, vector<32xbf16>,
        %slice3A_564 = vector.extract_strided_slice %get3A_447 {offsets = [2], sizes = [1], strides = [1]} : vector<16xf32> to vector<1xf32>
        %squeeze3A_565 = vector.extract %slice3A_564[0] : f32 from vector<1xf32>
        %unpack3A_566 = tpu.unpack_subelements %get3A_474, 0 {pack_format = #tpu.pack_format<interleaved>} : vector<32xbf16> -> vector<16xf32>
        %unpack3A_567 = tpu.unpack_subelements %get3A_474, 1 {pack_format = #tpu.pack_format<interleaved>} : vector<32xbf16> -> vector<16xf32>
        %mul3A_568 = vector.broadcast %squeeze3A_565 : f32 to vector<16xf32>
        %mul3A_569 = arith.mulf %unpack3A_566, %mul3A_568 : vector<16xf32>
        %add3A_570 = arith.constant 2 : i32
        %add3A_571 = arith.addi %mul3A_449, %add3A_570 : i32
        %swap3A_572 = arith.index_cast %add3A_571 : i32 to index
        %swap3A_573 = arith.constant 0 : index
        %swap3A_574 = tpu.vector_load %arg22[%swap3A_572, %swap3A_573] {strides = array<i32>} : memref<128x64xf32, #tpu.memory_space<vmem>>, vector<16xf32>,
        tpu.vector_store %arg22[%swap3A_572, %swap3A_573], %mul3A_569 {strides = array<i32>} : memref<128x64xf32, #tpu.memory_space<vmem>>, vector<16xf32>,
        %mul3A_575 = vector.broadcast %squeeze3A_565 : f32 to vector<16xf32>
        %mul3A_576 = arith.mulf %unpack3A_567, %mul3A_575 : vector<16xf32>
        %add3A_577 = arith.constant 2 : i32
        %add3A_578 = arith.addi %mul3A_449, %add3A_577 : i32
        %swap3A_579 = arith.index_cast %add3A_578 : i32 to index
        %swap3A_580 = arith.constant 16 : index
        %swap3A_581 = tpu.vector_load %arg22[%swap3A_579, %swap3A_580] {strides = array<i32>} : memref<128x64xf32, #tpu.memory_space<vmem>>, vector<16xf32>,
        tpu.vector_store %arg22[%swap3A_579, %swap3A_580], %mul3A_576 {strides = array<i32>} : memref<128x64xf32, #tpu.memory_space<vmem>>, vector<16xf32>,
        %add3A_582 = arith.constant 4 : i32
        %add3A_583 = arith.addi %mul3A_449, %add3A_582 : i32
        %get3A_584 = arith.index_cast %add3A_583 : i32 to index
        %get3A_585 = arith.constant 32 : index
        %get3A_586 = tpu.vector_load %arg18[%get3A_584, %get3A_585] {strides = array<i32>} : memref<128x64xbf16, #tpu.memory_space<vmem>>, vector<32xbf16>,
        %slice3A_587 = vector.extract_strided_slice %get3A_447 {offsets = [2], sizes = [1], strides = [1]} : vector<16xf32> to vector<1xf32>
        %squeeze3A_588 = vector.extract %slice3A_587[0] : f32 from vector<1xf32>
        %unpack3A_589 = tpu.unpack_subelements %get3A_494, 0 {pack_format = #tpu.pack_format<interleaved>} : vector<32xbf16> -> vector<16xf32>
        %unpack3A_590 = tpu.unpack_subelements %get3A_494, 1 {pack_format = #tpu.pack_format<interleaved>} : vector<32xbf16> -> vector<16xf32>
        %mul3A_591 = vector.broadcast %squeeze3A_588 : f32 to vector<16xf32>
        %mul3A_592 = arith.mulf %unpack3A_589, %mul3A_591 : vector<16xf32>
        %add3A_593 = arith.constant 2 : i32
        %add3A_594 = arith.addi %mul3A_449, %add3A_593 : i32
        %swap3A_595 = arith.index_cast %add3A_594 : i32 to index
        %swap3A_596 = arith.constant 32 : index
        %swap3A_597 = tpu.vector_load %arg22[%swap3A_595, %swap3A_596] {strides = array<i32>} : memref<128x64xf32, #tpu.memory_space<vmem>>, vector<16xf32>,
        tpu.vector_store %arg22[%swap3A_595, %swap3A_596], %mul3A_592 {strides = array<i32>} : memref<128x64xf32, #tpu.memory_space<vmem>>, vector<16xf32>,
        %mul3A_598 = vector.broadcast %squeeze3A_588 : f32 to vector<16xf32>
        %mul3A_599 = arith.mulf %unpack3A_590, %mul3A_598 : vector<16xf32>
        %add3A_600 = arith.constant 2 : i32
        %add3A_601 = arith.addi %mul3A_449, %add3A_600 : i32
        %swap3A_602 = arith.index_cast %add3A_601 : i32 to index
        %swap3A_603 = arith.constant 48 : index
        %swap3A_604 = tpu.vector_load %arg22[%swap3A_602, %swap3A_603] {strides = array<i32>} : memref<128x64xf32, #tpu.memory_space<vmem>>, vector<16xf32>,
        tpu.vector_store %arg22[%swap3A_602, %swap3A_603], %mul3A_599 {strides = array<i32>} : memref<128x64xf32, #tpu.memory_space<vmem>>, vector<16xf32>,
        %add3A_605 = arith.constant 5 : i32
        %add3A_606 = arith.addi %mul3A_449, %add3A_605 : i32
        %get3A_607 = arith.index_cast %add3A_606 : i32 to index
        %get3A_608 = arith.constant 0 : index
        %get3A_609 = tpu.vector_load %arg18[%get3A_607, %get3A_608] {strides = array<i32>} : memref<128x64xbf16, #tpu.memory_space<vmem>>, vector<32xbf16>,
        %slice3A_610 = vector.extract_strided_slice %get3A_447 {offsets = [3], sizes = [1], strides = [1]} : vector<16xf32> to vector<1xf32>
        %squeeze3A_611 = vector.extract %slice3A_610[0] : f32 from vector<1xf32>
        %unpack3A_612 = tpu.unpack_subelements %get3A_517, 0 {pack_format = #tpu.pack_format<interleaved>} : vector<32xbf16> -> vector<16xf32>
        %unpack3A_613 = tpu.unpack_subelements %get3A_517, 1 {pack_format = #tpu.pack_format<interleaved>} : vector<32xbf16> -> vector<16xf32>
        %mul3A_614 = vector.broadcast %squeeze3A_611 : f32 to vector<16xf32>
        %mul3A_615 = arith.mulf %unpack3A_612, %mul3A_614 : vector<16xf32>
        %add3A_616 = arith.constant 3 : i32
        %add3A_617 = arith.addi %mul3A_449, %add3A_616 : i32
        %swap3A_618 = arith.index_cast %add3A_617 : i32 to index
        %swap3A_619 = arith.constant 0 : index
        %swap3A_620 = tpu.vector_load %arg22[%swap3A_618, %swap3A_619] {strides = array<i32>} : memref<128x64xf32, #tpu.memory_space<vmem>>, vector<16xf32>,
        tpu.vector_store %arg22[%swap3A_618, %swap3A_619], %mul3A_615 {strides = array<i32>} : memref<128x64xf32, #tpu.memory_space<vmem>>, vector<16xf32>,
        %mul3A_621 = vector.broadcast %squeeze3A_611 : f32 to vector<16xf32>
        %mul3A_622 = arith.mulf %unpack3A_613, %mul3A_621 : vector<16xf32>
        %add3A_623 = arith.constant 3 : i32
        %add3A_624 = arith.addi %mul3A_449, %add3A_623 : i32
        %swap3A_625 = arith.index_cast %add3A_624 : i32 to index
        %swap3A_626 = arith.constant 16 : index
        %swap3A_627 = tpu.vector_load %arg22[%swap3A_625, %swap3A_626] {strides = array<i32>} : memref<128x64xf32, #tpu.memory_space<vmem>>, vector<16xf32>,
        tpu.vector_store %arg22[%swap3A_625, %swap3A_626], %mul3A_622 {strides = array<i32>} : memref<128x64xf32, #tpu.memory_space<vmem>>, vector<16xf32>,
        %add3A_628 = arith.constant 5 : i32
        %add3A_629 = arith.addi %mul3A_449, %add3A_628 : i32
        %get3A_630 = arith.index_cast %add3A_629 : i32 to index
        %get3A_631 = arith.constant 32 : index
        %get3A_632 = tpu.vector_load %arg18[%get3A_630, %get3A_631] {strides = array<i32>} : memref<128x64xbf16, #tpu.memory_space<vmem>>, vector<32xbf16>,
        %slice3A_633 = vector.extract_strided_slice %get3A_447 {offsets = [3], sizes = [1], strides = [1]} : vector<16xf32> to vector<1xf32>
        %squeeze3A_634 = vector.extract %slice3A_633[0] : f32 from vector<1xf32>
        %unpack3A_635 = tpu.unpack_subelements %get3A_540, 0 {pack_format = #tpu.pack_format<interleaved>} : vector<32xbf16> -> vector<16xf32>
        %unpack3A_636 = tpu.unpack_subelements %get3A_540, 1 {pack_format = #tpu.pack_format<interleaved>} : vector<32xbf16> -> vector<16xf32>
        %mul3A_637 = vector.broadcast %squeeze3A_634 : f32 to vector<16xf32>
        %mul3A_638 = arith.mulf %unpack3A_635, %mul3A_637 : vector<16xf32>
        %add3A_639 = arith.constant 3 : i32
        %add3A_640 = arith.addi %mul3A_449, %add3A_639 : i32
        %swap3A_641 = arith.index_cast %add3A_640 : i32 to index
        %swap3A_642 = arith.constant 32 : index
        %swap3A_643 = tpu.vector_load %arg22[%swap3A_641, %swap3A_642] {strides = array<i32>} : memref<128x64xf32, #tpu.memory_space<vmem>>, vector<16xf32>,
        tpu.vector_store %arg22[%swap3A_641, %swap3A_642], %mul3A_638 {strides = array<i32>} : memref<128x64xf32, #tpu.memory_space<vmem>>, vector<16xf32>,
        %mul3A_644 = vector.broadcast %squeeze3A_634 : f32 to vector<16xf32>
        %mul3A_645 = arith.mulf %unpack3A_636, %mul3A_644 : vector<16xf32>
        %add3A_646 = arith.constant 3 : i32
        %add3A_647 = arith.addi %mul3A_449, %add3A_646 : i32
        %swap3A_648 = arith.index_cast %add3A_647 : i32 to index
        %swap3A_649 = arith.constant 48 : index
        %swap3A_650 = tpu.vector_load %arg22[%swap3A_648, %swap3A_649] {strides = array<i32>} : memref<128x64xf32, #tpu.memory_space<vmem>>, vector<16xf32>,
        tpu.vector_store %arg22[%swap3A_648, %swap3A_649], %mul3A_645 {strides = array<i32>} : memref<128x64xf32, #tpu.memory_space<vmem>>, vector<16xf32>,
        %add3A_651 = arith.constant 6 : i32
        %add3A_652 = arith.addi %mul3A_449, %add3A_651 : i32
        %get3A_653 = arith.index_cast %add3A_652 : i32 to index
        %get3A_654 = arith.constant 0 : index
        %get3A_655 = tpu.vector_load %arg18[%get3A_653, %get3A_654] {strides = array<i32>} : memref<128x64xbf16, #tpu.memory_space<vmem>>, vector<32xbf16>,
        %slice3A_656 = vector.extract_strided_slice %get3A_447 {offsets = [4], sizes = [1], strides = [1]} : vector<16xf32> to vector<1xf32>
        %squeeze3A_657 = vector.extract %slice3A_656[0] : f32 from vector<1xf32>
        %unpack3A_658 = tpu.unpack_subelements %get3A_563, 0 {pack_format = #tpu.pack_format<interleaved>} : vector<32xbf16> -> vector<16xf32>
        %unpack3A_659 = tpu.unpack_subelements %get3A_563, 1 {pack_format = #tpu.pack_format<interleaved>} : vector<32xbf16> -> vector<16xf32>
        %mul3A_660 = vector.broadcast %squeeze3A_657 : f32 to vector<16xf32>
        %mul3A_661 = arith.mulf %unpack3A_658, %mul3A_660 : vector<16xf32>
        %add3A_662 = arith.constant 4 : i32
        %add3A_663 = arith.addi %mul3A_449, %add3A_662 : i32
        %swap3A_664 = arith.index_cast %add3A_663 : i32 to index
        %swap3A_665 = arith.constant 0 : index
        %swap3A_666 = tpu.vector_load %arg22[%swap3A_664, %swap3A_665] {strides = array<i32>} : memref<128x64xf32, #tpu.memory_space<vmem>>, vector<16xf32>,
        tpu.vector_store %arg22[%swap3A_664, %swap3A_665], %mul3A_661 {strides = array<i32>} : memref<128x64xf32, #tpu.memory_space<vmem>>, vector<16xf32>,
        %mul3A_667 = vector.broadcast %squeeze3A_657 : f32 to vector<16xf32>
        %mul3A_668 = arith.mulf %unpack3A_659, %mul3A_667 : vector<16xf32>
        %add3A_669 = arith.constant 4 : i32
        %add3A_670 = arith.addi %mul3A_449, %add3A_669 : i32
        %swap3A_671 = arith.index_cast %add3A_670 : i32 to index
        %swap3A_672 = arith.constant 16 : index
        %swap3A_673 = tpu.vector_load %arg22[%swap3A_671, %swap3A_672] {strides = array<i32>} : memref<128x64xf32, #tpu.memory_space<vmem>>, vector<16xf32>,
        tpu.vector_store %arg22[%swap3A_671, %swap3A_672], %mul3A_668 {strides = array<i32>} : memref<128x64xf32, #tpu.memory_space<vmem>>, vector<16xf32>,
        %add3A_674 = arith.constant 6 : i32
        %add3A_675 = arith.addi %mul3A_449, %add3A_674 : i32
        %get3A_676 = arith.index_cast %add3A_675 : i32 to index
        %get3A_677 = arith.constant 32 : index
        %get3A_678 = tpu.vector_load %arg18[%get3A_676, %get3A_677] {strides = array<i32>} : memref<128x64xbf16, #tpu.memory_space<vmem>>, vector<32xbf16>,
        %slice3A_679 = vector.extract_strided_slice %get3A_447 {offsets = [4], sizes = [1], strides = [1]} : vector<16xf32> to vector<1xf32>
        %squeeze3A_680 = vector.extract %slice3A_679[0] : f32 from vector<1xf32>
        %unpack3A_681 = tpu.unpack_subelements %get3A_586, 0 {pack_format = #tpu.pack_format<interleaved>} : vector<32xbf16> -> vector<16xf32>
        %unpack3A_682 = tpu.unpack_subelements %get3A_586, 1 {pack_format = #tpu.pack_format<interleaved>} : vector<32xbf16> -> vector<16xf32>
        %mul3A_683 = vector.broadcast %squeeze3A_680 : f32 to vector<16xf32>
        %mul3A_684 = arith.mulf %unpack3A_681, %mul3A_683 : vector<16xf32>
        %add3A_685 = arith.constant 4 : i32
        %add3A_686 = arith.addi %mul3A_449, %add3A_685 : i32
        %swap3A_687 = arith.index_cast %add3A_686 : i32 to index
        %swap3A_688 = arith.constant 32 : index
        %swap3A_689 = tpu.vector_load %arg22[%swap3A_687, %swap3A_688] {strides = array<i32>} : memref<128x64xf32, #tpu.memory_space<vmem>>, vector<16xf32>,
        tpu.vector_store %arg22[%swap3A_687, %swap3A_688], %mul3A_684 {strides = array<i32>} : memref<128x64xf32, #tpu.memory_space<vmem>>, vector<16xf32>,
        %mul3A_690 = vector.broadcast %squeeze3A_680 : f32 to vector<16xf32>
        %mul3A_691 = arith.mulf %unpack3A_682, %mul3A_690 : vector<16xf32>
        %add3A_692 = arith.constant 4 : i32
        %add3A_693 = arith.addi %mul3A_449, %add3A_692 : i32
        %swap3A_694 = arith.index_cast %add3A_693 : i32 to index
        %swap3A_695 = arith.constant 48 : index
        %swap3A_696 = tpu.vector_load %arg22[%swap3A_694, %swap3A_695] {strides = array<i32>} : memref<128x64xf32, #tpu.memory_space<vmem>>, vector<16xf32>,
        tpu.vector_store %arg22[%swap3A_694, %swap3A_695], %mul3A_691 {strides = array<i32>} : memref<128x64xf32, #tpu.memory_space<vmem>>, vector<16xf32>,
        %add3A_697 = arith.constant 7 : i32
        %add3A_698 = arith.addi %mul3A_449, %add3A_697 : i32
        %get3A_699 = arith.index_cast %add3A_698 : i32 to index
        %get3A_700 = arith.constant 0 : index
        %get3A_701 = tpu.vector_load %arg18[%get3A_699, %get3A_700] {strides = array<i32>} : memref<128x64xbf16, #tpu.memory_space<vmem>>, vector<32xbf16>,
        %slice3A_702 = vector.extract_strided_slice %get3A_447 {offsets = [5], sizes = [1], strides = [1]} : vector<16xf32> to vector<1xf32>
        %squeeze3A_703 = vector.extract %slice3A_702[0] : f32 from vector<1xf32>
        %unpack3A_704 = tpu.unpack_subelements %get3A_609, 0 {pack_format = #tpu.pack_format<interleaved>} : vector<32xbf16> -> vector<16xf32>
        %unpack3A_705 = tpu.unpack_subelements %get3A_609, 1 {pack_format = #tpu.pack_format<interleaved>} : vector<32xbf16> -> vector<16xf32>
        %mul3A_706 = vector.broadcast %squeeze3A_703 : f32 to vector<16xf32>
        %mul3A_707 = arith.mulf %unpack3A_704, %mul3A_706 : vector<16xf32>
        %add3A_708 = arith.constant 5 : i32
        %add3A_709 = arith.addi %mul3A_449, %add3A_708 : i32
        %swap3A_710 = arith.index_cast %add3A_709 : i32 to index
        %swap3A_711 = arith.constant 0 : index
        %swap3A_712 = tpu.vector_load %arg22[%swap3A_710, %swap3A_711] {strides = array<i32>} : memref<128x64xf32, #tpu.memory_space<vmem>>, vector<16xf32>,
        tpu.vector_store %arg22[%swap3A_710, %swap3A_711], %mul3A_707 {strides = array<i32>} : memref<128x64xf32, #tpu.memory_space<vmem>>, vector<16xf32>,
        %mul3A_713 = vector.broadcast %squeeze3A_703 : f32 to vector<16xf32>
        %mul3A_714 = arith.mulf %unpack3A_705, %mul3A_713 : vector<16xf32>
        %add3A_715 = arith.constant 5 : i32
        %add3A_716 = arith.addi %mul3A_449, %add3A_715 : i32
        %swap3A_717 = arith.index_cast %add3A_716 : i32 to index
        %swap3A_718 = arith.constant 16 : index
        %swap3A_719 = tpu.vector_load %arg22[%swap3A_717, %swap3A_718] {strides = array<i32>} : memref<128x64xf32, #tpu.memory_space<vmem>>, vector<16xf32>,
        tpu.vector_store %arg22[%swap3A_717, %swap3A_718], %mul3A_714 {strides = array<i32>} : memref<128x64xf32, #tpu.memory_space<vmem>>, vector<16xf32>,
        %add3A_720 = arith.constant 7 : i32
        %add3A_721 = arith.addi %mul3A_449, %add3A_720 : i32
        %get3A_722 = arith.index_cast %add3A_721 : i32 to index
        %get3A_723 = arith.constant 32 : index
        %get3A_724 = tpu.vector_load %arg18[%get3A_722, %get3A_723] {strides = array<i32>} : memref<128x64xbf16, #tpu.memory_space<vmem>>, vector<32xbf16>,
        %slice3A_725 = vector.extract_strided_slice %get3A_447 {offsets = [5], sizes = [1], strides = [1]} : vector<16xf32> to vector<1xf32>
        %squeeze3A_726 = vector.extract %slice3A_725[0] : f32 from vector<1xf32>
        %unpack3A_727 = tpu.unpack_subelements %get3A_632, 0 {pack_format = #tpu.pack_format<interleaved>} : vector<32xbf16> -> vector<16xf32>
        %unpack3A_728 = tpu.unpack_subelements %get3A_632, 1 {pack_format = #tpu.pack_format<interleaved>} : vector<32xbf16> -> vector<16xf32>
        %mul3A_729 = vector.broadcast %squeeze3A_726 : f32 to vector<16xf32>
        %mul3A_730 = arith.mulf %unpack3A_727, %mul3A_729 : vector<16xf32>
        %add3A_731 = arith.constant 5 : i32
        %add3A_732 = arith.addi %mul3A_449, %add3A_731 : i32
        %swap3A_733 = arith.index_cast %add3A_732 : i32 to index
        %swap3A_734 = arith.constant 32 : index
        %swap3A_735 = tpu.vector_load %arg22[%swap3A_733, %swap3A_734] {strides = array<i32>} : memref<128x64xf32, #tpu.memory_space<vmem>>, vector<16xf32>,
        tpu.vector_store %arg22[%swap3A_733, %swap3A_734], %mul3A_730 {strides = array<i32>} : memref<128x64xf32, #tpu.memory_space<vmem>>, vector<16xf32>,
        %mul3A_736 = vector.broadcast %squeeze3A_726 : f32 to vector<16xf32>
        %mul3A_737 = arith.mulf %unpack3A_728, %mul3A_736 : vector<16xf32>
        %add3A_738 = arith.constant 5 : i32
        %add3A_739 = arith.addi %mul3A_449, %add3A_738 : i32
        %swap3A_740 = arith.index_cast %add3A_739 : i32 to index
        %swap3A_741 = arith.constant 48 : index
        %swap3A_742 = tpu.vector_load %arg22[%swap3A_740, %swap3A_741] {strides = array<i32>} : memref<128x64xf32, #tpu.memory_space<vmem>>, vector<16xf32>,
        tpu.vector_store %arg22[%swap3A_740, %swap3A_741], %mul3A_737 {strides = array<i32>} : memref<128x64xf32, #tpu.memory_space<vmem>>, vector<16xf32>,
        %add3A_743 = arith.constant 8 : i32
        %add3A_744 = arith.addi %mul3A_449, %add3A_743 : i32
        %get3A_745 = arith.index_cast %add3A_744 : i32 to index
        %get3A_746 = arith.constant 0 : index
        %get3A_747 = tpu.vector_load %arg18[%get3A_745, %get3A_746] {strides = array<i32>} : memref<128x64xbf16, #tpu.memory_space<vmem>>, vector<32xbf16>,
        %slice3A_748 = vector.extract_strided_slice %get3A_447 {offsets = [6], sizes = [1], strides = [1]} : vector<16xf32> to vector<1xf32>
        %squeeze3A_749 = vector.extract %slice3A_748[0] : f32 from vector<1xf32>
        %unpack3A_750 = tpu.unpack_subelements %get3A_655, 0 {pack_format = #tpu.pack_format<interleaved>} : vector<32xbf16> -> vector<16xf32>
        %unpack3A_751 = tpu.unpack_subelements %get3A_655, 1 {pack_format = #tpu.pack_format<interleaved>} : vector<32xbf16> -> vector<16xf32>
        %mul3A_752 = vector.broadcast %squeeze3A_749 : f32 to vector<16xf32>
        %mul3A_753 = arith.mulf %unpack3A_750, %mul3A_752 : vector<16xf32>
        %add3A_754 = arith.constant 6 : i32
        %add3A_755 = arith.addi %mul3A_449, %add3A_754 : i32
        %swap3A_756 = arith.index_cast %add3A_755 : i32 to index
        %swap3A_757 = arith.constant 0 : index
        %swap3A_758 = tpu.vector_load %arg22[%swap3A_756, %swap3A_757] {strides = array<i32>} : memref<128x64xf32, #tpu.memory_space<vmem>>, vector<16xf32>,
        tpu.vector_store %arg22[%swap3A_756, %swap3A_757], %mul3A_753 {strides = array<i32>} : memref<128x64xf32, #tpu.memory_space<vmem>>, vector<16xf32>,
        %mul3A_759 = vector.broadcast %squeeze3A_749 : f32 to vector<16xf32>
        %mul3A_760 = arith.mulf %unpack3A_751, %mul3A_759 : vector<16xf32>
        %add3A_761 = arith.constant 6 : i32
        %add3A_762 = arith.addi %mul3A_449, %add3A_761 : i32
        %swap3A_763 = arith.index_cast %add3A_762 : i32 to index
        %swap3A_764 = arith.constant 16 : index
        %swap3A_765 = tpu.vector_load %arg22[%swap3A_763, %swap3A_764] {strides = array<i32>} : memref<128x64xf32, #tpu.memory_space<vmem>>, vector<16xf32>,
        tpu.vector_store %arg22[%swap3A_763, %swap3A_764], %mul3A_760 {strides = array<i32>} : memref<128x64xf32, #tpu.memory_space<vmem>>, vector<16xf32>,
        %add3A_766 = arith.constant 8 : i32
        %add3A_767 = arith.addi %mul3A_449, %add3A_766 : i32
        %get3A_768 = arith.index_cast %add3A_767 : i32 to index
        %get3A_769 = arith.constant 32 : index
        %get3A_770 = tpu.vector_load %arg18[%get3A_768, %get3A_769] {strides = array<i32>} : memref<128x64xbf16, #tpu.memory_space<vmem>>, vector<32xbf16>,
        %slice3A_771 = vector.extract_strided_slice %get3A_447 {offsets = [6], sizes = [1], strides = [1]} : vector<16xf32> to vector<1xf32>
        %squeeze3A_772 = vector.extract %slice3A_771[0] : f32 from vector<1xf32>
        %unpack3A_773 = tpu.unpack_subelements %get3A_678, 0 {pack_format = #tpu.pack_format<interleaved>} : vector<32xbf16> -> vector<16xf32>
        %unpack3A_774 = tpu.unpack_subelements %get3A_678, 1 {pack_format = #tpu.pack_format<interleaved>} : vector<32xbf16> -> vector<16xf32>
        %mul3A_775 = vector.broadcast %squeeze3A_772 : f32 to vector<16xf32>
        %mul3A_776 = arith.mulf %unpack3A_773, %mul3A_775 : vector<16xf32>
        %add3A_777 = arith.constant 6 : i32
        %add3A_778 = arith.addi %mul3A_449, %add3A_777 : i32
        %swap3A_779 = arith.index_cast %add3A_778 : i32 to index
        %swap3A_780 = arith.constant 32 : index
        %swap3A_781 = tpu.vector_load %arg22[%swap3A_779, %swap3A_780] {strides = array<i32>} : memref<128x64xf32, #tpu.memory_space<vmem>>, vector<16xf32>,
        tpu.vector_store %arg22[%swap3A_779, %swap3A_780], %mul3A_776 {strides = array<i32>} : memref<128x64xf32, #tpu.memory_space<vmem>>, vector<16xf32>,
        %mul3A_782 = vector.broadcast %squeeze3A_772 : f32 to vector<16xf32>
        %mul3A_783 = arith.mulf %unpack3A_774, %mul3A_782 : vector<16xf32>
        %add3A_784 = arith.constant 6 : i32
        %add3A_785 = arith.addi %mul3A_449, %add3A_784 : i32
        %swap3A_786 = arith.index_cast %add3A_785 : i32 to index
        %swap3A_787 = arith.constant 48 : index
        %swap3A_788 = tpu.vector_load %arg22[%swap3A_786, %swap3A_787] {strides = array<i32>} : memref<128x64xf32, #tpu.memory_space<vmem>>, vector<16xf32>,
        tpu.vector_store %arg22[%swap3A_786, %swap3A_787], %mul3A_783 {strides = array<i32>} : memref<128x64xf32, #tpu.memory_space<vmem>>, vector<16xf32>,
        %add3A_789 = arith.constant 9 : i32
        %add3A_790 = arith.addi %mul3A_449, %add3A_789 : i32
        %get3A_791 = arith.index_cast %add3A_790 : i32 to index
        %get3A_792 = arith.constant 0 : index
        %get3A_793 = tpu.vector_load %arg18[%get3A_791, %get3A_792] {strides = array<i32>} : memref<128x64xbf16, #tpu.memory_space<vmem>>, vector<32xbf16>,
        %slice3A_794 = vector.extract_strided_slice %get3A_447 {offsets = [7], sizes = [1], strides = [1]} : vector<16xf32> to vector<1xf32>
        %squeeze3A_795 = vector.extract %slice3A_794[0] : f32 from vector<1xf32>
        %unpack3A_796 = tpu.unpack_subelements %get3A_701, 0 {pack_format = #tpu.pack_format<interleaved>} : vector<32xbf16> -> vector<16xf32>
        %unpack3A_797 = tpu.unpack_subelements %get3A_701, 1 {pack_format = #tpu.pack_format<interleaved>} : vector<32xbf16> -> vector<16xf32>
        %mul3A_798 = vector.broadcast %squeeze3A_795 : f32 to vector<16xf32>
        %mul3A_799 = arith.mulf %unpack3A_796, %mul3A_798 : vector<16xf32>
        %add3A_800 = arith.constant 7 : i32
        %add3A_801 = arith.addi %mul3A_449, %add3A_800 : i32
        %swap3A_802 = arith.index_cast %add3A_801 : i32 to index
        %swap3A_803 = arith.constant 0 : index
        %swap3A_804 = tpu.vector_load %arg22[%swap3A_802, %swap3A_803] {strides = array<i32>} : memref<128x64xf32, #tpu.memory_space<vmem>>, vector<16xf32>,
        tpu.vector_store %arg22[%swap3A_802, %swap3A_803], %mul3A_799 {strides = array<i32>} : memref<128x64xf32, #tpu.memory_space<vmem>>, vector<16xf32>,
        %mul3A_805 = vector.broadcast %squeeze3A_795 : f32 to vector<16xf32>
        %mul3A_806 = arith.mulf %unpack3A_797, %mul3A_805 : vector<16xf32>
        %add3A_807 = arith.constant 7 : i32
        %add3A_808 = arith.addi %mul3A_449, %add3A_807 : i32
        %swap3A_809 = arith.index_cast %add3A_808 : i32 to index
        %swap3A_810 = arith.constant 16 : index
        %swap3A_811 = tpu.vector_load %arg22[%swap3A_809, %swap3A_810] {strides = array<i32>} : memref<128x64xf32, #tpu.memory_space<vmem>>, vector<16xf32>,
        tpu.vector_store %arg22[%swap3A_809, %swap3A_810], %mul3A_806 {strides = array<i32>} : memref<128x64xf32, #tpu.memory_space<vmem>>, vector<16xf32>,
        %add3A_812 = arith.constant 9 : i32
        %add3A_813 = arith.addi %mul3A_449, %add3A_812 : i32
        %get3A_814 = arith.index_cast %add3A_813 : i32 to index
        %get3A_815 = arith.constant 32 : index
        %get3A_816 = tpu.vector_load %arg18[%get3A_814, %get3A_815] {strides = array<i32>} : memref<128x64xbf16, #tpu.memory_space<vmem>>, vector<32xbf16>,
        %slice3A_817 = vector.extract_strided_slice %get3A_447 {offsets = [7], sizes = [1], strides = [1]} : vector<16xf32> to vector<1xf32>
        %squeeze3A_818 = vector.extract %slice3A_817[0] : f32 from vector<1xf32>
        %unpack3A_819 = tpu.unpack_subelements %get3A_724, 0 {pack_format = #tpu.pack_format<interleaved>} : vector<32xbf16> -> vector<16xf32>
        %unpack3A_820 = tpu.unpack_subelements %get3A_724, 1 {pack_format = #tpu.pack_format<interleaved>} : vector<32xbf16> -> vector<16xf32>
        %mul3A_821 = vector.broadcast %squeeze3A_818 : f32 to vector<16xf32>
        %mul3A_822 = arith.mulf %unpack3A_819, %mul3A_821 : vector<16xf32>
        %add3A_823 = arith.constant 7 : i32
        %add3A_824 = arith.addi %mul3A_449, %add3A_823 : i32
        %swap3A_825 = arith.index_cast %add3A_824 : i32 to index
        %swap3A_826 = arith.constant 32 : index
        %swap3A_827 = tpu.vector_load %arg22[%swap3A_825, %swap3A_826] {strides = array<i32>} : memref<128x64xf32, #tpu.memory_space<vmem>>, vector<16xf32>,
        tpu.vector_store %arg22[%swap3A_825, %swap3A_826], %mul3A_822 {strides = array<i32>} : memref<128x64xf32, #tpu.memory_space<vmem>>, vector<16xf32>,
        %mul3A_828 = vector.broadcast %squeeze3A_818 : f32 to vector<16xf32>
        %mul3A_829 = arith.mulf %unpack3A_820, %mul3A_828 : vector<16xf32>
        %add3A_830 = arith.constant 7 : i32
        %add3A_831 = arith.addi %mul3A_449, %add3A_830 : i32
        %swap3A_832 = arith.index_cast %add3A_831 : i32 to index
        %swap3A_833 = arith.constant 48 : index
        %swap3A_834 = tpu.vector_load %arg22[%swap3A_832, %swap3A_833] {strides = array<i32>} : memref<128x64xf32, #tpu.memory_space<vmem>>, vector<16xf32>,
        tpu.vector_store %arg22[%swap3A_832, %swap3A_833], %mul3A_829 {strides = array<i32>} : memref<128x64xf32, #tpu.memory_space<vmem>>, vector<16xf32>,
        %add3A_835 = arith.constant 10 : i32
        %add3A_836 = arith.addi %mul3A_449, %add3A_835 : i32
        %get3A_837 = arith.index_cast %add3A_836 : i32 to index
        %get3A_838 = arith.constant 0 : index
        %get3A_839 = tpu.vector_load %arg18[%get3A_837, %get3A_838] {strides = array<i32>} : memref<128x64xbf16, #tpu.memory_space<vmem>>, vector<32xbf16>,
        %slice3A_840 = vector.extract_strided_slice %get3A_447 {offsets = [8], sizes = [1], strides = [1]} : vector<16xf32> to vector<1xf32>
        %squeeze3A_841 = vector.extract %slice3A_840[0] : f32 from vector<1xf32>
        %unpack3A_842 = tpu.unpack_subelements %get3A_747, 0 {pack_format = #tpu.pack_format<interleaved>} : vector<32xbf16> -> vector<16xf32>
        %unpack3A_843 = tpu.unpack_subelements %get3A_747, 1 {pack_format = #tpu.pack_format<interleaved>} : vector<32xbf16> -> vector<16xf32>
        %mul3A_844 = vector.broadcast %squeeze3A_841 : f32 to vector<16xf32>
        %mul3A_845 = arith.mulf %unpack3A_842, %mul3A_844 : vector<16xf32>
        %add3A_846 = arith.constant 8 : i32
        %add3A_847 = arith.addi %mul3A_449, %add3A_846 : i32
        %swap3A_848 = arith.index_cast %add3A_847 : i32 to index
        %swap3A_849 = arith.constant 0 : index
        %swap3A_850 = tpu.vector_load %arg22[%swap3A_848, %swap3A_849] {strides = array<i32>} : memref<128x64xf32, #tpu.memory_space<vmem>>, vector<16xf32>,
        tpu.vector_store %arg22[%swap3A_848, %swap3A_849], %mul3A_845 {strides = array<i32>} : memref<128x64xf32, #tpu.memory_space<vmem>>, vector<16xf32>,
        %mul3A_851 = vector.broadcast %squeeze3A_841 : f32 to vector<16xf32>
        %mul3A_852 = arith.mulf %unpack3A_843, %mul3A_851 : vector<16xf32>
        %add3A_853 = arith.constant 8 : i32
        %add3A_854 = arith.addi %mul3A_449, %add3A_853 : i32
        %swap3A_855 = arith.index_cast %add3A_854 : i32 to index
        %swap3A_856 = arith.constant 16 : index
        %swap3A_857 = tpu.vector_load %arg22[%swap3A_855, %swap3A_856] {strides = array<i32>} : memref<128x64xf32, #tpu.memory_space<vmem>>, vector<16xf32>,
        tpu.vector_store %arg22[%swap3A_855, %swap3A_856], %mul3A_852 {strides = array<i32>} : memref<128x64xf32, #tpu.memory_space<vmem>>, vector<16xf32>,
        %add3A_858 = arith.constant 10 : i32
        %add3A_859 = arith.addi %mul3A_449, %add3A_858 : i32
        %get3A_860 = arith.index_cast %add3A_859 : i32 to index
        %get3A_861 = arith.constant 32 : index
        %get3A_862 = tpu.vector_load %arg18[%get3A_860, %get3A_861] {strides = array<i32>} : memref<128x64xbf16, #tpu.memory_space<vmem>>, vector<32xbf16>,
        %slice3A_863 = vector.extract_strided_slice %get3A_447 {offsets = [8], sizes = [1], strides = [1]} : vector<16xf32> to vector<1xf32>
        %squeeze3A_864 = vector.extract %slice3A_863[0] : f32 from vector<1xf32>
        %unpack3A_865 = tpu.unpack_subelements %get3A_770, 0 {pack_format = #tpu.pack_format<interleaved>} : vector<32xbf16> -> vector<16xf32>
        %unpack3A_866 = tpu.unpack_subelements %get3A_770, 1 {pack_format = #tpu.pack_format<interleaved>} : vector<32xbf16> -> vector<16xf32>
        %mul3A_867 = vector.broadcast %squeeze3A_864 : f32 to vector<16xf32>
        %mul3A_868 = arith.mulf %unpack3A_865, %mul3A_867 : vector<16xf32>
        %add3A_869 = arith.constant 8 : i32
        %add3A_870 = arith.addi %mul3A_449, %add3A_869 : i32
        %swap3A_871 = arith.index_cast %add3A_870 : i32 to index
        %swap3A_872 = arith.constant 32 : index
        %swap3A_873 = tpu.vector_load %arg22[%swap3A_871, %swap3A_872] {strides = array<i32>} : memref<128x64xf32, #tpu.memory_space<vmem>>, vector<16xf32>,
        tpu.vector_store %arg22[%swap3A_871, %swap3A_872], %mul3A_868 {strides = array<i32>} : memref<128x64xf32, #tpu.memory_space<vmem>>, vector<16xf32>,
        %mul3A_874 = vector.broadcast %squeeze3A_864 : f32 to vector<16xf32>
        %mul3A_875 = arith.mulf %unpack3A_866, %mul3A_874 : vector<16xf32>
        %add3A_876 = arith.constant 8 : i32
        %add3A_877 = arith.addi %mul3A_449, %add3A_876 : i32
        %swap3A_878 = arith.index_cast %add3A_877 : i32 to index
        %swap3A_879 = arith.constant 48 : index
        %swap3A_880 = tpu.vector_load %arg22[%swap3A_878, %swap3A_879] {strides = array<i32>} : memref<128x64xf32, #tpu.memory_space<vmem>>, vector<16xf32>,
        tpu.vector_store %arg22[%swap3A_878, %swap3A_879], %mul3A_875 {strides = array<i32>} : memref<128x64xf32, #tpu.memory_space<vmem>>, vector<16xf32>,
        %add3A_881 = arith.constant 11 : i32
        %add3A_882 = arith.addi %mul3A_449, %add3A_881 : i32
        %get3A_883 = arith.index_cast %add3A_882 : i32 to index
        %get3A_884 = arith.constant 0 : index
        %get3A_885 = tpu.vector_load %arg18[%get3A_883, %get3A_884] {strides = array<i32>} : memref<128x64xbf16, #tpu.memory_space<vmem>>, vector<32xbf16>,
        %slice3A_886 = vector.extract_strided_slice %get3A_447 {offsets = [9], sizes = [1], strides = [1]} : vector<16xf32> to vector<1xf32>
        %squeeze3A_887 = vector.extract %slice3A_886[0] : f32 from vector<1xf32>
        %unpack3A_888 = tpu.unpack_subelements %get3A_793, 0 {pack_format = #tpu.pack_format<interleaved>} : vector<32xbf16> -> vector<16xf32>
        %unpack3A_889 = tpu.unpack_subelements %get3A_793, 1 {pack_format = #tpu.pack_format<interleaved>} : vector<32xbf16> -> vector<16xf32>
        %mul3A_890 = vector.broadcast %squeeze3A_887 : f32 to vector<16xf32>
        %mul3A_891 = arith.mulf %unpack3A_888, %mul3A_890 : vector<16xf32>
        %add3A_892 = arith.constant 9 : i32
        %add3A_893 = arith.addi %mul3A_449, %add3A_892 : i32
        %swap3A_894 = arith.index_cast %add3A_893 : i32 to index
        %swap3A_895 = arith.constant 0 : index
        %swap3A_896 = tpu.vector_load %arg22[%swap3A_894, %swap3A_895] {strides = array<i32>} : memref<128x64xf32, #tpu.memory_space<vmem>>, vector<16xf32>,
        tpu.vector_store %arg22[%swap3A_894, %swap3A_895], %mul3A_891 {strides = array<i32>} : memref<128x64xf32, #tpu.memory_space<vmem>>, vector<16xf32>,
        %mul3A_897 = vector.broadcast %squeeze3A_887 : f32 to vector<16xf32>
        %mul3A_898 = arith.mulf %unpack3A_889, %mul3A_897 : vector<16xf32>
        %add3A_899 = arith.constant 9 : i32
        %add3A_900 = arith.addi %mul3A_449, %add3A_899 : i32
        %swap3A_901 = arith.index_cast %add3A_900 : i32 to index
        %swap3A_902 = arith.constant 16 : index
        %swap3A_903 = tpu.vector_load %arg22[%swap3A_901, %swap3A_902] {strides = array<i32>} : memref<128x64xf32, #tpu.memory_space<vmem>>, vector<16xf32>,
        tpu.vector_store %arg22[%swap3A_901, %swap3A_902], %mul3A_898 {strides = array<i32>} : memref<128x64xf32, #tpu.memory_space<vmem>>, vector<16xf32>,
        %add3A_904 = arith.constant 11 : i32
        %add3A_905 = arith.addi %mul3A_449, %add3A_904 : i32
        %get3A_906 = arith.index_cast %add3A_905 : i32 to index
        %get3A_907 = arith.constant 32 : index
        %get3A_908 = tpu.vector_load %arg18[%get3A_906, %get3A_907] {strides = array<i32>} : memref<128x64xbf16, #tpu.memory_space<vmem>>, vector<32xbf16>,
        %slice3A_909 = vector.extract_strided_slice %get3A_447 {offsets = [9], sizes = [1], strides = [1]} : vector<16xf32> to vector<1xf32>
        %squeeze3A_910 = vector.extract %slice3A_909[0] : f32 from vector<1xf32>
        %unpack3A_911 = tpu.unpack_subelements %get3A_816, 0 {pack_format = #tpu.pack_format<interleaved>} : vector<32xbf16> -> vector<16xf32>
        %unpack3A_912 = tpu.unpack_subelements %get3A_816, 1 {pack_format = #tpu.pack_format<interleaved>} : vector<32xbf16> -> vector<16xf32>
        %mul3A_913 = vector.broadcast %squeeze3A_910 : f32 to vector<16xf32>
        %mul3A_914 = arith.mulf %unpack3A_911, %mul3A_913 : vector<16xf32>
        %add3A_915 = arith.constant 9 : i32
        %add3A_916 = arith.addi %mul3A_449, %add3A_915 : i32
        %swap3A_917 = arith.index_cast %add3A_916 : i32 to index
        %swap3A_918 = arith.constant 32 : index
        %swap3A_919 = tpu.vector_load %arg22[%swap3A_917, %swap3A_918] {strides = array<i32>} : memref<128x64xf32, #tpu.memory_space<vmem>>, vector<16xf32>,
        tpu.vector_store %arg22[%swap3A_917, %swap3A_918], %mul3A_914 {strides = array<i32>} : memref<128x64xf32, #tpu.memory_space<vmem>>, vector<16xf32>,
        %mul3A_920 = vector.broadcast %squeeze3A_910 : f32 to vector<16xf32>
        %mul3A_921 = arith.mulf %unpack3A_912, %mul3A_920 : vector<16xf32>
        %add3A_922 = arith.constant 9 : i32
        %add3A_923 = arith.addi %mul3A_449, %add3A_922 : i32
        %swap3A_924 = arith.index_cast %add3A_923 : i32 to index
        %swap3A_925 = arith.constant 48 : index
        %swap3A_926 = tpu.vector_load %arg22[%swap3A_924, %swap3A_925] {strides = array<i32>} : memref<128x64xf32, #tpu.memory_space<vmem>>, vector<16xf32>,
        tpu.vector_store %arg22[%swap3A_924, %swap3A_925], %mul3A_921 {strides = array<i32>} : memref<128x64xf32, #tpu.memory_space<vmem>>, vector<16xf32>,
        %add3A_927 = arith.constant 12 : i32
        %add3A_928 = arith.addi %mul3A_449, %add3A_927 : i32
        %get3A_929 = arith.index_cast %add3A_928 : i32 to index
        %get3A_930 = arith.constant 0 : index
        %get3A_931 = tpu.vector_load %arg18[%get3A_929, %get3A_930] {strides = array<i32>} : memref<128x64xbf16, #tpu.memory_space<vmem>>, vector<32xbf16>,
        %slice3A_932 = vector.extract_strided_slice %get3A_447 {offsets = [10], sizes = [1], strides = [1]} : vector<16xf32> to vector<1xf32>
        %squeeze3A_933 = vector.extract %slice3A_932[0] : f32 from vector<1xf32>
        %unpack3A_934 = tpu.unpack_subelements %get3A_839, 0 {pack_format = #tpu.pack_format<interleaved>} : vector<32xbf16> -> vector<16xf32>
        %unpack3A_935 = tpu.unpack_subelements %get3A_839, 1 {pack_format = #tpu.pack_format<interleaved>} : vector<32xbf16> -> vector<16xf32>
        %mul3A_936 = vector.broadcast %squeeze3A_933 : f32 to vector<16xf32>
        %mul3A_937 = arith.mulf %unpack3A_934, %mul3A_936 : vector<16xf32>
        %add3A_938 = arith.constant 10 : i32
        %add3A_939 = arith.addi %mul3A_449, %add3A_938 : i32
        %swap3A_940 = arith.index_cast %add3A_939 : i32 to index
        %swap3A_941 = arith.constant 0 : index
        %swap3A_942 = tpu.vector_load %arg22[%swap3A_940, %swap3A_941] {strides = array<i32>} : memref<128x64xf32, #tpu.memory_space<vmem>>, vector<16xf32>,
        tpu.vector_store %arg22[%swap3A_940, %swap3A_941], %mul3A_937 {strides = array<i32>} : memref<128x64xf32, #tpu.memory_space<vmem>>, vector<16xf32>,
        %mul3A_943 = vector.broadcast %squeeze3A_933 : f32 to vector<16xf32>
        %mul3A_944 = arith.mulf %unpack3A_935, %mul3A_943 : vector<16xf32>
        %add3A_945 = arith.constant 10 : i32
        %add3A_946 = arith.addi %mul3A_449, %add3A_945 : i32
        %swap3A_947 = arith.index_cast %add3A_946 : i32 to index
        %swap3A_948 = arith.constant 16 : index
        %swap3A_949 = tpu.vector_load %arg22[%swap3A_947, %swap3A_948] {strides = array<i32>} : memref<128x64xf32, #tpu.memory_space<vmem>>, vector<16xf32>,
        tpu.vector_store %arg22[%swap3A_947, %swap3A_948], %mul3A_944 {strides = array<i32>} : memref<128x64xf32, #tpu.memory_space<vmem>>, vector<16xf32>,
        %add3A_950 = arith.constant 12 : i32
        %add3A_951 = arith.addi %mul3A_449, %add3A_950 : i32
        %get3A_952 = arith.index_cast %add3A_951 : i32 to index
        %get3A_953 = arith.constant 32 : index
        %get3A_954 = tpu.vector_load %arg18[%get3A_952, %get3A_953] {strides = array<i32>} : memref<128x64xbf16, #tpu.memory_space<vmem>>, vector<32xbf16>,
        %slice3A_955 = vector.extract_strided_slice %get3A_447 {offsets = [10], sizes = [1], strides = [1]} : vector<16xf32> to vector<1xf32>
        %squeeze3A_956 = vector.extract %slice3A_955[0] : f32 from vector<1xf32>
        %unpack3A_957 = tpu.unpack_subelements %get3A_862, 0 {pack_format = #tpu.pack_format<interleaved>} : vector<32xbf16> -> vector<16xf32>
        %unpack3A_958 = tpu.unpack_subelements %get3A_862, 1 {pack_format = #tpu.pack_format<interleaved>} : vector<32xbf16> -> vector<16xf32>
        %mul3A_959 = vector.broadcast %squeeze3A_956 : f32 to vector<16xf32>
        %mul3A_960 = arith.mulf %unpack3A_957, %mul3A_959 : vector<16xf32>
        %add3A_961 = arith.constant 10 : i32
        %add3A_962 = arith.addi %mul3A_449, %add3A_961 : i32
        %swap3A_963 = arith.index_cast %add3A_962 : i32 to index
        %swap3A_964 = arith.constant 32 : index
        %swap3A_965 = tpu.vector_load %arg22[%swap3A_963, %swap3A_964] {strides = array<i32>} : memref<128x64xf32, #tpu.memory_space<vmem>>, vector<16xf32>,
        tpu.vector_store %arg22[%swap3A_963, %swap3A_964], %mul3A_960 {strides = array<i32>} : memref<128x64xf32, #tpu.memory_space<vmem>>, vector<16xf32>,
        %mul3A_966 = vector.broadcast %squeeze3A_956 : f32 to vector<16xf32>
        %mul3A_967 = arith.mulf %unpack3A_958, %mul3A_966 : vector<16xf32>
        %add3A_968 = arith.constant 10 : i32
        %add3A_969 = arith.addi %mul3A_449, %add3A_968 : i32
        %swap3A_970 = arith.index_cast %add3A_969 : i32 to index
        %swap3A_971 = arith.constant 48 : index
        %swap3A_972 = tpu.vector_load %arg22[%swap3A_970, %swap3A_971] {strides = array<i32>} : memref<128x64xf32, #tpu.memory_space<vmem>>, vector<16xf32>,
        tpu.vector_store %arg22[%swap3A_970, %swap3A_971], %mul3A_967 {strides = array<i32>} : memref<128x64xf32, #tpu.memory_space<vmem>>, vector<16xf32>,
        %add3A_973 = arith.constant 13 : i32
        %add3A_974 = arith.addi %mul3A_449, %add3A_973 : i32
        %get3A_975 = arith.index_cast %add3A_974 : i32 to index
        %get3A_976 = arith.constant 0 : index
        %get3A_977 = tpu.vector_load %arg18[%get3A_975, %get3A_976] {strides = array<i32>} : memref<128x64xbf16, #tpu.memory_space<vmem>>, vector<32xbf16>,
        %slice3A_978 = vector.extract_strided_slice %get3A_447 {offsets = [11], sizes = [1], strides = [1]} : vector<16xf32> to vector<1xf32>
        %squeeze3A_979 = vector.extract %slice3A_978[0] : f32 from vector<1xf32>
        %unpack3A_980 = tpu.unpack_subelements %get3A_885, 0 {pack_format = #tpu.pack_format<interleaved>} : vector<32xbf16> -> vector<16xf32>
        %unpack3A_981 = tpu.unpack_subelements %get3A_885, 1 {pack_format = #tpu.pack_format<interleaved>} : vector<32xbf16> -> vector<16xf32>
        %mul3A_982 = vector.broadcast %squeeze3A_979 : f32 to vector<16xf32>
        %mul3A_983 = arith.mulf %unpack3A_980, %mul3A_982 : vector<16xf32>
        %add3A_984 = arith.constant 11 : i32
        %add3A_985 = arith.addi %mul3A_449, %add3A_984 : i32
        %swap3A_986 = arith.index_cast %add3A_985 : i32 to index
        %swap3A_987 = arith.constant 0 : index
        %swap3A_988 = tpu.vector_load %arg22[%swap3A_986, %swap3A_987] {strides = array<i32>} : memref<128x64xf32, #tpu.memory_space<vmem>>, vector<16xf32>,
        tpu.vector_store %arg22[%swap3A_986, %swap3A_987], %mul3A_983 {strides = array<i32>} : memref<128x64xf32, #tpu.memory_space<vmem>>, vector<16xf32>,
        %mul3A_989 = vector.broadcast %squeeze3A_979 : f32 to vector<16xf32>
        %mul3A_990 = arith.mulf %unpack3A_981, %mul3A_989 : vector<16xf32>
        %add3A_991 = arith.constant 11 : i32
        %add3A_992 = arith.addi %mul3A_449, %add3A_991 : i32
        %swap3A_993 = arith.index_cast %add3A_992 : i32 to index
        %swap3A_994 = arith.constant 16 : index
        %swap3A_995 = tpu.vector_load %arg22[%swap3A_993, %swap3A_994] {strides = array<i32>} : memref<128x64xf32, #tpu.memory_space<vmem>>, vector<16xf32>,
        tpu.vector_store %arg22[%swap3A_993, %swap3A_994], %mul3A_990 {strides = array<i32>} : memref<128x64xf32, #tpu.memory_space<vmem>>, vector<16xf32>,
        %add3A_996 = arith.constant 13 : i32
        %add3A_997 = arith.addi %mul3A_449, %add3A_996 : i32
        %get3A_998 = arith.index_cast %add3A_997 : i32 to index
        %get3A_999 = arith.constant 32 : index
        %get3A_1000 = tpu.vector_load %arg18[%get3A_998, %get3A_999] {strides = array<i32>} : memref<128x64xbf16, #tpu.memory_space<vmem>>, vector<32xbf16>,
        %slice3A_1001 = vector.extract_strided_slice %get3A_447 {offsets = [11], sizes = [1], strides = [1]} : vector<16xf32> to vector<1xf32>
        %squeeze3A_1002 = vector.extract %slice3A_1001[0] : f32 from vector<1xf32>
        %unpack3A_1003 = tpu.unpack_subelements %get3A_908, 0 {pack_format = #tpu.pack_format<interleaved>} : vector<32xbf16> -> vector<16xf32>
        %unpack3A_1004 = tpu.unpack_subelements %get3A_908, 1 {pack_format = #tpu.pack_format<interleaved>} : vector<32xbf16> -> vector<16xf32>
        %mul3A_1005 = vector.broadcast %squeeze3A_1002 : f32 to vector<16xf32>
        %mul3A_1006 = arith.mulf %unpack3A_1003, %mul3A_1005 : vector<16xf32>
        %add3A_1007 = arith.constant 11 : i32
        %add3A_1008 = arith.addi %mul3A_449, %add3A_1007 : i32
        %swap3A_1009 = arith.index_cast %add3A_1008 : i32 to index
        %swap3A_1010 = arith.constant 32 : index
        %swap3A_1011 = tpu.vector_load %arg22[%swap3A_1009, %swap3A_1010] {strides = array<i32>} : memref<128x64xf32, #tpu.memory_space<vmem>>, vector<16xf32>,
        tpu.vector_store %arg22[%swap3A_1009, %swap3A_1010], %mul3A_1006 {strides = array<i32>} : memref<128x64xf32, #tpu.memory_space<vmem>>, vector<16xf32>,
        %mul3A_1012 = vector.broadcast %squeeze3A_1002 : f32 to vector<16xf32>
        %mul3A_1013 = arith.mulf %unpack3A_1004, %mul3A_1012 : vector<16xf32>
        %add3A_1014 = arith.constant 11 : i32
        %add3A_1015 = arith.addi %mul3A_449, %add3A_1014 : i32
        %swap3A_1016 = arith.index_cast %add3A_1015 : i32 to index
        %swap3A_1017 = arith.constant 48 : index
        %swap3A_1018 = tpu.vector_load %arg22[%swap3A_1016, %swap3A_1017] {strides = array<i32>} : memref<128x64xf32, #tpu.memory_space<vmem>>, vector<16xf32>,
        tpu.vector_store %arg22[%swap3A_1016, %swap3A_1017], %mul3A_1013 {strides = array<i32>} : memref<128x64xf32, #tpu.memory_space<vmem>>, vector<16xf32>,
        %add3A_1019 = arith.constant 14 : i32
        %add3A_1020 = arith.addi %mul3A_449, %add3A_1019 : i32
        %get3A_1021 = arith.index_cast %add3A_1020 : i32 to index
        %get3A_1022 = arith.constant 0 : index
        %get3A_1023 = tpu.vector_load %arg18[%get3A_1021, %get3A_1022] {strides = array<i32>} : memref<128x64xbf16, #tpu.memory_space<vmem>>, vector<32xbf16>,
        %slice3A_1024 = vector.extract_strided_slice %get3A_447 {offsets = [12], sizes = [1], strides = [1]} : vector<16xf32> to vector<1xf32>
        %squeeze3A_1025 = vector.extract %slice3A_1024[0] : f32 from vector<1xf32>
        %unpack3A_1026 = tpu.unpack_subelements %get3A_931, 0 {pack_format = #tpu.pack_format<interleaved>} : vector<32xbf16> -> vector<16xf32>
        %unpack3A_1027 = tpu.unpack_subelements %get3A_931, 1 {pack_format = #tpu.pack_format<interleaved>} : vector<32xbf16> -> vector<16xf32>
        %mul3A_1028 = vector.broadcast %squeeze3A_1025 : f32 to vector<16xf32>
        %mul3A_1029 = arith.mulf %unpack3A_1026, %mul3A_1028 : vector<16xf32>
        %add3A_1030 = arith.constant 12 : i32
        %add3A_1031 = arith.addi %mul3A_449, %add3A_1030 : i32
        %swap3A_1032 = arith.index_cast %add3A_1031 : i32 to index
        %swap3A_1033 = arith.constant 0 : index
        %swap3A_1034 = tpu.vector_load %arg22[%swap3A_1032, %swap3A_1033] {strides = array<i32>} : memref<128x64xf32, #tpu.memory_space<vmem>>, vector<16xf32>,
        tpu.vector_store %arg22[%swap3A_1032, %swap3A_1033], %mul3A_1029 {strides = array<i32>} : memref<128x64xf32, #tpu.memory_space<vmem>>, vector<16xf32>,
        %mul3A_1035 = vector.broadcast %squeeze3A_1025 : f32 to vector<16xf32>
        %mul3A_1036 = arith.mulf %unpack3A_1027, %mul3A_1035 : vector<16xf32>
        %add3A_1037 = arith.constant 12 : i32
        %add3A_1038 = arith.addi %mul3A_449, %add3A_1037 : i32
        %swap3A_1039 = arith.index_cast %add3A_1038 : i32 to index
        %swap3A_1040 = arith.constant 16 : index
        %swap3A_1041 = tpu.vector_load %arg22[%swap3A_1039, %swap3A_1040] {strides = array<i32>} : memref<128x64xf32, #tpu.memory_space<vmem>>, vector<16xf32>,
        tpu.vector_store %arg22[%swap3A_1039, %swap3A_1040], %mul3A_1036 {strides = array<i32>} : memref<128x64xf32, #tpu.memory_space<vmem>>, vector<16xf32>,
        %add3A_1042 = arith.constant 14 : i32
        %add3A_1043 = arith.addi %mul3A_449, %add3A_1042 : i32
        %get3A_1044 = arith.index_cast %add3A_1043 : i32 to index
        %get3A_1045 = arith.constant 32 : index
        %get3A_1046 = tpu.vector_load %arg18[%get3A_1044, %get3A_1045] {strides = array<i32>} : memref<128x64xbf16, #tpu.memory_space<vmem>>, vector<32xbf16>,
        %slice3A_1047 = vector.extract_strided_slice %get3A_447 {offsets = [12], sizes = [1], strides = [1]} : vector<16xf32> to vector<1xf32>
        %squeeze3A_1048 = vector.extract %slice3A_1047[0] : f32 from vector<1xf32>
        %unpack3A_1049 = tpu.unpack_subelements %get3A_954, 0 {pack_format = #tpu.pack_format<interleaved>} : vector<32xbf16> -> vector<16xf32>
        %unpack3A_1050 = tpu.unpack_subelements %get3A_954, 1 {pack_format = #tpu.pack_format<interleaved>} : vector<32xbf16> -> vector<16xf32>
        %mul3A_1051 = vector.broadcast %squeeze3A_1048 : f32 to vector<16xf32>
        %mul3A_1052 = arith.mulf %unpack3A_1049, %mul3A_1051 : vector<16xf32>
        %add3A_1053 = arith.constant 12 : i32
        %add3A_1054 = arith.addi %mul3A_449, %add3A_1053 : i32
        %swap3A_1055 = arith.index_cast %add3A_1054 : i32 to index
        %swap3A_1056 = arith.constant 32 : index
        %swap3A_1057 = tpu.vector_load %arg22[%swap3A_1055, %swap3A_1056] {strides = array<i32>} : memref<128x64xf32, #tpu.memory_space<vmem>>, vector<16xf32>,
        tpu.vector_store %arg22[%swap3A_1055, %swap3A_1056], %mul3A_1052 {strides = array<i32>} : memref<128x64xf32, #tpu.memory_space<vmem>>, vector<16xf32>,
        %mul3A_1058 = vector.broadcast %squeeze3A_1048 : f32 to vector<16xf32>
        %mul3A_1059 = arith.mulf %unpack3A_1050, %mul3A_1058 : vector<16xf32>
        %add3A_1060 = arith.constant 12 : i32
        %add3A_1061 = arith.addi %mul3A_449, %add3A_1060 : i32
        %swap3A_1062 = arith.index_cast %add3A_1061 : i32 to index
        %swap3A_1063 = arith.constant 48 : index
        %swap3A_1064 = tpu.vector_load %arg22[%swap3A_1062, %swap3A_1063] {strides = array<i32>} : memref<128x64xf32, #tpu.memory_space<vmem>>, vector<16xf32>,
        tpu.vector_store %arg22[%swap3A_1062, %swap3A_1063], %mul3A_1059 {strides = array<i32>} : memref<128x64xf32, #tpu.memory_space<vmem>>, vector<16xf32>,
        %add3A_1065 = arith.constant 15 : i32
        %add3A_1066 = arith.addi %mul3A_449, %add3A_1065 : i32
        %get3A_1067 = arith.index_cast %add3A_1066 : i32 to index
        %get3A_1068 = arith.constant 0 : index
        %get3A_1069 = tpu.vector_load %arg18[%get3A_1067, %get3A_1068] {strides = array<i32>} : memref<128x64xbf16, #tpu.memory_space<vmem>>, vector<32xbf16>,
        %slice3A_1070 = vector.extract_strided_slice %get3A_447 {offsets = [13], sizes = [1], strides = [1]} : vector<16xf32> to vector<1xf32>
        %squeeze3A_1071 = vector.extract %slice3A_1070[0] : f32 from vector<1xf32>
        %unpack3A_1072 = tpu.unpack_subelements %get3A_977, 0 {pack_format = #tpu.pack_format<interleaved>} : vector<32xbf16> -> vector<16xf32>
        %unpack3A_1073 = tpu.unpack_subelements %get3A_977, 1 {pack_format = #tpu.pack_format<interleaved>} : vector<32xbf16> -> vector<16xf32>
        %mul3A_1074 = vector.broadcast %squeeze3A_1071 : f32 to vector<16xf32>
        %mul3A_1075 = arith.mulf %unpack3A_1072, %mul3A_1074 : vector<16xf32>
        %add3A_1076 = arith.constant 13 : i32
        %add3A_1077 = arith.addi %mul3A_449, %add3A_1076 : i32
        %swap3A_1078 = arith.index_cast %add3A_1077 : i32 to index
        %swap3A_1079 = arith.constant 0 : index
        %swap3A_1080 = tpu.vector_load %arg22[%swap3A_1078, %swap3A_1079] {strides = array<i32>} : memref<128x64xf32, #tpu.memory_space<vmem>>, vector<16xf32>,
        tpu.vector_store %arg22[%swap3A_1078, %swap3A_1079], %mul3A_1075 {strides = array<i32>} : memref<128x64xf32, #tpu.memory_space<vmem>>, vector<16xf32>,
        %mul3A_1081 = vector.broadcast %squeeze3A_1071 : f32 to vector<16xf32>
        %mul3A_1082 = arith.mulf %unpack3A_1073, %mul3A_1081 : vector<16xf32>
        %add3A_1083 = arith.constant 13 : i32
        %add3A_1084 = arith.addi %mul3A_449, %add3A_1083 : i32
        %swap3A_1085 = arith.index_cast %add3A_1084 : i32 to index
        %swap3A_1086 = arith.constant 16 : index
        %swap3A_1087 = tpu.vector_load %arg22[%swap3A_1085, %swap3A_1086] {strides = array<i32>} : memref<128x64xf32, #tpu.memory_space<vmem>>, vector<16xf32>,
        tpu.vector_store %arg22[%swap3A_1085, %swap3A_1086], %mul3A_1082 {strides = array<i32>} : memref<128x64xf32, #tpu.memory_space<vmem>>, vector<16xf32>,
        %add3A_1088 = arith.constant 15 : i32
        %add3A_1089 = arith.addi %mul3A_449, %add3A_1088 : i32
        %get3A_1090 = arith.index_cast %add3A_1089 : i32 to index
        %get3A_1091 = arith.constant 32 : index
        %get3A_1092 = tpu.vector_load %arg18[%get3A_1090, %get3A_1091] {strides = array<i32>} : memref<128x64xbf16, #tpu.memory_space<vmem>>, vector<32xbf16>,
        %slice3A_1093 = vector.extract_strided_slice %get3A_447 {offsets = [13], sizes = [1], strides = [1]} : vector<16xf32> to vector<1xf32>
        %squeeze3A_1094 = vector.extract %slice3A_1093[0] : f32 from vector<1xf32>
        %unpack3A_1095 = tpu.unpack_subelements %get3A_1000, 0 {pack_format = #tpu.pack_format<interleaved>} : vector<32xbf16> -> vector<16xf32>
        %unpack3A_1096 = tpu.unpack_subelements %get3A_1000, 1 {pack_format = #tpu.pack_format<interleaved>} : vector<32xbf16> -> vector<16xf32>
        %mul3A_1097 = vector.broadcast %squeeze3A_1094 : f32 to vector<16xf32>
        %mul3A_1098 = arith.mulf %unpack3A_1095, %mul3A_1097 : vector<16xf32>
        %add3A_1099 = arith.constant 13 : i32
        %add3A_1100 = arith.addi %mul3A_449, %add3A_1099 : i32
        %swap3A_1101 = arith.index_cast %add3A_1100 : i32 to index
        %swap3A_1102 = arith.constant 32 : index
        %swap3A_1103 = tpu.vector_load %arg22[%swap3A_1101, %swap3A_1102] {strides = array<i32>} : memref<128x64xf32, #tpu.memory_space<vmem>>, vector<16xf32>,
        tpu.vector_store %arg22[%swap3A_1101, %swap3A_1102], %mul3A_1098 {strides = array<i32>} : memref<128x64xf32, #tpu.memory_space<vmem>>, vector<16xf32>,
        %mul3A_1104 = vector.broadcast %squeeze3A_1094 : f32 to vector<16xf32>
        %mul3A_1105 = arith.mulf %unpack3A_1096, %mul3A_1104 : vector<16xf32>
        %add3A_1106 = arith.constant 13 : i32
        %add3A_1107 = arith.addi %mul3A_449, %add3A_1106 : i32
        %swap3A_1108 = arith.index_cast %add3A_1107 : i32 to index
        %swap3A_1109 = arith.constant 48 : index
        %swap3A_1110 = tpu.vector_load %arg22[%swap3A_1108, %swap3A_1109] {strides = array<i32>} : memref<128x64xf32, #tpu.memory_space<vmem>>, vector<16xf32>,
        tpu.vector_store %arg22[%swap3A_1108, %swap3A_1109], %mul3A_1105 {strides = array<i32>} : memref<128x64xf32, #tpu.memory_space<vmem>>, vector<16xf32>,
        %slice3A_1111 = vector.extract_strided_slice %get3A_447 {offsets = [14], sizes = [1], strides = [1]} : vector<16xf32> to vector<1xf32>
        %squeeze3A_1112 = vector.extract %slice3A_1111[0] : f32 from vector<1xf32>
        %unpack3A_1113 = tpu.unpack_subelements %get3A_1023, 0 {pack_format = #tpu.pack_format<interleaved>} : vector<32xbf16> -> vector<16xf32>
        %unpack3A_1114 = tpu.unpack_subelements %get3A_1023, 1 {pack_format = #tpu.pack_format<interleaved>} : vector<32xbf16> -> vector<16xf32>
        %mul3A_1115 = vector.broadcast %squeeze3A_1112 : f32 to vector<16xf32>
        %mul3A_1116 = arith.mulf %unpack3A_1113, %mul3A_1115 : vector<16xf32>
        %add3A_1117 = arith.constant 14 : i32
        %add3A_1118 = arith.addi %mul3A_449, %add3A_1117 : i32
        %swap3A_1119 = arith.index_cast %add3A_1118 : i32 to index
        %swap3A_1120 = arith.constant 0 : index
        %swap3A_1121 = tpu.vector_load %arg22[%swap3A_1119, %swap3A_1120] {strides = array<i32>} : memref<128x64xf32, #tpu.memory_space<vmem>>, vector<16xf32>,
        tpu.vector_store %arg22[%swap3A_1119, %swap3A_1120], %mul3A_1116 {strides = array<i32>} : memref<128x64xf32, #tpu.memory_space<vmem>>, vector<16xf32>,
        %mul3A_1122 = vector.broadcast %squeeze3A_1112 : f32 to vector<16xf32>
        %mul3A_1123 = arith.mulf %unpack3A_1114, %mul3A_1122 : vector<16xf32>
        %add3A_1124 = arith.constant 14 : i32
        %add3A_1125 = arith.addi %mul3A_449, %add3A_1124 : i32
        %swap3A_1126 = arith.index_cast %add3A_1125 : i32 to index
        %swap3A_1127 = arith.constant 16 : index
        %swap3A_1128 = tpu.vector_load %arg22[%swap3A_1126, %swap3A_1127] {strides = array<i32>} : memref<128x64xf32, #tpu.memory_space<vmem>>, vector<16xf32>,
        tpu.vector_store %arg22[%swap3A_1126, %swap3A_1127], %mul3A_1123 {strides = array<i32>} : memref<128x64xf32, #tpu.memory_space<vmem>>, vector<16xf32>,
        %slice3A_1129 = vector.extract_strided_slice %get3A_447 {offsets = [14], sizes = [1], strides = [1]} : vector<16xf32> to vector<1xf32>
        %squeeze3A_1130 = vector.extract %slice3A_1129[0] : f32 from vector<1xf32>
        %unpack3A_1131 = tpu.unpack_subelements %get3A_1046, 0 {pack_format = #tpu.pack_format<interleaved>} : vector<32xbf16> -> vector<16xf32>
        %unpack3A_1132 = tpu.unpack_subelements %get3A_1046, 1 {pack_format = #tpu.pack_format<interleaved>} : vector<32xbf16> -> vector<16xf32>
        %mul3A_1133 = vector.broadcast %squeeze3A_1130 : f32 to vector<16xf32>
        %mul3A_1134 = arith.mulf %unpack3A_1131, %mul3A_1133 : vector<16xf32>
        %add3A_1135 = arith.constant 14 : i32
        %add3A_1136 = arith.addi %mul3A_449, %add3A_1135 : i32
        %swap3A_1137 = arith.index_cast %add3A_1136 : i32 to index
        %swap3A_1138 = arith.constant 32 : index
        %swap3A_1139 = tpu.vector_load %arg22[%swap3A_1137, %swap3A_1138] {strides = array<i32>} : memref<128x64xf32, #tpu.memory_space<vmem>>, vector<16xf32>,
        tpu.vector_store %arg22[%swap3A_1137, %swap3A_1138], %mul3A_1134 {strides = array<i32>} : memref<128x64xf32, #tpu.memory_space<vmem>>, vector<16xf32>,
        %mul3A_1140 = vector.broadcast %squeeze3A_1130 : f32 to vector<16xf32>
        %mul3A_1141 = arith.mulf %unpack3A_1132, %mul3A_1140 : vector<16xf32>
        %add3A_1142 = arith.constant 14 : i32
        %add3A_1143 = arith.addi %mul3A_449, %add3A_1142 : i32
        %swap3A_1144 = arith.index_cast %add3A_1143 : i32 to index
        %swap3A_1145 = arith.constant 48 : index
        %swap3A_1146 = tpu.vector_load %arg22[%swap3A_1144, %swap3A_1145] {strides = array<i32>} : memref<128x64xf32, #tpu.memory_space<vmem>>, vector<16xf32>,
        tpu.vector_store %arg22[%swap3A_1144, %swap3A_1145], %mul3A_1141 {strides = array<i32>} : memref<128x64xf32, #tpu.memory_space<vmem>>, vector<16xf32>,
        %slice3A_1147 = vector.extract_strided_slice %get3A_447 {offsets = [15], sizes = [1], strides = [1]} : vector<16xf32> to vector<1xf32>
        %squeeze3A_1148 = vector.extract %slice3A_1147[0] : f32 from vector<1xf32>
        %unpack3A_1149 = tpu.unpack_subelements %get3A_1069, 0 {pack_format = #tpu.pack_format<interleaved>} : vector<32xbf16> -> vector<16xf32>
        %unpack3A_1150 = tpu.unpack_subelements %get3A_1069, 1 {pack_format = #tpu.pack_format<interleaved>} : vector<32xbf16> -> vector<16xf32>
        %mul3A_1151 = vector.broadcast %squeeze3A_1148 : f32 to vector<16xf32>
        %mul3A_1152 = arith.mulf %unpack3A_1149, %mul3A_1151 : vector<16xf32>
        %add3A_1153 = arith.constant 15 : i32
        %add3A_1154 = arith.addi %mul3A_449, %add3A_1153 : i32
        %swap3A_1155 = arith.index_cast %add3A_1154 : i32 to index
        %swap3A_1156 = arith.constant 0 : index
        %swap3A_1157 = tpu.vector_load %arg22[%swap3A_1155, %swap3A_1156] {strides = array<i32>} : memref<128x64xf32, #tpu.memory_space<vmem>>, vector<16xf32>,
        tpu.vector_store %arg22[%swap3A_1155, %swap3A_1156], %mul3A_1152 {strides = array<i32>} : memref<128x64xf32, #tpu.memory_space<vmem>>, vector<16xf32>,
        %mul3A_1158 = vector.broadcast %squeeze3A_1148 : f32 to vector<16xf32>
        %mul3A_1159 = arith.mulf %unpack3A_1150, %mul3A_1158 : vector<16xf32>
        %add3A_1160 = arith.constant 15 : i32
        %add3A_1161 = arith.addi %mul3A_449, %add3A_1160 : i32
        %swap3A_1162 = arith.index_cast %add3A_1161 : i32 to index
        %swap3A_1163 = arith.constant 16 : index
        %swap3A_1164 = tpu.vector_load %arg22[%swap3A_1162, %swap3A_1163] {strides = array<i32>} : memref<128x64xf32, #tpu.memory_space<vmem>>, vector<16xf32>,
        tpu.vector_store %arg22[%swap3A_1162, %swap3A_1163], %mul3A_1159 {strides = array<i32>} : memref<128x64xf32, #tpu.memory_space<vmem>>, vector<16xf32>,
        %slice3A_1165 = vector.extract_strided_slice %get3A_447 {offsets = [15], sizes = [1], strides = [1]} : vector<16xf32> to vector<1xf32>
        %squeeze3A_1166 = vector.extract %slice3A_1165[0] : f32 from vector<1xf32>
        %unpack3A_1167 = tpu.unpack_subelements %get3A_1092, 0 {pack_format = #tpu.pack_format<interleaved>} : vector<32xbf16> -> vector<16xf32>
        %unpack3A_1168 = tpu.unpack_subelements %get3A_1092, 1 {pack_format = #tpu.pack_format<interleaved>} : vector<32xbf16> -> vector<16xf32>
        %mul3A_1169 = vector.broadcast %squeeze3A_1166 : f32 to vector<16xf32>
        %mul3A_1170 = arith.mulf %unpack3A_1167, %mul3A_1169 : vector<16xf32>
        %add3A_1171 = arith.constant 15 : i32
        %add3A_1172 = arith.addi %mul3A_449, %add3A_1171 : i32
        %swap3A_1173 = arith.index_cast %add3A_1172 : i32 to index
        %swap3A_1174 = arith.constant 32 : index
        %swap3A_1175 = tpu.vector_load %arg22[%swap3A_1173, %swap3A_1174] {strides = array<i32>} : memref<128x64xf32, #tpu.memory_space<vmem>>, vector<16xf32>,
        tpu.vector_store %arg22[%swap3A_1173, %swap3A_1174], %mul3A_1170 {strides = array<i32>} : memref<128x64xf32, #tpu.memory_space<vmem>>, vector<16xf32>,
        %mul3A_1176 = vector.broadcast %squeeze3A_1166 : f32 to vector<16xf32>
        %mul3A_1177 = arith.mulf %unpack3A_1168, %mul3A_1176 : vector<16xf32>
        %add3A_1178 = arith.constant 15 : i32
        %add3A_1179 = arith.addi %mul3A_449, %add3A_1178 : i32
        %swap3A_1180 = arith.index_cast %add3A_1179 : i32 to index
        %swap3A_1181 = arith.constant 48 : index
        %swap3A_1182 = tpu.vector_load %arg22[%swap3A_1180, %swap3A_1181] {strides = array<i32>} : memref<128x64xf32, #tpu.memory_space<vmem>>, vector<16xf32>,
        tpu.vector_store %arg22[%swap3A_1180, %swap3A_1181], %mul3A_1177 {strides = array<i32>} : memref<128x64xf32, #tpu.memory_space<vmem>>, vector<16xf32>,
        %scan3A_1183 = arith.constant 0 : i32
        scf.yield %scan3A_1183 : i32
      }
      %scan3A_396 = arith.constant 8 : i32
      %get3A_397 = arith.constant 0 : index
      %get3A_398 = tpu.vector_load %arg14[%get3A_397] {strides = array<i32>} : memref<128xi32, #tpu.memory_space<vmem>>, vector<16xi32>,
      %swap3A_399 = arith.constant 0 : index
      %swap3A_400 = tpu.vector_load %arg26[%swap3A_399] {strides = array<i32>} : memref<128xi32, #tpu.memory_space<vmem>>, vector<16xi32>,
      tpu.vector_store %arg26[%swap3A_399], %get3A_398 {strides = array<i32>} : memref<128xi32, #tpu.memory_space<vmem>>, vector<16xi32>,
      %get3A_401 = arith.constant 16 : index
      %get3A_402 = tpu.vector_load %arg14[%get3A_401] {strides = array<i32>} : memref<128xi32, #tpu.memory_space<vmem>>, vector<16xi32>,
      %swap3A_403 = arith.constant 16 : index
      %swap3A_404 = tpu.vector_load %arg26[%swap3A_403] {strides = array<i32>} : memref<128xi32, #tpu.memory_space<vmem>>, vector<16xi32>,
      tpu.vector_store %arg26[%swap3A_403], %get3A_402 {strides = array<i32>} : memref<128xi32, #tpu.memory_space<vmem>>, vector<16xi32>,
      %get3A_405 = arith.constant 32 : index
      %get3A_406 = tpu.vector_load %arg14[%get3A_405] {strides = array<i32>} : memref<128xi32, #tpu.memory_space<vmem>>, vector<16xi32>,
      %swap3A_407 = arith.constant 32 : index
      %swap3A_408 = tpu.vector_load %arg26[%swap3A_407] {strides = array<i32>} : memref<128xi32, #tpu.memory_space<vmem>>, vector<16xi32>,
      tpu.vector_store %arg26[%swap3A_407], %get3A_406 {strides = array<i32>} : memref<128xi32, #tpu.memory_space<vmem>>, vector<16xi32>,
      %get3A_409 = arith.constant 48 : index
      %get3A_410 = tpu.vector_load %arg14[%get3A_409] {strides = array<i32>} : memref<128xi32, #tpu.memory_space<vmem>>, vector<16xi32>,
      %swap3A_411 = arith.constant 48 : index
      %swap3A_412 = tpu.vector_load %arg26[%swap3A_411] {strides = array<i32>} : memref<128xi32, #tpu.memory_space<vmem>>, vector<16xi32>,
      tpu.vector_store %arg26[%swap3A_411], %get3A_410 {strides = array<i32>} : memref<128xi32, #tpu.memory_space<vmem>>, vector<16xi32>,
      %get3A_413 = arith.constant 64 : index
      %get3A_414 = tpu.vector_load %arg14[%get3A_413] {strides = array<i32>} : memref<128xi32, #tpu.memory_space<vmem>>, vector<16xi32>,
      %swap3A_415 = arith.constant 64 : index
      %swap3A_416 = tpu.vector_load %arg26[%swap3A_415] {strides = array<i32>} : memref<128xi32, #tpu.memory_space<vmem>>, vector<16xi32>,
      tpu.vector_store %arg26[%swap3A_415], %get3A_414 {strides = array<i32>} : memref<128xi32, #tpu.memory_space<vmem>>, vector<16xi32>,
      %get3A_417 = arith.constant 80 : index
      %get3A_418 = tpu.vector_load %arg14[%get3A_417] {strides = array<i32>} : memref<128xi32, #tpu.memory_space<vmem>>, vector<16xi32>,
      %swap3A_419 = arith.constant 80 : index
      %swap3A_420 = tpu.vector_load %arg26[%swap3A_419] {strides = array<i32>} : memref<128xi32, #tpu.memory_space<vmem>>, vector<16xi32>,
      tpu.vector_store %arg26[%swap3A_419], %get3A_418 {strides = array<i32>} : memref<128xi32, #tpu.memory_space<vmem>>, vector<16xi32>,
      %get3A_421 = arith.constant 96 : index
      %get3A_422 = tpu.vector_load %arg14[%get3A_421] {strides = array<i32>} : memref<128xi32, #tpu.memory_space<vmem>>, vector<16xi32>,
      %swap3A_423 = arith.constant 96 : index
      %swap3A_424 = tpu.vector_load %arg26[%swap3A_423] {strides = array<i32>} : memref<128xi32, #tpu.memory_space<vmem>>, vector<16xi32>,
      tpu.vector_store %arg26[%swap3A_423], %get3A_422 {strides = array<i32>} : memref<128xi32, #tpu.memory_space<vmem>>, vector<16xi32>,
      %get3A_425 = arith.constant 112 : index
      %get3A_426 = tpu.vector_load %arg14[%get3A_425] {strides = array<i32>} : memref<128xi32, #tpu.memory_space<vmem>>, vector<16xi32>,
      %swap3A_427 = arith.constant 112 : index
      %swap3A_428 = tpu.vector_load %arg26[%swap3A_427] {strides = array<i32>} : memref<128xi32, #tpu.memory_space<vmem>>, vector<16xi32>,
      tpu.vector_store %arg26[%swap3A_427], %get3A_426 {strides = array<i32>} : memref<128xi32, #tpu.memory_space<vmem>>, vector<16xi32>,
      %dma_start3A_429 = arith.constant 0 : i32
      %dma_start3A_430 = arith.constant 0 : i32
      %dma_start3A_431 = tpu.memref_slice %arg27[%dma_start3A_429, %dma_start3A_430] : memref<16384x64xf32, #tpu.memory_space<vmem_shared>> -> memref<16384x64xf32, #tpu.memory_space<vmem_shared>>
      tpu.enqueue_indirect_dma source(%arg22 : memref<128x64xf32, #tpu.memory_space<vmem>>) target(%dma_start3A_431 : memref<16384x64xf32, #tpu.memory_space<vmem_shared>>) offsets(%arg26 : memref<128xi32, #tpu.memory_space<vmem>>) semaphore(%arg35 : memref<!tpu.dma_semaphore, #tpu.memory_space<semaphore_mem>>) {add = true}
      %add3A_432 = arith.constant 2 : i32
      %add3A_433 = arith.addi %add3A_314, %add3A_432 : i32
      %lt3A_434 = arith.constant 200 : i32
      %lt3A_435 = arith.cmpi slt, %add3A_433, %lt3A_434 : i32
      %convert_element_type3A_436 = arith.extui %lt3A_435 : i1 to i32
      %cond3A_437 = arith.constant 0 : i32
      %cond3A_438 = arith.cmpi ne, %convert_element_type3A_436, %cond3A_437 : i32
      scf.if %cond3A_438 {
        %add3A_440 = arith.constant 2 : i32
        %add3A_441 = arith.addi %add3A_314, %add3A_440 : i32
        %mul3A_442 = arith.constant 200 : i32
        %mul3A_443 = arith.muli %add3A, %mul3A_442 : i32
        %add3A_444 = arith.addi %mul3A_443, %add3A_441 : i32
        %dma_start3A_445 = arith.constant 0 : i32
        %dma_start3A_446 = arith.constant 0 : i32
        %dma_start3A_447 = tpu.memref_slice %arg2[%add3A_444, %dma_start3A_445, %dma_start3A_446] : memref<6400x2x128xi32, #tpu.memory_space<hbm>> -> memref<1x2x128xi32, #tpu.memory_space<hbm>>
        %dma_start3A_448 = tpu.memref_squeeze %dma_start3A_447 : memref<1x2x128xi32, #tpu.memory_space<hbm>> -> memref<2x128xi32, #tpu.memory_space<hbm>>
        %dma_start3A_449 = arith.constant 0 : i32
        %dma_start3A_450 = arith.constant 0 : i32
        %dma_start3A_451 = tpu.memref_slice %arg2[%add3A_444, %dma_start3A_449, %dma_start3A_450] : memref<6400x2x128xi32, #tpu.memory_space<hbm>> -> memref<1x2x128xi32, #tpu.memory_space<hbm>>
        %dma_start3A_452 = tpu.memref_squeeze %dma_start3A_451 : memref<1x2x128xi32, #tpu.memory_space<hbm>> -> memref<2x128xi32, #tpu.memory_space<hbm>>
        tpu.enqueue_dma source(%dma_start3A_452 : memref<2x128xi32, #tpu.memory_space<hbm>>) target(%arg8 : memref<2x128xi32, #tpu.memory_space<vmem>>) target_semaphore(%arg29 : memref<!tpu.dma_semaphore, #tpu.memory_space<semaphore_mem>>)
        %dma_start3A_453 = arith.constant 0 : i32
        %dma_start3A_454 = arith.constant 0 : i32
        %dma_start3A_455 = tpu.memref_slice %arg3[%add3A_444, %dma_start3A_453, %dma_start3A_454] : memref<6400x2x128xf32, #tpu.memory_space<hbm>> -> memref<1x2x128xf32, #tpu.memory_space<hbm>>
        %dma_start3A_456 = tpu.memref_squeeze %dma_start3A_455 : memref<1x2x128xf32, #tpu.memory_space<hbm>> -> memref<2x128xf32, #tpu.memory_space<hbm>>
        %dma_start3A_457 = arith.constant 0 : i32
        %dma_start3A_458 = arith.constant 0 : i32
        %dma_start3A_459 = tpu.memref_slice %arg3[%add3A_444, %dma_start3A_457, %dma_start3A_458] : memref<6400x2x128xf32, #tpu.memory_space<hbm>> -> memref<1x2x128xf32, #tpu.memory_space<hbm>>
        %dma_start3A_460 = tpu.memref_squeeze %dma_start3A_459 : memref<1x2x128xf32, #tpu.memory_space<hbm>> -> memref<2x128xf32, #tpu.memory_space<hbm>>
        tpu.enqueue_dma source(%dma_start3A_460 : memref<2x128xf32, #tpu.memory_space<hbm>>) target(%arg10 : memref<2x128xf32, #tpu.memory_space<vmem>>) target_semaphore(%arg29 : memref<!tpu.dma_semaphore, #tpu.memory_space<semaphore_mem>>)
        %mul3A_461 = arith.constant 2 : i32
        %mul3A_462 = arith.muli %add3A_444, %mul3A_461 : i32
        %add3A_463 = arith.constant 0 : i32
        %add3A_464 = arith.addi %mul3A_462, %add3A_463 : i32
        %dma_start3A_465 = arith.constant 0 : i32
        %dma_start3A_466 = tpu.memref_slice %arg4[%add3A_464, %dma_start3A_465] : memref<12800x128xi32, #tpu.memory_space<hbm>> -> memref<1x128xi32, #tpu.memory_space<hbm>>
        %dma_start3A_467 = tpu.memref_squeeze %dma_start3A_466 : memref<1x128xi32, #tpu.memory_space<hbm>> -> memref<128xi32, #tpu.memory_space<hbm>>
        %dma_start3A_468 = arith.constant 0 : i32
        %dma_start3A_469 = tpu.memref_slice %arg4[%add3A_464, %dma_start3A_468] : memref<12800x128xi32, #tpu.memory_space<hbm>> -> memref<1x128xi32, #tpu.memory_space<hbm>>
        %dma_start3A_470 = tpu.memref_squeeze %dma_start3A_469 : memref<1x128xi32, #tpu.memory_space<hbm>> -> memref<128xi32, #tpu.memory_space<hbm>>
        tpu.enqueue_dma source(%dma_start3A_470 : memref<128xi32, #tpu.memory_space<hbm>>) target(%arg13 : memref<128xi32, #tpu.memory_space<vmem>>) target_semaphore(%arg29 : memref<!tpu.dma_semaphore, #tpu.memory_space<semaphore_mem>>)
        %mul3A_471 = arith.constant 2 : i32
        %mul3A_472 = arith.muli %add3A_444, %mul3A_471 : i32
        %add3A_473 = arith.constant 1 : i32
        %add3A_474 = arith.addi %mul3A_472, %add3A_473 : i32
        %dma_start3A_475 = arith.constant 0 : i32
        %dma_start3A_476 = tpu.memref_slice %arg4[%add3A_474, %dma_start3A_475] : memref<12800x128xi32, #tpu.memory_space<hbm>> -> memref<1x128xi32, #tpu.memory_space<hbm>>
        %dma_start3A_477 = tpu.memref_squeeze %dma_start3A_476 : memref<1x128xi32, #tpu.memory_space<hbm>> -> memref<128xi32, #tpu.memory_space<hbm>>
        %dma_start3A_478 = arith.constant 0 : i32
        %dma_start3A_479 = tpu.memref_slice %arg4[%add3A_474, %dma_start3A_478] : memref<12800x128xi32, #tpu.memory_space<hbm>> -> memref<1x128xi32, #tpu.memory_space<hbm>>
        %dma_start3A_480 = tpu.memref_squeeze %dma_start3A_479 : memref<1x128xi32, #tpu.memory_space<hbm>> -> memref<128xi32, #tpu.memory_space<hbm>>
        tpu.enqueue_dma source(%dma_start3A_480 : memref<128xi32, #tpu.memory_space<hbm>>) target(%arg14 : memref<128xi32, #tpu.memory_space<vmem>>) target_semaphore(%arg29 : memref<!tpu.dma_semaphore, #tpu.memory_space<semaphore_mem>>)
      } else {
      }
      %scan3A_439 = arith.constant 0 : i32
      scf.yield %scan3A_439 : i32
    }
    %scan3A_170 = arith.constant 100 : i32
    %dma_wait3A_171 = arith.constant 0 : i32
    %dma_wait3A_172 = arith.constant 0 : i32
    %dma_wait3A_173 = tpu.memref_slice %arg27[%dma_wait3A_171, %dma_wait3A_172] : memref<16384x64xf32, #tpu.memory_space<vmem_shared>> -> memref<16384x64xf32, #tpu.memory_space<vmem_shared>>
    tpu.wait_indirect_dma semaphore(%arg32 : memref<!tpu.dma_semaphore, #tpu.memory_space<semaphore_mem>>) src(%arg19 : memref<128x64xf32, #tpu.memory_space<vmem>>) dst(%dma_wait3A_173 : memref<16384x64xf32, #tpu.memory_space<vmem_shared>>)
    %dma_wait3A_174 = arith.constant 0 : i32
    %dma_wait3A_175 = arith.constant 0 : i32
    %dma_wait3A_176 = tpu.memref_slice %arg27[%dma_wait3A_174, %dma_wait3A_175] : memref<16384x64xf32, #tpu.memory_space<vmem_shared>> -> memref<16384x64xf32, #tpu.memory_space<vmem_shared>>
    tpu.wait_indirect_dma semaphore(%arg33 : memref<!tpu.dma_semaphore, #tpu.memory_space<semaphore_mem>>) src(%arg20 : memref<128x64xf32, #tpu.memory_space<vmem>>) dst(%dma_wait3A_176 : memref<16384x64xf32, #tpu.memory_space<vmem_shared>>)
    %dma_wait3A_177 = arith.constant 0 : i32
    %dma_wait3A_178 = arith.constant 0 : i32
    %dma_wait3A_179 = tpu.memref_slice %arg27[%dma_wait3A_177, %dma_wait3A_178] : memref<16384x64xf32, #tpu.memory_space<vmem_shared>> -> memref<16384x64xf32, #tpu.memory_space<vmem_shared>>
    tpu.wait_indirect_dma semaphore(%arg34 : memref<!tpu.dma_semaphore, #tpu.memory_space<semaphore_mem>>) src(%arg21 : memref<128x64xf32, #tpu.memory_space<vmem>>) dst(%dma_wait3A_179 : memref<16384x64xf32, #tpu.memory_space<vmem_shared>>)
    %dma_wait3A_180 = arith.constant 0 : i32
    %dma_wait3A_181 = arith.constant 0 : i32
    %dma_wait3A_182 = tpu.memref_slice %arg27[%dma_wait3A_180, %dma_wait3A_181] : memref<16384x64xf32, #tpu.memory_space<vmem_shared>> -> memref<16384x64xf32, #tpu.memory_space<vmem_shared>>
    tpu.wait_indirect_dma semaphore(%arg35 : memref<!tpu.dma_semaphore, #tpu.memory_space<semaphore_mem>>) src(%arg22 : memref<128x64xf32, #tpu.memory_space<vmem>>) dst(%dma_wait3A_182 : memref<16384x64xf32, #tpu.memory_space<vmem_shared>>)
    %barrier3A_183 = arith.constant 0 : index
    tpu.barrier barrier_id(%barrier3A_183)
    %mul3A_184 = arith.constant 1024 : i32
    %mul3A_185 = arith.muli %arg1, %mul3A_184 : i32
    %mul3A_186 = arith.constant 1024 : i32
    %mul3A_187 = arith.muli %arg1, %mul3A_186 : i32
    "tpu.region"() ({
      %run_scoped3A = tpu.sem_alloc : memref<!tpu.dma_semaphore, #tpu.memory_space<semaphore_mem>>
      %dma_start3A_188 = arith.constant 0 : i32
      %dma_start3A_189 = tpu.memref_slice %arg6[%arg0, %mul3A_187, %dma_start3A_188] : memref<2x16384x64xf32, #tpu.memory_space<hbm>> -> memref<1x1024x64xf32, #tpu.memory_space<hbm>>
      %dma_start3A_190 = tpu.memref_squeeze %dma_start3A_189 : memref<1x1024x64xf32, #tpu.memory_space<hbm>> -> memref<1024x64xf32, #tpu.memory_space<hbm>>
      %dma_start3A_191 = arith.constant 0 : i32
      %dma_start3A_192 = tpu.memref_slice %arg27[%mul3A_185, %dma_start3A_191] : memref<16384x64xf32, #tpu.memory_space<vmem_shared>> -> memref<1024x64xf32, #tpu.memory_space<vmem_shared>>
      tpu.enqueue_dma source(%dma_start3A_192 : memref<1024x64xf32, #tpu.memory_space<vmem_shared>>) target(%dma_start3A_190 : memref<1024x64xf32, #tpu.memory_space<hbm>>) target_semaphore(%run_scoped3A : memref<!tpu.dma_semaphore, #tpu.memory_space<semaphore_mem>>)
      %dma_wait3A_193 = arith.constant 0 : i32
      %dma_wait3A_194 = tpu.memref_slice %arg6[%arg0, %mul3A_187, %dma_wait3A_193] : memref<2x16384x64xf32, #tpu.memory_space<hbm>> -> memref<1x1024x64xf32, #tpu.memory_space<hbm>>
      %dma_wait3A_195 = tpu.memref_squeeze %dma_wait3A_194 : memref<1x1024x64xf32, #tpu.memory_space<hbm>> -> memref<1024x64xf32, #tpu.memory_space<hbm>>
      %dma_wait3A_196 = arith.constant 0 : i32
      %dma_wait3A_197 = tpu.memref_slice %arg27[%mul3A_185, %dma_wait3A_196] : memref<16384x64xf32, #tpu.memory_space<vmem_shared>> -> memref<1024x64xf32, #tpu.memory_space<vmem_shared>>
      tpu.wait_dma2 semaphore(%run_scoped3A : memref<!tpu.dma_semaphore, #tpu.memory_space<semaphore_mem>>) src(%dma_wait3A_197 : memref<1024x64xf32, #tpu.memory_space<vmem_shared>>) dst(%dma_wait3A_195 : memref<1024x64xf32, #tpu.memory_space<hbm>>)
      tpu.yield
    }) : () -> ()
    return
  }
}

module attributes {stable_mosaic.version = 14 : i64} {
  func.func @_combine_body(%arg0: i32, %arg1: memref<2x2048x64xf32, #tpu.memory_space<vmem>>, %arg2: memref<1x64xf32, #tpu.memory_space<vmem>>, %arg3: memref<2048x64xf32, #tpu.memory_space<vmem>>) attributes {dimension_semantics = [#tpu.dimension_semantics<arbitrary>], iteration_bounds = array<i64: 8>, scalar_prefetch = 0 : i64, scratch_operands = 0 : i64, tpu.core_type = #tpu.core_type<tc>, window_params = [{transform_indices = @transform_0, window_bounds = array<i64: 2, 2048, 64>}, {pipeline_mode = #tpu.pipeline_mode<synchronous>, transform_indices = @transform_1, window_bounds = array<i64: 1, 64>}, {transform_indices = @transform_2, window_bounds = array<i64: 2048, 64>}]} {
    %get3A = arith.constant 0 : index
    %get3A_0 = arith.constant 0 : index
    %get3A_1 = arith.constant 0 : index
    %get3A_2 = vector.load %arg1[%get3A, %get3A_0, %get3A_1] : memref<2x2048x64xf32, #tpu.memory_space<vmem>>, vector<1x2048x64xf32>
    %get3A_3 = vector.shape_cast %get3A_2 : vector<1x2048x64xf32> to vector<2048x64xf32>
    %get3A_4 = arith.constant 1 : index
    %get3A_5 = arith.constant 0 : index
    %get3A_6 = arith.constant 0 : index
    %get3A_7 = vector.load %arg1[%get3A_4, %get3A_5, %get3A_6] : memref<2x2048x64xf32, #tpu.memory_space<vmem>>, vector<1x2048x64xf32>
    %get3A_8 = vector.shape_cast %get3A_7 : vector<1x2048x64xf32> to vector<2048x64xf32>
    %add3A = arith.addf %get3A_3, %get3A_8 : vector<2048x64xf32>
    %get3A_9 = arith.constant 0 : index
    %get3A_10 = arith.constant 0 : index
    %get3A_11 = vector.load %arg2[%get3A_9, %get3A_10] : memref<1x64xf32, #tpu.memory_space<vmem>>, vector<1x64xf32>
    %add3A_12 = vector.broadcast %get3A_11 : vector<1x64xf32> to vector<2048x64xf32>
    %add3A_13 = arith.addf %add3A, %add3A_12 : vector<2048x64xf32>
    %swap3A = arith.constant 0 : index
    %swap3A_14 = arith.constant 0 : index
    %swap3A_15 = vector.load %arg3[%swap3A, %swap3A_14] : memref<2048x64xf32, #tpu.memory_space<vmem>>, vector<2048x64xf32>
    tpu.vector_store %arg3[%swap3A, %swap3A_14], %add3A_13 {strides = array<i32>} : memref<2048x64xf32, #tpu.memory_space<vmem>>, vector<2048x64xf32>,
    return
  }
  func.func @transform_0(%arg0: i32) -> (i32, i32, i32) {
    %c0_i32 = arith.constant 0 : i32
    %c0_i32_0 = arith.constant 0 : i32
    %c0_i32_1 = arith.constant 0 : i32
    return %c0_i32, %arg0, %c0_i32_0 : i32, i32, i32
  }
  func.func @transform_1(%arg0: i32) -> (i32, i32) {
    %c0_i32 = arith.constant 0 : i32
    %c0_i32_0 = arith.constant 0 : i32
    %c0_i32_1 = arith.constant 0 : i32
    return %c0_i32, %c0_i32_0 : i32, i32
  }
  func.func @transform_2(%arg0: i32) -> (i32, i32) {
    %c0_i32 = arith.constant 0 : i32
    %c0_i32_0 = arith.constant 0 : i32
    return %arg0, %c0_i32 : i32, i32
  }
}

</mosaic_0001>

<sc_bundles>
// kernel: kernel.4.cloned.1.call-start
scs
__scs_entry_jumppad:
0x0: {  	(pc) =	sbr.rel $0x88, $3  }
0x1: {  	(tag) =	ssettag $0x0;
	lr =	simm.s32 $0x1  }
0x2: {  	[smem:$0x3F9C] =	sst lr;
	_ =	strace $0xD0000000  }
0x3: {  	_ = 	snop  }
0x4: {  	_ = 	snop  }
0x5: {  	_ = 	snop  }
0x6: {  	_ = 	snop  }
0x7: {  	_ = 	snop  }
__scs_overlays_trampoline_lowered:
0x8: {  	[smem:$0x3FAB] =	sst s0  }
0x9: {  	[smem:$0x3FAC] =	sst s1  }
0xa: {  	[smem:$0x3FAD] =	sst s2  }
0xb: {  	[smem:$0x3FAE] =	sst s3  }
0xc: {  	[smem:$0x3FAF] =	sst s4  }
0xd: {  	[smem:$0x3FB0] =	sst s5  }
0xe: {  	[smem:$0x3FB1] =	sst s6  }
0xf: {  	[smem:$0x3FB2] =	sst s7  }
0x10: {  	[smem:$0x3FB3] =	sst s8  }
0x11: {  	[smem:$0x3FB4] =	sst s9;
	s0 =	simm.s32 @!p0 $0x0  }
0x12: {  	s1 =	sld [smem:$0x3F9A];
	s0 =	simm.s32 @p0 $0x1  }
0x13: {  	[smem:$0x3FB5] =	sst s0;
	s0 =	simm.s32 @!p1 $0x0  }
0x14: {  	s2 =	sld [smem:$0x3F99];
	s0 =	simm.s32 @p1 $0x1  }
0x15: {  	[smem:$0x3FB6] =	sst s0;
	s0 =	simm.s32 @!p2 $0x0  }
0x16: {  	s3 =	sld [smem:$0x3FDB];
	s0 =	simm.s32 @p2 $0x1  }
0x17: {  	s4 =	simm.s32 $0x1BF5;
	[smem:$0x3FB8] =	sst s0  }
0x18: {  	s0 =	sld [smem:$0x3F9B];
	_ =	swait.ge [sflag:s4], $0x0  }
0x19: {  	s7 =	sld [smem:$0x3F9C]  }
0x1a: {  	s8 =	sadd.s32 $0xFFFFE003, lr  }
0x1b: {  	s9 =	sadd.s32 $0xFFFFFEF7, lr;
	s5 =	simm.s32 $0xFFFFFFFF;
	p2 =	slt.u32 s8, $0xFFFFF086  }
0x1c: {  	p1 =	slt.u32 s9, $0xF7A;
	s5 =	simm.s32 @!p2 $0x0  }
0x1d: {  	s5 =	simm.s32 @p1 $0x1;
	p0 =	seq.s32 s7, s2  }
0x1e: {  	s7 =	smul.u32 @!p0 $0xF7A, s2;
	p2 =	seq.s32 @!p0 s5, $0x0  }
0x1f: {  	s9 =	smul.u32 $0xF7A, s1;
	s8 =	simm.s32 @!p0 $0x1BF5;
	p2 =	por !p2, p0  }
0x20: {  	[sflag:s8] =	ssyncset.s32 @!p0 $0xFFFFF086;
	s6 =	sadd.s32 @!p0 s3, s7;
	s7 =	simm.s32 @!p0 $0x108  }
0x21: {  	s3 =	sadd.s32 s3, s9;
	s6 =	sadd.s32 @!p0 $0x88, s6;
	s7 =	simm.s32 @p2 $0x1082  }
0x22: {  	[simem:s7], [sflag:s8] =	dma.local @!p0 [hbm:s6], $0xF7A  }
0x23: {  	s9 =	sor.u32 $0xD0000000, s2;
	s6 =	simm.s32 $0x108;
	_ =	swait.ge @!p0 [sflag:s8], $0x0  }
0x24: {  	s3 =	sadd.s32 $0x88, s3;
	s6 =	simm.s32 @!p1 $0x1082;
	[sflag:s4] =	ssyncset.s32 $0xFFFFF086  }
0x25: {  	[simem:s6], [sflag:s4] =	dma.local [hbm:s3], $0xF7A  }
0x26: {  	[smem:$0x3F9C] =	sst s1;
	(tag) =	ssettag s2;
	_ =	strace s9  }
0x27: {  	s1 =	sld [smem:$0x3FAC]  }
0x28: {  	s2 =	sld [smem:$0x3FAD]  }
0x29: {  	s4 =	sld [smem:$0x3FAF]  }
0x2a: {  	p0 =	seq.s32 s5, $0x0;
	s5 =	sld [smem:$0x3FB0]  }
0x2b: {  	s6 =	sld [smem:$0x3FB1]  }
0x2c: {  	s7 =	sld [smem:$0x3FB2]  }
0x2d: {  	s3 =	simm.s32 $0x108;
	s8 =	sld [smem:$0x3FB3]  }
0x2e: {  	s3 =	simm.s32 @!p0 $0x1082;
	s9 =	sld [smem:$0x3FB4]  }
0x2f: {  	lr =	sadd.s32 s0, s3;
	s0 =	sld [smem:$0x3FAB]  }
0x30: {  	s3 =	sld [smem:$0x3FAE]  }
0x31: {  	[smem:$0x3FB7] =	sst s10  }
0x32: {  	s10 =	sld [smem:$0x3FB5];
	_ =	sdelay $0x3  }
0x33: {  	p0 =	seq.s32 s10, $0x1;
	s10 =	sld [smem:$0x3FB7];
	_ =	sdelay $0x3  }
0x34: {  	[smem:$0x3FB7] =	sst s10  }
0x35: {  	s10 =	sld [smem:$0x3FB6];
	_ =	sdelay $0x3  }
0x36: {  	p1 =	seq.s32 s10, $0x1;
	s10 =	sld [smem:$0x3FB7];
	_ =	sdelay $0x3  }
0x37: {  	[smem:$0x3FB7] =	sst s10  }
0x38: {  	s10 =	sld [smem:$0x3FB8]  }
0x39: {  	_ = 	snop;
	(pc) =	sbr.ind lr, $3  }
0x3a: {  	_ = 	snop  }
0x3b: {  	_ = 	snop  }
0x3c: {  	p2 =	seq.s32 s10, $0x1;
	s10 =	sld [smem:$0x3FB7]  }
0x3d: {  	_ =	shalt  }
0x3e: {  	_ =	shalt  }
0x3f: {  	_ =	shalt  }
0x40: {  	_ =	shalt  }
0x41: {  	_ =	shalt  }
0x42: {  	_ =	shalt  }
0x43: {  	_ =	shalt  }
0x44: {  	_ =	shalt  }
0x45: {  	_ =	shalt  }
0x46: {  	_ =	shalt  }
0x47: {  	_ =	shalt  }
0x48: {  	_ =	shalt  }
0x49: {  	_ =	shalt  }
0x4a: {  	_ =	shalt  }
0x4b: {  	_ =	shalt  }
0x4c: {  	_ =	shalt  }
0x4d: {  	_ =	shalt  }
0x4e: {  	_ =	shalt  }
0x4f: {  	_ =	shalt  }
0x50: {  	_ =	shalt  }
0x51: {  	_ =	shalt  }
0x52: {  	_ =	shalt  }
0x53: {  	_ =	shalt  }
0x54: {  	_ =	shalt  }
0x55: {  	_ =	shalt  }
0x56: {  	_ =	shalt  }
0x57: {  	_ =	shalt  }
0x58: {  	_ =	shalt  }
0x59: {  	_ =	shalt  }
0x5a: {  	_ =	shalt  }
0x5b: {  	_ =	shalt  }
0x5c: {  	_ =	shalt  }
0x5d: {  	_ =	shalt  }
0x5e: {  	_ =	shalt  }
0x5f: {  	_ =	shalt  }
0x60: {  	_ =	shalt  }
0x61: {  	_ =	shalt  }
0x62: {  	_ =	shalt  }
0x63: {  	_ =	shalt  }
0x64: {  	_ =	shalt  }
0x65: {  	_ =	shalt  }
0x66: {  	_ =	shalt  }
0x67: {  	_ =	shalt  }
0x68: {  	_ =	shalt  }
0x69: {  	_ =	shalt  }
0x6a: {  	_ =	shalt  }
0x6b: {  	_ =	shalt  }
0x6c: {  	_ =	shalt  }
0x6d: {  	_ =	shalt  }
0x6e: {  	_ =	shalt  }
0x6f: {  	_ =	shalt  }
0x70: {  	_ =	shalt  }
0x71: {  	_ =	shalt  }
0x72: {  	_ =	shalt  }
0x73: {  	_ =	shalt  }
0x74: {  	_ =	shalt  }
0x75: {  	_ =	shalt  }
0x76: {  	_ =	shalt  }
0x77: {  	_ =	shalt  }
0x78: {  	_ =	shalt  }
0x79: {  	_ =	shalt  }
0x7a: {  	_ =	shalt  }
0x7b: {  	_ =	shalt  }
0x7c: {  	_ =	shalt  }
0x7d: {  	_ =	shalt  }
0x7e: {  	_ =	shalt  }
0x7f: {  	_ =	shalt  }
0x80: {  	_ =	shalt  }
0x81: {  	_ =	shalt  }
0x82: {  	_ =	shalt  }
0x83: {  	_ =	shalt  }
0x84: {  	_ =	shalt  }
0x85: {  	_ =	shalt  }
0x86: {  	_ =	shalt  }
0x87: {  	_ =	shalt  }
.Lfunc_end0:
.L_simem_size_0:
called_computation_lowered:
.L_overlay_start_0:
0x88: {  	s2 =	sld [smem:$0x3FD9]  }
0x89: {  	s3 =	sld [smem:$0x3FFE];
	_ =	sdelay $0x1  }
0x8a: {  	s1 =	srdreg.scid  }
0x8b: {  	s0 =	sand.u32 $0x1, s1  }
0x8c: {  	s17 =	sshll.u32 s0, $0xA;
	s2 =	sadd.s32 s3, s2  }
0x8d: {  	s2 =	sadd.s32 s2, s17  }
0x8e: {  	[smem:$0x3FC3] =	sst s2  }
0x8f: {  	_ = 	snop  }
0x90: {  	s2 =	sld [smem:$0x3FC9]  }
0x91: {  	s18 =	sld [smem:$0x3FC8]  }
0x92: {  	s4 =	sld [smem:$0x3FC7];
	(tm) =	ssettm $0x1  }
0x93: {  	s5 =	sld [smem:$0x3FFB];
	_ =	sdelay $0x3  }
0x94: {  	_ =	strace s5  }
0x95: {  	s5 =	sld [smem:$0x3FFC];
	_ =	sdelay $0x3  }
0x96: {  	_ =	strace s5  }
0x97: {  	s5 =	sld [smem:$0x3FFD];
	_ =	sdelay $0x3  }
0x98: {  	_ =	strace s5  }
0x99: {  	_ =	strace $0x8FFFFFFF  }
0x9a: {  	s19 =	sld [smem:$0x3FDB];
	_ =	sdelay $0x1  }
0x9b: {  	s6 =	simm.s32 $_scs_section_size  }
0x9c: {  	s7 =	simm.s32 $_size__tile_overlayer_lowered;
	s8 =	simm.s32 $_tile_overlayer_lowered  }
0x9d: {  	s22 =	simm.s32 $0x1BFF;
	s21 =	sshll.u32 s8, $0x1;
	s5 =	sadd.s32 s6, s19  }
0x9e: {  	s9 =	simm.s32 $0x0;
	s20 =	sshll.u32 s7, $0x1;
	s7 =	sadd.s32 s21, s5  }
0x9f: {  	[timem:s9], [sflag:s22] =	dma.local [hbm:s7], s20  }
0xa0: {  	_ =	swait.ge [sflag:s22], s20  }
0xa1: {  	s6 =	ssub.s32 $0x0, s20;
	[sflag:s22] =	ssyncset.done $0x0  }
0xa2: {  	[sflag:s22] =	ssyncadd.s32 s6;
	_ =	sdelay $0x1  }
0xa3: {  	s23 =	simm.s32 $0x1B8B  }
0xa4: {  	_ =	swait.ge [sflag:s23], $0x1  }
0xa5: {  	[sflag:s23] =	ssyncset.done $0x0  }
0xa6: {  	s25 =	simm.s32 $0x1B8E;
	s24 =	sld [smem:$0x3FFE];
	[sflag:s23] =	ssyncadd.s32 $0xFFFFFFFF  }
0xa7: {  	s26 =	simm.s32 $execute0_lowered;
	[smem:$0x3FD2] =	sst s25  }
0xa8: {  	s7 =	sshll.u32 s26, $0x1;
	_ =	strace $0x80000046;
	[dreg:$0x1] =	wrdreg $0xFFFFFFFF  }
0xa9: {  	s28 =	simm.s32 $_size_execute0_lowered;
	s5 =	sadd.s32 s5, s7;
	[dreg:$0x0] =	wrdreg $0x0  }
0xaa: {  	s7 =	sshll.u32 s28, $0x1;
	[dreg:$0x2] =	wrdreg s5  }
0xab: {  	[dreg:$0x3] =	wrdreg s7  }
0xac: {  	[dreg:$0x4] =	wrdreg $0xC0  }
0xad: {  	_ =	task [dreg:s9], $0x5FFFF  }
0xae: {  	[dreg:$0x1] =	wrdreg $0xFFFFFFFF  }
0xaf: {  	[dreg:$0x0] =	wrdreg $0x60  }
0xb0: {  	[dreg:$0x2] =	wrdreg s4  }
0xb1: {  	[dreg:$0x3] =	wrdreg s2  }
0xb2: {  	[dreg:$0x4] =	wrdreg s18  }
0xb3: {  	[dreg:$0x5] =	wrdreg s24  }
0xb4: {  	[dreg:$0x6] =	wrdreg $0xC8000  }
0xb5: {  	[dreg:$0x7] =	wrdreg $0x9  }
0xb6: {  	_ =	task.clear_ibuf [dreg:s9], $0x8FFFF;
	_ =	strace $0x90000046  }
0xb7: {  	s29 =	simm.s32 $0x9;
	_ =	strace $0x80000048  }
0xb8: {  	_ =	swait.ge [sflag:s29], $0x1  }
0xb9: {  	[sflag:s29] =	ssyncadd.s32 $0xFFFFFFFF  }
0xba: {  	_ =	strace $0x90000048  }
0xbb: {  	_ =	sfence  }
0xbc: {  	s30 =	sld [smem:$0x0];
	_ =	sdelay $0x2  }
0xbd: {  	s31 =	sshll.u32 s1, $0xD;
	s1 =	sshrl.u32 s1, $0x2  }
0xbe: {  	s3 =	sand.u32 $0x4000, s31;
	s1 =	sadd.s32 s1, s30  }
0xbf: {  	s0 =	sor.u32 s3, s0;
	s1 =	sshll.u32 s1, $0x11  }
0xc0: {  	s0 =	sor.u32 s1, s0  }
0xc1: {  	s0 =	sadd.s32 $0x8F2B, s0  }
0xc2: {  	[sflag:s0] =	ssyncadd.remote.s32 $0x1  }
0xc3: {  	_ =	sfence.sel $0xFFFF  }
0xc4: {  	[dreg:$0x0] =	wrdreg $0xFFFFFFFF;
	(pc) =	sbr.abs _section_cstart, $3  }
0xc5: {  	[dreg:$0x1] =	wrdreg $0xFFFFFFFF  }
0xc6: {  	_ =	task.clear_ibuf [dreg:s9], $0x2FFFF;
	_ =	strace $0x9FFFFFFF  }
0xc7: {  	(tm) =	ssettm $0x7FFFFFFF  }
tec
execute0_lowered:
.L_overlay_start_1:
0x0: {  	(tag) =	ssettag $0x1  }
0x1: {  	s1 =	rddreg [dreg:$0x0]  }
0x2: {  	s2 =	rddreg [dreg:$0x1]  }
0x3: {  	s3 =	rddreg [dreg:$0x2]  }
0x4: {  	s0 =	rddreg [dreg:$0x3]  }
0x5: {  	s5 =	rddreg [dreg:$0x4]  }
0x6: {  	s4 =	srdreg.scid;
	s6 =	simm.s32 $0x0;
	s11 =	stileid.u32  }
0x7: {  	s30 =	simm.s32 $0x4600;
	s28 =	simm.s32 $0x8600;
	s29 =	simm.s32 $0xC780  }
0x8: {  	s4 =	sand.u32 $0x1, s4;
	[smem:$0x7FF] =	sst s6;
	s8 =	sshll.u32 s11, $0x10  }
0x9: {  	s7 =	sshll.u32 s4, $0x14;
	s10 =	ssub.s32 $0x2, s4;
	s4 =	sshll.u32 s4, $0x4  }
0xa: {  	_ =	strace $0x80000047;
	s4 =	sor.u32 s11, s4;
	s11 =	sadd.s32 s8, s5  }
0xb: {  	s9 =	sor.u32 s8, s7;
	s8 =	sadd.s32 $0x2000, s11;
	[dreg:$0x6] =	wrdreg s11  }
0xc: {  	s7 =	sadd.s32 $0x800, s0;
	s13 =	sadd.s32 $0x4000, s11;
	[dreg:$0x7] =	wrdreg s8  }
0xd: {  	s12 =	sshrl.u32 s10, $0x1;
	s15 =	sadd.s32 $0x6000, s11;
	[dreg:$0x8] =	wrdreg s13  }
0xe: {  	s9 =	sshrl.u32 s9, $0x3;
	s16 =	sadd.s32 $0x8000, s11;
	[dreg:$0x9] =	wrdreg s15  }
0xf: {  	s14 =	smul.u32 $0x1900, s4;
	s17 =	sadd.s32 $0xA000, s11;
	[dreg:$0xa] =	wrdreg s16  }
0x10: {  	s4 =	smul.u32 $0xC8, s4;
	s25 =	sadd.s32 $0xC000, s11;
	[dreg:$0xb] =	wrdreg s17  }
0x11: {  	s26 =	sadd.s32 $0xE000, s11;
	s0 =	sadd.s32 s9, s0;
	[dreg:$0x15] =	wrdreg s25  }
0x12: {  	s9 =	ssub.s32 s10, s12;
	s17 =	sadd.s32 $0x10, s3;
	[dreg:$0x16] =	wrdreg s26  }
0x13: {  	s10 =	simm.s32 $0x9;
	s13 =	simm.s32 $0x2;
	s15 =	simm.s32 $0x180  }
0x14: {  	s25 =	simm.s32 $0x4;
	s26 =	simm.s32 $0xC700;
	s18 =	sadd.s32 s1, s14  }
0x15: {  	s16 =	simm.s32 $0xA600;
	s19 =	sadd.s32 s2, s14;
	[dreg:$0xc] =	wrdreg s18  }
0x16: {  	s12 =	sadd.s32 s3, s14;
	s8 =	sadd.s32 s14, s17;
	[dreg:$0xd] =	wrdreg s19  }
0x17: {  	s20 =	sor.u32 $0x20, s14;
	s0 =	sadd.s32 $0x62400, s0;
	[dreg:$0xf] =	wrdreg s8  }
0x18: {  	s24 =	smax.u32 s9, $0x1;
	s14 =	simm.s32 $0x2600;
	[dreg:$0x13] =	wrdreg s0  }
0x19: {  	s21 =	sadd.s32 s1, s20;
	s22 =	sadd.s32 s2, s20;
	[dreg:$0x14] =	wrdreg s24  }
0x1a: {  	s23 =	sadd.s32 s3, s20;
	[dreg:$0xe] =	wrdreg s12;
	s31 =	sadd.s32 $0x30, s12  }
.Ltmp0:
0x1b: {  	s0 =	simm.s32 $0x100;
	s12 =	simm.s32 $0x80;
	(pc) =	sbr.rel .LBB2_1-.Ltmp0, $4  }
0x1c: {  	s18 =	simm.s32 $0x3600;
	s19 =	simm.s32 $0x3;
	[dreg:$0x10] =	wrdreg s21  }
0x1d: {  	s20 =	simm.s32 $0xC600;
	s24 =	simm.s32 $0x6600;
	[dreg:$0x11] =	wrdreg s22  }
0x1e: {  	s8 =	simm.s32 $0x0;
	[dreg:$0x12] =	wrdreg s23;
	s22 =	sor.u32 $0x2, s4  }
0x1f: {  	v0 =	vimm.f32 $0.0e+00;
	s23 =	sor.u32 $0x3, s4;
	[dreg:$0x17] =	wrdreg s31;
	s21 =	simm.s32 $0xC680  }
.LBB2_14:
0x20: {  	s4 =	simm.s32 $0x5  }
0x21: {  	_ =	swait.ge [sflag:s4], $0x2000  }
0x22: {  	[sflag:s4] =	ssyncset.done $0x0  }
0x23: {  	s10 =	simm.s32 $0x6;
	[sflag:s4] =	ssyncadd.s32 $0xFFFFE000  }
0x24: {  	_ =	swait.ge [sflag:s10], $0x2000  }
0x25: {  	[sflag:s10] =	ssyncset.done $0x0  }
0x26: {  	s11 =	simm.s32 $0x7;
	[sflag:s10] =	ssyncadd.s32 $0xFFFFE000  }
0x27: {  	_ =	swait.ge [sflag:s11], $0x2000  }
0x28: {  	[sflag:s11] =	ssyncset.done $0x0  }
0x29: {  	s31 =	simm.s32 $0x8;
	[sflag:s11] =	ssyncadd.s32 $0xFFFFE000  }
0x2a: {  	_ =	swait.ge [sflag:s31], $0x2000  }
0x2b: {  	[sflag:s31] =	ssyncset.done $0x0  }
0x2c: {  	s8 =	stileid.u32;
	[sflag:s31] =	ssyncadd.s32 $0xFFFFE000  }
0x2d: {  	s4 =	sshll.u32 s8, $0x6;
	[bflag:$0x0] =	sbarrier.arrive $0xFFFF  }
0x2e: {  	s4 =	sor.u32 $0x1C09, s4;
	s11 =	rddreg [dreg:$0x6]  }
0x2f: {  	s10 =	simm.s32 $0x9;
	s9 =	rddreg [dreg:$0x13];
	s8 =	sshrl.u32 s11, $0x3  }
0x30: {  	[hbm:s9], [sflag:s4] =	dma.local [spmem:s8], $0x2000  }
0x31: {  	_ =	swait.ge [sflag:s10], $0x2000  }
0x32: {  	s9 =	rddreg [dreg:$0x18]  }
0x33: {  	s31 =	rddreg [dreg:$0x14];
	s8 =	sadd.s32 $0x1, s9  }
0x34: {  	p0 =	sne.s32 s8, s31  }
.Ltmp1:
0x35: {  	_ = 	snop;
	(pc) =	sbr.rel @!p0 .LBB2_15-.Ltmp1, $3  }
0x36: {  	_ =	sdelay $0x1  }
0x37: {  	[sflag:s10] =	ssyncset.done $0x0  }
0x38: {  	[sflag:s10] =	ssyncadd.s32 $0xFFFFE000  }
.LBB2_1:
0x39: {  	[dreg:$0x18] =	wrdreg s8;
	s8 =	simm.s32 $0x100;
	s4 =	simm.s32 $0x0  }
.LBB2_2:
0x3a: {  	p0 =	sne.s32 s8, $0x7F00;
	[tilespmem:s4+$0x4630] =	vst v0;
	s9 =	smov.u32 s8;
	s8 =	sadd.s32 $0x100, s8  }
.Ltmp2:
0x3b: {  	[tilespmem:s4+$0x4620] =	vst v0;
	(pc) =	sbr.rel @p0 .LBB2_2-.Ltmp2, $3  }
0x3c: {  	[tilespmem:s4+$0x4600] =	vst v0  }
0x3d: {  	[tilespmem:s4+$0x4610] =	vst v0;
	_ =	sdelay $0x1  }
0x3e: {  	s4 =	sshra.s32 s9, $0x2  }
0x3f: {  	[tilespmem:s4+$0x4630] =	vst v0  }
0x40: {  	[tilespmem:s4+$0x4620] =	vst v0  }
0x41: {  	[tilespmem:s4+$0x4600] =	vst v0  }
0x42: {  	[tilespmem:s4+$0x4610] =	vst v0  }
0x43: {  	[spmem:s11] =	stream.linear.scatter [tilespmem:s30], [sflag:$0x9], $0x2000, $0x38;
	[tilespmem:$0x1C800] =	vst v63  }
0x44: {  	_ =	swait.ge [sflag:s10], $0x2000  }
0x45: {  	[sflag:s10] =	ssyncset.done $0x0  }
0x46: {  	s31 =	rddreg [dreg:$0x7];
	[sflag:s10] =	ssyncadd.s32 $0xFFFFE000  }
0x47: {  	[spmem:s31] =	stream.linear.scatter [tilespmem:s30], [sflag:$0x9], $0x2000, $0x38;
	[tilespmem:$0x1C800] =	vst v63  }
0x48: {  	_ =	swait.ge [sflag:s10], $0x2000  }
0x49: {  	[sflag:s10] =	ssyncset.done $0x0  }
0x4a: {  	s8 =	rddreg [dreg:$0x8];
	[sflag:s10] =	ssyncadd.s32 $0xFFFFE000  }
0x4b: {  	[spmem:s8] =	stream.linear.scatter [tilespmem:s30], [sflag:$0x9], $0x2000, $0x38;
	[tilespmem:$0x1C800] =	vst v63  }
0x4c: {  	_ =	swait.ge [sflag:s10], $0x2000  }
0x4d: {  	[sflag:s10] =	ssyncset.done $0x0  }
0x4e: {  	s9 =	rddreg [dreg:$0x9];
	[sflag:s10] =	ssyncadd.s32 $0xFFFFE000  }
0x4f: {  	[spmem:s9] =	stream.linear.scatter [tilespmem:s30], [sflag:$0x9], $0x2000, $0x38;
	[tilespmem:$0x1C800] =	vst v63  }
0x50: {  	_ =	swait.ge [sflag:s10], $0x2000  }
0x51: {  	[sflag:s10] =	ssyncset.done $0x0  }
0x52: {  	s11 =	rddreg [dreg:$0xa];
	[sflag:s10] =	ssyncadd.s32 $0xFFFFE000  }
0x53: {  	[spmem:s11] =	stream.linear.scatter [tilespmem:s30], [sflag:$0x9], $0x2000, $0x38;
	[tilespmem:$0x1C800] =	vst v63  }
0x54: {  	_ =	swait.ge [sflag:s10], $0x2000  }
0x55: {  	[sflag:s10] =	ssyncset.done $0x0  }
0x56: {  	s31 =	rddreg [dreg:$0xb];
	[sflag:s10] =	ssyncadd.s32 $0xFFFFE000  }
0x57: {  	[spmem:s31] =	stream.linear.scatter [tilespmem:s30], [sflag:$0x9], $0x2000, $0x38;
	[tilespmem:$0x1C800] =	vst v63  }
0x58: {  	_ =	swait.ge [sflag:s10], $0x2000  }
0x59: {  	[sflag:s10] =	ssyncset.done $0x0  }
0x5a: {  	s8 =	rddreg [dreg:$0x15];
	[sflag:s10] =	ssyncadd.s32 $0xFFFFE000  }
0x5b: {  	[spmem:s8] =	stream.linear.scatter [tilespmem:s30], [sflag:$0x9], $0x2000, $0x38;
	[tilespmem:$0x1C800] =	vst v63  }
0x5c: {  	_ =	swait.ge [sflag:s10], $0x2000  }
0x5d: {  	[sflag:s10] =	ssyncset.done $0x0  }
0x5e: {  	s9 =	rddreg [dreg:$0x16];
	[sflag:s10] =	ssyncadd.s32 $0xFFFFE000  }
0x5f: {  	[spmem:s9] =	stream.linear.scatter [tilespmem:s30], [sflag:$0x9], $0x2000, $0x38;
	[tilespmem:$0x1C800] =	vst v63  }
0x60: {  	_ =	swait.ge [sflag:s10], $0x2000  }
0x61: {  	[sflag:s10] =	ssyncset.done $0x0  }
0x62: {  	[sflag:s10] =	ssyncadd.s32 $0xFFFFE000  }
0x63: {  	[bflag:$0x0] =	sbarrier.arrive $0xFFFF  }
0x64: {  	s11 =	simm.s32 $0x0;
	s10 =	rddreg [dreg:$0xc]  }
0x65: {  	[tilespmem:s11], [sflag:$0x1] =	stream.linear.gather [hbm4b:s10+s11], $0x100, $0x38;
	[tilespmem:$0x1C800] =	vst v63  }
0x66: {  	s8 =	simm.s32 $0x200;
	s31 =	rddreg [dreg:$0xd]  }
0x67: {  	[tilespmem:s8], [sflag:$0x1] =	stream.linear.gather [hbm4b:s31+s11], $0x100, $0x38;
	[tilespmem:$0x1C800] =	vst v63  }
0x68: {  	s9 =	simm.s32 $0x400;
	s8 =	rddreg [dreg:$0xe]  }
0x69: {  	[tilespmem:s9], [sflag:$0x1] =	stream.linear.gather [hbm4b:s8+s11], $0x80, $0x38;
	[tilespmem:$0x1C800] =	vst v63  }
0x6a: {  	s10 =	rddreg [dreg:$0xf];
	s31 =	simm.s32 $0x480  }
0x6b: {  	[tilespmem:s31], [sflag:$0x1] =	stream.linear.gather [hbm4b:s10+s11], $0x80, $0x38;
	[tilespmem:$0x1C800] =	vst v63  }
0x6c: {  	s9 =	rddreg [dreg:$0x10]  }
0x6d: {  	[tilespmem:s0], [sflag:$0x2] =	stream.linear.gather [hbm4b:s9+s11], $0x100, $0x38;
	[tilespmem:$0x1C800] =	vst v63  }
0x6e: {  	s10 =	rddreg [dreg:$0x11];
	s31 =	simm.s32 $0x300  }
0x6f: {  	[tilespmem:s31], [sflag:$0x2] =	stream.linear.gather [hbm4b:s10+s11], $0x100, $0x38;
	[tilespmem:$0x1C800] =	vst v63  }
0x70: {  	s8 =	rddreg [dreg:$0x12];
	s9 =	simm.s32 $0x500  }
0x71: {  	[tilespmem:s9], [sflag:$0x2] =	stream.linear.gather [hbm4b:s8+s11], $0x80, $0x38;
	[tilespmem:$0x1C800] =	vst v63  }
0x72: {  	s10 =	rddreg [dreg:$0x17];
	s31 =	simm.s32 $0x580;
	s9 =	simm.s32 $0x1  }
0x73: {  	[tilespmem:s31], [sflag:$0x2] =	stream.linear.gather [hbm4b:s10+s11], $0x80, $0x38;
	[tilespmem:$0x1C800] =	vst v63  }
0x74: {  	_ =	swait.ge [sflag:s9], $0x100  }
0x75: {  	[sflag:s9] =	ssyncset.done $0x0  }
0x76: {  	[sflag:s9] =	ssyncadd.s32 $0xFFFFFF00  }
0x77: {  	_ =	swait.ge [sflag:s9], $0x100  }
0x78: {  	[sflag:s9] =	ssyncset.done $0x0  }
0x79: {  	[sflag:s9] =	ssyncadd.s32 $0xFFFFFF00  }
0x7a: {  	_ =	swait.ge [sflag:s9], $0x80  }
0x7b: {  	[sflag:s9] =	ssyncset.done $0x0  }
0x7c: {  	[sflag:s9] =	ssyncadd.s32 $0xFFFFFF80  }
0x7d: {  	_ =	swait.ge [sflag:s9], $0x80  }
0x7e: {  	[sflag:s9] =	ssyncset.done $0x0  }
0x7f: {  	s10 =	simm.s32 $0x600;
	[sflag:s9] =	ssyncadd.s32 $0xFFFFFF80  }
0x80: {  	[tilespmem:s10], [sflag:$0x3] =	stream.indirect.gather [hbm4b:s7+s12], $0x20, s11, s12, $0xb8;
	[tilespmem:$0x1C800] =	vst v63  }
0x81: {  	s31 =	simm.s32 $0x1600  }
0x82: {  	[tilespmem:s31], [sflag:$0x3] =	stream.indirect.gather [hbm4b:s7+s12], $0x20, s12, s12, $0xb8;
	[tilespmem:$0x1C800] =	vst v63  }
.LBB2_4:
0x83: {  	_ =	swait.ge [sflag:s13], $0x100  }
0x84: {  	[sflag:s13] =	ssyncset.done $0x0  }
0x85: {  	[sflag:s13] =	ssyncadd.s32 $0xFFFFFF00  }
0x86: {  	_ =	swait.ge [sflag:s13], $0x100  }
0x87: {  	[sflag:s13] =	ssyncset.done $0x0  }
0x88: {  	[sflag:s13] =	ssyncadd.s32 $0xFFFFFF00  }
0x89: {  	_ =	swait.ge [sflag:s13], $0x80  }
0x8a: {  	[sflag:s13] =	ssyncset.done $0x0  }
0x8b: {  	[sflag:s13] =	ssyncadd.s32 $0xFFFFFF80  }
0x8c: {  	_ =	swait.ge [sflag:s13], $0x80  }
0x8d: {  	[sflag:s13] =	ssyncset.done $0x0  }
0x8e: {  	[sflag:s13] =	ssyncadd.s32 $0xFFFFFF80  }
0x8f: {  	[tilespmem:s14], [sflag:$0x4] =	stream.indirect.gather [hbm4b:s7+s12], $0x20, s0, s12, $0xb8;
	[tilespmem:$0x1C800] =	vst v63  }
0x90: {  	_ = 	snop  }
0x91: {  	[tilespmem:s18], [sflag:$0x4] =	stream.indirect.gather [hbm4b:s7+s12], $0x20, s15, s12, $0xb8;
	[tilespmem:$0x1C800] =	vst v63  }
0x92: {  	_ =	swait.ge [sflag:s19], $0x1000  }
0x93: {  	[sflag:s19] =	ssyncset.done $0x0  }
0x94: {  	[sflag:s19] =	ssyncadd.s32 $0xFFFFF000  }
0x95: {  	_ =	swait.ge [sflag:s19], $0x1000  }
0x96: {  	p0 =	seq.s32 s11, $0x0;
	[sflag:s19] =	ssyncset.done $0x0  }
0x97: {  	s4 =	simm.s32 @!p0 $0x5;
	[sflag:s19] =	ssyncadd.s32 $0xFFFFF000  }
0x98: {  	_ =	swait.ge @!p0 [sflag:s4], $0x2000  }
0x99: {  	s8 =	sshll.u32 s11, $0x1;
	s31 =	simm.s32 $0x4800;
	[sflag:s4] =	ssyncset.done @!p0 $0x0  }
0x9a: {  	s9 =	simm.s32 $0x0;
	[sflag:s4] =	ssyncadd.s32 @!p0 $0xFFFFE000;
	s4 =	simm.s32 $0x700  }
.LBB2_5:
0x9b: {  	s10 =	sshra.s32 s9, $0x2  }
0x9c: {  	v1 =	vld [tilespmem:s10+$0x200]  }
0x9d: {  	v2 =	vld [tilespmem:s4+$0xFFFFFF00];
	_ =	sdelay $0x1  }
0x9e: {  	v3 =	vld [tilespmem:s4+$0xFFFFFF10];
	_ =	sdelay $0x1  }
0x9f: {  	v4 =	vbroadcast v1, $0x0  }
0xa0: {  	v5 =	vld [tilespmem:s4+$0xFFFFFF20];
	v6 =	vunpack.i.l.bf16.f32 v2;
	v2 =	vunpack.i.u.bf16.f32 v2  }
0xa1: {  	v2 =	vmul.f32 v2, v4  }
0xa2: {  	v7 =	vld [tilespmem:s4+$0xFFFFFF30];
	v19 =	vunpack.i.l.bf16.f32 v3;
	v6 =	vmul.f32 v6, v4  }
0xa3: {  	v8 =	vld [tilespmem:s4+$0xFFFFFF40];
	[tilespmem:s31+$0xFFFFFE10] =	vst v2;
	v2 =	vunpack.i.u.bf16.f32 v3;
	v3 =	vmul.f32 v19, v4  }
0xa4: {  	v21 =	vbroadcast v1, $0x1;
	[tilespmem:s31+$0xFFFFFE00] =	vst v6;
	v2 =	vmul.f32 v2, v4  }
0xa5: {  	v20 =	vld [tilespmem:s4+$0xFFFFFF50];
	[tilespmem:s31+$0xFFFFFE20] =	vst v3;
	v3 =	vunpack.i.l.bf16.f32 v5  }
0xa6: {  	[tilespmem:s31+$0xFFFFFE30] =	vst v2;
	v2 =	vunpack.i.u.bf16.f32 v5;
	v3 =	vmul.f32 v3, v21  }
0xa7: {  	v2 =	vmul.f32 v2, v21  }
0xa8: {  	v22 =	vld [tilespmem:s4+$0xFFFFFF60];
	[tilespmem:s31+$0xFFFFFE40] =	vst v3;
	v3 =	vunpack.i.l.bf16.f32 v7  }
0xa9: {  	[tilespmem:s31+$0xFFFFFE50] =	vst v2;
	v2 =	vunpack.i.u.bf16.f32 v7;
	v3 =	vmul.f32 v3, v21  }
0xaa: {  	v24 =	vbroadcast v1, $0x2;
	v2 =	vmul.f32 v2, v21  }
0xab: {  	v23 =	vld [tilespmem:s4+$0xFFFFFF70];
	[tilespmem:s31+$0xFFFFFE60] =	vst v3;
	v3 =	vunpack.i.l.bf16.f32 v8  }
0xac: {  	[tilespmem:s31+$0xFFFFFE70] =	vst v2;
	v2 =	vunpack.i.u.bf16.f32 v8;
	v3 =	vmul.f32 v3, v24  }
0xad: {  	v2 =	vmul.f32 v2, v24  }
0xae: {  	v25 =	vld [tilespmem:s4+$0xFFFFFF80];
	[tilespmem:s31+$0xFFFFFE80] =	vst v3;
	v3 =	vunpack.i.l.bf16.f32 v20  }
0xaf: {  	[tilespmem:s31+$0xFFFFFE90] =	vst v2;
	v2 =	vunpack.i.u.bf16.f32 v20;
	v3 =	vmul.f32 v3, v24  }
0xb0: {  	v27 =	vbroadcast v1, $0x3;
	v2 =	vmul.f32 v2, v24  }
0xb1: {  	v26 =	vld [tilespmem:s4+$0xFFFFFF90];
	[tilespmem:s31+$0xFFFFFEA0] =	vst v3;
	v3 =	vunpack.i.l.bf16.f32 v22  }
0xb2: {  	[tilespmem:s31+$0xFFFFFEB0] =	vst v2;
	v2 =	vunpack.i.u.bf16.f32 v22;
	v3 =	vmul.f32 v3, v27  }
0xb3: {  	v2 =	vmul.f32 v2, v27  }
0xb4: {  	v28 =	vld [tilespmem:s4+$0xFFFFFFA0];
	[tilespmem:s31+$0xFFFFFEC0] =	vst v3;
	v3 =	vunpack.i.l.bf16.f32 v23  }
0xb5: {  	[tilespmem:s31+$0xFFFFFED0] =	vst v2;
	v2 =	vunpack.i.u.bf16.f32 v23;
	v3 =	vmul.f32 v3, v27  }
0xb6: {  	v30 =	vbroadcast v1, $0x4;
	v2 =	vmul.f32 v2, v27  }
0xb7: {  	v29 =	vld [tilespmem:s4+$0xFFFFFFB0];
	[tilespmem:s31+$0xFFFFFEE0] =	vst v3;
	v3 =	vunpack.i.l.bf16.f32 v25  }
0xb8: {  	[tilespmem:s31+$0xFFFFFEF0] =	vst v2;
	v2 =	vunpack.i.u.bf16.f32 v25;
	v3 =	vmul.f32 v3, v30  }
0xb9: {  	v2 =	vmul.f32 v2, v30  }
0xba: {  	v31 =	vld [tilespmem:s4+$0xFFFFFFC0];
	[tilespmem:s31+$0xFFFFFF00] =	vst v3;
	v3 =	vunpack.i.l.bf16.f32 v26  }
0xbb: {  	[tilespmem:s31+$0xFFFFFF10] =	vst v2;
	v2 =	vunpack.i.u.bf16.f32 v26;
	v3 =	vmul.f32 v3, v30  }
0xbc: {  	v33 =	vbroadcast v1, $0x5;
	v2 =	vmul.f32 v2, v30  }
0xbd: {  	v32 =	vld [tilespmem:s4+$0xFFFFFFD0];
	[tilespmem:s31+$0xFFFFFF20] =	vst v3;
	v3 =	vunpack.i.l.bf16.f32 v28  }
0xbe: {  	[tilespmem:s31+$0xFFFFFF30] =	vst v2;
	v2 =	vunpack.i.u.bf16.f32 v28;
	v3 =	vmul.f32 v3, v33  }
0xbf: {  	v2 =	vmul.f32 v2, v33  }
0xc0: {  	v34 =	vld [tilespmem:s4+$0xFFFFFFE0];
	[tilespmem:s31+$0xFFFFFF40] =	vst v3;
	v3 =	vunpack.i.l.bf16.f32 v29  }
0xc1: {  	[tilespmem:s31+$0xFFFFFF50] =	vst v2;
	v2 =	vunpack.i.u.bf16.f32 v29;
	v3 =	vmul.f32 v3, v33  }
0xc2: {  	v36 =	vbroadcast v1, $0x6;
	v2 =	vmul.f32 v2, v33  }
0xc3: {  	v35 =	vld [tilespmem:s4+$0xFFFFFFF0];
	[tilespmem:s31+$0xFFFFFF60] =	vst v3;
	v3 =	vunpack.i.l.bf16.f32 v31  }
0xc4: {  	[tilespmem:s31+$0xFFFFFF70] =	vst v2;
	v2 =	vunpack.i.u.bf16.f32 v31;
	v3 =	vmul.f32 v3, v36  }
0xc5: {  	v2 =	vmul.f32 v2, v36  }
0xc6: {  	v37 =	vld [tilespmem:s4+$0x0];
	[tilespmem:s31+$0xFFFFFF80] =	vst v3;
	v3 =	vunpack.i.l.bf16.f32 v32  }
0xc7: {  	[tilespmem:s31+$0xFFFFFF90] =	vst v2;
	v2 =	vunpack.i.u.bf16.f32 v32;
	v3 =	vmul.f32 v3, v36  }
0xc8: {  	v39 =	vbroadcast v1, $0x7;
	v2 =	vmul.f32 v2, v36  }
0xc9: {  	v38 =	vld [tilespmem:s4+$0x10];
	[tilespmem:s31+$0xFFFFFFA0] =	vst v3;
	v3 =	vunpack.i.l.bf16.f32 v34  }
0xca: {  	[tilespmem:s31+$0xFFFFFFB0] =	vst v2;
	v2 =	vunpack.i.u.bf16.f32 v34;
	v3 =	vmul.f32 v3, v39  }
0xcb: {  	v2 =	vmul.f32 v2, v39  }
0xcc: {  	v40 =	vld [tilespmem:s4+$0x20];
	[tilespmem:s31+$0xFFFFFFC0] =	vst v3;
	v3 =	vunpack.i.l.bf16.f32 v35  }
0xcd: {  	[tilespmem:s31+$0xFFFFFFD0] =	vst v2;
	v2 =	vunpack.i.u.bf16.f32 v35;
	v3 =	vmul.f32 v3, v39  }
0xce: {  	v42 =	vbroadcast v1, $0x8;
	v2 =	vmul.f32 v2, v39  }
0xcf: {  	v41 =	vld [tilespmem:s4+$0x30];
	[tilespmem:s31+$0xFFFFFFE0] =	vst v3;
	v3 =	vunpack.i.l.bf16.f32 v37  }
0xd0: {  	[tilespmem:s31+$0xFFFFFFF0] =	vst v2;
	v2 =	vunpack.i.u.bf16.f32 v37;
	v3 =	vmul.f32 v3, v42  }
0xd1: {  	v2 =	vmul.f32 v2, v42  }
0xd2: {  	v43 =	vld [tilespmem:s4+$0x40];
	[tilespmem:s31+$0x0] =	vst v3;
	v3 =	vunpack.i.l.bf16.f32 v38  }
0xd3: {  	[tilespmem:s31+$0x10] =	vst v2;
	v2 =	vunpack.i.u.bf16.f32 v38;
	v3 =	vmul.f32 v3, v42  }
0xd4: {  	v45 =	vbroadcast v1, $0x9;
	v2 =	vmul.f32 v2, v42  }
0xd5: {  	v44 =	vld [tilespmem:s4+$0x50];
	[tilespmem:s31+$0x20] =	vst v3;
	v3 =	vunpack.i.l.bf16.f32 v40  }
0xd6: {  	[tilespmem:s31+$0x30] =	vst v2;
	v2 =	vunpack.i.u.bf16.f32 v40;
	v3 =	vmul.f32 v3, v45  }
0xd7: {  	v2 =	vmul.f32 v2, v45  }
0xd8: {  	v46 =	vld [tilespmem:s4+$0x60];
	[tilespmem:s31+$0x40] =	vst v3;
	v3 =	vunpack.i.l.bf16.f32 v41  }
0xd9: {  	[tilespmem:s31+$0x50] =	vst v2;
	v2 =	vunpack.i.u.bf16.f32 v41;
	v3 =	vmul.f32 v3, v45  }
0xda: {  	v48 =	vbroadcast v1, $0xA;
	v2 =	vmul.f32 v2, v45  }
0xdb: {  	v47 =	vld [tilespmem:s4+$0x70];
	[tilespmem:s31+$0x60] =	vst v3;
	v3 =	vunpack.i.l.bf16.f32 v43  }
0xdc: {  	[tilespmem:s31+$0x70] =	vst v2;
	v2 =	vunpack.i.u.bf16.f32 v43;
	v3 =	vmul.f32 v3, v48  }
0xdd: {  	v2 =	vmul.f32 v2, v48  }
0xde: {  	v49 =	vld [tilespmem:s4+$0x80];
	[tilespmem:s31+$0x80] =	vst v3;
	v3 =	vunpack.i.l.bf16.f32 v44  }
0xdf: {  	[tilespmem:s31+$0x90] =	vst v2;
	v2 =	vunpack.i.u.bf16.f32 v44;
	v3 =	vmul.f32 v3, v48  }
0xe0: {  	v51 =	vbroadcast v1, $0xB;
	v2 =	vmul.f32 v2, v48  }
0xe1: {  	v50 =	vld [tilespmem:s4+$0x90];
	[tilespmem:s31+$0xA0] =	vst v3;
	v3 =	vunpack.i.l.bf16.f32 v46  }
0xe2: {  	[tilespmem:s31+$0xB0] =	vst v2;
	v2 =	vunpack.i.u.bf16.f32 v46;
	v3 =	vmul.f32 v3, v51  }
0xe3: {  	v2 =	vmul.f32 v2, v51  }
0xe4: {  	v52 =	vld [tilespmem:s4+$0xA0];
	[tilespmem:s31+$0xC0] =	vst v3;
	v3 =	vunpack.i.l.bf16.f32 v47  }
0xe5: {  	[tilespmem:s31+$0xD0] =	vst v2;
	v2 =	vunpack.i.u.bf16.f32 v47;
	v3 =	vmul.f32 v3, v51  }
0xe6: {  	v54 =	vbroadcast v1, $0xC;
	v2 =	vmul.f32 v2, v51  }
0xe7: {  	v53 =	vld [tilespmem:s4+$0xB0];
	[tilespmem:s31+$0xE0] =	vst v3;
	v3 =	vunpack.i.l.bf16.f32 v49  }
0xe8: {  	[tilespmem:s31+$0xF0] =	vst v2;
	v2 =	vunpack.i.u.bf16.f32 v49;
	v3 =	vmul.f32 v3, v54  }
0xe9: {  	v2 =	vmul.f32 v2, v54  }
0xea: {  	v55 =	vld [tilespmem:s4+$0xC0];
	[tilespmem:s31+$0x100] =	vst v3;
	v3 =	vunpack.i.l.bf16.f32 v50  }
0xeb: {  	[tilespmem:s31+$0x110] =	vst v2;
	v2 =	vunpack.i.u.bf16.f32 v50;
	v3 =	vmul.f32 v3, v54  }
0xec: {  	v57 =	vbroadcast v1, $0xD;
	v2 =	vmul.f32 v2, v54  }
0xed: {  	v56 =	vld [tilespmem:s4+$0xD0];
	[tilespmem:s31+$0x120] =	vst v3;
	v3 =	vunpack.i.l.bf16.f32 v52  }
0xee: {  	[tilespmem:s31+$0x130] =	vst v2;
	v2 =	vunpack.i.u.bf16.f32 v52;
	v3 =	vmul.f32 v3, v57  }
0xef: {  	v2 =	vmul.f32 v2, v57  }
0xf0: {  	v58 =	vld [tilespmem:s4+$0xE0];
	[tilespmem:s31+$0x140] =	vst v3;
	v3 =	vunpack.i.l.bf16.f32 v53  }
0xf1: {  	v59 =	vbroadcast v1, $0xE;
	[tilespmem:s31+$0x150] =	vst v2;
	v2 =	vunpack.i.u.bf16.f32 v53;
	v3 =	vmul.f32 v3, v57  }
0xf2: {  	v60 =	vunpack.i.l.bf16.f32 v55;
	v2 =	vmul.f32 v2, v57  }
0xf3: {  	v4 =	vmul.f32 v60, v59;
	v9 =	vld [tilespmem:s4+$0xF0];
	[tilespmem:s31+$0x160] =	vst v3;
	v3 =	vunpack.i.u.bf16.f32 v55  }
0xf4: {  	[tilespmem:s31+$0x170] =	vst v2;
	v2 =	vmul.f32 v3, v59;
	v3 =	vunpack.i.l.bf16.f32 v56  }
0xf5: {  	v1 =	vbroadcast v1, $0xF;
	v61 =	vunpack.i.u.bf16.f32 v56;
	[tilespmem:s31+$0x180] =	vst v4;
	v3 =	vmul.f32 v3, v59  }
0xf6: {  	v62 =	vunpack.i.l.bf16.f32 v58;
	[tilespmem:s31+$0x190] =	vst v2;
	v2 =	vmul.f32 v61, v59  }
0xf7: {  	p1 =	sne.s32 s9, $0x1C0;
	v4 =	vmul.f32 v62, v1;
	[tilespmem:s31+$0x1A0] =	vst v3;
	v3 =	vunpack.i.u.bf16.f32 v58  }
.Ltmp3:
0xf8: {  	[tilespmem:s31+$0x1B0] =	vst v2;
	v2 =	vmul.f32 v3, v1;
	v3 =	vunpack.i.l.bf16.f32 v9;
	(pc) =	sbr.rel @p1 .LBB2_5-.Ltmp3, $4  }
0xf9: {  	[tilespmem:s31+$0x1C0] =	vst v4;
	v63 =	vunpack.i.u.bf16.f32 v9;
	v3 =	vmul.f32 v3, v1  }
0xfa: {  	v1 =	vmul.f32 v63, v1;
	[tilespmem:s31+$0x1D0] =	vst v2  }
0xfb: {  	[tilespmem:s31+$0x1E0] =	vst v3  }
0xfc: {  	s9 =	sadd.s32 $0x40, s9;
	s4 =	sadd.s32 $0x200, s4;
	[tilespmem:s31+$0x1F0] =	vst v1;
	s31 =	sadd.s32 $0x400, s31  }
0xfd: {  	v1 =	vld [tilespmem:$0x400]  }
0xfe: {  	v2 =	vld [tilespmem:$0x410]  }
0xff: {  	v3 =	vld [tilespmem:$0x420]  }
0x100: {  	v4 =	vld [tilespmem:$0x430]  }
0x101: {  	v5 =	vld [tilespmem:$0x440]  }
0x102: {  	[tilespmem:$0xC600] =	vst v1;
	v1 =	vld [tilespmem:$0x450]  }
0x103: {  	[tilespmem:$0xC610] =	vst v2;
	v2 =	vld [tilespmem:$0x460]  }
0x104: {  	[tilespmem:$0xC620] =	vst v3;
	v3 =	vld [tilespmem:$0x470]  }
0x105: {  	[tilespmem:$0xC630] =	vst v4  }
0x106: {  	[tilespmem:$0xC640] =	vst v5  }
0x107: {  	[tilespmem:$0xC650] =	vst v1  }
0x108: {  	[tilespmem:$0xC660] =	vst v2  }
0x109: {  	s4 =	simm.s32 @!p0 $0x6;
	[tilespmem:$0xC670] =	vst v3  }
0x10a: {  	[spmem:s5] =	stream.indirect.scatter.add.f32 [tilespmem:s30], [sflag:$0x5], $0x40, s20, s12, $0xb8;
	[tilespmem:$0x1C800] =	vst v63  }
0x10b: {  	_ =	swait.ge @!p0 [sflag:s4], $0x2000  }
0x10c: {  	s31 =	simm.s32 $0x0;
	[sflag:s4] =	ssyncset.done @!p0 $0x0  }
0x10d: {  	s9 =	simm.s32 $0x1700;
	[sflag:s4] =	ssyncadd.s32 @!p0 $0xFFFFE000;
	s4 =	simm.s32 $0x6800  }
.LBB2_7:
0x10e: {  	s10 =	sshra.s32 s31, $0x2  }
0x10f: {  	v1 =	vld [tilespmem:s10+$0x280]  }
0x110: {  	v2 =	vld [tilespmem:s9+$0xFFFFFF00];
	_ =	sdelay $0x1  }
0x111: {  	v3 =	vld [tilespmem:s9+$0xFFFFFF10];
	_ =	sdelay $0x1  }
0x112: {  	v4 =	vbroadcast v1, $0x0  }
0x113: {  	v5 =	vld [tilespmem:s9+$0xFFFFFF20];
	v6 =	vunpack.i.l.bf16.f32 v2;
	v2 =	vunpack.i.u.bf16.f32 v2  }
0x114: {  	v2 =	vmul.f32 v2, v4  }
0x115: {  	v7 =	vld [tilespmem:s9+$0xFFFFFF30];
	v19 =	vunpack.i.l.bf16.f32 v3;
	v6 =	vmul.f32 v6, v4  }
0x116: {  	v8 =	vld [tilespmem:s9+$0xFFFFFF40];
	[tilespmem:s4+$0xFFFFFE10] =	vst v2;
	v2 =	vunpack.i.u.bf16.f32 v3;
	v3 =	vmul.f32 v19, v4  }
0x117: {  	v21 =	vbroadcast v1, $0x1;
	[tilespmem:s4+$0xFFFFFE00] =	vst v6;
	v2 =	vmul.f32 v2, v4  }
0x118: {  	v20 =	vld [tilespmem:s9+$0xFFFFFF50];
	[tilespmem:s4+$0xFFFFFE20] =	vst v3;
	v3 =	vunpack.i.l.bf16.f32 v5  }
0x119: {  	[tilespmem:s4+$0xFFFFFE30] =	vst v2;
	v2 =	vunpack.i.u.bf16.f32 v5;
	v3 =	vmul.f32 v3, v21  }
0x11a: {  	v2 =	vmul.f32 v2, v21  }
0x11b: {  	v22 =	vld [tilespmem:s9+$0xFFFFFF60];
	[tilespmem:s4+$0xFFFFFE40] =	vst v3;
	v3 =	vunpack.i.l.bf16.f32 v7  }
0x11c: {  	[tilespmem:s4+$0xFFFFFE50] =	vst v2;
	v2 =	vunpack.i.u.bf16.f32 v7;
	v3 =	vmul.f32 v3, v21  }
0x11d: {  	v24 =	vbroadcast v1, $0x2;
	v2 =	vmul.f32 v2, v21  }
0x11e: {  	v23 =	vld [tilespmem:s9+$0xFFFFFF70];
	[tilespmem:s4+$0xFFFFFE60] =	vst v3;
	v3 =	vunpack.i.l.bf16.f32 v8  }
0x11f: {  	[tilespmem:s4+$0xFFFFFE70] =	vst v2;
	v2 =	vunpack.i.u.bf16.f32 v8;
	v3 =	vmul.f32 v3, v24  }
0x120: {  	v2 =	vmul.f32 v2, v24  }
0x121: {  	v25 =	vld [tilespmem:s9+$0xFFFFFF80];
	[tilespmem:s4+$0xFFFFFE80] =	vst v3;
	v3 =	vunpack.i.l.bf16.f32 v20  }
0x122: {  	[tilespmem:s4+$0xFFFFFE90] =	vst v2;
	v2 =	vunpack.i.u.bf16.f32 v20;
	v3 =	vmul.f32 v3, v24  }
0x123: {  	v27 =	vbroadcast v1, $0x3;
	v2 =	vmul.f32 v2, v24  }
0x124: {  	v26 =	vld [tilespmem:s9+$0xFFFFFF90];
	[tilespmem:s4+$0xFFFFFEA0] =	vst v3;
	v3 =	vunpack.i.l.bf16.f32 v22  }
0x125: {  	[tilespmem:s4+$0xFFFFFEB0] =	vst v2;
	v2 =	vunpack.i.u.bf16.f32 v22;
	v3 =	vmul.f32 v3, v27  }
0x126: {  	v2 =	vmul.f32 v2, v27  }
0x127: {  	v28 =	vld [tilespmem:s9+$0xFFFFFFA0];
	[tilespmem:s4+$0xFFFFFEC0] =	vst v3;
	v3 =	vunpack.i.l.bf16.f32 v23  }
0x128: {  	[tilespmem:s4+$0xFFFFFED0] =	vst v2;
	v2 =	vunpack.i.u.bf16.f32 v23;
	v3 =	vmul.f32 v3, v27  }
0x129: {  	v30 =	vbroadcast v1, $0x4;
	v2 =	vmul.f32 v2, v27  }
0x12a: {  	v29 =	vld [tilespmem:s9+$0xFFFFFFB0];
	[tilespmem:s4+$0xFFFFFEE0] =	vst v3;
	v3 =	vunpack.i.l.bf16.f32 v25  }
0x12b: {  	[tilespmem:s4+$0xFFFFFEF0] =	vst v2;
	v2 =	vunpack.i.u.bf16.f32 v25;
	v3 =	vmul.f32 v3, v30  }
0x12c: {  	v2 =	vmul.f32 v2, v30  }
0x12d: {  	v31 =	vld [tilespmem:s9+$0xFFFFFFC0];
	[tilespmem:s4+$0xFFFFFF00] =	vst v3;
	v3 =	vunpack.i.l.bf16.f32 v26  }
0x12e: {  	[tilespmem:s4+$0xFFFFFF10] =	vst v2;
	v2 =	vunpack.i.u.bf16.f32 v26;
	v3 =	vmul.f32 v3, v30  }
0x12f: {  	v33 =	vbroadcast v1, $0x5;
	v2 =	vmul.f32 v2, v30  }
0x130: {  	v32 =	vld [tilespmem:s9+$0xFFFFFFD0];
	[tilespmem:s4+$0xFFFFFF20] =	vst v3;
	v3 =	vunpack.i.l.bf16.f32 v28  }
0x131: {  	[tilespmem:s4+$0xFFFFFF30] =	vst v2;
	v2 =	vunpack.i.u.bf16.f32 v28;
	v3 =	vmul.f32 v3, v33  }
0x132: {  	v2 =	vmul.f32 v2, v33  }
0x133: {  	v34 =	vld [tilespmem:s9+$0xFFFFFFE0];
	[tilespmem:s4+$0xFFFFFF40] =	vst v3;
	v3 =	vunpack.i.l.bf16.f32 v29  }
0x134: {  	[tilespmem:s4+$0xFFFFFF50] =	vst v2;
	v2 =	vunpack.i.u.bf16.f32 v29;
	v3 =	vmul.f32 v3, v33  }
0x135: {  	v36 =	vbroadcast v1, $0x6;
	v2 =	vmul.f32 v2, v33  }
0x136: {  	v35 =	vld [tilespmem:s9+$0xFFFFFFF0];
	[tilespmem:s4+$0xFFFFFF60] =	vst v3;
	v3 =	vunpack.i.l.bf16.f32 v31  }
0x137: {  	[tilespmem:s4+$0xFFFFFF70] =	vst v2;
	v2 =	vunpack.i.u.bf16.f32 v31;
	v3 =	vmul.f32 v3, v36  }
0x138: {  	v2 =	vmul.f32 v2, v36  }
0x139: {  	v37 =	vld [tilespmem:s9+$0x0];
	[tilespmem:s4+$0xFFFFFF80] =	vst v3;
	v3 =	vunpack.i.l.bf16.f32 v32  }
0x13a: {  	[tilespmem:s4+$0xFFFFFF90] =	vst v2;
	v2 =	vunpack.i.u.bf16.f32 v32;
	v3 =	vmul.f32 v3, v36  }
0x13b: {  	v39 =	vbroadcast v1, $0x7;
	v2 =	vmul.f32 v2, v36  }
0x13c: {  	v38 =	vld [tilespmem:s9+$0x10];
	[tilespmem:s4+$0xFFFFFFA0] =	vst v3;
	v3 =	vunpack.i.l.bf16.f32 v34  }
0x13d: {  	[tilespmem:s4+$0xFFFFFFB0] =	vst v2;
	v2 =	vunpack.i.u.bf16.f32 v34;
	v3 =	vmul.f32 v3, v39  }
0x13e: {  	v2 =	vmul.f32 v2, v39  }
0x13f: {  	v40 =	vld [tilespmem:s9+$0x20];
	[tilespmem:s4+$0xFFFFFFC0] =	vst v3;
	v3 =	vunpack.i.l.bf16.f32 v35  }
0x140: {  	[tilespmem:s4+$0xFFFFFFD0] =	vst v2;
	v2 =	vunpack.i.u.bf16.f32 v35;
	v3 =	vmul.f32 v3, v39  }
0x141: {  	v42 =	vbroadcast v1, $0x8;
	v2 =	vmul.f32 v2, v39  }
0x142: {  	v41 =	vld [tilespmem:s9+$0x30];
	[tilespmem:s4+$0xFFFFFFE0] =	vst v3;
	v3 =	vunpack.i.l.bf16.f32 v37  }
0x143: {  	[tilespmem:s4+$0xFFFFFFF0] =	vst v2;
	v2 =	vunpack.i.u.bf16.f32 v37;
	v3 =	vmul.f32 v3, v42  }
0x144: {  	v2 =	vmul.f32 v2, v42  }
0x145: {  	v43 =	vld [tilespmem:s9+$0x40];
	[tilespmem:s4+$0x0] =	vst v3;
	v3 =	vunpack.i.l.bf16.f32 v38  }
0x146: {  	[tilespmem:s4+$0x10] =	vst v2;
	v2 =	vunpack.i.u.bf16.f32 v38;
	v3 =	vmul.f32 v3, v42  }
0x147: {  	v45 =	vbroadcast v1, $0x9;
	v2 =	vmul.f32 v2, v42  }
0x148: {  	v44 =	vld [tilespmem:s9+$0x50];
	[tilespmem:s4+$0x20] =	vst v3;
	v3 =	vunpack.i.l.bf16.f32 v40  }
0x149: {  	[tilespmem:s4+$0x30] =	vst v2;
	v2 =	vunpack.i.u.bf16.f32 v40;
	v3 =	vmul.f32 v3, v45  }
0x14a: {  	v2 =	vmul.f32 v2, v45  }
0x14b: {  	v46 =	vld [tilespmem:s9+$0x60];
	[tilespmem:s4+$0x40] =	vst v3;
	v3 =	vunpack.i.l.bf16.f32 v41  }
0x14c: {  	[tilespmem:s4+$0x50] =	vst v2;
	v2 =	vunpack.i.u.bf16.f32 v41;
	v3 =	vmul.f32 v3, v45  }
0x14d: {  	v48 =	vbroadcast v1, $0xA;
	v2 =	vmul.f32 v2, v45  }
0x14e: {  	v47 =	vld [tilespmem:s9+$0x70];
	[tilespmem:s4+$0x60] =	vst v3;
	v3 =	vunpack.i.l.bf16.f32 v43  }
0x14f: {  	[tilespmem:s4+$0x70] =	vst v2;
	v2 =	vunpack.i.u.bf16.f32 v43;
	v3 =	vmul.f32 v3, v48  }
0x150: {  	v2 =	vmul.f32 v2, v48  }
0x151: {  	v49 =	vld [tilespmem:s9+$0x80];
	[tilespmem:s4+$0x80] =	vst v3;
	v3 =	vunpack.i.l.bf16.f32 v44  }
0x152: {  	[tilespmem:s4+$0x90] =	vst v2;
	v2 =	vunpack.i.u.bf16.f32 v44;
	v3 =	vmul.f32 v3, v48  }
0x153: {  	v51 =	vbroadcast v1, $0xB;
	v2 =	vmul.f32 v2, v48  }
0x154: {  	v50 =	vld [tilespmem:s9+$0x90];
	[tilespmem:s4+$0xA0] =	vst v3;
	v3 =	vunpack.i.l.bf16.f32 v46  }
0x155: {  	[tilespmem:s4+$0xB0] =	vst v2;
	v2 =	vunpack.i.u.bf16.f32 v46;
	v3 =	vmul.f32 v3, v51  }
0x156: {  	v2 =	vmul.f32 v2, v51  }
0x157: {  	v52 =	vld [tilespmem:s9+$0xA0];
	[tilespmem:s4+$0xC0] =	vst v3;
	v3 =	vunpack.i.l.bf16.f32 v47  }
0x158: {  	[tilespmem:s4+$0xD0] =	vst v2;
	v2 =	vunpack.i.u.bf16.f32 v47;
	v3 =	vmul.f32 v3, v51  }
0x159: {  	v54 =	vbroadcast v1, $0xC;
	v2 =	vmul.f32 v2, v51  }
0x15a: {  	v53 =	vld [tilespmem:s9+$0xB0];
	[tilespmem:s4+$0xE0] =	vst v3;
	v3 =	vunpack.i.l.bf16.f32 v49  }
0x15b: {  	[tilespmem:s4+$0xF0] =	vst v2;
	v2 =	vunpack.i.u.bf16.f32 v49;
	v3 =	vmul.f32 v3, v54  }
0x15c: {  	v2 =	vmul.f32 v2, v54  }
0x15d: {  	v55 =	vld [tilespmem:s9+$0xC0];
	[tilespmem:s4+$0x100] =	vst v3;
	v3 =	vunpack.i.l.bf16.f32 v50  }
0x15e: {  	[tilespmem:s4+$0x110] =	vst v2;
	v2 =	vunpack.i.u.bf16.f32 v50;
	v3 =	vmul.f32 v3, v54  }
0x15f: {  	v57 =	vbroadcast v1, $0xD;
	v2 =	vmul.f32 v2, v54  }
0x160: {  	v56 =	vld [tilespmem:s9+$0xD0];
	[tilespmem:s4+$0x120] =	vst v3;
	v3 =	vunpack.i.l.bf16.f32 v52  }
0x161: {  	[tilespmem:s4+$0x130] =	vst v2;
	v2 =	vunpack.i.u.bf16.f32 v52;
	v3 =	vmul.f32 v3, v57  }
0x162: {  	v2 =	vmul.f32 v2, v57  }
0x163: {  	v58 =	vld [tilespmem:s9+$0xE0];
	[tilespmem:s4+$0x140] =	vst v3;
	v3 =	vunpack.i.l.bf16.f32 v53  }
0x164: {  	v59 =	vbroadcast v1, $0xE;
	[tilespmem:s4+$0x150] =	vst v2;
	v2 =	vunpack.i.u.bf16.f32 v53;
	v3 =	vmul.f32 v3, v57  }
0x165: {  	v60 =	vunpack.i.l.bf16.f32 v55;
	v2 =	vmul.f32 v2, v57  }
0x166: {  	v4 =	vmul.f32 v60, v59;
	v9 =	vld [tilespmem:s9+$0xF0];
	[tilespmem:s4+$0x160] =	vst v3;
	v3 =	vunpack.i.u.bf16.f32 v55  }
0x167: {  	[tilespmem:s4+$0x170] =	vst v2;
	v2 =	vmul.f32 v3, v59;
	v3 =	vunpack.i.l.bf16.f32 v56  }
0x168: {  	v1 =	vbroadcast v1, $0xF;
	v61 =	vunpack.i.u.bf16.f32 v56;
	[tilespmem:s4+$0x180] =	vst v4;
	v3 =	vmul.f32 v3, v59  }
0x169: {  	v62 =	vunpack.i.l.bf16.f32 v58;
	[tilespmem:s4+$0x190] =	vst v2;
	v2 =	vmul.f32 v61, v59  }
0x16a: {  	p1 =	sne.s32 s31, $0x1C0;
	v4 =	vmul.f32 v62, v1;
	[tilespmem:s4+$0x1A0] =	vst v3;
	v3 =	vunpack.i.u.bf16.f32 v58  }
.Ltmp4:
0x16b: {  	[tilespmem:s4+$0x1B0] =	vst v2;
	v2 =	vmul.f32 v3, v1;
	v3 =	vunpack.i.l.bf16.f32 v9;
	(pc) =	sbr.rel @p1 .LBB2_7-.Ltmp4, $4  }
0x16c: {  	[tilespmem:s4+$0x1C0] =	vst v4;
	v63 =	vunpack.i.u.bf16.f32 v9;
	v3 =	vmul.f32 v3, v1  }
0x16d: {  	v1 =	vmul.f32 v63, v1;
	[tilespmem:s4+$0x1D0] =	vst v2  }
0x16e: {  	[tilespmem:s4+$0x1E0] =	vst v3  }
0x16f: {  	s31 =	sadd.s32 $0x40, s31;
	s9 =	sadd.s32 $0x200, s9;
	[tilespmem:s4+$0x1F0] =	vst v1;
	s4 =	sadd.s32 $0x400, s4  }
0x170: {  	v1 =	vld [tilespmem:$0x480]  }
0x171: {  	v2 =	vld [tilespmem:$0x490]  }
0x172: {  	v3 =	vld [tilespmem:$0x4A0]  }
0x173: {  	v4 =	vld [tilespmem:$0x4B0]  }
0x174: {  	v5 =	vld [tilespmem:$0x4C0]  }
0x175: {  	[tilespmem:$0xC680] =	vst v1;
	v1 =	vld [tilespmem:$0x4D0]  }
0x176: {  	[tilespmem:$0xC690] =	vst v2;
	v2 =	vld [tilespmem:$0x4E0]  }
0x177: {  	[tilespmem:$0xC6A0] =	vst v3;
	v3 =	vld [tilespmem:$0x4F0]  }
0x178: {  	[tilespmem:$0xC6B0] =	vst v4  }
0x179: {  	p1 =	seq.s32 s11, $0x63;
	[tilespmem:$0xC6C0] =	vst v5  }
0x17a: {  	s4 =	sadd.s32 @!p1 s8, s22;
	[tilespmem:$0xC6D0] =	vst v1  }
0x17b: {  	s4 =	sshll.u32 @!p1 s4, $0x5;
	[tilespmem:$0xC6E0] =	vst v2  }
0x17c: {  	s4 =	sand.u32 @!p1 $0x1FFFFFC0, s4;
	[tilespmem:$0xC6F0] =	vst v3  }
0x17d: {  	[spmem:s5] =	stream.indirect.scatter.add.f32 [tilespmem:s24], [sflag:$0x6], $0x40, s21, s12, $0xb8;
	[tilespmem:$0x1C800] =	vst v63  }
0x17e: {  	s10 =	simm.s32 @!p1 $0x0;
	s9 =	sadd.s32 @!p1 s1, s4  }
0x17f: {  	[tilespmem:s10], [sflag:$0x1] =	stream.linear.gather @!p1 [hbm4b:s9+s10], $0x100, $0x38;
	[tilespmem:$0x1C800] =	vst v63  }
0x180: {  	s31 =	simm.s32 @!p1 $0x200;
	s9 =	sadd.s32 @!p1 s2, s4  }
0x181: {  	[tilespmem:s31], [sflag:$0x1] =	stream.linear.gather @!p1 [hbm4b:s9+s10], $0x100, $0x38;
	[tilespmem:$0x1C800] =	vst v63  }
0x182: {  	s9 =	sadd.s32 @!p1 s3, s4;
	s31 =	simm.s32 @!p1 $0x400  }
0x183: {  	[tilespmem:s31], [sflag:$0x1] =	stream.linear.gather @!p1 [hbm4b:s9+s10], $0x80, $0x38;
	[tilespmem:$0x1C800] =	vst v63  }
0x184: {  	s4 =	sadd.s32 @!p1 s4, s17;
	s9 =	simm.s32 @!p1 $0x480  }
0x185: {  	[tilespmem:s9], [sflag:$0x1] =	stream.linear.gather @!p1 [hbm4b:s4+s10], $0x80, $0x38;
	[tilespmem:$0x1C800] =	vst v63  }
0x186: {  	s4 =	simm.s32 @!p1 $0x1  }
0x187: {  	_ =	swait.ge @!p1 [sflag:s4], $0x100  }
0x188: {  	[sflag:s4] =	ssyncset.done @!p1 $0x0  }
0x189: {  	[sflag:s4] =	ssyncadd.s32 @!p1 $0xFFFFFF00  }
0x18a: {  	_ =	swait.ge @!p1 [sflag:s4], $0x100  }
0x18b: {  	[sflag:s4] =	ssyncset.done @!p1 $0x0  }
0x18c: {  	[sflag:s4] =	ssyncadd.s32 @!p1 $0xFFFFFF00  }
0x18d: {  	_ =	swait.ge @!p1 [sflag:s4], $0x80  }
0x18e: {  	[sflag:s4] =	ssyncset.done @!p1 $0x0  }
0x18f: {  	[sflag:s4] =	ssyncadd.s32 @!p1 $0xFFFFFF80  }
0x190: {  	_ =	swait.ge @!p1 [sflag:s4], $0x80  }
0x191: {  	[sflag:s4] =	ssyncset.done @!p1 $0x0  }
0x192: {  	s9 =	simm.s32 @!p1 $0x600;
	[sflag:s4] =	ssyncadd.s32 @!p1 $0xFFFFFF80;
	s4 =	simm.s32 @!p1 $0x80  }
0x193: {  	[tilespmem:s9], [sflag:$0x3] =	stream.indirect.gather @!p1 [hbm4b:s7+s4], $0x20, s10, s4, $0xb8;
	[tilespmem:$0x1C800] =	vst v63  }
0x194: {  	s9 =	simm.s32 @!p1 $0x1600  }
0x195: {  	[tilespmem:s9], [sflag:$0x3] =	stream.indirect.gather @!p1 [hbm4b:s7+s4], $0x20, s4, s4, $0xb8;
	[tilespmem:$0x1C800] =	vst v63  }
0x196: {  	_ =	swait.ge [sflag:s25], $0x1000  }
0x197: {  	[sflag:s25] =	ssyncset.done $0x0  }
0x198: {  	[sflag:s25] =	ssyncadd.s32 $0xFFFFF000  }
0x199: {  	_ =	swait.ge [sflag:s25], $0x1000  }
0x19a: {  	[sflag:s25] =	ssyncset.done $0x0  }
0x19b: {  	s4 =	simm.s32 @!p0 $0x7;
	[sflag:s25] =	ssyncadd.s32 $0xFFFFF000  }
0x19c: {  	_ =	swait.ge @!p0 [sflag:s4], $0x2000  }
0x19d: {  	s31 =	simm.s32 $0x0;
	[sflag:s4] =	ssyncset.done @!p0 $0x0  }
0x19e: {  	s9 =	simm.s32 $0x2700;
	[sflag:s4] =	ssyncadd.s32 @!p0 $0xFFFFE000;
	s4 =	simm.s32 $0x8800  }
.LBB2_9:
0x19f: {  	s10 =	sshra.s32 s31, $0x2  }
0x1a0: {  	v1 =	vld [tilespmem:s10+$0x300]  }
0x1a1: {  	v2 =	vld [tilespmem:s9+$0xFFFFFF00];
	_ =	sdelay $0x1  }
0x1a2: {  	v3 =	vld [tilespmem:s9+$0xFFFFFF10];
	_ =	sdelay $0x1  }
0x1a3: {  	v4 =	vbroadcast v1, $0x0  }
0x1a4: {  	v5 =	vld [tilespmem:s9+$0xFFFFFF20];
	v6 =	vunpack.i.l.bf16.f32 v2;
	v2 =	vunpack.i.u.bf16.f32 v2  }
0x1a5: {  	v2 =	vmul.f32 v2, v4  }
0x1a6: {  	v7 =	vld [tilespmem:s9+$0xFFFFFF30];
	v19 =	vunpack.i.l.bf16.f32 v3;
	v6 =	vmul.f32 v6, v4  }
0x1a7: {  	v8 =	vld [tilespmem:s9+$0xFFFFFF40];
	[tilespmem:s4+$0xFFFFFE10] =	vst v2;
	v2 =	vunpack.i.u.bf16.f32 v3;
	v3 =	vmul.f32 v19, v4  }
0x1a8: {  	v21 =	vbroadcast v1, $0x1;
	[tilespmem:s4+$0xFFFFFE00] =	vst v6;
	v2 =	vmul.f32 v2, v4  }
0x1a9: {  	v20 =	vld [tilespmem:s9+$0xFFFFFF50];
	[tilespmem:s4+$0xFFFFFE20] =	vst v3;
	v3 =	vunpack.i.l.bf16.f32 v5  }
0x1aa: {  	[tilespmem:s4+$0xFFFFFE30] =	vst v2;
	v2 =	vunpack.i.u.bf16.f32 v5;
	v3 =	vmul.f32 v3, v21  }
0x1ab: {  	v2 =	vmul.f32 v2, v21  }
0x1ac: {  	v22 =	vld [tilespmem:s9+$0xFFFFFF60];
	[tilespmem:s4+$0xFFFFFE40] =	vst v3;
	v3 =	vunpack.i.l.bf16.f32 v7  }
0x1ad: {  	[tilespmem:s4+$0xFFFFFE50] =	vst v2;
	v2 =	vunpack.i.u.bf16.f32 v7;
	v3 =	vmul.f32 v3, v21  }
0x1ae: {  	v24 =	vbroadcast v1, $0x2;
	v2 =	vmul.f32 v2, v21  }
0x1af: {  	v23 =	vld [tilespmem:s9+$0xFFFFFF70];
	[tilespmem:s4+$0xFFFFFE60] =	vst v3;
	v3 =	vunpack.i.l.bf16.f32 v8  }
0x1b0: {  	[tilespmem:s4+$0xFFFFFE70] =	vst v2;
	v2 =	vunpack.i.u.bf16.f32 v8;
	v3 =	vmul.f32 v3, v24  }
0x1b1: {  	v2 =	vmul.f32 v2, v24  }
0x1b2: {  	v25 =	vld [tilespmem:s9+$0xFFFFFF80];
	[tilespmem:s4+$0xFFFFFE80] =	vst v3;
	v3 =	vunpack.i.l.bf16.f32 v20  }
0x1b3: {  	[tilespmem:s4+$0xFFFFFE90] =	vst v2;
	v2 =	vunpack.i.u.bf16.f32 v20;
	v3 =	vmul.f32 v3, v24  }
0x1b4: {  	v27 =	vbroadcast v1, $0x3;
	v2 =	vmul.f32 v2, v24  }
0x1b5: {  	v26 =	vld [tilespmem:s9+$0xFFFFFF90];
	[tilespmem:s4+$0xFFFFFEA0] =	vst v3;
	v3 =	vunpack.i.l.bf16.f32 v22  }
0x1b6: {  	[tilespmem:s4+$0xFFFFFEB0] =	vst v2;
	v2 =	vunpack.i.u.bf16.f32 v22;
	v3 =	vmul.f32 v3, v27  }
0x1b7: {  	v2 =	vmul.f32 v2, v27  }
0x1b8: {  	v28 =	vld [tilespmem:s9+$0xFFFFFFA0];
	[tilespmem:s4+$0xFFFFFEC0] =	vst v3;
	v3 =	vunpack.i.l.bf16.f32 v23  }
0x1b9: {  	[tilespmem:s4+$0xFFFFFED0] =	vst v2;
	v2 =	vunpack.i.u.bf16.f32 v23;
	v3 =	vmul.f32 v3, v27  }
0x1ba: {  	v30 =	vbroadcast v1, $0x4;
	v2 =	vmul.f32 v2, v27  }
0x1bb: {  	v29 =	vld [tilespmem:s9+$0xFFFFFFB0];
	[tilespmem:s4+$0xFFFFFEE0] =	vst v3;
	v3 =	vunpack.i.l.bf16.f32 v25  }
0x1bc: {  	[tilespmem:s4+$0xFFFFFEF0] =	vst v2;
	v2 =	vunpack.i.u.bf16.f32 v25;
	v3 =	vmul.f32 v3, v30  }
0x1bd: {  	v2 =	vmul.f32 v2, v30  }
0x1be: {  	v31 =	vld [tilespmem:s9+$0xFFFFFFC0];
	[tilespmem:s4+$0xFFFFFF00] =	vst v3;
	v3 =	vunpack.i.l.bf16.f32 v26  }
0x1bf: {  	[tilespmem:s4+$0xFFFFFF10] =	vst v2;
	v2 =	vunpack.i.u.bf16.f32 v26;
	v3 =	vmul.f32 v3, v30  }
0x1c0: {  	v33 =	vbroadcast v1, $0x5;
	v2 =	vmul.f32 v2, v30  }
0x1c1: {  	v32 =	vld [tilespmem:s9+$0xFFFFFFD0];
	[tilespmem:s4+$0xFFFFFF20] =	vst v3;
	v3 =	vunpack.i.l.bf16.f32 v28  }
0x1c2: {  	[tilespmem:s4+$0xFFFFFF30] =	vst v2;
	v2 =	vunpack.i.u.bf16.f32 v28;
	v3 =	vmul.f32 v3, v33  }
0x1c3: {  	v2 =	vmul.f32 v2, v33  }
0x1c4: {  	v34 =	vld [tilespmem:s9+$0xFFFFFFE0];
	[tilespmem:s4+$0xFFFFFF40] =	vst v3;
	v3 =	vunpack.i.l.bf16.f32 v29  }
0x1c5: {  	[tilespmem:s4+$0xFFFFFF50] =	vst v2;
	v2 =	vunpack.i.u.bf16.f32 v29;
	v3 =	vmul.f32 v3, v33  }
0x1c6: {  	v36 =	vbroadcast v1, $0x6;
	v2 =	vmul.f32 v2, v33  }
0x1c7: {  	v35 =	vld [tilespmem:s9+$0xFFFFFFF0];
	[tilespmem:s4+$0xFFFFFF60] =	vst v3;
	v3 =	vunpack.i.l.bf16.f32 v31  }
0x1c8: {  	[tilespmem:s4+$0xFFFFFF70] =	vst v2;
	v2 =	vunpack.i.u.bf16.f32 v31;
	v3 =	vmul.f32 v3, v36  }
0x1c9: {  	v2 =	vmul.f32 v2, v36  }
0x1ca: {  	v37 =	vld [tilespmem:s9+$0x0];
	[tilespmem:s4+$0xFFFFFF80] =	vst v3;
	v3 =	vunpack.i.l.bf16.f32 v32  }
0x1cb: {  	[tilespmem:s4+$0xFFFFFF90] =	vst v2;
	v2 =	vunpack.i.u.bf16.f32 v32;
	v3 =	vmul.f32 v3, v36  }
0x1cc: {  	v39 =	vbroadcast v1, $0x7;
	v2 =	vmul.f32 v2, v36  }
0x1cd: {  	v38 =	vld [tilespmem:s9+$0x10];
	[tilespmem:s4+$0xFFFFFFA0] =	vst v3;
	v3 =	vunpack.i.l.bf16.f32 v34  }
0x1ce: {  	[tilespmem:s4+$0xFFFFFFB0] =	vst v2;
	v2 =	vunpack.i.u.bf16.f32 v34;
	v3 =	vmul.f32 v3, v39  }
0x1cf: {  	v2 =	vmul.f32 v2, v39  }
0x1d0: {  	v40 =	vld [tilespmem:s9+$0x20];
	[tilespmem:s4+$0xFFFFFFC0] =	vst v3;
	v3 =	vunpack.i.l.bf16.f32 v35  }
0x1d1: {  	[tilespmem:s4+$0xFFFFFFD0] =	vst v2;
	v2 =	vunpack.i.u.bf16.f32 v35;
	v3 =	vmul.f32 v3, v39  }
0x1d2: {  	v42 =	vbroadcast v1, $0x8;
	v2 =	vmul.f32 v2, v39  }
0x1d3: {  	v41 =	vld [tilespmem:s9+$0x30];
	[tilespmem:s4+$0xFFFFFFE0] =	vst v3;
	v3 =	vunpack.i.l.bf16.f32 v37  }
0x1d4: {  	[tilespmem:s4+$0xFFFFFFF0] =	vst v2;
	v2 =	vunpack.i.u.bf16.f32 v37;
	v3 =	vmul.f32 v3, v42  }
0x1d5: {  	v2 =	vmul.f32 v2, v42  }
0x1d6: {  	v43 =	vld [tilespmem:s9+$0x40];
	[tilespmem:s4+$0x0] =	vst v3;
	v3 =	vunpack.i.l.bf16.f32 v38  }
0x1d7: {  	[tilespmem:s4+$0x10] =	vst v2;
	v2 =	vunpack.i.u.bf16.f32 v38;
	v3 =	vmul.f32 v3, v42  }
0x1d8: {  	v45 =	vbroadcast v1, $0x9;
	v2 =	vmul.f32 v2, v42  }
0x1d9: {  	v44 =	vld [tilespmem:s9+$0x50];
	[tilespmem:s4+$0x20] =	vst v3;
	v3 =	vunpack.i.l.bf16.f32 v40  }
0x1da: {  	[tilespmem:s4+$0x30] =	vst v2;
	v2 =	vunpack.i.u.bf16.f32 v40;
	v3 =	vmul.f32 v3, v45  }
0x1db: {  	v2 =	vmul.f32 v2, v45  }
0x1dc: {  	v46 =	vld [tilespmem:s9+$0x60];
	[tilespmem:s4+$0x40] =	vst v3;
	v3 =	vunpack.i.l.bf16.f32 v41  }
0x1dd: {  	[tilespmem:s4+$0x50] =	vst v2;
	v2 =	vunpack.i.u.bf16.f32 v41;
	v3 =	vmul.f32 v3, v45  }
0x1de: {  	v48 =	vbroadcast v1, $0xA;
	v2 =	vmul.f32 v2, v45  }
0x1df: {  	v47 =	vld [tilespmem:s9+$0x70];
	[tilespmem:s4+$0x60] =	vst v3;
	v3 =	vunpack.i.l.bf16.f32 v43  }
0x1e0: {  	[tilespmem:s4+$0x70] =	vst v2;
	v2 =	vunpack.i.u.bf16.f32 v43;
	v3 =	vmul.f32 v3, v48  }
0x1e1: {  	v2 =	vmul.f32 v2, v48  }
0x1e2: {  	v49 =	vld [tilespmem:s9+$0x80];
	[tilespmem:s4+$0x80] =	vst v3;
	v3 =	vunpack.i.l.bf16.f32 v44  }
0x1e3: {  	[tilespmem:s4+$0x90] =	vst v2;
	v2 =	vunpack.i.u.bf16.f32 v44;
	v3 =	vmul.f32 v3, v48  }
0x1e4: {  	v51 =	vbroadcast v1, $0xB;
	v2 =	vmul.f32 v2, v48  }
0x1e5: {  	v50 =	vld [tilespmem:s9+$0x90];
	[tilespmem:s4+$0xA0] =	vst v3;
	v3 =	vunpack.i.l.bf16.f32 v46  }
0x1e6: {  	[tilespmem:s4+$0xB0] =	vst v2;
	v2 =	vunpack.i.u.bf16.f32 v46;
	v3 =	vmul.f32 v3, v51  }
0x1e7: {  	v2 =	vmul.f32 v2, v51  }
0x1e8: {  	v52 =	vld [tilespmem:s9+$0xA0];
	[tilespmem:s4+$0xC0] =	vst v3;
	v3 =	vunpack.i.l.bf16.f32 v47  }
0x1e9: {  	[tilespmem:s4+$0xD0] =	vst v2;
	v2 =	vunpack.i.u.bf16.f32 v47;
	v3 =	vmul.f32 v3, v51  }
0x1ea: {  	v54 =	vbroadcast v1, $0xC;
	v2 =	vmul.f32 v2, v51  }
0x1eb: {  	v53 =	vld [tilespmem:s9+$0xB0];
	[tilespmem:s4+$0xE0] =	vst v3;
	v3 =	vunpack.i.l.bf16.f32 v49  }
0x1ec: {  	[tilespmem:s4+$0xF0] =	vst v2;
	v2 =	vunpack.i.u.bf16.f32 v49;
	v3 =	vmul.f32 v3, v54  }
0x1ed: {  	v2 =	vmul.f32 v2, v54  }
0x1ee: {  	v55 =	vld [tilespmem:s9+$0xC0];
	[tilespmem:s4+$0x100] =	vst v3;
	v3 =	vunpack.i.l.bf16.f32 v50  }
0x1ef: {  	[tilespmem:s4+$0x110] =	vst v2;
	v2 =	vunpack.i.u.bf16.f32 v50;
	v3 =	vmul.f32 v3, v54  }
0x1f0: {  	v57 =	vbroadcast v1, $0xD;
	v2 =	vmul.f32 v2, v54  }
0x1f1: {  	v56 =	vld [tilespmem:s9+$0xD0];
	[tilespmem:s4+$0x120] =	vst v3;
	v3 =	vunpack.i.l.bf16.f32 v52  }
0x1f2: {  	[tilespmem:s4+$0x130] =	vst v2;
	v2 =	vunpack.i.u.bf16.f32 v52;
	v3 =	vmul.f32 v3, v57  }
0x1f3: {  	v2 =	vmul.f32 v2, v57  }
0x1f4: {  	v58 =	vld [tilespmem:s9+$0xE0];
	[tilespmem:s4+$0x140] =	vst v3;
	v3 =	vunpack.i.l.bf16.f32 v53  }
0x1f5: {  	v59 =	vbroadcast v1, $0xE;
	[tilespmem:s4+$0x150] =	vst v2;
	v2 =	vunpack.i.u.bf16.f32 v53;
	v3 =	vmul.f32 v3, v57  }
0x1f6: {  	v60 =	vunpack.i.l.bf16.f32 v55;
	v2 =	vmul.f32 v2, v57  }
0x1f7: {  	v4 =	vmul.f32 v60, v59;
	v9 =	vld [tilespmem:s9+$0xF0];
	[tilespmem:s4+$0x160] =	vst v3;
	v3 =	vunpack.i.u.bf16.f32 v55  }
0x1f8: {  	[tilespmem:s4+$0x170] =	vst v2;
	v2 =	vmul.f32 v3, v59;
	v3 =	vunpack.i.l.bf16.f32 v56  }
0x1f9: {  	v1 =	vbroadcast v1, $0xF;
	v61 =	vunpack.i.u.bf16.f32 v56;
	[tilespmem:s4+$0x180] =	vst v4;
	v3 =	vmul.f32 v3, v59  }
0x1fa: {  	v62 =	vunpack.i.l.bf16.f32 v58;
	[tilespmem:s4+$0x190] =	vst v2;
	v2 =	vmul.f32 v61, v59  }
0x1fb: {  	p2 =	sne.s32 s31, $0x1C0;
	v4 =	vmul.f32 v62, v1;
	[tilespmem:s4+$0x1A0] =	vst v3;
	v3 =	vunpack.i.u.bf16.f32 v58  }
.Ltmp5:
0x1fc: {  	[tilespmem:s4+$0x1B0] =	vst v2;
	v2 =	vmul.f32 v3, v1;
	v3 =	vunpack.i.l.bf16.f32 v9;
	(pc) =	sbr.rel @p2 .LBB2_9-.Ltmp5, $4  }
0x1fd: {  	[tilespmem:s4+$0x1C0] =	vst v4;
	v63 =	vunpack.i.u.bf16.f32 v9;
	v3 =	vmul.f32 v3, v1  }
0x1fe: {  	v1 =	vmul.f32 v63, v1;
	[tilespmem:s4+$0x1D0] =	vst v2  }
0x1ff: {  	[tilespmem:s4+$0x1E0] =	vst v3  }
0x200: {  	s31 =	sadd.s32 $0x40, s31;
	s9 =	sadd.s32 $0x200, s9;
	[tilespmem:s4+$0x1F0] =	vst v1;
	s4 =	sadd.s32 $0x400, s4  }
0x201: {  	v1 =	vld [tilespmem:$0x500]  }
0x202: {  	v2 =	vld [tilespmem:$0x510]  }
0x203: {  	v3 =	vld [tilespmem:$0x520]  }
0x204: {  	v4 =	vld [tilespmem:$0x530]  }
0x205: {  	v5 =	vld [tilespmem:$0x540]  }
0x206: {  	[tilespmem:$0xC700] =	vst v1;
	v1 =	vld [tilespmem:$0x550]  }
0x207: {  	[tilespmem:$0xC710] =	vst v2;
	v2 =	vld [tilespmem:$0x560]  }
0x208: {  	[tilespmem:$0xC720] =	vst v3;
	v3 =	vld [tilespmem:$0x570]  }
0x209: {  	[tilespmem:$0xC730] =	vst v4  }
0x20a: {  	[tilespmem:$0xC740] =	vst v5  }
0x20b: {  	[tilespmem:$0xC750] =	vst v1  }
0x20c: {  	[tilespmem:$0xC760] =	vst v2  }
0x20d: {  	s4 =	simm.s32 @!p0 $0x8;
	[tilespmem:$0xC770] =	vst v3  }
0x20e: {  	[spmem:s5] =	stream.indirect.scatter.add.f32 [tilespmem:s28], [sflag:$0x7], $0x40, s26, s12, $0xb8;
	[tilespmem:$0x1C800] =	vst v63  }
0x20f: {  	_ =	swait.ge @!p0 [sflag:s4], $0x2000  }
0x210: {  	s31 =	simm.s32 $0x0;
	[sflag:s4] =	ssyncset.done @!p0 $0x0  }
0x211: {  	s9 =	simm.s32 $0x3700;
	[sflag:s4] =	ssyncadd.s32 @!p0 $0xFFFFE000;
	s4 =	simm.s32 $0xA800  }
.LBB2_11:
0x212: {  	s10 =	sshra.s32 s31, $0x2  }
0x213: {  	v1 =	vld [tilespmem:s10+$0x380]  }
0x214: {  	v2 =	vld [tilespmem:s9+$0xFFFFFF00];
	_ =	sdelay $0x1  }
0x215: {  	v3 =	vld [tilespmem:s9+$0xFFFFFF10];
	_ =	sdelay $0x1  }
0x216: {  	v4 =	vbroadcast v1, $0x0  }
0x217: {  	v5 =	vld [tilespmem:s9+$0xFFFFFF20];
	v6 =	vunpack.i.l.bf16.f32 v2;
	v2 =	vunpack.i.u.bf16.f32 v2  }
0x218: {  	v2 =	vmul.f32 v2, v4  }
0x219: {  	v7 =	vld [tilespmem:s9+$0xFFFFFF30];
	v19 =	vunpack.i.l.bf16.f32 v3;
	v6 =	vmul.f32 v6, v4  }
0x21a: {  	v8 =	vld [tilespmem:s9+$0xFFFFFF40];
	[tilespmem:s4+$0xFFFFFE10] =	vst v2;
	v2 =	vunpack.i.u.bf16.f32 v3;
	v3 =	vmul.f32 v19, v4  }
0x21b: {  	v21 =	vbroadcast v1, $0x1;
	[tilespmem:s4+$0xFFFFFE00] =	vst v6;
	v2 =	vmul.f32 v2, v4  }
0x21c: {  	v20 =	vld [tilespmem:s9+$0xFFFFFF50];
	[tilespmem:s4+$0xFFFFFE20] =	vst v3;
	v3 =	vunpack.i.l.bf16.f32 v5  }
0x21d: {  	[tilespmem:s4+$0xFFFFFE30] =	vst v2;
	v2 =	vunpack.i.u.bf16.f32 v5;
	v3 =	vmul.f32 v3, v21  }
0x21e: {  	v2 =	vmul.f32 v2, v21  }
0x21f: {  	v22 =	vld [tilespmem:s9+$0xFFFFFF60];
	[tilespmem:s4+$0xFFFFFE40] =	vst v3;
	v3 =	vunpack.i.l.bf16.f32 v7  }
0x220: {  	[tilespmem:s4+$0xFFFFFE50] =	vst v2;
	v2 =	vunpack.i.u.bf16.f32 v7;
	v3 =	vmul.f32 v3, v21  }
0x221: {  	v24 =	vbroadcast v1, $0x2;
	v2 =	vmul.f32 v2, v21  }
0x222: {  	v23 =	vld [tilespmem:s9+$0xFFFFFF70];
	[tilespmem:s4+$0xFFFFFE60] =	vst v3;
	v3 =	vunpack.i.l.bf16.f32 v8  }
0x223: {  	[tilespmem:s4+$0xFFFFFE70] =	vst v2;
	v2 =	vunpack.i.u.bf16.f32 v8;
	v3 =	vmul.f32 v3, v24  }
0x224: {  	v2 =	vmul.f32 v2, v24  }
0x225: {  	v25 =	vld [tilespmem:s9+$0xFFFFFF80];
	[tilespmem:s4+$0xFFFFFE80] =	vst v3;
	v3 =	vunpack.i.l.bf16.f32 v20  }
0x226: {  	[tilespmem:s4+$0xFFFFFE90] =	vst v2;
	v2 =	vunpack.i.u.bf16.f32 v20;
	v3 =	vmul.f32 v3, v24  }
0x227: {  	v27 =	vbroadcast v1, $0x3;
	v2 =	vmul.f32 v2, v24  }
0x228: {  	v26 =	vld [tilespmem:s9+$0xFFFFFF90];
	[tilespmem:s4+$0xFFFFFEA0] =	vst v3;
	v3 =	vunpack.i.l.bf16.f32 v22  }
0x229: {  	[tilespmem:s4+$0xFFFFFEB0] =	vst v2;
	v2 =	vunpack.i.u.bf16.f32 v22;
	v3 =	vmul.f32 v3, v27  }
0x22a: {  	v2 =	vmul.f32 v2, v27  }
0x22b: {  	v28 =	vld [tilespmem:s9+$0xFFFFFFA0];
	[tilespmem:s4+$0xFFFFFEC0] =	vst v3;
	v3 =	vunpack.i.l.bf16.f32 v23  }
0x22c: {  	[tilespmem:s4+$0xFFFFFED0] =	vst v2;
	v2 =	vunpack.i.u.bf16.f32 v23;
	v3 =	vmul.f32 v3, v27  }
0x22d: {  	v30 =	vbroadcast v1, $0x4;
	v2 =	vmul.f32 v2, v27  }
0x22e: {  	v29 =	vld [tilespmem:s9+$0xFFFFFFB0];
	[tilespmem:s4+$0xFFFFFEE0] =	vst v3;
	v3 =	vunpack.i.l.bf16.f32 v25  }
0x22f: {  	[tilespmem:s4+$0xFFFFFEF0] =	vst v2;
	v2 =	vunpack.i.u.bf16.f32 v25;
	v3 =	vmul.f32 v3, v30  }
0x230: {  	v2 =	vmul.f32 v2, v30  }
0x231: {  	v31 =	vld [tilespmem:s9+$0xFFFFFFC0];
	[tilespmem:s4+$0xFFFFFF00] =	vst v3;
	v3 =	vunpack.i.l.bf16.f32 v26  }
0x232: {  	[tilespmem:s4+$0xFFFFFF10] =	vst v2;
	v2 =	vunpack.i.u.bf16.f32 v26;
	v3 =	vmul.f32 v3, v30  }
0x233: {  	v33 =	vbroadcast v1, $0x5;
	v2 =	vmul.f32 v2, v30  }
0x234: {  	v32 =	vld [tilespmem:s9+$0xFFFFFFD0];
	[tilespmem:s4+$0xFFFFFF20] =	vst v3;
	v3 =	vunpack.i.l.bf16.f32 v28  }
0x235: {  	[tilespmem:s4+$0xFFFFFF30] =	vst v2;
	v2 =	vunpack.i.u.bf16.f32 v28;
	v3 =	vmul.f32 v3, v33  }
0x236: {  	v2 =	vmul.f32 v2, v33  }
0x237: {  	v34 =	vld [tilespmem:s9+$0xFFFFFFE0];
	[tilespmem:s4+$0xFFFFFF40] =	vst v3;
	v3 =	vunpack.i.l.bf16.f32 v29  }
0x238: {  	[tilespmem:s4+$0xFFFFFF50] =	vst v2;
	v2 =	vunpack.i.u.bf16.f32 v29;
	v3 =	vmul.f32 v3, v33  }
0x239: {  	v36 =	vbroadcast v1, $0x6;
	v2 =	vmul.f32 v2, v33  }
0x23a: {  	v35 =	vld [tilespmem:s9+$0xFFFFFFF0];
	[tilespmem:s4+$0xFFFFFF60] =	vst v3;
	v3 =	vunpack.i.l.bf16.f32 v31  }
0x23b: {  	[tilespmem:s4+$0xFFFFFF70] =	vst v2;
	v2 =	vunpack.i.u.bf16.f32 v31;
	v3 =	vmul.f32 v3, v36  }
0x23c: {  	v2 =	vmul.f32 v2, v36  }
0x23d: {  	v37 =	vld [tilespmem:s9+$0x0];
	[tilespmem:s4+$0xFFFFFF80] =	vst v3;
	v3 =	vunpack.i.l.bf16.f32 v32  }
0x23e: {  	[tilespmem:s4+$0xFFFFFF90] =	vst v2;
	v2 =	vunpack.i.u.bf16.f32 v32;
	v3 =	vmul.f32 v3, v36  }
0x23f: {  	v39 =	vbroadcast v1, $0x7;
	v2 =	vmul.f32 v2, v36  }
0x240: {  	v38 =	vld [tilespmem:s9+$0x10];
	[tilespmem:s4+$0xFFFFFFA0] =	vst v3;
	v3 =	vunpack.i.l.bf16.f32 v34  }
0x241: {  	[tilespmem:s4+$0xFFFFFFB0] =	vst v2;
	v2 =	vunpack.i.u.bf16.f32 v34;
	v3 =	vmul.f32 v3, v39  }
0x242: {  	v2 =	vmul.f32 v2, v39  }
0x243: {  	v40 =	vld [tilespmem:s9+$0x20];
	[tilespmem:s4+$0xFFFFFFC0] =	vst v3;
	v3 =	vunpack.i.l.bf16.f32 v35  }
0x244: {  	[tilespmem:s4+$0xFFFFFFD0] =	vst v2;
	v2 =	vunpack.i.u.bf16.f32 v35;
	v3 =	vmul.f32 v3, v39  }
0x245: {  	v42 =	vbroadcast v1, $0x8;
	v2 =	vmul.f32 v2, v39  }
0x246: {  	v41 =	vld [tilespmem:s9+$0x30];
	[tilespmem:s4+$0xFFFFFFE0] =	vst v3;
	v3 =	vunpack.i.l.bf16.f32 v37  }
0x247: {  	[tilespmem:s4+$0xFFFFFFF0] =	vst v2;
	v2 =	vunpack.i.u.bf16.f32 v37;
	v3 =	vmul.f32 v3, v42  }
0x248: {  	v2 =	vmul.f32 v2, v42  }
0x249: {  	v43 =	vld [tilespmem:s9+$0x40];
	[tilespmem:s4+$0x0] =	vst v3;
	v3 =	vunpack.i.l.bf16.f32 v38  }
0x24a: {  	[tilespmem:s4+$0x10] =	vst v2;
	v2 =	vunpack.i.u.bf16.f32 v38;
	v3 =	vmul.f32 v3, v42  }
0x24b: {  	v45 =	vbroadcast v1, $0x9;
	v2 =	vmul.f32 v2, v42  }
0x24c: {  	v44 =	vld [tilespmem:s9+$0x50];
	[tilespmem:s4+$0x20] =	vst v3;
	v3 =	vunpack.i.l.bf16.f32 v40  }
0x24d: {  	[tilespmem:s4+$0x30] =	vst v2;
	v2 =	vunpack.i.u.bf16.f32 v40;
	v3 =	vmul.f32 v3, v45  }
0x24e: {  	v2 =	vmul.f32 v2, v45  }
0x24f: {  	v46 =	vld [tilespmem:s9+$0x60];
	[tilespmem:s4+$0x40] =	vst v3;
	v3 =	vunpack.i.l.bf16.f32 v41  }
0x250: {  	[tilespmem:s4+$0x50] =	vst v2;
	v2 =	vunpack.i.u.bf16.f32 v41;
	v3 =	vmul.f32 v3, v45  }
0x251: {  	v48 =	vbroadcast v1, $0xA;
	v2 =	vmul.f32 v2, v45  }
0x252: {  	v47 =	vld [tilespmem:s9+$0x70];
	[tilespmem:s4+$0x60] =	vst v3;
	v3 =	vunpack.i.l.bf16.f32 v43  }
0x253: {  	[tilespmem:s4+$0x70] =	vst v2;
	v2 =	vunpack.i.u.bf16.f32 v43;
	v3 =	vmul.f32 v3, v48  }
0x254: {  	v2 =	vmul.f32 v2, v48  }
0x255: {  	v49 =	vld [tilespmem:s9+$0x80];
	[tilespmem:s4+$0x80] =	vst v3;
	v3 =	vunpack.i.l.bf16.f32 v44  }
0x256: {  	[tilespmem:s4+$0x90] =	vst v2;
	v2 =	vunpack.i.u.bf16.f32 v44;
	v3 =	vmul.f32 v3, v48  }
0x257: {  	v51 =	vbroadcast v1, $0xB;
	v2 =	vmul.f32 v2, v48  }
0x258: {  	v50 =	vld [tilespmem:s9+$0x90];
	[tilespmem:s4+$0xA0] =	vst v3;
	v3 =	vunpack.i.l.bf16.f32 v46  }
0x259: {  	[tilespmem:s4+$0xB0] =	vst v2;
	v2 =	vunpack.i.u.bf16.f32 v46;
	v3 =	vmul.f32 v3, v51  }
0x25a: {  	v2 =	vmul.f32 v2, v51  }
0x25b: {  	v52 =	vld [tilespmem:s9+$0xA0];
	[tilespmem:s4+$0xC0] =	vst v3;
	v3 =	vunpack.i.l.bf16.f32 v47  }
0x25c: {  	[tilespmem:s4+$0xD0] =	vst v2;
	v2 =	vunpack.i.u.bf16.f32 v47;
	v3 =	vmul.f32 v3, v51  }
0x25d: {  	v54 =	vbroadcast v1, $0xC;
	v2 =	vmul.f32 v2, v51  }
0x25e: {  	v53 =	vld [tilespmem:s9+$0xB0];
	[tilespmem:s4+$0xE0] =	vst v3;
	v3 =	vunpack.i.l.bf16.f32 v49  }
0x25f: {  	[tilespmem:s4+$0xF0] =	vst v2;
	v2 =	vunpack.i.u.bf16.f32 v49;
	v3 =	vmul.f32 v3, v54  }
0x260: {  	v2 =	vmul.f32 v2, v54  }
0x261: {  	v55 =	vld [tilespmem:s9+$0xC0];
	[tilespmem:s4+$0x100] =	vst v3;
	v3 =	vunpack.i.l.bf16.f32 v50  }
0x262: {  	[tilespmem:s4+$0x110] =	vst v2;
	v2 =	vunpack.i.u.bf16.f32 v50;
	v3 =	vmul.f32 v3, v54  }
0x263: {  	v57 =	vbroadcast v1, $0xD;
	v2 =	vmul.f32 v2, v54  }
0x264: {  	v56 =	vld [tilespmem:s9+$0xD0];
	[tilespmem:s4+$0x120] =	vst v3;
	v3 =	vunpack.i.l.bf16.f32 v52  }
0x265: {  	[tilespmem:s4+$0x130] =	vst v2;
	v2 =	vunpack.i.u.bf16.f32 v52;
	v3 =	vmul.f32 v3, v57  }
0x266: {  	v2 =	vmul.f32 v2, v57  }
0x267: {  	v58 =	vld [tilespmem:s9+$0xE0];
	[tilespmem:s4+$0x140] =	vst v3;
	v3 =	vunpack.i.l.bf16.f32 v53  }
0x268: {  	v59 =	vbroadcast v1, $0xE;
	[tilespmem:s4+$0x150] =	vst v2;
	v2 =	vunpack.i.u.bf16.f32 v53;
	v3 =	vmul.f32 v3, v57  }
0x269: {  	v60 =	vunpack.i.l.bf16.f32 v55;
	v2 =	vmul.f32 v2, v57  }
0x26a: {  	v4 =	vmul.f32 v60, v59;
	v9 =	vld [tilespmem:s9+$0xF0];
	[tilespmem:s4+$0x160] =	vst v3;
	v3 =	vunpack.i.u.bf16.f32 v55  }
0x26b: {  	[tilespmem:s4+$0x170] =	vst v2;
	v2 =	vmul.f32 v3, v59;
	v3 =	vunpack.i.l.bf16.f32 v56  }
0x26c: {  	v1 =	vbroadcast v1, $0xF;
	v61 =	vunpack.i.u.bf16.f32 v56;
	[tilespmem:s4+$0x180] =	vst v4;
	v3 =	vmul.f32 v3, v59  }
0x26d: {  	v62 =	vunpack.i.l.bf16.f32 v58;
	[tilespmem:s4+$0x190] =	vst v2;
	v2 =	vmul.f32 v61, v59  }
0x26e: {  	p0 =	sne.s32 s31, $0x1C0;
	v4 =	vmul.f32 v62, v1;
	[tilespmem:s4+$0x1A0] =	vst v3;
	v3 =	vunpack.i.u.bf16.f32 v58  }
.Ltmp6:
0x26f: {  	[tilespmem:s4+$0x1B0] =	vst v2;
	v2 =	vmul.f32 v3, v1;
	v3 =	vunpack.i.l.bf16.f32 v9;
	(pc) =	sbr.rel @p0 .LBB2_11-.Ltmp6, $4  }
0x270: {  	[tilespmem:s4+$0x1C0] =	vst v4;
	v63 =	vunpack.i.u.bf16.f32 v9;
	v3 =	vmul.f32 v3, v1  }
0x271: {  	v1 =	vmul.f32 v63, v1;
	[tilespmem:s4+$0x1D0] =	vst v2  }
0x272: {  	[tilespmem:s4+$0x1E0] =	vst v3  }
0x273: {  	s31 =	sadd.s32 $0x40, s31;
	s9 =	sadd.s32 $0x200, s9;
	[tilespmem:s4+$0x1F0] =	vst v1;
	s4 =	sadd.s32 $0x400, s4  }
0x274: {  	v1 =	vld [tilespmem:$0x580]  }
0x275: {  	v2 =	vld [tilespmem:$0x590]  }
0x276: {  	v3 =	vld [tilespmem:$0x5A0]  }
0x277: {  	v4 =	vld [tilespmem:$0x5B0]  }
0x278: {  	v5 =	vld [tilespmem:$0x5C0]  }
0x279: {  	[tilespmem:$0xC780] =	vst v1;
	v1 =	vld [tilespmem:$0x5D0]  }
0x27a: {  	[tilespmem:$0xC790] =	vst v2;
	v2 =	vld [tilespmem:$0x5E0]  }
0x27b: {  	[tilespmem:$0xC7A0] =	vst v3;
	v3 =	vld [tilespmem:$0x5F0]  }
0x27c: {  	[tilespmem:$0xC7B0] =	vst v4  }
.Ltmp7:
0x27d: {  	[tilespmem:$0xC7C0] =	vst v5;
	(pc) =	sbr.rel @p1 .LBB2_14-.Ltmp7, $4  }
0x27e: {  	[tilespmem:$0xC7D0] =	vst v1  }
0x27f: {  	[tilespmem:$0xC7E0] =	vst v2  }
0x280: {  	[tilespmem:$0xC7F0] =	vst v3  }
0x281: {  	[spmem:s5] =	stream.indirect.scatter.add.f32 [tilespmem:s16], [sflag:$0x8], $0x40, s29, s12, $0xb8;
	[tilespmem:$0x1C800] =	vst v63  }
0x282: {  	s4 =	sadd.s32 s8, s23  }
0x283: {  	s4 =	sshll.u32 s4, $0x5  }
0x284: {  	s4 =	sand.u32 $0x1FFFFFE0, s4  }
0x285: {  	s10 =	sadd.s32 s1, s4  }
0x286: {  	[tilespmem:s0], [sflag:$0x2] =	stream.linear.gather [hbm4b:s10+s6], $0x100, $0x38;
	[tilespmem:$0x1C800] =	vst v63  }
0x287: {  	s9 =	simm.s32 $0x300;
	s31 =	sadd.s32 s2, s4  }
0x288: {  	[tilespmem:s9], [sflag:$0x2] =	stream.linear.gather [hbm4b:s31+s6], $0x100, $0x38;
	[tilespmem:$0x1C800] =	vst v63  }
.Ltmp8:
0x289: {  	_ = 	snop;
	(pc) =	sbr.rel .LBB2_4-.Ltmp8, $4  }
0x28a: {  	s10 =	simm.s32 $0x500;
	s9 =	sadd.s32 s3, s4  }
0x28b: {  	[tilespmem:s10], [sflag:$0x2] =	stream.linear.gather [hbm4b:s9+s6], $0x80, $0x38;
	[tilespmem:$0x1C800] =	vst v63  }
0x28c: {  	s11 =	sadd.s32 $0x1, s11;
	s4 =	sadd.s32 s4, s17;
	s31 =	simm.s32 $0x580  }
0x28d: {  	[tilespmem:s31], [sflag:$0x2] =	stream.linear.gather [hbm4b:s4+s6], $0x80, $0x38;
	[tilespmem:$0x1C800] =	vst v63  }
.LBB2_15:
0x28e: {  	_ =	sfence.sel $0x180000  }
0x28f: {  	[bflag:$0x0] =	sbarrier.arrive $0xFFFF  }
0x290: {  	_ =	strace $0x90000047  }
0x291: {  	s0 =	stileid.u32;
	[bflag:$0x2] =	sbarrier.arrive $0xFFFF  }
0x292: {  	p0 =	sne.s32 s0, $0x0;
	s0 =	rddreg [dreg:$0x5]  }
0x293: {  	s0 =	sadd.s32 @!p0 $0x100000, s0  }
0x294: {  	[sflag:s0] =	ssyncadd.tile.s32 @!p0 $0x1;
	_ =	shalt  }
.Lfunc_end2:
_tile_overlayer_lowered:
.L_overlay_start_2:
0x295: {  	(tag) =	ssettag $0x2  }
0x296: {  	s0 =	rddreg [dreg:$0x0];
	s2 =	stileid.u32  }
0x297: {  	s1 =	rddreg [dreg:$0x1];
	p0 =	sne.s32 s2, $0x0  }
0x298: {  	s3 =	rddreg [dreg:$0x2];
	[bflag:$0x3] =	sbarrier.arrive $0xFFFF;
	s2 =	simm.s32 @!p0 $0x1C09  }
0x299: {  	[timem:s3], [sflag:s2] =	dma.local @!p0 [hbm:s0], s1  }
0x29a: {  	s0 =	simm.s32 @!p0 $0x9  }
0x29b: {  	_ =	swait.ge @!p0 [sflag:s0], s1  }
0x29c: {  	s1 =	ssub.s32 @!p0 $0x0, s1;
	[sflag:s0] =	ssyncset.done @!p0 $0x0  }
0x29d: {  	[sflag:s0] =	ssyncadd.s32 @!p0 s1  }
0x29e: {  	[bflag:$0x3] =	sbarrier.arrive $0xFFFF  }
0x29f: {  	_ =	shalt  }

</sc_bundles>
